<compile_context>
chip_gen: v7x
topology: tpu7x:2x2x1
jax: 0.10.2.dev20260603
libtpu: 0.0.44.dev20260713+nightly
codegen_flags: <defaults>
</compile_context>

<pallas_src>
import functools

import jax
import jax.numpy as jnp
from jax import lax
from jax.experimental import pallas as pl
from jax.experimental.pallas import tpu as pltpu
from jax.experimental.pallas import tpu_sc as plsc

B, C, H, W_IMG = 2, 128, 64, 64
K = 8
N = H * W_IMG

ROWS_A = 512
ROWS_C = 512
NSC = 16
ROWS_W = N // NSC
CHUNK = 128


def _topk_body(full_ref, rows_ref, out_ref, g_sc):
    r = pl.program_id(0)

    @pl.when(r == 0)
    def _():
        f = full_ref[...]
        fm = 0.5 * (f[0] + f[1])
        s = jnp.sum(fm * fm, axis=0, keepdims=True)
        ones = jnp.ones((1, N), jnp.float32)
        g_sc[...] = jnp.concatenate([-2.0 * fm, ones, s], axis=0)

    f_rows = rows_ref[...]
    fm_rows = 0.5 * (f_rows[0] + f_rows[1])
    a2 = jnp.sum(fm_rows * fm_rows, axis=0, keepdims=True)
    aug = jnp.concatenate(
        [fm_rows, a2, jnp.ones((1, ROWS_A), jnp.float32)], axis=0)
    d2 = lax.dot_general(aug, g_sc[...], (((0,), (0,)), ((), ())),
                         preferred_element_type=jnp.float32)

    gr = r * ROWS_A + lax.broadcasted_iota(jnp.int32, (ROWS_A, 1), 0)
    gc = lax.broadcasted_iota(jnp.int32, (1, N), 1)
    ri, rj = gr // W_IMG, gr % W_IMG
    ci, cj = gc // W_IMG, gc % W_IMG
    sp2 = ((ri - ci) * (ri - ci) + (rj - cj) * (rj - cj)).astype(jnp.float32)

    comb = 0.7 * jnp.sqrt(sp2) + 0.3 * jnp.sqrt(jnp.maximum(d2, 0.0))

    colsf = lax.broadcasted_iota(jnp.int32, (ROWS_A, N), 1).astype(jnp.float32)
    bigf = jnp.float32(1e30)
    eq0 = colsf == gr.astype(jnp.float32)
    idx0 = jnp.min(jnp.where(eq0, colsf, bigf), axis=1, keepdims=True)
    out_ref[:, 0:1] = idx0.astype(jnp.int32)
    c = jnp.where(eq0, bigf, comb)
    for k in range(1, K):
        m = jnp.min(c, axis=1, keepdims=True)
        eq = c <= m
        idxf = jnp.min(jnp.where(eq, colsf, bigf), axis=1, keepdims=True)
        out_ref[:, k:k + 1] = idxf.astype(jnp.int32)
        c = jnp.where(eq, bigf, c)


def _topk(fea2):
    return pl.pallas_call(
        _topk_body,
        grid=(N // ROWS_A,),
        in_specs=[
            pl.BlockSpec((B, C, N), lambda r: (0, 0, 0)),
            pl.BlockSpec((B, C, ROWS_A), lambda r: (0, 0, r)),
        ],
        out_specs=pl.BlockSpec((ROWS_A, K), lambda r: (r, 0)),
        out_shape=jax.ShapeDtypeStruct((N, K), jnp.int32),
        scratch_shapes=[pltpu.VMEM((C + 2, N), jnp.float32)],
    )(fea2, fea2)


def _deg_body(idx3_hbm, out_hbm, zeros_v, ones_v, idx_v, deg_sh):
    c = lax.axis_index("c")
    s = lax.axis_index("s")

    def fill_z(i, _):
        zeros_v[i, :] = jnp.zeros((16,), jnp.float32)
        return 0
    lax.fori_loop(0, ROWS_W, fill_z, 0)

    def fill_o(i, _):
        ones_v[i, :] = jnp.ones((16,), jnp.float32)
        return 0
    lax.fori_loop(0, CHUNK, fill_o, 0)

    pltpu.sync_copy(zeros_v, deg_sh.at[pl.ds(s * ROWS_W, ROWS_W), :])
    g = c * NSC + s
    pltpu.sync_copy(idx3_hbm.at[g], idx_v)
    plsc.subcore_barrier()
    for j in range(K):
        pltpu.sync_copy(ones_v, deg_sh.at[idx_v.at[j]], add=True)
    plsc.subcore_barrier()
    pltpu.sync_copy(deg_sh.at[pl.ds(s * ROWS_W, ROWS_W), :],
                    out_hbm.at[c, pl.ds(s * ROWS_W, ROWS_W), :])


def _deg(idx3):
    mesh = plsc.VectorSubcoreMesh(core_axis_name="c", subcore_axis_name="s")
    run = functools.partial(
        pl.kernel,
        out_type=jax.ShapeDtypeStruct((2, N, 16), jnp.float32),
        mesh=mesh,
        scratch_types=[
            pltpu.VMEM((ROWS_W, 16), jnp.float32),
            pltpu.VMEM((CHUNK, 16), jnp.float32),
            pltpu.VMEM((K, CHUNK), jnp.int32),
            pltpu.VMEM_SHARED((N, 16), jnp.float32),
        ],
    )(_deg_body)
    return run(idx3)


def _scatter_body(y_hbm, idx3_hbm, out_hbm, yrows_v, idx_v, acc_sh):
    b = lax.axis_index("c")
    s = lax.axis_index("s")
    for t in range(2):
        base = s * ROWS_W + t * CHUNK
        pltpu.sync_copy(y_hbm.at[b, pl.ds(base, CHUNK), :], yrows_v.at[t])
        pltpu.sync_copy(idx3_hbm.at[2 * s + t], idx_v.at[t])
        pltpu.sync_copy(yrows_v.at[t], acc_sh.at[pl.ds(base, CHUNK), :])
    plsc.subcore_barrier()
    for t in range(2):
        for j in range(K):
            pltpu.sync_copy(yrows_v.at[t], acc_sh.at[idx_v.at[t, j]],
                            add=True)
    plsc.subcore_barrier()
    pltpu.sync_copy(acc_sh.at[pl.ds(s * ROWS_W, ROWS_W), :],
                    out_hbm.at[b, pl.ds(s * ROWS_W, ROWS_W), :])


def _scatter(y, idx3):
    mesh = plsc.VectorSubcoreMesh(core_axis_name="c", subcore_axis_name="s")
    run = functools.partial(
        pl.kernel,
        out_type=jax.ShapeDtypeStruct((B, N, C), jnp.float32),
        mesh=mesh,
        scratch_types=[
            pltpu.VMEM((2, CHUNK, C), jnp.float32),
            pltpu.VMEM((2, K, CHUNK), jnp.int32),
            pltpu.VMEM_SHARED((N, C), jnp.float32),
        ],
    )(_scatter_body)
    return run(y, idx3)


def _first_body(x_ref, deg_ref, w_ref, y_ref):
    dinv = lax.rsqrt(deg_ref[0] + deg_ref[1] + 1.0)
    w = w_ref[...]
    for b in range(B):
        y = lax.dot_general(x_ref[b], w, (((1,), (0,)), ((), ())),
                            preferred_element_type=jnp.float32)
        y_ref[b] = y * dinv


def _first(x, degp, w):
    return pl.pallas_call(
        _first_body,
        grid=(N // ROWS_C,),
        in_specs=[
            pl.BlockSpec((B, ROWS_C, C), lambda n: (0, n, 0)),
            pl.BlockSpec((2, ROWS_C, 1), lambda n: (0, n, 0)),
            pl.BlockSpec((C, C), lambda n: (0, 0)),
        ],
        out_specs=pl.BlockSpec((B, ROWS_C, C), lambda n: (0, n, 0)),
        out_shape=jax.ShapeDtypeStruct((B, N, C), jnp.float32),
    )(x, degp, w)


def _layer_body(x_ref, acc_ref, deg_ref, bias_ref, w_ref, xo_ref, yo_ref):
    dinv = lax.rsqrt(deg_ref[0] + deg_ref[1] + 1.0)
    w = w_ref[...]
    bias = bias_ref[...]
    for b in range(B):
        xn = x_ref[b] + jnp.maximum(acc_ref[b] * dinv + bias, 0.0)
        y = lax.dot_general(xn, w, (((1,), (0,)), ((), ())),
                            preferred_element_type=jnp.float32)
        xo_ref[b] = xn
        yo_ref[b] = y * dinv


def _layer(x, acc, degp, bias, w):
    return pl.pallas_call(
        _layer_body,
        grid=(N // ROWS_C,),
        in_specs=[
            pl.BlockSpec((B, ROWS_C, C), lambda n: (0, n, 0)),
            pl.BlockSpec((B, ROWS_C, C), lambda n: (0, n, 0)),
            pl.BlockSpec((2, ROWS_C, 1), lambda n: (0, n, 0)),
            pl.BlockSpec((1, C), lambda n: (0, 0)),
            pl.BlockSpec((C, C), lambda n: (0, 0)),
        ],
        out_specs=[
            pl.BlockSpec((B, ROWS_C, C), lambda n: (0, n, 0)),
            pl.BlockSpec((B, ROWS_C, C), lambda n: (0, n, 0)),
        ],
        out_shape=[
            jax.ShapeDtypeStruct((B, N, C), jnp.float32),
            jax.ShapeDtypeStruct((B, N, C), jnp.float32),
        ],
    )(x, acc, degp, bias, w)


def _gelu(x):
    return 0.5 * x * (1.0 + lax.erf(x * (2.0 ** -0.5)))


def _final_body(x_ref, acc_ref, deg_ref, bias_ref, fea_ref,
                w1_ref, b1_ref, w2_ref, b2_ref, w3_ref, b3_ref, out_ref):
    dinv = lax.rsqrt(deg_ref[0] + deg_ref[1] + 1.0)
    bias = bias_ref[...]
    w1, w2, w3 = w1_ref[...], w2_ref[...], w3_ref[...]
    b1, b2 = b1_ref[...], b2_ref[...]
    b3 = b3_ref[0, 0]
    for b in range(B):
        x4 = x_ref[b] + jnp.maximum(acc_ref[b] * dinv + bias, 0.0)
        h = _gelu(lax.dot_general(x4, w1, (((1,), (0,)), ((), ())),
                                  preferred_element_type=jnp.float32) + b1)
        h = _gelu(lax.dot_general(h, w2, (((1,), (0,)), ((), ())),
                                  preferred_element_type=jnp.float32) + b2)
        z = lax.dot_general(w3, h, (((0,), (1,)), ((), ())),
                            preferred_element_type=jnp.float32)
        u = jax.nn.sigmoid(z + b3)
        out_ref[b] = fea_ref[b] * (1.0 + u)


def _final(x, acc, degp, bias, fea2, w1, b1, w2, b2, w3, b3):
    return pl.pallas_call(
        _final_body,
        grid=(N // ROWS_C,),
        in_specs=[
            pl.BlockSpec((B, ROWS_C, C), lambda n: (0, n, 0)),
            pl.BlockSpec((B, ROWS_C, C), lambda n: (0, n, 0)),
            pl.BlockSpec((2, ROWS_C, 1), lambda n: (0, n, 0)),
            pl.BlockSpec((1, C), lambda n: (0, 0)),
            pl.BlockSpec((B, C, ROWS_C), lambda n: (0, 0, n)),
            pl.BlockSpec((C, C // 2), lambda n: (0, 0)),
            pl.BlockSpec((1, C // 2), lambda n: (0, 0)),
            pl.BlockSpec((C // 2, C // 4), lambda n: (0, 0)),
            pl.BlockSpec((1, C // 4), lambda n: (0, 0)),
            pl.BlockSpec((C // 4, 1), lambda n: (0, 0)),
            pl.BlockSpec((1, 1), lambda n: (0, 0)),
        ],
        out_specs=pl.BlockSpec((B, C, ROWS_C), lambda n: (0, 0, n)),
        out_shape=jax.ShapeDtypeStruct((B, C, N), jnp.float32),
    )(x, acc, degp, bias, fea2, w1, b1, w2, b2, w3, b3)


def kernel(fea, Wg1, bg1, Wg2, bg2, Wg3, bg3, Wu1, bu1, Wu2, bu2, Wu3, bu3):
    fea2 = fea.reshape(B, C, N)
    fea_flat = fea2.transpose(0, 2, 1)

    topk = _topk(fea2)
    idx3 = topk.T.reshape(K, 32, CHUNK).swapaxes(0, 1)

    deg16 = _deg(idx3)
    degp = deg16[:, :, 0:1]

    bg1r, bg2r, bg3r = (b.reshape(1, C) for b in (bg1, bg2, bg3))
    bu1r, bu2r, bu3r = bu1.reshape(1, C // 2), bu2.reshape(1, C // 4), bu3.reshape(1, 1)

    y1 = _first(fea_flat, degp, Wg1)
    acc1 = _scatter(y1, idx3)
    x2, y2 = _layer(fea_flat, acc1, degp, bg1r, Wg2)
    acc2 = _scatter(y2, idx3)
    x3, y3 = _layer(x2, acc2, degp, bg2r, Wg3)
    acc3 = _scatter(y3, idx3)
    out = _final(x3, acc3, degp, bg3r, fea2,
                 Wu1, bu1r, Wu2, bu2r, Wu3, bu3r)
    return out.reshape(B, C, H, W_IMG)

# --- scband reference (transcript-rebuilt; emitter-appended) ---
"""Pipeline reference for scband-dynamic-uncertainty-gcn-39213051412671 (READ-ONLY COPY).

The authoritative reference and input builder live on the scoring server;
editing this copy changes nothing except your own understanding.
"""

import jax, jax.numpy as jnp
import numpy as np

B, C, H, W = 2, 128, 64, 64
K = 8
N = H * W


def _cdist(a, b):
    a2 = jnp.sum(a * a, axis=-1)[:, None]
    b2 = jnp.sum(b * b, axis=-1)[None, :]
    d2 = a2 + b2 - 2.0 * (a @ b.T)
    return jnp.sqrt(jnp.maximum(d2, 0.0))


def setup_inputs(seed: int = 0):
    key = jax.random.key(seed)
    ks = jax.random.split(key, 8)
    fea = jax.random.normal(ks[0], (B, C, H, W), dtype=jnp.float32)

    def lin_w(k, fan_in, fan_out):
        return jax.random.normal(k, (fan_in, fan_out), dtype=jnp.float32) * (1.0 / np.sqrt(fan_in))

    inp = {"fea": fea}
    inp["Wg1"] = lin_w(ks[1], C, C); inp["bg1"] = jnp.zeros((C,), jnp.float32)
    inp["Wg2"] = lin_w(ks[2], C, C); inp["bg2"] = jnp.zeros((C,), jnp.float32)
    inp["Wg3"] = lin_w(ks[3], C, C); inp["bg3"] = jnp.zeros((C,), jnp.float32)
    inp["Wu1"] = lin_w(ks[4], C, C // 2); inp["bu1"] = jnp.zeros((C // 2,), jnp.float32)
    inp["Wu2"] = lin_w(ks[5], C // 2, C // 4); inp["bu2"] = jnp.zeros((C // 4,), jnp.float32)
    inp["Wu3"] = lin_w(ks[6], C // 4, 1); inp["bu3"] = jnp.zeros((1,), jnp.float32)
    return inp


def build_graph(fea):
    coord = jnp.stack(
        jnp.meshgrid(jnp.arange(H), jnp.arange(W), indexing='ij'), axis=-1
    ).astype(jnp.float32).reshape(N, 2)
    fea_flat = fea.reshape(B, C, N).transpose(0, 2, 1)  # [B, N, C]
    spatial_dist = _cdist(coord, coord)
    fm = fea_flat.mean(axis=0)
    feature_dist = _cdist(fm, fm)
    combined = 0.7 * spatial_dist + 0.3 * feature_dist
    _, topk_idx = jax.lax.top_k(-combined, K)  # k smallest distances
    src = jnp.repeat(jnp.arange(N), K)
    dst = topk_idx.reshape(-1)
    return src.astype(jnp.int32), dst.astype(jnp.int32)


def gcn_conv(x, src, dst, Wt, b):
    # PyG GCNConv: add self-loops, symmetric norm, x @ W, scatter-add to dst, + bias
    loop = jnp.arange(N, dtype=src.dtype)
    s = jnp.concatenate([src, loop])
    d = jnp.concatenate([dst, loop])
    deg = jnp.zeros((N,), x.dtype).at[d].add(1.0)
    dinv = jnp.where(deg > 0, deg ** -0.5, 0.0)
    norm = dinv[s] * dinv[d]
    xw = x @ Wt  # [B, N, C]
    msg = xw[:, s, :] * norm[None, :, None]
    out = jnp.zeros_like(xw).at[:, d, :].add(msg)
    return out + b[None, None, :]


def reference(fea, Wg1, bg1, Wg2, bg2, Wg3, bg3, Wu1, bu1, Wu2, bu2, Wu3, bu3):
    src, dst = build_graph(fea)
    fea_flat = fea.reshape(B, C, N).transpose(0, 2, 1)  # [B, N, C]
    x = fea_flat
    x = x + jax.nn.relu(gcn_conv(x, src, dst, Wg1, bg1))
    x = x + jax.nn.relu(gcn_conv(x, src, dst, Wg2, bg2))
    x = x + jax.nn.relu(gcn_conv(x, src, dst, Wg3, bg3))
    h = jax.nn.gelu(x @ Wu1 + bu1[None, None, :], approximate=False)
    h = jax.nn.gelu(h @ Wu2 + bu2[None, None, :], approximate=False)
    u = jax.nn.sigmoid(h @ Wu3 + bu3[None, None, :])  # [B, N, 1]
    u = u.reshape(B, 1, H, W)
    return fea * (1.0 + u)

if __name__ == "__main__":
    import jax
    _d = setup_inputs()
    print(jax.jit(kernel)(*tuple(_d.values())))

</pallas_src>

<mosaic_0001>
#map = affine_map<(d0, d1) -> (0, 0, 0)>
module attributes {stable_mosaic.version = 14 : i64} {
  func.func @_scatter_body(%arg0: i32, %arg1: i32, %arg2: memref<2x4096x128xf32, #tpu.memory_space<hbm>>, %arg3: memref<32x8x128xi32, #tpu.memory_space<hbm>>, %arg4: memref<2x4096x128xf32, #tpu.memory_space<hbm>>, %arg5: memref<2x128x128xf32, #tpu.memory_space<vmem>>, %arg6: memref<2x8x128xi32, #tpu.memory_space<vmem>>, %arg7: memref<4096x128xf32, #tpu.memory_space<vmem_shared>>) attributes {dimension_semantics = [#tpu.dimension_semantics<core_parallel>, #tpu.dimension_semantics<subcore_parallel>], iteration_bounds = array<i64: 2, 16>, scalar_prefetch = 0 : i64, scratch_operands = 3 : i64, tpu.core_type = #tpu.core_type<sc_vector_subcore>, window_params = [{transform_indices = #map}, {transform_indices = #map}, {transform_indices = #map}]} {
    %mul3A = arith.constant 256 : i32
    %mul3A_0 = arith.muli %arg1, %mul3A : i32
    %add3A = arith.constant 0 : i32
    %add3A_1 = arith.addi %mul3A_0, %add3A : i32
    %run_scoped3A = arith.constant 0 : i32
    "tpu.region"() ({
      %run_scoped3A_72 = tpu.sem_alloc : memref<!tpu.dma_semaphore, #tpu.memory_space<semaphore_mem>>
      %dma_start3A = arith.constant 0 : i32
      %dma_start3A_73 = arith.constant 0 : i32
      %dma_start3A_74 = tpu.memref_slice %arg5[%run_scoped3A, %dma_start3A, %dma_start3A_73] : memref<2x128x128xf32, #tpu.memory_space<vmem>> -> memref<1x128x128xf32, #tpu.memory_space<vmem>>
      %dma_start3A_75 = tpu.memref_squeeze %dma_start3A_74 : memref<1x128x128xf32, #tpu.memory_space<vmem>> -> memref<128x128xf32, #tpu.memory_space<vmem>>
      %dma_start3A_76 = arith.constant 0 : i32
      %dma_start3A_77 = tpu.memref_slice %arg2[%arg0, %add3A_1, %dma_start3A_76] : memref<2x4096x128xf32, #tpu.memory_space<hbm>> -> memref<1x128x128xf32, #tpu.memory_space<hbm>>
      %dma_start3A_78 = tpu.memref_squeeze %dma_start3A_77 : memref<1x128x128xf32, #tpu.memory_space<hbm>> -> memref<128x128xf32, #tpu.memory_space<hbm>>
      %dma_start3A_79 = arith.constant 0 : i32
      %dma_start3A_80 = arith.constant 0 : i32
      %dma_start3A_81 = tpu.memref_slice %arg5[%run_scoped3A, %dma_start3A_79, %dma_start3A_80] : memref<2x128x128xf32, #tpu.memory_space<vmem>> -> memref<1x128x128xf32, #tpu.memory_space<vmem>>
      %dma_start3A_82 = tpu.memref_squeeze %dma_start3A_81 : memref<1x128x128xf32, #tpu.memory_space<vmem>> -> memref<128x128xf32, #tpu.memory_space<vmem>>
      %dma_start3A_83 = arith.constant 0 : i32
      %dma_start3A_84 = tpu.memref_slice %arg2[%arg0, %add3A_1, %dma_start3A_83] : memref<2x4096x128xf32, #tpu.memory_space<hbm>> -> memref<1x128x128xf32, #tpu.memory_space<hbm>>
      %dma_start3A_85 = tpu.memref_squeeze %dma_start3A_84 : memref<1x128x128xf32, #tpu.memory_space<hbm>> -> memref<128x128xf32, #tpu.memory_space<hbm>>
      tpu.enqueue_dma source(%dma_start3A_85 : memref<128x128xf32, #tpu.memory_space<hbm>>) target(%dma_start3A_82 : memref<128x128xf32, #tpu.memory_space<vmem>>) target_semaphore(%run_scoped3A_72 : memref<!tpu.dma_semaphore, #tpu.memory_space<semaphore_mem>>)
      %dma_wait3A = arith.constant 0 : i32
      %dma_wait3A_86 = arith.constant 0 : i32
      %dma_wait3A_87 = tpu.memref_slice %arg5[%run_scoped3A, %dma_wait3A, %dma_wait3A_86] : memref<2x128x128xf32, #tpu.memory_space<vmem>> -> memref<1x128x128xf32, #tpu.memory_space<vmem>>
      %dma_wait3A_88 = tpu.memref_squeeze %dma_wait3A_87 : memref<1x128x128xf32, #tpu.memory_space<vmem>> -> memref<128x128xf32, #tpu.memory_space<vmem>>
      %dma_wait3A_89 = arith.constant 0 : i32
      %dma_wait3A_90 = tpu.memref_slice %arg2[%arg0, %add3A_1, %dma_wait3A_89] : memref<2x4096x128xf32, #tpu.memory_space<hbm>> -> memref<1x128x128xf32, #tpu.memory_space<hbm>>
      %dma_wait3A_91 = tpu.memref_squeeze %dma_wait3A_90 : memref<1x128x128xf32, #tpu.memory_space<hbm>> -> memref<128x128xf32, #tpu.memory_space<hbm>>
      %dma_wait3A_92 = arith.constant 0 : i32
      %dma_wait3A_93 = arith.constant 0 : i32
      %dma_wait3A_94 = tpu.memref_slice %arg5[%run_scoped3A, %dma_wait3A_92, %dma_wait3A_93] : memref<2x128x128xf32, #tpu.memory_space<vmem>> -> memref<1x128x128xf32, #tpu.memory_space<vmem>>
      %dma_wait3A_95 = tpu.memref_squeeze %dma_wait3A_94 : memref<1x128x128xf32, #tpu.memory_space<vmem>> -> memref<128x128xf32, #tpu.memory_space<vmem>>
      %dma_wait3A_96 = arith.constant 0 : i32
      %dma_wait3A_97 = tpu.memref_slice %arg2[%arg0, %add3A_1, %dma_wait3A_96] : memref<2x4096x128xf32, #tpu.memory_space<hbm>> -> memref<1x128x128xf32, #tpu.memory_space<hbm>>
      %dma_wait3A_98 = tpu.memref_squeeze %dma_wait3A_97 : memref<1x128x128xf32, #tpu.memory_space<hbm>> -> memref<128x128xf32, #tpu.memory_space<hbm>>
      tpu.wait_dma2 semaphore(%run_scoped3A_72 : memref<!tpu.dma_semaphore, #tpu.memory_space<semaphore_mem>>) src(%dma_wait3A_98 : memref<128x128xf32, #tpu.memory_space<hbm>>) dst(%dma_wait3A_95 : memref<128x128xf32, #tpu.memory_space<vmem>>)
      tpu.yield
    }) : () -> ()
    %mul3A_2 = arith.constant 2 : i32
    %mul3A_3 = arith.muli %mul3A_2, %arg1 : i32
    %add3A_4 = arith.constant 0 : i32
    %add3A_5 = arith.addi %mul3A_3, %add3A_4 : i32
    %run_scoped3A_6 = arith.constant 0 : i32
    "tpu.region"() ({
      %run_scoped3A_72 = tpu.sem_alloc : memref<!tpu.dma_semaphore, #tpu.memory_space<semaphore_mem>>
      %dma_start3A = arith.constant 0 : i32
      %dma_start3A_73 = arith.constant 0 : i32
      %dma_start3A_74 = tpu.memref_slice %arg6[%run_scoped3A_6, %dma_start3A, %dma_start3A_73] : memref<2x8x128xi32, #tpu.memory_space<vmem>> -> memref<1x8x128xi32, #tpu.memory_space<vmem>>
      %dma_start3A_75 = tpu.memref_squeeze %dma_start3A_74 : memref<1x8x128xi32, #tpu.memory_space<vmem>> -> memref<8x128xi32, #tpu.memory_space<vmem>>
      %dma_start3A_76 = arith.constant 0 : i32
      %dma_start3A_77 = arith.constant 0 : i32
      %dma_start3A_78 = tpu.memref_slice %arg3[%add3A_5, %dma_start3A_76, %dma_start3A_77] : memref<32x8x128xi32, #tpu.memory_space<hbm>> -> memref<1x8x128xi32, #tpu.memory_space<hbm>>
      %dma_start3A_79 = tpu.memref_squeeze %dma_start3A_78 : memref<1x8x128xi32, #tpu.memory_space<hbm>> -> memref<8x128xi32, #tpu.memory_space<hbm>>
      %dma_start3A_80 = arith.constant 0 : i32
      %dma_start3A_81 = arith.constant 0 : i32
      %dma_start3A_82 = tpu.memref_slice %arg6[%run_scoped3A_6, %dma_start3A_80, %dma_start3A_81] : memref<2x8x128xi32, #tpu.memory_space<vmem>> -> memref<1x8x128xi32, #tpu.memory_space<vmem>>
      %dma_start3A_83 = tpu.memref_squeeze %dma_start3A_82 : memref<1x8x128xi32, #tpu.memory_space<vmem>> -> memref<8x128xi32, #tpu.memory_space<vmem>>
      %dma_start3A_84 = arith.constant 0 : i32
      %dma_start3A_85 = arith.constant 0 : i32
      %dma_start3A_86 = tpu.memref_slice %arg3[%add3A_5, %dma_start3A_84, %dma_start3A_85] : memref<32x8x128xi32, #tpu.memory_space<hbm>> -> memref<1x8x128xi32, #tpu.memory_space<hbm>>
      %dma_start3A_87 = tpu.memref_squeeze %dma_start3A_86 : memref<1x8x128xi32, #tpu.memory_space<hbm>> -> memref<8x128xi32, #tpu.memory_space<hbm>>
      tpu.enqueue_dma source(%dma_start3A_87 : memref<8x128xi32, #tpu.memory_space<hbm>>) target(%dma_start3A_83 : memref<8x128xi32, #tpu.memory_space<vmem>>) target_semaphore(%run_scoped3A_72 : memref<!tpu.dma_semaphore, #tpu.memory_space<semaphore_mem>>)
      %dma_wait3A = arith.constant 0 : i32
      %dma_wait3A_88 = arith.constant 0 : i32
      %dma_wait3A_89 = tpu.memref_slice %arg6[%run_scoped3A_6, %dma_wait3A, %dma_wait3A_88] : memref<2x8x128xi32, #tpu.memory_space<vmem>> -> memref<1x8x128xi32, #tpu.memory_space<vmem>>
      %dma_wait3A_90 = tpu.memref_squeeze %dma_wait3A_89 : memref<1x8x128xi32, #tpu.memory_space<vmem>> -> memref<8x128xi32, #tpu.memory_space<vmem>>
      %dma_wait3A_91 = arith.constant 0 : i32
      %dma_wait3A_92 = arith.constant 0 : i32
      %dma_wait3A_93 = tpu.memref_slice %arg3[%add3A_5, %dma_wait3A_91, %dma_wait3A_92] : memref<32x8x128xi32, #tpu.memory_space<hbm>> -> memref<1x8x128xi32, #tpu.memory_space<hbm>>
      %dma_wait3A_94 = tpu.memref_squeeze %dma_wait3A_93 : memref<1x8x128xi32, #tpu.memory_space<hbm>> -> memref<8x128xi32, #tpu.memory_space<hbm>>
      %dma_wait3A_95 = arith.constant 0 : i32
      %dma_wait3A_96 = arith.constant 0 : i32
      %dma_wait3A_97 = tpu.memref_slice %arg6[%run_scoped3A_6, %dma_wait3A_95, %dma_wait3A_96] : memref<2x8x128xi32, #tpu.memory_space<vmem>> -> memref<1x8x128xi32, #tpu.memory_space<vmem>>
      %dma_wait3A_98 = tpu.memref_squeeze %dma_wait3A_97 : memref<1x8x128xi32, #tpu.memory_space<vmem>> -> memref<8x128xi32, #tpu.memory_space<vmem>>
      %dma_wait3A_99 = arith.constant 0 : i32
      %dma_wait3A_100 = arith.constant 0 : i32
      %dma_wait3A_101 = tpu.memref_slice %arg3[%add3A_5, %dma_wait3A_99, %dma_wait3A_100] : memref<32x8x128xi32, #tpu.memory_space<hbm>> -> memref<1x8x128xi32, #tpu.memory_space<hbm>>
      %dma_wait3A_102 = tpu.memref_squeeze %dma_wait3A_101 : memref<1x8x128xi32, #tpu.memory_space<hbm>> -> memref<8x128xi32, #tpu.memory_space<hbm>>
      tpu.wait_dma2 semaphore(%run_scoped3A_72 : memref<!tpu.dma_semaphore, #tpu.memory_space<semaphore_mem>>) src(%dma_wait3A_102 : memref<8x128xi32, #tpu.memory_space<hbm>>) dst(%dma_wait3A_98 : memref<8x128xi32, #tpu.memory_space<vmem>>)
      tpu.yield
    }) : () -> ()
    %run_scoped3A_7 = arith.constant 0 : i32
    "tpu.region"() ({
      %run_scoped3A_72 = tpu.sem_alloc : memref<!tpu.dma_semaphore, #tpu.memory_space<semaphore_mem>>
      %dma_start3A = arith.constant 0 : i32
      %dma_start3A_73 = arith.constant 0 : i32
      %dma_start3A_74 = tpu.memref_slice %arg5[%run_scoped3A_7, %dma_start3A, %dma_start3A_73] : memref<2x128x128xf32, #tpu.memory_space<vmem>> -> memref<1x128x128xf32, #tpu.memory_space<vmem>>
      %dma_start3A_75 = tpu.memref_squeeze %dma_start3A_74 : memref<1x128x128xf32, #tpu.memory_space<vmem>> -> memref<128x128xf32, #tpu.memory_space<vmem>>
      %dma_start3A_76 = arith.constant 0 : i32
      %dma_start3A_77 = tpu.memref_slice %arg7[%add3A_1, %dma_start3A_76] : memref<4096x128xf32, #tpu.memory_space<vmem_shared>> -> memref<128x128xf32, #tpu.memory_space<vmem_shared>>
      %dma_start3A_78 = arith.constant 0 : i32
      %dma_start3A_79 = tpu.memref_slice %arg7[%add3A_1, %dma_start3A_78] : memref<4096x128xf32, #tpu.memory_space<vmem_shared>> -> memref<128x128xf32, #tpu.memory_space<vmem_shared>>
      %dma_start3A_80 = arith.constant 0 : i32
      %dma_start3A_81 = arith.constant 0 : i32
      %dma_start3A_82 = tpu.memref_slice %arg5[%run_scoped3A_7, %dma_start3A_80, %dma_start3A_81] : memref<2x128x128xf32, #tpu.memory_space<vmem>> -> memref<1x128x128xf32, #tpu.memory_space<vmem>>
      %dma_start3A_83 = tpu.memref_squeeze %dma_start3A_82 : memref<1x128x128xf32, #tpu.memory_space<vmem>> -> memref<128x128xf32, #tpu.memory_space<vmem>>
      tpu.enqueue_dma source(%dma_start3A_83 : memref<128x128xf32, #tpu.memory_space<vmem>>) target(%dma_start3A_79 : memref<128x128xf32, #tpu.memory_space<vmem_shared>>) target_semaphore(%run_scoped3A_72 : memref<!tpu.dma_semaphore, #tpu.memory_space<semaphore_mem>>)
      %dma_wait3A = arith.constant 0 : i32
      %dma_wait3A_84 = arith.constant 0 : i32
      %dma_wait3A_85 = tpu.memref_slice %arg5[%run_scoped3A_7, %dma_wait3A, %dma_wait3A_84] : memref<2x128x128xf32, #tpu.memory_space<vmem>> -> memref<1x128x128xf32, #tpu.memory_space<vmem>>
      %dma_wait3A_86 = tpu.memref_squeeze %dma_wait3A_85 : memref<1x128x128xf32, #tpu.memory_space<vmem>> -> memref<128x128xf32, #tpu.memory_space<vmem>>
      %dma_wait3A_87 = arith.constant 0 : i32
      %dma_wait3A_88 = tpu.memref_slice %arg7[%add3A_1, %dma_wait3A_87] : memref<4096x128xf32, #tpu.memory_space<vmem_shared>> -> memref<128x128xf32, #tpu.memory_space<vmem_shared>>
      %dma_wait3A_89 = arith.constant 0 : i32
      %dma_wait3A_90 = tpu.memref_slice %arg7[%add3A_1, %dma_wait3A_89] : memref<4096x128xf32, #tpu.memory_space<vmem_shared>> -> memref<128x128xf32, #tpu.memory_space<vmem_shared>>
      %dma_wait3A_91 = arith.constant 0 : i32
      %dma_wait3A_92 = arith.constant 0 : i32
      %dma_wait3A_93 = tpu.memref_slice %arg5[%run_scoped3A_7, %dma_wait3A_91, %dma_wait3A_92] : memref<2x128x128xf32, #tpu.memory_space<vmem>> -> memref<1x128x128xf32, #tpu.memory_space<vmem>>
      %dma_wait3A_94 = tpu.memref_squeeze %dma_wait3A_93 : memref<1x128x128xf32, #tpu.memory_space<vmem>> -> memref<128x128xf32, #tpu.memory_space<vmem>>
      tpu.wait_dma2 semaphore(%run_scoped3A_72 : memref<!tpu.dma_semaphore, #tpu.memory_space<semaphore_mem>>) src(%dma_wait3A_94 : memref<128x128xf32, #tpu.memory_space<vmem>>) dst(%dma_wait3A_90 : memref<128x128xf32, #tpu.memory_space<vmem_shared>>)
      tpu.yield
    }) : () -> ()
    %mul3A_8 = arith.constant 256 : i32
    %mul3A_9 = arith.muli %arg1, %mul3A_8 : i32
    %add3A_10 = arith.constant 128 : i32
    %add3A_11 = arith.addi %mul3A_9, %add3A_10 : i32
    %run_scoped3A_12 = arith.constant 1 : i32
    "tpu.region"() ({
      %run_scoped3A_72 = tpu.sem_alloc : memref<!tpu.dma_semaphore, #tpu.memory_space<semaphore_mem>>
      %dma_start3A = arith.constant 0 : i32
      %dma_start3A_73 = arith.constant 0 : i32
      %dma_start3A_74 = tpu.memref_slice %arg5[%run_scoped3A_12, %dma_start3A, %dma_start3A_73] : memref<2x128x128xf32, #tpu.memory_space<vmem>> -> memref<1x128x128xf32, #tpu.memory_space<vmem>>
      %dma_start3A_75 = tpu.memref_squeeze %dma_start3A_74 : memref<1x128x128xf32, #tpu.memory_space<vmem>> -> memref<128x128xf32, #tpu.memory_space<vmem>>
      %dma_start3A_76 = arith.constant 0 : i32
      %dma_start3A_77 = tpu.memref_slice %arg2[%arg0, %add3A_11, %dma_start3A_76] : memref<2x4096x128xf32, #tpu.memory_space<hbm>> -> memref<1x128x128xf32, #tpu.memory_space<hbm>>
      %dma_start3A_78 = tpu.memref_squeeze %dma_start3A_77 : memref<1x128x128xf32, #tpu.memory_space<hbm>> -> memref<128x128xf32, #tpu.memory_space<hbm>>
      %dma_start3A_79 = arith.constant 0 : i32
      %dma_start3A_80 = arith.constant 0 : i32
      %dma_start3A_81 = tpu.memref_slice %arg5[%run_scoped3A_12, %dma_start3A_79, %dma_start3A_80] : memref<2x128x128xf32, #tpu.memory_space<vmem>> -> memref<1x128x128xf32, #tpu.memory_space<vmem>>
      %dma_start3A_82 = tpu.memref_squeeze %dma_start3A_81 : memref<1x128x128xf32, #tpu.memory_space<vmem>> -> memref<128x128xf32, #tpu.memory_space<vmem>>
      %dma_start3A_83 = arith.constant 0 : i32
      %dma_start3A_84 = tpu.memref_slice %arg2[%arg0, %add3A_11, %dma_start3A_83] : memref<2x4096x128xf32, #tpu.memory_space<hbm>> -> memref<1x128x128xf32, #tpu.memory_space<hbm>>
      %dma_start3A_85 = tpu.memref_squeeze %dma_start3A_84 : memref<1x128x128xf32, #tpu.memory_space<hbm>> -> memref<128x128xf32, #tpu.memory_space<hbm>>
      tpu.enqueue_dma source(%dma_start3A_85 : memref<128x128xf32, #tpu.memory_space<hbm>>) target(%dma_start3A_82 : memref<128x128xf32, #tpu.memory_space<vmem>>) target_semaphore(%run_scoped3A_72 : memref<!tpu.dma_semaphore, #tpu.memory_space<semaphore_mem>>)
      %dma_wait3A = arith.constant 0 : i32
      %dma_wait3A_86 = arith.constant 0 : i32
      %dma_wait3A_87 = tpu.memref_slice %arg5[%run_scoped3A_12, %dma_wait3A, %dma_wait3A_86] : memref<2x128x128xf32, #tpu.memory_space<vmem>> -> memref<1x128x128xf32, #tpu.memory_space<vmem>>
      %dma_wait3A_88 = tpu.memref_squeeze %dma_wait3A_87 : memref<1x128x128xf32, #tpu.memory_space<vmem>> -> memref<128x128xf32, #tpu.memory_space<vmem>>
      %dma_wait3A_89 = arith.constant 0 : i32
      %dma_wait3A_90 = tpu.memref_slice %arg2[%arg0, %add3A_11, %dma_wait3A_89] : memref<2x4096x128xf32, #tpu.memory_space<hbm>> -> memref<1x128x128xf32, #tpu.memory_space<hbm>>
      %dma_wait3A_91 = tpu.memref_squeeze %dma_wait3A_90 : memref<1x128x128xf32, #tpu.memory_space<hbm>> -> memref<128x128xf32, #tpu.memory_space<hbm>>
      %dma_wait3A_92 = arith.constant 0 : i32
      %dma_wait3A_93 = arith.constant 0 : i32
      %dma_wait3A_94 = tpu.memref_slice %arg5[%run_scoped3A_12, %dma_wait3A_92, %dma_wait3A_93] : memref<2x128x128xf32, #tpu.memory_space<vmem>> -> memref<1x128x128xf32, #tpu.memory_space<vmem>>
      %dma_wait3A_95 = tpu.memref_squeeze %dma_wait3A_94 : memref<1x128x128xf32, #tpu.memory_space<vmem>> -> memref<128x128xf32, #tpu.memory_space<vmem>>
      %dma_wait3A_96 = arith.constant 0 : i32
      %dma_wait3A_97 = tpu.memref_slice %arg2[%arg0, %add3A_11, %dma_wait3A_96] : memref<2x4096x128xf32, #tpu.memory_space<hbm>> -> memref<1x128x128xf32, #tpu.memory_space<hbm>>
      %dma_wait3A_98 = tpu.memref_squeeze %dma_wait3A_97 : memref<1x128x128xf32, #tpu.memory_space<hbm>> -> memref<128x128xf32, #tpu.memory_space<hbm>>
      tpu.wait_dma2 semaphore(%run_scoped3A_72 : memref<!tpu.dma_semaphore, #tpu.memory_space<semaphore_mem>>) src(%dma_wait3A_98 : memref<128x128xf32, #tpu.memory_space<hbm>>) dst(%dma_wait3A_95 : memref<128x128xf32, #tpu.memory_space<vmem>>)
      tpu.yield
    }) : () -> ()
    %mul3A_13 = arith.constant 2 : i32
    %mul3A_14 = arith.muli %mul3A_13, %arg1 : i32
    %add3A_15 = arith.constant 1 : i32
    %add3A_16 = arith.addi %mul3A_14, %add3A_15 : i32
    %run_scoped3A_17 = arith.constant 1 : i32
    "tpu.region"() ({
      %run_scoped3A_72 = tpu.sem_alloc : memref<!tpu.dma_semaphore, #tpu.memory_space<semaphore_mem>>
      %dma_start3A = arith.constant 0 : i32
      %dma_start3A_73 = arith.constant 0 : i32
      %dma_start3A_74 = tpu.memref_slice %arg6[%run_scoped3A_17, %dma_start3A, %dma_start3A_73] : memref<2x8x128xi32, #tpu.memory_space<vmem>> -> memref<1x8x128xi32, #tpu.memory_space<vmem>>
      %dma_start3A_75 = tpu.memref_squeeze %dma_start3A_74 : memref<1x8x128xi32, #tpu.memory_space<vmem>> -> memref<8x128xi32, #tpu.memory_space<vmem>>
      %dma_start3A_76 = arith.constant 0 : i32
      %dma_start3A_77 = arith.constant 0 : i32
      %dma_start3A_78 = tpu.memref_slice %arg3[%add3A_16, %dma_start3A_76, %dma_start3A_77] : memref<32x8x128xi32, #tpu.memory_space<hbm>> -> memref<1x8x128xi32, #tpu.memory_space<hbm>>
      %dma_start3A_79 = tpu.memref_squeeze %dma_start3A_78 : memref<1x8x128xi32, #tpu.memory_space<hbm>> -> memref<8x128xi32, #tpu.memory_space<hbm>>
      %dma_start3A_80 = arith.constant 0 : i32
      %dma_start3A_81 = arith.constant 0 : i32
      %dma_start3A_82 = tpu.memref_slice %arg6[%run_scoped3A_17, %dma_start3A_80, %dma_start3A_81] : memref<2x8x128xi32, #tpu.memory_space<vmem>> -> memref<1x8x128xi32, #tpu.memory_space<vmem>>
      %dma_start3A_83 = tpu.memref_squeeze %dma_start3A_82 : memref<1x8x128xi32, #tpu.memory_space<vmem>> -> memref<8x128xi32, #tpu.memory_space<vmem>>
      %dma_start3A_84 = arith.constant 0 : i32
      %dma_start3A_85 = arith.constant 0 : i32
      %dma_start3A_86 = tpu.memref_slice %arg3[%add3A_16, %dma_start3A_84, %dma_start3A_85] : memref<32x8x128xi32, #tpu.memory_space<hbm>> -> memref<1x8x128xi32, #tpu.memory_space<hbm>>
      %dma_start3A_87 = tpu.memref_squeeze %dma_start3A_86 : memref<1x8x128xi32, #tpu.memory_space<hbm>> -> memref<8x128xi32, #tpu.memory_space<hbm>>
      tpu.enqueue_dma source(%dma_start3A_87 : memref<8x128xi32, #tpu.memory_space<hbm>>) target(%dma_start3A_83 : memref<8x128xi32, #tpu.memory_space<vmem>>) target_semaphore(%run_scoped3A_72 : memref<!tpu.dma_semaphore, #tpu.memory_space<semaphore_mem>>)
      %dma_wait3A = arith.constant 0 : i32
      %dma_wait3A_88 = arith.constant 0 : i32
      %dma_wait3A_89 = tpu.memref_slice %arg6[%run_scoped3A_17, %dma_wait3A, %dma_wait3A_88] : memref<2x8x128xi32, #tpu.memory_space<vmem>> -> memref<1x8x128xi32, #tpu.memory_space<vmem>>
      %dma_wait3A_90 = tpu.memref_squeeze %dma_wait3A_89 : memref<1x8x128xi32, #tpu.memory_space<vmem>> -> memref<8x128xi32, #tpu.memory_space<vmem>>
      %dma_wait3A_91 = arith.constant 0 : i32
      %dma_wait3A_92 = arith.constant 0 : i32
      %dma_wait3A_93 = tpu.memref_slice %arg3[%add3A_16, %dma_wait3A_91, %dma_wait3A_92] : memref<32x8x128xi32, #tpu.memory_space<hbm>> -> memref<1x8x128xi32, #tpu.memory_space<hbm>>
      %dma_wait3A_94 = tpu.memref_squeeze %dma_wait3A_93 : memref<1x8x128xi32, #tpu.memory_space<hbm>> -> memref<8x128xi32, #tpu.memory_space<hbm>>
      %dma_wait3A_95 = arith.constant 0 : i32
      %dma_wait3A_96 = arith.constant 0 : i32
      %dma_wait3A_97 = tpu.memref_slice %arg6[%run_scoped3A_17, %dma_wait3A_95, %dma_wait3A_96] : memref<2x8x128xi32, #tpu.memory_space<vmem>> -> memref<1x8x128xi32, #tpu.memory_space<vmem>>
      %dma_wait3A_98 = tpu.memref_squeeze %dma_wait3A_97 : memref<1x8x128xi32, #tpu.memory_space<vmem>> -> memref<8x128xi32, #tpu.memory_space<vmem>>
      %dma_wait3A_99 = arith.constant 0 : i32
      %dma_wait3A_100 = arith.constant 0 : i32
      %dma_wait3A_101 = tpu.memref_slice %arg3[%add3A_16, %dma_wait3A_99, %dma_wait3A_100] : memref<32x8x128xi32, #tpu.memory_space<hbm>> -> memref<1x8x128xi32, #tpu.memory_space<hbm>>
      %dma_wait3A_102 = tpu.memref_squeeze %dma_wait3A_101 : memref<1x8x128xi32, #tpu.memory_space<hbm>> -> memref<8x128xi32, #tpu.memory_space<hbm>>
      tpu.wait_dma2 semaphore(%run_scoped3A_72 : memref<!tpu.dma_semaphore, #tpu.memory_space<semaphore_mem>>) src(%dma_wait3A_102 : memref<8x128xi32, #tpu.memory_space<hbm>>) dst(%dma_wait3A_98 : memref<8x128xi32, #tpu.memory_space<vmem>>)
      tpu.yield
    }) : () -> ()
    %run_scoped3A_18 = arith.constant 1 : i32
    "tpu.region"() ({
      %run_scoped3A_72 = tpu.sem_alloc : memref<!tpu.dma_semaphore, #tpu.memory_space<semaphore_mem>>
      %dma_start3A = arith.constant 0 : i32
      %dma_start3A_73 = arith.constant 0 : i32
      %dma_start3A_74 = tpu.memref_slice %arg5[%run_scoped3A_18, %dma_start3A, %dma_start3A_73] : memref<2x128x128xf32, #tpu.memory_space<vmem>> -> memref<1x128x128xf32, #tpu.memory_space<vmem>>
      %dma_start3A_75 = tpu.memref_squeeze %dma_start3A_74 : memref<1x128x128xf32, #tpu.memory_space<vmem>> -> memref<128x128xf32, #tpu.memory_space<vmem>>
      %dma_start3A_76 = arith.constant 0 : i32
      %dma_start3A_77 = tpu.memref_slice %arg7[%add3A_11, %dma_start3A_76] : memref<4096x128xf32, #tpu.memory_space<vmem_shared>> -> memref<128x128xf32, #tpu.memory_space<vmem_shared>>
      %dma_start3A_78 = arith.constant 0 : i32
      %dma_start3A_79 = tpu.memref_slice %arg7[%add3A_11, %dma_start3A_78] : memref<4096x128xf32, #tpu.memory_space<vmem_shared>> -> memref<128x128xf32, #tpu.memory_space<vmem_shared>>
      %dma_start3A_80 = arith.constant 0 : i32
      %dma_start3A_81 = arith.constant 0 : i32
      %dma_start3A_82 = tpu.memref_slice %arg5[%run_scoped3A_18, %dma_start3A_80, %dma_start3A_81] : memref<2x128x128xf32, #tpu.memory_space<vmem>> -> memref<1x128x128xf32, #tpu.memory_space<vmem>>
      %dma_start3A_83 = tpu.memref_squeeze %dma_start3A_82 : memref<1x128x128xf32, #tpu.memory_space<vmem>> -> memref<128x128xf32, #tpu.memory_space<vmem>>
      tpu.enqueue_dma source(%dma_start3A_83 : memref<128x128xf32, #tpu.memory_space<vmem>>) target(%dma_start3A_79 : memref<128x128xf32, #tpu.memory_space<vmem_shared>>) target_semaphore(%run_scoped3A_72 : memref<!tpu.dma_semaphore, #tpu.memory_space<semaphore_mem>>)
      %dma_wait3A = arith.constant 0 : i32
      %dma_wait3A_84 = arith.constant 0 : i32
      %dma_wait3A_85 = tpu.memref_slice %arg5[%run_scoped3A_18, %dma_wait3A, %dma_wait3A_84] : memref<2x128x128xf32, #tpu.memory_space<vmem>> -> memref<1x128x128xf32, #tpu.memory_space<vmem>>
      %dma_wait3A_86 = tpu.memref_squeeze %dma_wait3A_85 : memref<1x128x128xf32, #tpu.memory_space<vmem>> -> memref<128x128xf32, #tpu.memory_space<vmem>>
      %dma_wait3A_87 = arith.constant 0 : i32
      %dma_wait3A_88 = tpu.memref_slice %arg7[%add3A_11, %dma_wait3A_87] : memref<4096x128xf32, #tpu.memory_space<vmem_shared>> -> memref<128x128xf32, #tpu.memory_space<vmem_shared>>
      %dma_wait3A_89 = arith.constant 0 : i32
      %dma_wait3A_90 = tpu.memref_slice %arg7[%add3A_11, %dma_wait3A_89] : memref<4096x128xf32, #tpu.memory_space<vmem_shared>> -> memref<128x128xf32, #tpu.memory_space<vmem_shared>>
      %dma_wait3A_91 = arith.constant 0 : i32
      %dma_wait3A_92 = arith.constant 0 : i32
      %dma_wait3A_93 = tpu.memref_slice %arg5[%run_scoped3A_18, %dma_wait3A_91, %dma_wait3A_92] : memref<2x128x128xf32, #tpu.memory_space<vmem>> -> memref<1x128x128xf32, #tpu.memory_space<vmem>>
      %dma_wait3A_94 = tpu.memref_squeeze %dma_wait3A_93 : memref<1x128x128xf32, #tpu.memory_space<vmem>> -> memref<128x128xf32, #tpu.memory_space<vmem>>
      tpu.wait_dma2 semaphore(%run_scoped3A_72 : memref<!tpu.dma_semaphore, #tpu.memory_space<semaphore_mem>>) src(%dma_wait3A_94 : memref<128x128xf32, #tpu.memory_space<vmem>>) dst(%dma_wait3A_90 : memref<128x128xf32, #tpu.memory_space<vmem_shared>>)
      tpu.yield
    }) : () -> ()
    %barrier3A = arith.constant 0 : index
    tpu.barrier barrier_id(%barrier3A)
    %run_scoped3A_19 = arith.constant 0 : i32
    %run_scoped3A_20 = arith.constant 0 : i32
    %run_scoped3A_21 = arith.constant 0 : i32
    "tpu.region"() ({
      %run_scoped3A_72 = tpu.sem_alloc : memref<!tpu.dma_semaphore, #tpu.memory_space<semaphore_mem>>
      %dma_start3A = arith.constant 0 : i32
      %dma_start3A_73 = arith.constant 0 : i32
      %dma_start3A_74 = tpu.memref_slice %arg5[%run_scoped3A_19, %dma_start3A, %dma_start3A_73] : memref<2x128x128xf32, #tpu.memory_space<vmem>> -> memref<1x128x128xf32, #tpu.memory_space<vmem>>
      %dma_start3A_75 = tpu.memref_squeeze %dma_start3A_74 : memref<1x128x128xf32, #tpu.memory_space<vmem>> -> memref<128x128xf32, #tpu.memory_space<vmem>>
      %dma_start3A_76 = arith.constant 0 : i32
      %dma_start3A_77 = tpu.memref_slice %arg6[%run_scoped3A_20, %run_scoped3A_21, %dma_start3A_76] : memref<2x8x128xi32, #tpu.memory_space<vmem>> -> memref<1x1x128xi32, #tpu.memory_space<vmem>>
      %dma_start3A_78 = tpu.memref_squeeze %dma_start3A_77 : memref<1x1x128xi32, #tpu.memory_space<vmem>> -> memref<128xi32, #tpu.memory_space<vmem>>
      %dma_start3A_79 = arith.constant 0 : i32
      %dma_start3A_80 = arith.constant 0 : i32
      %dma_start3A_81 = tpu.memref_slice %arg7[%dma_start3A_79, %dma_start3A_80] : memref<4096x128xf32, #tpu.memory_space<vmem_shared>> -> memref<4096x128xf32, #tpu.memory_space<vmem_shared>>
      tpu.enqueue_indirect_dma source(%dma_start3A_75 : memref<128x128xf32, #tpu.memory_space<vmem>>) target(%dma_start3A_81 : memref<4096x128xf32, #tpu.memory_space<vmem_shared>>) offsets(%dma_start3A_78 : memref<128xi32, #tpu.memory_space<vmem>>) semaphore(%run_scoped3A_72 : memref<!tpu.dma_semaphore, #tpu.memory_space<semaphore_mem>>) {add = true}
      %dma_wait3A = arith.constant 0 : i32
      %dma_wait3A_82 = arith.constant 0 : i32
      %dma_wait3A_83 = tpu.memref_slice %arg5[%run_scoped3A_19, %dma_wait3A, %dma_wait3A_82] : memref<2x128x128xf32, #tpu.memory_space<vmem>> -> memref<1x128x128xf32, #tpu.memory_space<vmem>>
      %dma_wait3A_84 = tpu.memref_squeeze %dma_wait3A_83 : memref<1x128x128xf32, #tpu.memory_space<vmem>> -> memref<128x128xf32, #tpu.memory_space<vmem>>
      %dma_wait3A_85 = arith.constant 0 : i32
      %dma_wait3A_86 = tpu.memref_slice %arg6[%run_scoped3A_20, %run_scoped3A_21, %dma_wait3A_85] : memref<2x8x128xi32, #tpu.memory_space<vmem>> -> memref<1x1x128xi32, #tpu.memory_space<vmem>>
      %dma_wait3A_87 = tpu.memref_squeeze %dma_wait3A_86 : memref<1x1x128xi32, #tpu.memory_space<vmem>> -> memref<128xi32, #tpu.memory_space<vmem>>
      %dma_wait3A_88 = arith.constant 0 : i32
      %dma_wait3A_89 = arith.constant 0 : i32
      %dma_wait3A_90 = tpu.memref_slice %arg7[%dma_wait3A_88, %dma_wait3A_89] : memref<4096x128xf32, #tpu.memory_space<vmem_shared>> -> memref<4096x128xf32, #tpu.memory_space<vmem_shared>>
      tpu.wait_indirect_dma semaphore(%run_scoped3A_72 : memref<!tpu.dma_semaphore, #tpu.memory_space<semaphore_mem>>) src(%dma_wait3A_84 : memref<128x128xf32, #tpu.memory_space<vmem>>) dst(%dma_wait3A_90 : memref<4096x128xf32, #tpu.memory_space<vmem_shared>>)
      tpu.yield
    }) : () -> ()
    %run_scoped3A_22 = arith.constant 0 : i32
    %run_scoped3A_23 = arith.constant 0 : i32
    %run_scoped3A_24 = arith.constant 1 : i32
    "tpu.region"() ({
      %run_scoped3A_72 = tpu.sem_alloc : memref<!tpu.dma_semaphore, #tpu.memory_space<semaphore_mem>>
      %dma_start3A = arith.constant 0 : i32
      %dma_start3A_73 = arith.constant 0 : i32
      %dma_start3A_74 = tpu.memref_slice %arg5[%run_scoped3A_22, %dma_start3A, %dma_start3A_73] : memref<2x128x128xf32, #tpu.memory_space<vmem>> -> memref<1x128x128xf32, #tpu.memory_space<vmem>>
      %dma_start3A_75 = tpu.memref_squeeze %dma_start3A_74 : memref<1x128x128xf32, #tpu.memory_space<vmem>> -> memref<128x128xf32, #tpu.memory_space<vmem>>
      %dma_start3A_76 = arith.constant 0 : i32
      %dma_start3A_77 = tpu.memref_slice %arg6[%run_scoped3A_23, %run_scoped3A_24, %dma_start3A_76] : memref<2x8x128xi32, #tpu.memory_space<vmem>> -> memref<1x1x128xi32, #tpu.memory_space<vmem>>
      %dma_start3A_78 = tpu.memref_squeeze %dma_start3A_77 : memref<1x1x128xi32, #tpu.memory_space<vmem>> -> memref<128xi32, #tpu.memory_space<vmem>>
      %dma_start3A_79 = arith.constant 0 : i32
      %dma_start3A_80 = arith.constant 0 : i32
      %dma_start3A_81 = tpu.memref_slice %arg7[%dma_start3A_79, %dma_start3A_80] : memref<4096x128xf32, #tpu.memory_space<vmem_shared>> -> memref<4096x128xf32, #tpu.memory_space<vmem_shared>>
      tpu.enqueue_indirect_dma source(%dma_start3A_75 : memref<128x128xf32, #tpu.memory_space<vmem>>) target(%dma_start3A_81 : memref<4096x128xf32, #tpu.memory_space<vmem_shared>>) offsets(%dma_start3A_78 : memref<128xi32, #tpu.memory_space<vmem>>) semaphore(%run_scoped3A_72 : memref<!tpu.dma_semaphore, #tpu.memory_space<semaphore_mem>>) {add = true}
      %dma_wait3A = arith.constant 0 : i32
      %dma_wait3A_82 = arith.constant 0 : i32
      %dma_wait3A_83 = tpu.memref_slice %arg5[%run_scoped3A_22, %dma_wait3A, %dma_wait3A_82] : memref<2x128x128xf32, #tpu.memory_space<vmem>> -> memref<1x128x128xf32, #tpu.memory_space<vmem>>
      %dma_wait3A_84 = tpu.memref_squeeze %dma_wait3A_83 : memref<1x128x128xf32, #tpu.memory_space<vmem>> -> memref<128x128xf32, #tpu.memory_space<vmem>>
      %dma_wait3A_85 = arith.constant 0 : i32
      %dma_wait3A_86 = tpu.memref_slice %arg6[%run_scoped3A_23, %run_scoped3A_24, %dma_wait3A_85] : memref<2x8x128xi32, #tpu.memory_space<vmem>> -> memref<1x1x128xi32, #tpu.memory_space<vmem>>
      %dma_wait3A_87 = tpu.memref_squeeze %dma_wait3A_86 : memref<1x1x128xi32, #tpu.memory_space<vmem>> -> memref<128xi32, #tpu.memory_space<vmem>>
      %dma_wait3A_88 = arith.constant 0 : i32
      %dma_wait3A_89 = arith.constant 0 : i32
      %dma_wait3A_90 = tpu.memref_slice %arg7[%dma_wait3A_88, %dma_wait3A_89] : memref<4096x128xf32, #tpu.memory_space<vmem_shared>> -> memref<4096x128xf32, #tpu.memory_space<vmem_shared>>
      tpu.wait_indirect_dma semaphore(%run_scoped3A_72 : memref<!tpu.dma_semaphore, #tpu.memory_space<semaphore_mem>>) src(%dma_wait3A_84 : memref<128x128xf32, #tpu.memory_space<vmem>>) dst(%dma_wait3A_90 : memref<4096x128xf32, #tpu.memory_space<vmem_shared>>)
      tpu.yield
    }) : () -> ()
    %run_scoped3A_25 = arith.constant 0 : i32
    %run_scoped3A_26 = arith.constant 0 : i32
    %run_scoped3A_27 = arith.constant 2 : i32
    "tpu.region"() ({
      %run_scoped3A_72 = tpu.sem_alloc : memref<!tpu.dma_semaphore, #tpu.memory_space<semaphore_mem>>
      %dma_start3A = arith.constant 0 : i32
      %dma_start3A_73 = arith.constant 0 : i32
      %dma_start3A_74 = tpu.memref_slice %arg5[%run_scoped3A_25, %dma_start3A, %dma_start3A_73] : memref<2x128x128xf32, #tpu.memory_space<vmem>> -> memref<1x128x128xf32, #tpu.memory_space<vmem>>
      %dma_start3A_75 = tpu.memref_squeeze %dma_start3A_74 : memref<1x128x128xf32, #tpu.memory_space<vmem>> -> memref<128x128xf32, #tpu.memory_space<vmem>>
      %dma_start3A_76 = arith.constant 0 : i32
      %dma_start3A_77 = tpu.memref_slice %arg6[%run_scoped3A_26, %run_scoped3A_27, %dma_start3A_76] : memref<2x8x128xi32, #tpu.memory_space<vmem>> -> memref<1x1x128xi32, #tpu.memory_space<vmem>>
      %dma_start3A_78 = tpu.memref_squeeze %dma_start3A_77 : memref<1x1x128xi32, #tpu.memory_space<vmem>> -> memref<128xi32, #tpu.memory_space<vmem>>
      %dma_start3A_79 = arith.constant 0 : i32
      %dma_start3A_80 = arith.constant 0 : i32
      %dma_start3A_81 = tpu.memref_slice %arg7[%dma_start3A_79, %dma_start3A_80] : memref<4096x128xf32, #tpu.memory_space<vmem_shared>> -> memref<4096x128xf32, #tpu.memory_space<vmem_shared>>
      tpu.enqueue_indirect_dma source(%dma_start3A_75 : memref<128x128xf32, #tpu.memory_space<vmem>>) target(%dma_start3A_81 : memref<4096x128xf32, #tpu.memory_space<vmem_shared>>) offsets(%dma_start3A_78 : memref<128xi32, #tpu.memory_space<vmem>>) semaphore(%run_scoped3A_72 : memref<!tpu.dma_semaphore, #tpu.memory_space<semaphore_mem>>) {add = true}
      %dma_wait3A = arith.constant 0 : i32
      %dma_wait3A_82 = arith.constant 0 : i32
      %dma_wait3A_83 = tpu.memref_slice %arg5[%run_scoped3A_25, %dma_wait3A, %dma_wait3A_82] : memref<2x128x128xf32, #tpu.memory_space<vmem>> -> memref<1x128x128xf32, #tpu.memory_space<vmem>>
      %dma_wait3A_84 = tpu.memref_squeeze %dma_wait3A_83 : memref<1x128x128xf32, #tpu.memory_space<vmem>> -> memref<128x128xf32, #tpu.memory_space<vmem>>
      %dma_wait3A_85 = arith.constant 0 : i32
      %dma_wait3A_86 = tpu.memref_slice %arg6[%run_scoped3A_26, %run_scoped3A_27, %dma_wait3A_85] : memref<2x8x128xi32, #tpu.memory_space<vmem>> -> memref<1x1x128xi32, #tpu.memory_space<vmem>>
      %dma_wait3A_87 = tpu.memref_squeeze %dma_wait3A_86 : memref<1x1x128xi32, #tpu.memory_space<vmem>> -> memref<128xi32, #tpu.memory_space<vmem>>
      %dma_wait3A_88 = arith.constant 0 : i32
      %dma_wait3A_89 = arith.constant 0 : i32
      %dma_wait3A_90 = tpu.memref_slice %arg7[%dma_wait3A_88, %dma_wait3A_89] : memref<4096x128xf32, #tpu.memory_space<vmem_shared>> -> memref<4096x128xf32, #tpu.memory_space<vmem_shared>>
      tpu.wait_indirect_dma semaphore(%run_scoped3A_72 : memref<!tpu.dma_semaphore, #tpu.memory_space<semaphore_mem>>) src(%dma_wait3A_84 : memref<128x128xf32, #tpu.memory_space<vmem>>) dst(%dma_wait3A_90 : memref<4096x128xf32, #tpu.memory_space<vmem_shared>>)
      tpu.yield
    }) : () -> ()
    %run_scoped3A_28 = arith.constant 0 : i32
    %run_scoped3A_29 = arith.constant 0 : i32
    %run_scoped3A_30 = arith.constant 3 : i32
    "tpu.region"() ({
      %run_scoped3A_72 = tpu.sem_alloc : memref<!tpu.dma_semaphore, #tpu.memory_space<semaphore_mem>>
      %dma_start3A = arith.constant 0 : i32
      %dma_start3A_73 = arith.constant 0 : i32
      %dma_start3A_74 = tpu.memref_slice %arg5[%run_scoped3A_28, %dma_start3A, %dma_start3A_73] : memref<2x128x128xf32, #tpu.memory_space<vmem>> -> memref<1x128x128xf32, #tpu.memory_space<vmem>>
      %dma_start3A_75 = tpu.memref_squeeze %dma_start3A_74 : memref<1x128x128xf32, #tpu.memory_space<vmem>> -> memref<128x128xf32, #tpu.memory_space<vmem>>
      %dma_start3A_76 = arith.constant 0 : i32
      %dma_start3A_77 = tpu.memref_slice %arg6[%run_scoped3A_29, %run_scoped3A_30, %dma_start3A_76] : memref<2x8x128xi32, #tpu.memory_space<vmem>> -> memref<1x1x128xi32, #tpu.memory_space<vmem>>
      %dma_start3A_78 = tpu.memref_squeeze %dma_start3A_77 : memref<1x1x128xi32, #tpu.memory_space<vmem>> -> memref<128xi32, #tpu.memory_space<vmem>>
      %dma_start3A_79 = arith.constant 0 : i32
      %dma_start3A_80 = arith.constant 0 : i32
      %dma_start3A_81 = tpu.memref_slice %arg7[%dma_start3A_79, %dma_start3A_80] : memref<4096x128xf32, #tpu.memory_space<vmem_shared>> -> memref<4096x128xf32, #tpu.memory_space<vmem_shared>>
      tpu.enqueue_indirect_dma source(%dma_start3A_75 : memref<128x128xf32, #tpu.memory_space<vmem>>) target(%dma_start3A_81 : memref<4096x128xf32, #tpu.memory_space<vmem_shared>>) offsets(%dma_start3A_78 : memref<128xi32, #tpu.memory_space<vmem>>) semaphore(%run_scoped3A_72 : memref<!tpu.dma_semaphore, #tpu.memory_space<semaphore_mem>>) {add = true}
      %dma_wait3A = arith.constant 0 : i32
      %dma_wait3A_82 = arith.constant 0 : i32
      %dma_wait3A_83 = tpu.memref_slice %arg5[%run_scoped3A_28, %dma_wait3A, %dma_wait3A_82] : memref<2x128x128xf32, #tpu.memory_space<vmem>> -> memref<1x128x128xf32, #tpu.memory_space<vmem>>
      %dma_wait3A_84 = tpu.memref_squeeze %dma_wait3A_83 : memref<1x128x128xf32, #tpu.memory_space<vmem>> -> memref<128x128xf32, #tpu.memory_space<vmem>>
      %dma_wait3A_85 = arith.constant 0 : i32
      %dma_wait3A_86 = tpu.memref_slice %arg6[%run_scoped3A_29, %run_scoped3A_30, %dma_wait3A_85] : memref<2x8x128xi32, #tpu.memory_space<vmem>> -> memref<1x1x128xi32, #tpu.memory_space<vmem>>
      %dma_wait3A_87 = tpu.memref_squeeze %dma_wait3A_86 : memref<1x1x128xi32, #tpu.memory_space<vmem>> -> memref<128xi32, #tpu.memory_space<vmem>>
      %dma_wait3A_88 = arith.constant 0 : i32
      %dma_wait3A_89 = arith.constant 0 : i32
      %dma_wait3A_90 = tpu.memref_slice %arg7[%dma_wait3A_88, %dma_wait3A_89] : memref<4096x128xf32, #tpu.memory_space<vmem_shared>> -> memref<4096x128xf32, #tpu.memory_space<vmem_shared>>
      tpu.wait_indirect_dma semaphore(%run_scoped3A_72 : memref<!tpu.dma_semaphore, #tpu.memory_space<semaphore_mem>>) src(%dma_wait3A_84 : memref<128x128xf32, #tpu.memory_space<vmem>>) dst(%dma_wait3A_90 : memref<4096x128xf32, #tpu.memory_space<vmem_shared>>)
      tpu.yield
    }) : () -> ()
    %run_scoped3A_31 = arith.constant 0 : i32
    %run_scoped3A_32 = arith.constant 0 : i32
    %run_scoped3A_33 = arith.constant 4 : i32
    "tpu.region"() ({
      %run_scoped3A_72 = tpu.sem_alloc : memref<!tpu.dma_semaphore, #tpu.memory_space<semaphore_mem>>
      %dma_start3A = arith.constant 0 : i32
      %dma_start3A_73 = arith.constant 0 : i32
      %dma_start3A_74 = tpu.memref_slice %arg5[%run_scoped3A_31, %dma_start3A, %dma_start3A_73] : memref<2x128x128xf32, #tpu.memory_space<vmem>> -> memref<1x128x128xf32, #tpu.memory_space<vmem>>
      %dma_start3A_75 = tpu.memref_squeeze %dma_start3A_74 : memref<1x128x128xf32, #tpu.memory_space<vmem>> -> memref<128x128xf32, #tpu.memory_space<vmem>>
      %dma_start3A_76 = arith.constant 0 : i32
      %dma_start3A_77 = tpu.memref_slice %arg6[%run_scoped3A_32, %run_scoped3A_33, %dma_start3A_76] : memref<2x8x128xi32, #tpu.memory_space<vmem>> -> memref<1x1x128xi32, #tpu.memory_space<vmem>>
      %dma_start3A_78 = tpu.memref_squeeze %dma_start3A_77 : memref<1x1x128xi32, #tpu.memory_space<vmem>> -> memref<128xi32, #tpu.memory_space<vmem>>
      %dma_start3A_79 = arith.constant 0 : i32
      %dma_start3A_80 = arith.constant 0 : i32
      %dma_start3A_81 = tpu.memref_slice %arg7[%dma_start3A_79, %dma_start3A_80] : memref<4096x128xf32, #tpu.memory_space<vmem_shared>> -> memref<4096x128xf32, #tpu.memory_space<vmem_shared>>
      tpu.enqueue_indirect_dma source(%dma_start3A_75 : memref<128x128xf32, #tpu.memory_space<vmem>>) target(%dma_start3A_81 : memref<4096x128xf32, #tpu.memory_space<vmem_shared>>) offsets(%dma_start3A_78 : memref<128xi32, #tpu.memory_space<vmem>>) semaphore(%run_scoped3A_72 : memref<!tpu.dma_semaphore, #tpu.memory_space<semaphore_mem>>) {add = true}
      %dma_wait3A = arith.constant 0 : i32
      %dma_wait3A_82 = arith.constant 0 : i32
      %dma_wait3A_83 = tpu.memref_slice %arg5[%run_scoped3A_31, %dma_wait3A, %dma_wait3A_82] : memref<2x128x128xf32, #tpu.memory_space<vmem>> -> memref<1x128x128xf32, #tpu.memory_space<vmem>>
      %dma_wait3A_84 = tpu.memref_squeeze %dma_wait3A_83 : memref<1x128x128xf32, #tpu.memory_space<vmem>> -> memref<128x128xf32, #tpu.memory_space<vmem>>
      %dma_wait3A_85 = arith.constant 0 : i32
      %dma_wait3A_86 = tpu.memref_slice %arg6[%run_scoped3A_32, %run_scoped3A_33, %dma_wait3A_85] : memref<2x8x128xi32, #tpu.memory_space<vmem>> -> memref<1x1x128xi32, #tpu.memory_space<vmem>>
      %dma_wait3A_87 = tpu.memref_squeeze %dma_wait3A_86 : memref<1x1x128xi32, #tpu.memory_space<vmem>> -> memref<128xi32, #tpu.memory_space<vmem>>
      %dma_wait3A_88 = arith.constant 0 : i32
      %dma_wait3A_89 = arith.constant 0 : i32
      %dma_wait3A_90 = tpu.memref_slice %arg7[%dma_wait3A_88, %dma_wait3A_89] : memref<4096x128xf32, #tpu.memory_space<vmem_shared>> -> memref<4096x128xf32, #tpu.memory_space<vmem_shared>>
      tpu.wait_indirect_dma semaphore(%run_scoped3A_72 : memref<!tpu.dma_semaphore, #tpu.memory_space<semaphore_mem>>) src(%dma_wait3A_84 : memref<128x128xf32, #tpu.memory_space<vmem>>) dst(%dma_wait3A_90 : memref<4096x128xf32, #tpu.memory_space<vmem_shared>>)
      tpu.yield
    }) : () -> ()
    %run_scoped3A_34 = arith.constant 0 : i32
    %run_scoped3A_35 = arith.constant 0 : i32
    %run_scoped3A_36 = arith.constant 5 : i32
    "tpu.region"() ({
      %run_scoped3A_72 = tpu.sem_alloc : memref<!tpu.dma_semaphore, #tpu.memory_space<semaphore_mem>>
      %dma_start3A = arith.constant 0 : i32
      %dma_start3A_73 = arith.constant 0 : i32
      %dma_start3A_74 = tpu.memref_slice %arg5[%run_scoped3A_34, %dma_start3A, %dma_start3A_73] : memref<2x128x128xf32, #tpu.memory_space<vmem>> -> memref<1x128x128xf32, #tpu.memory_space<vmem>>
      %dma_start3A_75 = tpu.memref_squeeze %dma_start3A_74 : memref<1x128x128xf32, #tpu.memory_space<vmem>> -> memref<128x128xf32, #tpu.memory_space<vmem>>
      %dma_start3A_76 = arith.constant 0 : i32
      %dma_start3A_77 = tpu.memref_slice %arg6[%run_scoped3A_35, %run_scoped3A_36, %dma_start3A_76] : memref<2x8x128xi32, #tpu.memory_space<vmem>> -> memref<1x1x128xi32, #tpu.memory_space<vmem>>
      %dma_start3A_78 = tpu.memref_squeeze %dma_start3A_77 : memref<1x1x128xi32, #tpu.memory_space<vmem>> -> memref<128xi32, #tpu.memory_space<vmem>>
      %dma_start3A_79 = arith.constant 0 : i32
      %dma_start3A_80 = arith.constant 0 : i32
      %dma_start3A_81 = tpu.memref_slice %arg7[%dma_start3A_79, %dma_start3A_80] : memref<4096x128xf32, #tpu.memory_space<vmem_shared>> -> memref<4096x128xf32, #tpu.memory_space<vmem_shared>>
      tpu.enqueue_indirect_dma source(%dma_start3A_75 : memref<128x128xf32, #tpu.memory_space<vmem>>) target(%dma_start3A_81 : memref<4096x128xf32, #tpu.memory_space<vmem_shared>>) offsets(%dma_start3A_78 : memref<128xi32, #tpu.memory_space<vmem>>) semaphore(%run_scoped3A_72 : memref<!tpu.dma_semaphore, #tpu.memory_space<semaphore_mem>>) {add = true}
      %dma_wait3A = arith.constant 0 : i32
      %dma_wait3A_82 = arith.constant 0 : i32
      %dma_wait3A_83 = tpu.memref_slice %arg5[%run_scoped3A_34, %dma_wait3A, %dma_wait3A_82] : memref<2x128x128xf32, #tpu.memory_space<vmem>> -> memref<1x128x128xf32, #tpu.memory_space<vmem>>
      %dma_wait3A_84 = tpu.memref_squeeze %dma_wait3A_83 : memref<1x128x128xf32, #tpu.memory_space<vmem>> -> memref<128x128xf32, #tpu.memory_space<vmem>>
      %dma_wait3A_85 = arith.constant 0 : i32
      %dma_wait3A_86 = tpu.memref_slice %arg6[%run_scoped3A_35, %run_scoped3A_36, %dma_wait3A_85] : memref<2x8x128xi32, #tpu.memory_space<vmem>> -> memref<1x1x128xi32, #tpu.memory_space<vmem>>
      %dma_wait3A_87 = tpu.memref_squeeze %dma_wait3A_86 : memref<1x1x128xi32, #tpu.memory_space<vmem>> -> memref<128xi32, #tpu.memory_space<vmem>>
      %dma_wait3A_88 = arith.constant 0 : i32
      %dma_wait3A_89 = arith.constant 0 : i32
      %dma_wait3A_90 = tpu.memref_slice %arg7[%dma_wait3A_88, %dma_wait3A_89] : memref<4096x128xf32, #tpu.memory_space<vmem_shared>> -> memref<4096x128xf32, #tpu.memory_space<vmem_shared>>
      tpu.wait_indirect_dma semaphore(%run_scoped3A_72 : memref<!tpu.dma_semaphore, #tpu.memory_space<semaphore_mem>>) src(%dma_wait3A_84 : memref<128x128xf32, #tpu.memory_space<vmem>>) dst(%dma_wait3A_90 : memref<4096x128xf32, #tpu.memory_space<vmem_shared>>)
      tpu.yield
    }) : () -> ()
    %run_scoped3A_37 = arith.constant 0 : i32
    %run_scoped3A_38 = arith.constant 0 : i32
    %run_scoped3A_39 = arith.constant 6 : i32
    "tpu.region"() ({
      %run_scoped3A_72 = tpu.sem_alloc : memref<!tpu.dma_semaphore, #tpu.memory_space<semaphore_mem>>
      %dma_start3A = arith.constant 0 : i32
      %dma_start3A_73 = arith.constant 0 : i32
      %dma_start3A_74 = tpu.memref_slice %arg5[%run_scoped3A_37, %dma_start3A, %dma_start3A_73] : memref<2x128x128xf32, #tpu.memory_space<vmem>> -> memref<1x128x128xf32, #tpu.memory_space<vmem>>
      %dma_start3A_75 = tpu.memref_squeeze %dma_start3A_74 : memref<1x128x128xf32, #tpu.memory_space<vmem>> -> memref<128x128xf32, #tpu.memory_space<vmem>>
      %dma_start3A_76 = arith.constant 0 : i32
      %dma_start3A_77 = tpu.memref_slice %arg6[%run_scoped3A_38, %run_scoped3A_39, %dma_start3A_76] : memref<2x8x128xi32, #tpu.memory_space<vmem>> -> memref<1x1x128xi32, #tpu.memory_space<vmem>>
      %dma_start3A_78 = tpu.memref_squeeze %dma_start3A_77 : memref<1x1x128xi32, #tpu.memory_space<vmem>> -> memref<128xi32, #tpu.memory_space<vmem>>
      %dma_start3A_79 = arith.constant 0 : i32
      %dma_start3A_80 = arith.constant 0 : i32
      %dma_start3A_81 = tpu.memref_slice %arg7[%dma_start3A_79, %dma_start3A_80] : memref<4096x128xf32, #tpu.memory_space<vmem_shared>> -> memref<4096x128xf32, #tpu.memory_space<vmem_shared>>
      tpu.enqueue_indirect_dma source(%dma_start3A_75 : memref<128x128xf32, #tpu.memory_space<vmem>>) target(%dma_start3A_81 : memref<4096x128xf32, #tpu.memory_space<vmem_shared>>) offsets(%dma_start3A_78 : memref<128xi32, #tpu.memory_space<vmem>>) semaphore(%run_scoped3A_72 : memref<!tpu.dma_semaphore, #tpu.memory_space<semaphore_mem>>) {add = true}
      %dma_wait3A = arith.constant 0 : i32
      %dma_wait3A_82 = arith.constant 0 : i32
      %dma_wait3A_83 = tpu.memref_slice %arg5[%run_scoped3A_37, %dma_wait3A, %dma_wait3A_82] : memref<2x128x128xf32, #tpu.memory_space<vmem>> -> memref<1x128x128xf32, #tpu.memory_space<vmem>>
      %dma_wait3A_84 = tpu.memref_squeeze %dma_wait3A_83 : memref<1x128x128xf32, #tpu.memory_space<vmem>> -> memref<128x128xf32, #tpu.memory_space<vmem>>
      %dma_wait3A_85 = arith.constant 0 : i32
      %dma_wait3A_86 = tpu.memref_slice %arg6[%run_scoped3A_38, %run_scoped3A_39, %dma_wait3A_85] : memref<2x8x128xi32, #tpu.memory_space<vmem>> -> memref<1x1x128xi32, #tpu.memory_space<vmem>>
      %dma_wait3A_87 = tpu.memref_squeeze %dma_wait3A_86 : memref<1x1x128xi32, #tpu.memory_space<vmem>> -> memref<128xi32, #tpu.memory_space<vmem>>
      %dma_wait3A_88 = arith.constant 0 : i32
      %dma_wait3A_89 = arith.constant 0 : i32
      %dma_wait3A_90 = tpu.memref_slice %arg7[%dma_wait3A_88, %dma_wait3A_89] : memref<4096x128xf32, #tpu.memory_space<vmem_shared>> -> memref<4096x128xf32, #tpu.memory_space<vmem_shared>>
      tpu.wait_indirect_dma semaphore(%run_scoped3A_72 : memref<!tpu.dma_semaphore, #tpu.memory_space<semaphore_mem>>) src(%dma_wait3A_84 : memref<128x128xf32, #tpu.memory_space<vmem>>) dst(%dma_wait3A_90 : memref<4096x128xf32, #tpu.memory_space<vmem_shared>>)
      tpu.yield
    }) : () -> ()
    %run_scoped3A_40 = arith.constant 0 : i32
    %run_scoped3A_41 = arith.constant 0 : i32
    %run_scoped3A_42 = arith.constant 7 : i32
    "tpu.region"() ({
      %run_scoped3A_72 = tpu.sem_alloc : memref<!tpu.dma_semaphore, #tpu.memory_space<semaphore_mem>>
      %dma_start3A = arith.constant 0 : i32
      %dma_start3A_73 = arith.constant 0 : i32
      %dma_start3A_74 = tpu.memref_slice %arg5[%run_scoped3A_40, %dma_start3A, %dma_start3A_73] : memref<2x128x128xf32, #tpu.memory_space<vmem>> -> memref<1x128x128xf32, #tpu.memory_space<vmem>>
      %dma_start3A_75 = tpu.memref_squeeze %dma_start3A_74 : memref<1x128x128xf32, #tpu.memory_space<vmem>> -> memref<128x128xf32, #tpu.memory_space<vmem>>
      %dma_start3A_76 = arith.constant 0 : i32
      %dma_start3A_77 = tpu.memref_slice %arg6[%run_scoped3A_41, %run_scoped3A_42, %dma_start3A_76] : memref<2x8x128xi32, #tpu.memory_space<vmem>> -> memref<1x1x128xi32, #tpu.memory_space<vmem>>
      %dma_start3A_78 = tpu.memref_squeeze %dma_start3A_77 : memref<1x1x128xi32, #tpu.memory_space<vmem>> -> memref<128xi32, #tpu.memory_space<vmem>>
      %dma_start3A_79 = arith.constant 0 : i32
      %dma_start3A_80 = arith.constant 0 : i32
      %dma_start3A_81 = tpu.memref_slice %arg7[%dma_start3A_79, %dma_start3A_80] : memref<4096x128xf32, #tpu.memory_space<vmem_shared>> -> memref<4096x128xf32, #tpu.memory_space<vmem_shared>>
      tpu.enqueue_indirect_dma source(%dma_start3A_75 : memref<128x128xf32, #tpu.memory_space<vmem>>) target(%dma_start3A_81 : memref<4096x128xf32, #tpu.memory_space<vmem_shared>>) offsets(%dma_start3A_78 : memref<128xi32, #tpu.memory_space<vmem>>) semaphore(%run_scoped3A_72 : memref<!tpu.dma_semaphore, #tpu.memory_space<semaphore_mem>>) {add = true}
      %dma_wait3A = arith.constant 0 : i32
      %dma_wait3A_82 = arith.constant 0 : i32
      %dma_wait3A_83 = tpu.memref_slice %arg5[%run_scoped3A_40, %dma_wait3A, %dma_wait3A_82] : memref<2x128x128xf32, #tpu.memory_space<vmem>> -> memref<1x128x128xf32, #tpu.memory_space<vmem>>
      %dma_wait3A_84 = tpu.memref_squeeze %dma_wait3A_83 : memref<1x128x128xf32, #tpu.memory_space<vmem>> -> memref<128x128xf32, #tpu.memory_space<vmem>>
      %dma_wait3A_85 = arith.constant 0 : i32
      %dma_wait3A_86 = tpu.memref_slice %arg6[%run_scoped3A_41, %run_scoped3A_42, %dma_wait3A_85] : memref<2x8x128xi32, #tpu.memory_space<vmem>> -> memref<1x1x128xi32, #tpu.memory_space<vmem>>
      %dma_wait3A_87 = tpu.memref_squeeze %dma_wait3A_86 : memref<1x1x128xi32, #tpu.memory_space<vmem>> -> memref<128xi32, #tpu.memory_space<vmem>>
      %dma_wait3A_88 = arith.constant 0 : i32
      %dma_wait3A_89 = arith.constant 0 : i32
      %dma_wait3A_90 = tpu.memref_slice %arg7[%dma_wait3A_88, %dma_wait3A_89] : memref<4096x128xf32, #tpu.memory_space<vmem_shared>> -> memref<4096x128xf32, #tpu.memory_space<vmem_shared>>
      tpu.wait_indirect_dma semaphore(%run_scoped3A_72 : memref<!tpu.dma_semaphore, #tpu.memory_space<semaphore_mem>>) src(%dma_wait3A_84 : memref<128x128xf32, #tpu.memory_space<vmem>>) dst(%dma_wait3A_90 : memref<4096x128xf32, #tpu.memory_space<vmem_shared>>)
      tpu.yield
    }) : () -> ()
    %run_scoped3A_43 = arith.constant 1 : i32
    %run_scoped3A_44 = arith.constant 1 : i32
    %run_scoped3A_45 = arith.constant 0 : i32
    "tpu.region"() ({
      %run_scoped3A_72 = tpu.sem_alloc : memref<!tpu.dma_semaphore, #tpu.memory_space<semaphore_mem>>
      %dma_start3A = arith.constant 0 : i32
      %dma_start3A_73 = arith.constant 0 : i32
      %dma_start3A_74 = tpu.memref_slice %arg5[%run_scoped3A_43, %dma_start3A, %dma_start3A_73] : memref<2x128x128xf32, #tpu.memory_space<vmem>> -> memref<1x128x128xf32, #tpu.memory_space<vmem>>
      %dma_start3A_75 = tpu.memref_squeeze %dma_start3A_74 : memref<1x128x128xf32, #tpu.memory_space<vmem>> -> memref<128x128xf32, #tpu.memory_space<vmem>>
      %dma_start3A_76 = arith.constant 0 : i32
      %dma_start3A_77 = tpu.memref_slice %arg6[%run_scoped3A_44, %run_scoped3A_45, %dma_start3A_76] : memref<2x8x128xi32, #tpu.memory_space<vmem>> -> memref<1x1x128xi32, #tpu.memory_space<vmem>>
      %dma_start3A_78 = tpu.memref_squeeze %dma_start3A_77 : memref<1x1x128xi32, #tpu.memory_space<vmem>> -> memref<128xi32, #tpu.memory_space<vmem>>
      %dma_start3A_79 = arith.constant 0 : i32
      %dma_start3A_80 = arith.constant 0 : i32
      %dma_start3A_81 = tpu.memref_slice %arg7[%dma_start3A_79, %dma_start3A_80] : memref<4096x128xf32, #tpu.memory_space<vmem_shared>> -> memref<4096x128xf32, #tpu.memory_space<vmem_shared>>
      tpu.enqueue_indirect_dma source(%dma_start3A_75 : memref<128x128xf32, #tpu.memory_space<vmem>>) target(%dma_start3A_81 : memref<4096x128xf32, #tpu.memory_space<vmem_shared>>) offsets(%dma_start3A_78 : memref<128xi32, #tpu.memory_space<vmem>>) semaphore(%run_scoped3A_72 : memref<!tpu.dma_semaphore, #tpu.memory_space<semaphore_mem>>) {add = true}
      %dma_wait3A = arith.constant 0 : i32
      %dma_wait3A_82 = arith.constant 0 : i32
      %dma_wait3A_83 = tpu.memref_slice %arg5[%run_scoped3A_43, %dma_wait3A, %dma_wait3A_82] : memref<2x128x128xf32, #tpu.memory_space<vmem>> -> memref<1x128x128xf32, #tpu.memory_space<vmem>>
      %dma_wait3A_84 = tpu.memref_squeeze %dma_wait3A_83 : memref<1x128x128xf32, #tpu.memory_space<vmem>> -> memref<128x128xf32, #tpu.memory_space<vmem>>
      %dma_wait3A_85 = arith.constant 0 : i32
      %dma_wait3A_86 = tpu.memref_slice %arg6[%run_scoped3A_44, %run_scoped3A_45, %dma_wait3A_85] : memref<2x8x128xi32, #tpu.memory_space<vmem>> -> memref<1x1x128xi32, #tpu.memory_space<vmem>>
      %dma_wait3A_87 = tpu.memref_squeeze %dma_wait3A_86 : memref<1x1x128xi32, #tpu.memory_space<vmem>> -> memref<128xi32, #tpu.memory_space<vmem>>
      %dma_wait3A_88 = arith.constant 0 : i32
      %dma_wait3A_89 = arith.constant 0 : i32
      %dma_wait3A_90 = tpu.memref_slice %arg7[%dma_wait3A_88, %dma_wait3A_89] : memref<4096x128xf32, #tpu.memory_space<vmem_shared>> -> memref<4096x128xf32, #tpu.memory_space<vmem_shared>>
      tpu.wait_indirect_dma semaphore(%run_scoped3A_72 : memref<!tpu.dma_semaphore, #tpu.memory_space<semaphore_mem>>) src(%dma_wait3A_84 : memref<128x128xf32, #tpu.memory_space<vmem>>) dst(%dma_wait3A_90 : memref<4096x128xf32, #tpu.memory_space<vmem_shared>>)
      tpu.yield
    }) : () -> ()
    %run_scoped3A_46 = arith.constant 1 : i32
    %run_scoped3A_47 = arith.constant 1 : i32
    %run_scoped3A_48 = arith.constant 1 : i32
    "tpu.region"() ({
      %run_scoped3A_72 = tpu.sem_alloc : memref<!tpu.dma_semaphore, #tpu.memory_space<semaphore_mem>>
      %dma_start3A = arith.constant 0 : i32
      %dma_start3A_73 = arith.constant 0 : i32
      %dma_start3A_74 = tpu.memref_slice %arg5[%run_scoped3A_46, %dma_start3A, %dma_start3A_73] : memref<2x128x128xf32, #tpu.memory_space<vmem>> -> memref<1x128x128xf32, #tpu.memory_space<vmem>>
      %dma_start3A_75 = tpu.memref_squeeze %dma_start3A_74 : memref<1x128x128xf32, #tpu.memory_space<vmem>> -> memref<128x128xf32, #tpu.memory_space<vmem>>
      %dma_start3A_76 = arith.constant 0 : i32
      %dma_start3A_77 = tpu.memref_slice %arg6[%run_scoped3A_47, %run_scoped3A_48, %dma_start3A_76] : memref<2x8x128xi32, #tpu.memory_space<vmem>> -> memref<1x1x128xi32, #tpu.memory_space<vmem>>
      %dma_start3A_78 = tpu.memref_squeeze %dma_start3A_77 : memref<1x1x128xi32, #tpu.memory_space<vmem>> -> memref<128xi32, #tpu.memory_space<vmem>>
      %dma_start3A_79 = arith.constant 0 : i32
      %dma_start3A_80 = arith.constant 0 : i32
      %dma_start3A_81 = tpu.memref_slice %arg7[%dma_start3A_79, %dma_start3A_80] : memref<4096x128xf32, #tpu.memory_space<vmem_shared>> -> memref<4096x128xf32, #tpu.memory_space<vmem_shared>>
      tpu.enqueue_indirect_dma source(%dma_start3A_75 : memref<128x128xf32, #tpu.memory_space<vmem>>) target(%dma_start3A_81 : memref<4096x128xf32, #tpu.memory_space<vmem_shared>>) offsets(%dma_start3A_78 : memref<128xi32, #tpu.memory_space<vmem>>) semaphore(%run_scoped3A_72 : memref<!tpu.dma_semaphore, #tpu.memory_space<semaphore_mem>>) {add = true}
      %dma_wait3A = arith.constant 0 : i32
      %dma_wait3A_82 = arith.constant 0 : i32
      %dma_wait3A_83 = tpu.memref_slice %arg5[%run_scoped3A_46, %dma_wait3A, %dma_wait3A_82] : memref<2x128x128xf32, #tpu.memory_space<vmem>> -> memref<1x128x128xf32, #tpu.memory_space<vmem>>
      %dma_wait3A_84 = tpu.memref_squeeze %dma_wait3A_83 : memref<1x128x128xf32, #tpu.memory_space<vmem>> -> memref<128x128xf32, #tpu.memory_space<vmem>>
      %dma_wait3A_85 = arith.constant 0 : i32
      %dma_wait3A_86 = tpu.memref_slice %arg6[%run_scoped3A_47, %run_scoped3A_48, %dma_wait3A_85] : memref<2x8x128xi32, #tpu.memory_space<vmem>> -> memref<1x1x128xi32, #tpu.memory_space<vmem>>
      %dma_wait3A_87 = tpu.memref_squeeze %dma_wait3A_86 : memref<1x1x128xi32, #tpu.memory_space<vmem>> -> memref<128xi32, #tpu.memory_space<vmem>>
      %dma_wait3A_88 = arith.constant 0 : i32
      %dma_wait3A_89 = arith.constant 0 : i32
      %dma_wait3A_90 = tpu.memref_slice %arg7[%dma_wait3A_88, %dma_wait3A_89] : memref<4096x128xf32, #tpu.memory_space<vmem_shared>> -> memref<4096x128xf32, #tpu.memory_space<vmem_shared>>
      tpu.wait_indirect_dma semaphore(%run_scoped3A_72 : memref<!tpu.dma_semaphore, #tpu.memory_space<semaphore_mem>>) src(%dma_wait3A_84 : memref<128x128xf32, #tpu.memory_space<vmem>>) dst(%dma_wait3A_90 : memref<4096x128xf32, #tpu.memory_space<vmem_shared>>)
      tpu.yield
    }) : () -> ()
    %run_scoped3A_49 = arith.constant 1 : i32
    %run_scoped3A_50 = arith.constant 1 : i32
    %run_scoped3A_51 = arith.constant 2 : i32
    "tpu.region"() ({
      %run_scoped3A_72 = tpu.sem_alloc : memref<!tpu.dma_semaphore, #tpu.memory_space<semaphore_mem>>
      %dma_start3A = arith.constant 0 : i32
      %dma_start3A_73 = arith.constant 0 : i32
      %dma_start3A_74 = tpu.memref_slice %arg5[%run_scoped3A_49, %dma_start3A, %dma_start3A_73] : memref<2x128x128xf32, #tpu.memory_space<vmem>> -> memref<1x128x128xf32, #tpu.memory_space<vmem>>
      %dma_start3A_75 = tpu.memref_squeeze %dma_start3A_74 : memref<1x128x128xf32, #tpu.memory_space<vmem>> -> memref<128x128xf32, #tpu.memory_space<vmem>>
      %dma_start3A_76 = arith.constant 0 : i32
      %dma_start3A_77 = tpu.memref_slice %arg6[%run_scoped3A_50, %run_scoped3A_51, %dma_start3A_76] : memref<2x8x128xi32, #tpu.memory_space<vmem>> -> memref<1x1x128xi32, #tpu.memory_space<vmem>>
      %dma_start3A_78 = tpu.memref_squeeze %dma_start3A_77 : memref<1x1x128xi32, #tpu.memory_space<vmem>> -> memref<128xi32, #tpu.memory_space<vmem>>
      %dma_start3A_79 = arith.constant 0 : i32
      %dma_start3A_80 = arith.constant 0 : i32
      %dma_start3A_81 = tpu.memref_slice %arg7[%dma_start3A_79, %dma_start3A_80] : memref<4096x128xf32, #tpu.memory_space<vmem_shared>> -> memref<4096x128xf32, #tpu.memory_space<vmem_shared>>
      tpu.enqueue_indirect_dma source(%dma_start3A_75 : memref<128x128xf32, #tpu.memory_space<vmem>>) target(%dma_start3A_81 : memref<4096x128xf32, #tpu.memory_space<vmem_shared>>) offsets(%dma_start3A_78 : memref<128xi32, #tpu.memory_space<vmem>>) semaphore(%run_scoped3A_72 : memref<!tpu.dma_semaphore, #tpu.memory_space<semaphore_mem>>) {add = true}
      %dma_wait3A = arith.constant 0 : i32
      %dma_wait3A_82 = arith.constant 0 : i32
      %dma_wait3A_83 = tpu.memref_slice %arg5[%run_scoped3A_49, %dma_wait3A, %dma_wait3A_82] : memref<2x128x128xf32, #tpu.memory_space<vmem>> -> memref<1x128x128xf32, #tpu.memory_space<vmem>>
      %dma_wait3A_84 = tpu.memref_squeeze %dma_wait3A_83 : memref<1x128x128xf32, #tpu.memory_space<vmem>> -> memref<128x128xf32, #tpu.memory_space<vmem>>
      %dma_wait3A_85 = arith.constant 0 : i32
      %dma_wait3A_86 = tpu.memref_slice %arg6[%run_scoped3A_50, %run_scoped3A_51, %dma_wait3A_85] : memref<2x8x128xi32, #tpu.memory_space<vmem>> -> memref<1x1x128xi32, #tpu.memory_space<vmem>>
      %dma_wait3A_87 = tpu.memref_squeeze %dma_wait3A_86 : memref<1x1x128xi32, #tpu.memory_space<vmem>> -> memref<128xi32, #tpu.memory_space<vmem>>
      %dma_wait3A_88 = arith.constant 0 : i32
      %dma_wait3A_89 = arith.constant 0 : i32
      %dma_wait3A_90 = tpu.memref_slice %arg7[%dma_wait3A_88, %dma_wait3A_89] : memref<4096x128xf32, #tpu.memory_space<vmem_shared>> -> memref<4096x128xf32, #tpu.memory_space<vmem_shared>>
      tpu.wait_indirect_dma semaphore(%run_scoped3A_72 : memref<!tpu.dma_semaphore, #tpu.memory_space<semaphore_mem>>) src(%dma_wait3A_84 : memref<128x128xf32, #tpu.memory_space<vmem>>) dst(%dma_wait3A_90 : memref<4096x128xf32, #tpu.memory_space<vmem_shared>>)
      tpu.yield
    }) : () -> ()
    %run_scoped3A_52 = arith.constant 1 : i32
    %run_scoped3A_53 = arith.constant 1 : i32
    %run_scoped3A_54 = arith.constant 3 : i32
    "tpu.region"() ({
      %run_scoped3A_72 = tpu.sem_alloc : memref<!tpu.dma_semaphore, #tpu.memory_space<semaphore_mem>>
      %dma_start3A = arith.constant 0 : i32
      %dma_start3A_73 = arith.constant 0 : i32
      %dma_start3A_74 = tpu.memref_slice %arg5[%run_scoped3A_52, %dma_start3A, %dma_start3A_73] : memref<2x128x128xf32, #tpu.memory_space<vmem>> -> memref<1x128x128xf32, #tpu.memory_space<vmem>>
      %dma_start3A_75 = tpu.memref_squeeze %dma_start3A_74 : memref<1x128x128xf32, #tpu.memory_space<vmem>> -> memref<128x128xf32, #tpu.memory_space<vmem>>
      %dma_start3A_76 = arith.constant 0 : i32
      %dma_start3A_77 = tpu.memref_slice %arg6[%run_scoped3A_53, %run_scoped3A_54, %dma_start3A_76] : memref<2x8x128xi32, #tpu.memory_space<vmem>> -> memref<1x1x128xi32, #tpu.memory_space<vmem>>
      %dma_start3A_78 = tpu.memref_squeeze %dma_start3A_77 : memref<1x1x128xi32, #tpu.memory_space<vmem>> -> memref<128xi32, #tpu.memory_space<vmem>>
      %dma_start3A_79 = arith.constant 0 : i32
      %dma_start3A_80 = arith.constant 0 : i32
      %dma_start3A_81 = tpu.memref_slice %arg7[%dma_start3A_79, %dma_start3A_80] : memref<4096x128xf32, #tpu.memory_space<vmem_shared>> -> memref<4096x128xf32, #tpu.memory_space<vmem_shared>>
      tpu.enqueue_indirect_dma source(%dma_start3A_75 : memref<128x128xf32, #tpu.memory_space<vmem>>) target(%dma_start3A_81 : memref<4096x128xf32, #tpu.memory_space<vmem_shared>>) offsets(%dma_start3A_78 : memref<128xi32, #tpu.memory_space<vmem>>) semaphore(%run_scoped3A_72 : memref<!tpu.dma_semaphore, #tpu.memory_space<semaphore_mem>>) {add = true}
      %dma_wait3A = arith.constant 0 : i32
      %dma_wait3A_82 = arith.constant 0 : i32
      %dma_wait3A_83 = tpu.memref_slice %arg5[%run_scoped3A_52, %dma_wait3A, %dma_wait3A_82] : memref<2x128x128xf32, #tpu.memory_space<vmem>> -> memref<1x128x128xf32, #tpu.memory_space<vmem>>
      %dma_wait3A_84 = tpu.memref_squeeze %dma_wait3A_83 : memref<1x128x128xf32, #tpu.memory_space<vmem>> -> memref<128x128xf32, #tpu.memory_space<vmem>>
      %dma_wait3A_85 = arith.constant 0 : i32
      %dma_wait3A_86 = tpu.memref_slice %arg6[%run_scoped3A_53, %run_scoped3A_54, %dma_wait3A_85] : memref<2x8x128xi32, #tpu.memory_space<vmem>> -> memref<1x1x128xi32, #tpu.memory_space<vmem>>
      %dma_wait3A_87 = tpu.memref_squeeze %dma_wait3A_86 : memref<1x1x128xi32, #tpu.memory_space<vmem>> -> memref<128xi32, #tpu.memory_space<vmem>>
      %dma_wait3A_88 = arith.constant 0 : i32
      %dma_wait3A_89 = arith.constant 0 : i32
      %dma_wait3A_90 = tpu.memref_slice %arg7[%dma_wait3A_88, %dma_wait3A_89] : memref<4096x128xf32, #tpu.memory_space<vmem_shared>> -> memref<4096x128xf32, #tpu.memory_space<vmem_shared>>
      tpu.wait_indirect_dma semaphore(%run_scoped3A_72 : memref<!tpu.dma_semaphore, #tpu.memory_space<semaphore_mem>>) src(%dma_wait3A_84 : memref<128x128xf32, #tpu.memory_space<vmem>>) dst(%dma_wait3A_90 : memref<4096x128xf32, #tpu.memory_space<vmem_shared>>)
      tpu.yield
    }) : () -> ()
    %run_scoped3A_55 = arith.constant 1 : i32
    %run_scoped3A_56 = arith.constant 1 : i32
    %run_scoped3A_57 = arith.constant 4 : i32
    "tpu.region"() ({
      %run_scoped3A_72 = tpu.sem_alloc : memref<!tpu.dma_semaphore, #tpu.memory_space<semaphore_mem>>
      %dma_start3A = arith.constant 0 : i32
      %dma_start3A_73 = arith.constant 0 : i32
      %dma_start3A_74 = tpu.memref_slice %arg5[%run_scoped3A_55, %dma_start3A, %dma_start3A_73] : memref<2x128x128xf32, #tpu.memory_space<vmem>> -> memref<1x128x128xf32, #tpu.memory_space<vmem>>
      %dma_start3A_75 = tpu.memref_squeeze %dma_start3A_74 : memref<1x128x128xf32, #tpu.memory_space<vmem>> -> memref<128x128xf32, #tpu.memory_space<vmem>>
      %dma_start3A_76 = arith.constant 0 : i32
      %dma_start3A_77 = tpu.memref_slice %arg6[%run_scoped3A_56, %run_scoped3A_57, %dma_start3A_76] : memref<2x8x128xi32, #tpu.memory_space<vmem>> -> memref<1x1x128xi32, #tpu.memory_space<vmem>>
      %dma_start3A_78 = tpu.memref_squeeze %dma_start3A_77 : memref<1x1x128xi32, #tpu.memory_space<vmem>> -> memref<128xi32, #tpu.memory_space<vmem>>
      %dma_start3A_79 = arith.constant 0 : i32
      %dma_start3A_80 = arith.constant 0 : i32
      %dma_start3A_81 = tpu.memref_slice %arg7[%dma_start3A_79, %dma_start3A_80] : memref<4096x128xf32, #tpu.memory_space<vmem_shared>> -> memref<4096x128xf32, #tpu.memory_space<vmem_shared>>
      tpu.enqueue_indirect_dma source(%dma_start3A_75 : memref<128x128xf32, #tpu.memory_space<vmem>>) target(%dma_start3A_81 : memref<4096x128xf32, #tpu.memory_space<vmem_shared>>) offsets(%dma_start3A_78 : memref<128xi32, #tpu.memory_space<vmem>>) semaphore(%run_scoped3A_72 : memref<!tpu.dma_semaphore, #tpu.memory_space<semaphore_mem>>) {add = true}
      %dma_wait3A = arith.constant 0 : i32
      %dma_wait3A_82 = arith.constant 0 : i32
      %dma_wait3A_83 = tpu.memref_slice %arg5[%run_scoped3A_55, %dma_wait3A, %dma_wait3A_82] : memref<2x128x128xf32, #tpu.memory_space<vmem>> -> memref<1x128x128xf32, #tpu.memory_space<vmem>>
      %dma_wait3A_84 = tpu.memref_squeeze %dma_wait3A_83 : memref<1x128x128xf32, #tpu.memory_space<vmem>> -> memref<128x128xf32, #tpu.memory_space<vmem>>
      %dma_wait3A_85 = arith.constant 0 : i32
      %dma_wait3A_86 = tpu.memref_slice %arg6[%run_scoped3A_56, %run_scoped3A_57, %dma_wait3A_85] : memref<2x8x128xi32, #tpu.memory_space<vmem>> -> memref<1x1x128xi32, #tpu.memory_space<vmem>>
      %dma_wait3A_87 = tpu.memref_squeeze %dma_wait3A_86 : memref<1x1x128xi32, #tpu.memory_space<vmem>> -> memref<128xi32, #tpu.memory_space<vmem>>
      %dma_wait3A_88 = arith.constant 0 : i32
      %dma_wait3A_89 = arith.constant 0 : i32
      %dma_wait3A_90 = tpu.memref_slice %arg7[%dma_wait3A_88, %dma_wait3A_89] : memref<4096x128xf32, #tpu.memory_space<vmem_shared>> -> memref<4096x128xf32, #tpu.memory_space<vmem_shared>>
      tpu.wait_indirect_dma semaphore(%run_scoped3A_72 : memref<!tpu.dma_semaphore, #tpu.memory_space<semaphore_mem>>) src(%dma_wait3A_84 : memref<128x128xf32, #tpu.memory_space<vmem>>) dst(%dma_wait3A_90 : memref<4096x128xf32, #tpu.memory_space<vmem_shared>>)
      tpu.yield
    }) : () -> ()
    %run_scoped3A_58 = arith.constant 1 : i32
    %run_scoped3A_59 = arith.constant 1 : i32
    %run_scoped3A_60 = arith.constant 5 : i32
    "tpu.region"() ({
      %run_scoped3A_72 = tpu.sem_alloc : memref<!tpu.dma_semaphore, #tpu.memory_space<semaphore_mem>>
      %dma_start3A = arith.constant 0 : i32
      %dma_start3A_73 = arith.constant 0 : i32
      %dma_start3A_74 = tpu.memref_slice %arg5[%run_scoped3A_58, %dma_start3A, %dma_start3A_73] : memref<2x128x128xf32, #tpu.memory_space<vmem>> -> memref<1x128x128xf32, #tpu.memory_space<vmem>>
      %dma_start3A_75 = tpu.memref_squeeze %dma_start3A_74 : memref<1x128x128xf32, #tpu.memory_space<vmem>> -> memref<128x128xf32, #tpu.memory_space<vmem>>
      %dma_start3A_76 = arith.constant 0 : i32
      %dma_start3A_77 = tpu.memref_slice %arg6[%run_scoped3A_59, %run_scoped3A_60, %dma_start3A_76] : memref<2x8x128xi32, #tpu.memory_space<vmem>> -> memref<1x1x128xi32, #tpu.memory_space<vmem>>
      %dma_start3A_78 = tpu.memref_squeeze %dma_start3A_77 : memref<1x1x128xi32, #tpu.memory_space<vmem>> -> memref<128xi32, #tpu.memory_space<vmem>>
      %dma_start3A_79 = arith.constant 0 : i32
      %dma_start3A_80 = arith.constant 0 : i32
      %dma_start3A_81 = tpu.memref_slice %arg7[%dma_start3A_79, %dma_start3A_80] : memref<4096x128xf32, #tpu.memory_space<vmem_shared>> -> memref<4096x128xf32, #tpu.memory_space<vmem_shared>>
      tpu.enqueue_indirect_dma source(%dma_start3A_75 : memref<128x128xf32, #tpu.memory_space<vmem>>) target(%dma_start3A_81 : memref<4096x128xf32, #tpu.memory_space<vmem_shared>>) offsets(%dma_start3A_78 : memref<128xi32, #tpu.memory_space<vmem>>) semaphore(%run_scoped3A_72 : memref<!tpu.dma_semaphore, #tpu.memory_space<semaphore_mem>>) {add = true}
      %dma_wait3A = arith.constant 0 : i32
      %dma_wait3A_82 = arith.constant 0 : i32
      %dma_wait3A_83 = tpu.memref_slice %arg5[%run_scoped3A_58, %dma_wait3A, %dma_wait3A_82] : memref<2x128x128xf32, #tpu.memory_space<vmem>> -> memref<1x128x128xf32, #tpu.memory_space<vmem>>
      %dma_wait3A_84 = tpu.memref_squeeze %dma_wait3A_83 : memref<1x128x128xf32, #tpu.memory_space<vmem>> -> memref<128x128xf32, #tpu.memory_space<vmem>>
      %dma_wait3A_85 = arith.constant 0 : i32
      %dma_wait3A_86 = tpu.memref_slice %arg6[%run_scoped3A_59, %run_scoped3A_60, %dma_wait3A_85] : memref<2x8x128xi32, #tpu.memory_space<vmem>> -> memref<1x1x128xi32, #tpu.memory_space<vmem>>
      %dma_wait3A_87 = tpu.memref_squeeze %dma_wait3A_86 : memref<1x1x128xi32, #tpu.memory_space<vmem>> -> memref<128xi32, #tpu.memory_space<vmem>>
      %dma_wait3A_88 = arith.constant 0 : i32
      %dma_wait3A_89 = arith.constant 0 : i32
      %dma_wait3A_90 = tpu.memref_slice %arg7[%dma_wait3A_88, %dma_wait3A_89] : memref<4096x128xf32, #tpu.memory_space<vmem_shared>> -> memref<4096x128xf32, #tpu.memory_space<vmem_shared>>
      tpu.wait_indirect_dma semaphore(%run_scoped3A_72 : memref<!tpu.dma_semaphore, #tpu.memory_space<semaphore_mem>>) src(%dma_wait3A_84 : memref<128x128xf32, #tpu.memory_space<vmem>>) dst(%dma_wait3A_90 : memref<4096x128xf32, #tpu.memory_space<vmem_shared>>)
      tpu.yield
    }) : () -> ()
    %run_scoped3A_61 = arith.constant 1 : i32
    %run_scoped3A_62 = arith.constant 1 : i32
    %run_scoped3A_63 = arith.constant 6 : i32
    "tpu.region"() ({
      %run_scoped3A_72 = tpu.sem_alloc : memref<!tpu.dma_semaphore, #tpu.memory_space<semaphore_mem>>
      %dma_start3A = arith.constant 0 : i32
      %dma_start3A_73 = arith.constant 0 : i32
      %dma_start3A_74 = tpu.memref_slice %arg5[%run_scoped3A_61, %dma_start3A, %dma_start3A_73] : memref<2x128x128xf32, #tpu.memory_space<vmem>> -> memref<1x128x128xf32, #tpu.memory_space<vmem>>
      %dma_start3A_75 = tpu.memref_squeeze %dma_start3A_74 : memref<1x128x128xf32, #tpu.memory_space<vmem>> -> memref<128x128xf32, #tpu.memory_space<vmem>>
      %dma_start3A_76 = arith.constant 0 : i32
      %dma_start3A_77 = tpu.memref_slice %arg6[%run_scoped3A_62, %run_scoped3A_63, %dma_start3A_76] : memref<2x8x128xi32, #tpu.memory_space<vmem>> -> memref<1x1x128xi32, #tpu.memory_space<vmem>>
      %dma_start3A_78 = tpu.memref_squeeze %dma_start3A_77 : memref<1x1x128xi32, #tpu.memory_space<vmem>> -> memref<128xi32, #tpu.memory_space<vmem>>
      %dma_start3A_79 = arith.constant 0 : i32
      %dma_start3A_80 = arith.constant 0 : i32
      %dma_start3A_81 = tpu.memref_slice %arg7[%dma_start3A_79, %dma_start3A_80] : memref<4096x128xf32, #tpu.memory_space<vmem_shared>> -> memref<4096x128xf32, #tpu.memory_space<vmem_shared>>
      tpu.enqueue_indirect_dma source(%dma_start3A_75 : memref<128x128xf32, #tpu.memory_space<vmem>>) target(%dma_start3A_81 : memref<4096x128xf32, #tpu.memory_space<vmem_shared>>) offsets(%dma_start3A_78 : memref<128xi32, #tpu.memory_space<vmem>>) semaphore(%run_scoped3A_72 : memref<!tpu.dma_semaphore, #tpu.memory_space<semaphore_mem>>) {add = true}
      %dma_wait3A = arith.constant 0 : i32
      %dma_wait3A_82 = arith.constant 0 : i32
      %dma_wait3A_83 = tpu.memref_slice %arg5[%run_scoped3A_61, %dma_wait3A, %dma_wait3A_82] : memref<2x128x128xf32, #tpu.memory_space<vmem>> -> memref<1x128x128xf32, #tpu.memory_space<vmem>>
      %dma_wait3A_84 = tpu.memref_squeeze %dma_wait3A_83 : memref<1x128x128xf32, #tpu.memory_space<vmem>> -> memref<128x128xf32, #tpu.memory_space<vmem>>
      %dma_wait3A_85 = arith.constant 0 : i32
      %dma_wait3A_86 = tpu.memref_slice %arg6[%run_scoped3A_62, %run_scoped3A_63, %dma_wait3A_85] : memref<2x8x128xi32, #tpu.memory_space<vmem>> -> memref<1x1x128xi32, #tpu.memory_space<vmem>>
      %dma_wait3A_87 = tpu.memref_squeeze %dma_wait3A_86 : memref<1x1x128xi32, #tpu.memory_space<vmem>> -> memref<128xi32, #tpu.memory_space<vmem>>
      %dma_wait3A_88 = arith.constant 0 : i32
      %dma_wait3A_89 = arith.constant 0 : i32
      %dma_wait3A_90 = tpu.memref_slice %arg7[%dma_wait3A_88, %dma_wait3A_89] : memref<4096x128xf32, #tpu.memory_space<vmem_shared>> -> memref<4096x128xf32, #tpu.memory_space<vmem_shared>>
      tpu.wait_indirect_dma semaphore(%run_scoped3A_72 : memref<!tpu.dma_semaphore, #tpu.memory_space<semaphore_mem>>) src(%dma_wait3A_84 : memref<128x128xf32, #tpu.memory_space<vmem>>) dst(%dma_wait3A_90 : memref<4096x128xf32, #tpu.memory_space<vmem_shared>>)
      tpu.yield
    }) : () -> ()
    %run_scoped3A_64 = arith.constant 1 : i32
    %run_scoped3A_65 = arith.constant 1 : i32
    %run_scoped3A_66 = arith.constant 7 : i32
    "tpu.region"() ({
      %run_scoped3A_72 = tpu.sem_alloc : memref<!tpu.dma_semaphore, #tpu.memory_space<semaphore_mem>>
      %dma_start3A = arith.constant 0 : i32
      %dma_start3A_73 = arith.constant 0 : i32
      %dma_start3A_74 = tpu.memref_slice %arg5[%run_scoped3A_64, %dma_start3A, %dma_start3A_73] : memref<2x128x128xf32, #tpu.memory_space<vmem>> -> memref<1x128x128xf32, #tpu.memory_space<vmem>>
      %dma_start3A_75 = tpu.memref_squeeze %dma_start3A_74 : memref<1x128x128xf32, #tpu.memory_space<vmem>> -> memref<128x128xf32, #tpu.memory_space<vmem>>
      %dma_start3A_76 = arith.constant 0 : i32
      %dma_start3A_77 = tpu.memref_slice %arg6[%run_scoped3A_65, %run_scoped3A_66, %dma_start3A_76] : memref<2x8x128xi32, #tpu.memory_space<vmem>> -> memref<1x1x128xi32, #tpu.memory_space<vmem>>
      %dma_start3A_78 = tpu.memref_squeeze %dma_start3A_77 : memref<1x1x128xi32, #tpu.memory_space<vmem>> -> memref<128xi32, #tpu.memory_space<vmem>>
      %dma_start3A_79 = arith.constant 0 : i32
      %dma_start3A_80 = arith.constant 0 : i32
      %dma_start3A_81 = tpu.memref_slice %arg7[%dma_start3A_79, %dma_start3A_80] : memref<4096x128xf32, #tpu.memory_space<vmem_shared>> -> memref<4096x128xf32, #tpu.memory_space<vmem_shared>>
      tpu.enqueue_indirect_dma source(%dma_start3A_75 : memref<128x128xf32, #tpu.memory_space<vmem>>) target(%dma_start3A_81 : memref<4096x128xf32, #tpu.memory_space<vmem_shared>>) offsets(%dma_start3A_78 : memref<128xi32, #tpu.memory_space<vmem>>) semaphore(%run_scoped3A_72 : memref<!tpu.dma_semaphore, #tpu.memory_space<semaphore_mem>>) {add = true}
      %dma_wait3A = arith.constant 0 : i32
      %dma_wait3A_82 = arith.constant 0 : i32
      %dma_wait3A_83 = tpu.memref_slice %arg5[%run_scoped3A_64, %dma_wait3A, %dma_wait3A_82] : memref<2x128x128xf32, #tpu.memory_space<vmem>> -> memref<1x128x128xf32, #tpu.memory_space<vmem>>
      %dma_wait3A_84 = tpu.memref_squeeze %dma_wait3A_83 : memref<1x128x128xf32, #tpu.memory_space<vmem>> -> memref<128x128xf32, #tpu.memory_space<vmem>>
      %dma_wait3A_85 = arith.constant 0 : i32
      %dma_wait3A_86 = tpu.memref_slice %arg6[%run_scoped3A_65, %run_scoped3A_66, %dma_wait3A_85] : memref<2x8x128xi32, #tpu.memory_space<vmem>> -> memref<1x1x128xi32, #tpu.memory_space<vmem>>
      %dma_wait3A_87 = tpu.memref_squeeze %dma_wait3A_86 : memref<1x1x128xi32, #tpu.memory_space<vmem>> -> memref<128xi32, #tpu.memory_space<vmem>>
      %dma_wait3A_88 = arith.constant 0 : i32
      %dma_wait3A_89 = arith.constant 0 : i32
      %dma_wait3A_90 = tpu.memref_slice %arg7[%dma_wait3A_88, %dma_wait3A_89] : memref<4096x128xf32, #tpu.memory_space<vmem_shared>> -> memref<4096x128xf32, #tpu.memory_space<vmem_shared>>
      tpu.wait_indirect_dma semaphore(%run_scoped3A_72 : memref<!tpu.dma_semaphore, #tpu.memory_space<semaphore_mem>>) src(%dma_wait3A_84 : memref<128x128xf32, #tpu.memory_space<vmem>>) dst(%dma_wait3A_90 : memref<4096x128xf32, #tpu.memory_space<vmem_shared>>)
      tpu.yield
    }) : () -> ()
    %barrier3A_67 = arith.constant 0 : index
    tpu.barrier barrier_id(%barrier3A_67)
    %mul3A_68 = arith.constant 256 : i32
    %mul3A_69 = arith.muli %arg1, %mul3A_68 : i32
    %mul3A_70 = arith.constant 256 : i32
    %mul3A_71 = arith.muli %arg1, %mul3A_70 : i32
    "tpu.region"() ({
      %run_scoped3A_72 = tpu.sem_alloc : memref<!tpu.dma_semaphore, #tpu.memory_space<semaphore_mem>>
      %dma_start3A = arith.constant 0 : i32
      %dma_start3A_73 = tpu.memref_slice %arg4[%arg0, %mul3A_71, %dma_start3A] : memref<2x4096x128xf32, #tpu.memory_space<hbm>> -> memref<1x256x128xf32, #tpu.memory_space<hbm>>
      %dma_start3A_74 = tpu.memref_squeeze %dma_start3A_73 : memref<1x256x128xf32, #tpu.memory_space<hbm>> -> memref<256x128xf32, #tpu.memory_space<hbm>>
      %dma_start3A_75 = arith.constant 0 : i32
      %dma_start3A_76 = tpu.memref_slice %arg7[%mul3A_69, %dma_start3A_75] : memref<4096x128xf32, #tpu.memory_space<vmem_shared>> -> memref<256x128xf32, #tpu.memory_space<vmem_shared>>
      tpu.enqueue_dma source(%dma_start3A_76 : memref<256x128xf32, #tpu.memory_space<vmem_shared>>) target(%dma_start3A_74 : memref<256x128xf32, #tpu.memory_space<hbm>>) target_semaphore(%run_scoped3A_72 : memref<!tpu.dma_semaphore, #tpu.memory_space<semaphore_mem>>)
      %dma_wait3A = arith.constant 0 : i32
      %dma_wait3A_77 = tpu.memref_slice %arg4[%arg0, %mul3A_71, %dma_wait3A] : memref<2x4096x128xf32, #tpu.memory_space<hbm>> -> memref<1x256x128xf32, #tpu.memory_space<hbm>>
      %dma_wait3A_78 = tpu.memref_squeeze %dma_wait3A_77 : memref<1x256x128xf32, #tpu.memory_space<hbm>> -> memref<256x128xf32, #tpu.memory_space<hbm>>
      %dma_wait3A_79 = arith.constant 0 : i32
      %dma_wait3A_80 = tpu.memref_slice %arg7[%mul3A_69, %dma_wait3A_79] : memref<4096x128xf32, #tpu.memory_space<vmem_shared>> -> memref<256x128xf32, #tpu.memory_space<vmem_shared>>
      tpu.wait_dma2 semaphore(%run_scoped3A_72 : memref<!tpu.dma_semaphore, #tpu.memory_space<semaphore_mem>>) src(%dma_wait3A_80 : memref<256x128xf32, #tpu.memory_space<vmem_shared>>) dst(%dma_wait3A_78 : memref<256x128xf32, #tpu.memory_space<hbm>>)
      tpu.yield
    }) : () -> ()
    return
  }
}

#map = affine_map<(d0, d1) -> (0, 0, 0)>
module attributes {stable_mosaic.version = 14 : i64} {
  func.func @_scatter_body(%arg0: i32, %arg1: i32, %arg2: memref<2x4096x128xf32, #tpu.memory_space<hbm>>, %arg3: memref<32x8x128xi32, #tpu.memory_space<hbm>>, %arg4: memref<2x4096x128xf32, #tpu.memory_space<hbm>>, %arg5: memref<2x128x128xf32, #tpu.memory_space<vmem>>, %arg6: memref<2x8x128xi32, #tpu.memory_space<vmem>>, %arg7: memref<4096x128xf32, #tpu.memory_space<vmem_shared>>) attributes {dimension_semantics = [#tpu.dimension_semantics<core_parallel>, #tpu.dimension_semantics<subcore_parallel>], iteration_bounds = array<i64: 2, 16>, scalar_prefetch = 0 : i64, scratch_operands = 3 : i64, tpu.core_type = #tpu.core_type<sc_vector_subcore>, window_params = [{transform_indices = #map}, {transform_indices = #map}, {transform_indices = #map}]} {
    %mul3A = arith.constant 256 : i32
    %mul3A_0 = arith.muli %arg1, %mul3A : i32
    %add3A = arith.constant 0 : i32
    %add3A_1 = arith.addi %mul3A_0, %add3A : i32
    %run_scoped3A = arith.constant 0 : i32
    "tpu.region"() ({
      %run_scoped3A_72 = tpu.sem_alloc : memref<!tpu.dma_semaphore, #tpu.memory_space<semaphore_mem>>
      %dma_start3A = arith.constant 0 : i32
      %dma_start3A_73 = arith.constant 0 : i32
      %dma_start3A_74 = tpu.memref_slice %arg5[%run_scoped3A, %dma_start3A, %dma_start3A_73] : memref<2x128x128xf32, #tpu.memory_space<vmem>> -> memref<1x128x128xf32, #tpu.memory_space<vmem>>
      %dma_start3A_75 = tpu.memref_squeeze %dma_start3A_74 : memref<1x128x128xf32, #tpu.memory_space<vmem>> -> memref<128x128xf32, #tpu.memory_space<vmem>>
      %dma_start3A_76 = arith.constant 0 : i32
      %dma_start3A_77 = tpu.memref_slice %arg2[%arg0, %add3A_1, %dma_start3A_76] : memref<2x4096x128xf32, #tpu.memory_space<hbm>> -> memref<1x128x128xf32, #tpu.memory_space<hbm>>
      %dma_start3A_78 = tpu.memref_squeeze %dma_start3A_77 : memref<1x128x128xf32, #tpu.memory_space<hbm>> -> memref<128x128xf32, #tpu.memory_space<hbm>>
      %dma_start3A_79 = arith.constant 0 : i32
      %dma_start3A_80 = arith.constant 0 : i32
      %dma_start3A_81 = tpu.memref_slice %arg5[%run_scoped3A, %dma_start3A_79, %dma_start3A_80] : memref<2x128x128xf32, #tpu.memory_space<vmem>> -> memref<1x128x128xf32, #tpu.memory_space<vmem>>
      %dma_start3A_82 = tpu.memref_squeeze %dma_start3A_81 : memref<1x128x128xf32, #tpu.memory_space<vmem>> -> memref<128x128xf32, #tpu.memory_space<vmem>>
      %dma_start3A_83 = arith.constant 0 : i32
      %dma_start3A_84 = tpu.memref_slice %arg2[%arg0, %add3A_1, %dma_start3A_83] : memref<2x4096x128xf32, #tpu.memory_space<hbm>> -> memref<1x128x128xf32, #tpu.memory_space<hbm>>
      %dma_start3A_85 = tpu.memref_squeeze %dma_start3A_84 : memref<1x128x128xf32, #tpu.memory_space<hbm>> -> memref<128x128xf32, #tpu.memory_space<hbm>>
      tpu.enqueue_dma source(%dma_start3A_85 : memref<128x128xf32, #tpu.memory_space<hbm>>) target(%dma_start3A_82 : memref<128x128xf32, #tpu.memory_space<vmem>>) target_semaphore(%run_scoped3A_72 : memref<!tpu.dma_semaphore, #tpu.memory_space<semaphore_mem>>)
      %dma_wait3A = arith.constant 0 : i32
      %dma_wait3A_86 = arith.constant 0 : i32
      %dma_wait3A_87 = tpu.memref_slice %arg5[%run_scoped3A, %dma_wait3A, %dma_wait3A_86] : memref<2x128x128xf32, #tpu.memory_space<vmem>> -> memref<1x128x128xf32, #tpu.memory_space<vmem>>
      %dma_wait3A_88 = tpu.memref_squeeze %dma_wait3A_87 : memref<1x128x128xf32, #tpu.memory_space<vmem>> -> memref<128x128xf32, #tpu.memory_space<vmem>>
      %dma_wait3A_89 = arith.constant 0 : i32
      %dma_wait3A_90 = tpu.memref_slice %arg2[%arg0, %add3A_1, %dma_wait3A_89] : memref<2x4096x128xf32, #tpu.memory_space<hbm>> -> memref<1x128x128xf32, #tpu.memory_space<hbm>>
      %dma_wait3A_91 = tpu.memref_squeeze %dma_wait3A_90 : memref<1x128x128xf32, #tpu.memory_space<hbm>> -> memref<128x128xf32, #tpu.memory_space<hbm>>
      %dma_wait3A_92 = arith.constant 0 : i32
      %dma_wait3A_93 = arith.constant 0 : i32
      %dma_wait3A_94 = tpu.memref_slice %arg5[%run_scoped3A, %dma_wait3A_92, %dma_wait3A_93] : memref<2x128x128xf32, #tpu.memory_space<vmem>> -> memref<1x128x128xf32, #tpu.memory_space<vmem>>
      %dma_wait3A_95 = tpu.memref_squeeze %dma_wait3A_94 : memref<1x128x128xf32, #tpu.memory_space<vmem>> -> memref<128x128xf32, #tpu.memory_space<vmem>>
      %dma_wait3A_96 = arith.constant 0 : i32
      %dma_wait3A_97 = tpu.memref_slice %arg2[%arg0, %add3A_1, %dma_wait3A_96] : memref<2x4096x128xf32, #tpu.memory_space<hbm>> -> memref<1x128x128xf32, #tpu.memory_space<hbm>>
      %dma_wait3A_98 = tpu.memref_squeeze %dma_wait3A_97 : memref<1x128x128xf32, #tpu.memory_space<hbm>> -> memref<128x128xf32, #tpu.memory_space<hbm>>
      tpu.wait_dma2 semaphore(%run_scoped3A_72 : memref<!tpu.dma_semaphore, #tpu.memory_space<semaphore_mem>>) src(%dma_wait3A_98 : memref<128x128xf32, #tpu.memory_space<hbm>>) dst(%dma_wait3A_95 : memref<128x128xf32, #tpu.memory_space<vmem>>)
      tpu.yield
    }) : () -> ()
    %mul3A_2 = arith.constant 2 : i32
    %mul3A_3 = arith.muli %mul3A_2, %arg1 : i32
    %add3A_4 = arith.constant 0 : i32
    %add3A_5 = arith.addi %mul3A_3, %add3A_4 : i32
    %run_scoped3A_6 = arith.constant 0 : i32
    "tpu.region"() ({
      %run_scoped3A_72 = tpu.sem_alloc : memref<!tpu.dma_semaphore, #tpu.memory_space<semaphore_mem>>
      %dma_start3A = arith.constant 0 : i32
      %dma_start3A_73 = arith.constant 0 : i32
      %dma_start3A_74 = tpu.memref_slice %arg6[%run_scoped3A_6, %dma_start3A, %dma_start3A_73] : memref<2x8x128xi32, #tpu.memory_space<vmem>> -> memref<1x8x128xi32, #tpu.memory_space<vmem>>
      %dma_start3A_75 = tpu.memref_squeeze %dma_start3A_74 : memref<1x8x128xi32, #tpu.memory_space<vmem>> -> memref<8x128xi32, #tpu.memory_space<vmem>>
      %dma_start3A_76 = arith.constant 0 : i32
      %dma_start3A_77 = arith.constant 0 : i32
      %dma_start3A_78 = tpu.memref_slice %arg3[%add3A_5, %dma_start3A_76, %dma_start3A_77] : memref<32x8x128xi32, #tpu.memory_space<hbm>> -> memref<1x8x128xi32, #tpu.memory_space<hbm>>
      %dma_start3A_79 = tpu.memref_squeeze %dma_start3A_78 : memref<1x8x128xi32, #tpu.memory_space<hbm>> -> memref<8x128xi32, #tpu.memory_space<hbm>>
      %dma_start3A_80 = arith.constant 0 : i32
      %dma_start3A_81 = arith.constant 0 : i32
      %dma_start3A_82 = tpu.memref_slice %arg6[%run_scoped3A_6, %dma_start3A_80, %dma_start3A_81] : memref<2x8x128xi32, #tpu.memory_space<vmem>> -> memref<1x8x128xi32, #tpu.memory_space<vmem>>
      %dma_start3A_83 = tpu.memref_squeeze %dma_start3A_82 : memref<1x8x128xi32, #tpu.memory_space<vmem>> -> memref<8x128xi32, #tpu.memory_space<vmem>>
      %dma_start3A_84 = arith.constant 0 : i32
      %dma_start3A_85 = arith.constant 0 : i32
      %dma_start3A_86 = tpu.memref_slice %arg3[%add3A_5, %dma_start3A_84, %dma_start3A_85] : memref<32x8x128xi32, #tpu.memory_space<hbm>> -> memref<1x8x128xi32, #tpu.memory_space<hbm>>
      %dma_start3A_87 = tpu.memref_squeeze %dma_start3A_86 : memref<1x8x128xi32, #tpu.memory_space<hbm>> -> memref<8x128xi32, #tpu.memory_space<hbm>>
      tpu.enqueue_dma source(%dma_start3A_87 : memref<8x128xi32, #tpu.memory_space<hbm>>) target(%dma_start3A_83 : memref<8x128xi32, #tpu.memory_space<vmem>>) target_semaphore(%run_scoped3A_72 : memref<!tpu.dma_semaphore, #tpu.memory_space<semaphore_mem>>)
      %dma_wait3A = arith.constant 0 : i32
      %dma_wait3A_88 = arith.constant 0 : i32
      %dma_wait3A_89 = tpu.memref_slice %arg6[%run_scoped3A_6, %dma_wait3A, %dma_wait3A_88] : memref<2x8x128xi32, #tpu.memory_space<vmem>> -> memref<1x8x128xi32, #tpu.memory_space<vmem>>
      %dma_wait3A_90 = tpu.memref_squeeze %dma_wait3A_89 : memref<1x8x128xi32, #tpu.memory_space<vmem>> -> memref<8x128xi32, #tpu.memory_space<vmem>>
      %dma_wait3A_91 = arith.constant 0 : i32
      %dma_wait3A_92 = arith.constant 0 : i32
      %dma_wait3A_93 = tpu.memref_slice %arg3[%add3A_5, %dma_wait3A_91, %dma_wait3A_92] : memref<32x8x128xi32, #tpu.memory_space<hbm>> -> memref<1x8x128xi32, #tpu.memory_space<hbm>>
      %dma_wait3A_94 = tpu.memref_squeeze %dma_wait3A_93 : memref<1x8x128xi32, #tpu.memory_space<hbm>> -> memref<8x128xi32, #tpu.memory_space<hbm>>
      %dma_wait3A_95 = arith.constant 0 : i32
      %dma_wait3A_96 = arith.constant 0 : i32
      %dma_wait3A_97 = tpu.memref_slice %arg6[%run_scoped3A_6, %dma_wait3A_95, %dma_wait3A_96] : memref<2x8x128xi32, #tpu.memory_space<vmem>> -> memref<1x8x128xi32, #tpu.memory_space<vmem>>
      %dma_wait3A_98 = tpu.memref_squeeze %dma_wait3A_97 : memref<1x8x128xi32, #tpu.memory_space<vmem>> -> memref<8x128xi32, #tpu.memory_space<vmem>>
      %dma_wait3A_99 = arith.constant 0 : i32
      %dma_wait3A_100 = arith.constant 0 : i32
      %dma_wait3A_101 = tpu.memref_slice %arg3[%add3A_5, %dma_wait3A_99, %dma_wait3A_100] : memref<32x8x128xi32, #tpu.memory_space<hbm>> -> memref<1x8x128xi32, #tpu.memory_space<hbm>>
      %dma_wait3A_102 = tpu.memref_squeeze %dma_wait3A_101 : memref<1x8x128xi32, #tpu.memory_space<hbm>> -> memref<8x128xi32, #tpu.memory_space<hbm>>
      tpu.wait_dma2 semaphore(%run_scoped3A_72 : memref<!tpu.dma_semaphore, #tpu.memory_space<semaphore_mem>>) src(%dma_wait3A_102 : memref<8x128xi32, #tpu.memory_space<hbm>>) dst(%dma_wait3A_98 : memref<8x128xi32, #tpu.memory_space<vmem>>)
      tpu.yield
    }) : () -> ()
    %run_scoped3A_7 = arith.constant 0 : i32
    "tpu.region"() ({
      %run_scoped3A_72 = tpu.sem_alloc : memref<!tpu.dma_semaphore, #tpu.memory_space<semaphore_mem>>
      %dma_start3A = arith.constant 0 : i32
      %dma_start3A_73 = arith.constant 0 : i32
      %dma_start3A_74 = tpu.memref_slice %arg5[%run_scoped3A_7, %dma_start3A, %dma_start3A_73] : memref<2x128x128xf32, #tpu.memory_space<vmem>> -> memref<1x128x128xf32, #tpu.memory_space<vmem>>
      %dma_start3A_75 = tpu.memref_squeeze %dma_start3A_74 : memref<1x128x128xf32, #tpu.memory_space<vmem>> -> memref<128x128xf32, #tpu.memory_space<vmem>>
      %dma_start3A_76 = arith.constant 0 : i32
      %dma_start3A_77 = tpu.memref_slice %arg7[%add3A_1, %dma_start3A_76] : memref<4096x128xf32, #tpu.memory_space<vmem_shared>> -> memref<128x128xf32, #tpu.memory_space<vmem_shared>>
      %dma_start3A_78 = arith.constant 0 : i32
      %dma_start3A_79 = tpu.memref_slice %arg7[%add3A_1, %dma_start3A_78] : memref<4096x128xf32, #tpu.memory_space<vmem_shared>> -> memref<128x128xf32, #tpu.memory_space<vmem_shared>>
      %dma_start3A_80 = arith.constant 0 : i32
      %dma_start3A_81 = arith.constant 0 : i32
      %dma_start3A_82 = tpu.memref_slice %arg5[%run_scoped3A_7, %dma_start3A_80, %dma_start3A_81] : memref<2x128x128xf32, #tpu.memory_space<vmem>> -> memref<1x128x128xf32, #tpu.memory_space<vmem>>
      %dma_start3A_83 = tpu.memref_squeeze %dma_start3A_82 : memref<1x128x128xf32, #tpu.memory_space<vmem>> -> memref<128x128xf32, #tpu.memory_space<vmem>>
      tpu.enqueue_dma source(%dma_start3A_83 : memref<128x128xf32, #tpu.memory_space<vmem>>) target(%dma_start3A_79 : memref<128x128xf32, #tpu.memory_space<vmem_shared>>) target_semaphore(%run_scoped3A_72 : memref<!tpu.dma_semaphore, #tpu.memory_space<semaphore_mem>>)
      %dma_wait3A = arith.constant 0 : i32
      %dma_wait3A_84 = arith.constant 0 : i32
      %dma_wait3A_85 = tpu.memref_slice %arg5[%run_scoped3A_7, %dma_wait3A, %dma_wait3A_84] : memref<2x128x128xf32, #tpu.memory_space<vmem>> -> memref<1x128x128xf32, #tpu.memory_space<vmem>>
      %dma_wait3A_86 = tpu.memref_squeeze %dma_wait3A_85 : memref<1x128x128xf32, #tpu.memory_space<vmem>> -> memref<128x128xf32, #tpu.memory_space<vmem>>
      %dma_wait3A_87 = arith.constant 0 : i32
      %dma_wait3A_88 = tpu.memref_slice %arg7[%add3A_1, %dma_wait3A_87] : memref<4096x128xf32, #tpu.memory_space<vmem_shared>> -> memref<128x128xf32, #tpu.memory_space<vmem_shared>>
      %dma_wait3A_89 = arith.constant 0 : i32
      %dma_wait3A_90 = tpu.memref_slice %arg7[%add3A_1, %dma_wait3A_89] : memref<4096x128xf32, #tpu.memory_space<vmem_shared>> -> memref<128x128xf32, #tpu.memory_space<vmem_shared>>
      %dma_wait3A_91 = arith.constant 0 : i32
      %dma_wait3A_92 = arith.constant 0 : i32
      %dma_wait3A_93 = tpu.memref_slice %arg5[%run_scoped3A_7, %dma_wait3A_91, %dma_wait3A_92] : memref<2x128x128xf32, #tpu.memory_space<vmem>> -> memref<1x128x128xf32, #tpu.memory_space<vmem>>
      %dma_wait3A_94 = tpu.memref_squeeze %dma_wait3A_93 : memref<1x128x128xf32, #tpu.memory_space<vmem>> -> memref<128x128xf32, #tpu.memory_space<vmem>>
      tpu.wait_dma2 semaphore(%run_scoped3A_72 : memref<!tpu.dma_semaphore, #tpu.memory_space<semaphore_mem>>) src(%dma_wait3A_94 : memref<128x128xf32, #tpu.memory_space<vmem>>) dst(%dma_wait3A_90 : memref<128x128xf32, #tpu.memory_space<vmem_shared>>)
      tpu.yield
    }) : () -> ()
    %mul3A_8 = arith.constant 256 : i32
    %mul3A_9 = arith.muli %arg1, %mul3A_8 : i32
    %add3A_10 = arith.constant 128 : i32
    %add3A_11 = arith.addi %mul3A_9, %add3A_10 : i32
    %run_scoped3A_12 = arith.constant 1 : i32
    "tpu.region"() ({
      %run_scoped3A_72 = tpu.sem_alloc : memref<!tpu.dma_semaphore, #tpu.memory_space<semaphore_mem>>
      %dma_start3A = arith.constant 0 : i32
      %dma_start3A_73 = arith.constant 0 : i32
      %dma_start3A_74 = tpu.memref_slice %arg5[%run_scoped3A_12, %dma_start3A, %dma_start3A_73] : memref<2x128x128xf32, #tpu.memory_space<vmem>> -> memref<1x128x128xf32, #tpu.memory_space<vmem>>
      %dma_start3A_75 = tpu.memref_squeeze %dma_start3A_74 : memref<1x128x128xf32, #tpu.memory_space<vmem>> -> memref<128x128xf32, #tpu.memory_space<vmem>>
      %dma_start3A_76 = arith.constant 0 : i32
      %dma_start3A_77 = tpu.memref_slice %arg2[%arg0, %add3A_11, %dma_start3A_76] : memref<2x4096x128xf32, #tpu.memory_space<hbm>> -> memref<1x128x128xf32, #tpu.memory_space<hbm>>
      %dma_start3A_78 = tpu.memref_squeeze %dma_start3A_77 : memref<1x128x128xf32, #tpu.memory_space<hbm>> -> memref<128x128xf32, #tpu.memory_space<hbm>>
      %dma_start3A_79 = arith.constant 0 : i32
      %dma_start3A_80 = arith.constant 0 : i32
      %dma_start3A_81 = tpu.memref_slice %arg5[%run_scoped3A_12, %dma_start3A_79, %dma_start3A_80] : memref<2x128x128xf32, #tpu.memory_space<vmem>> -> memref<1x128x128xf32, #tpu.memory_space<vmem>>
      %dma_start3A_82 = tpu.memref_squeeze %dma_start3A_81 : memref<1x128x128xf32, #tpu.memory_space<vmem>> -> memref<128x128xf32, #tpu.memory_space<vmem>>
      %dma_start3A_83 = arith.constant 0 : i32
      %dma_start3A_84 = tpu.memref_slice %arg2[%arg0, %add3A_11, %dma_start3A_83] : memref<2x4096x128xf32, #tpu.memory_space<hbm>> -> memref<1x128x128xf32, #tpu.memory_space<hbm>>
      %dma_start3A_85 = tpu.memref_squeeze %dma_start3A_84 : memref<1x128x128xf32, #tpu.memory_space<hbm>> -> memref<128x128xf32, #tpu.memory_space<hbm>>
      tpu.enqueue_dma source(%dma_start3A_85 : memref<128x128xf32, #tpu.memory_space<hbm>>) target(%dma_start3A_82 : memref<128x128xf32, #tpu.memory_space<vmem>>) target_semaphore(%run_scoped3A_72 : memref<!tpu.dma_semaphore, #tpu.memory_space<semaphore_mem>>)
      %dma_wait3A = arith.constant 0 : i32
      %dma_wait3A_86 = arith.constant 0 : i32
      %dma_wait3A_87 = tpu.memref_slice %arg5[%run_scoped3A_12, %dma_wait3A, %dma_wait3A_86] : memref<2x128x128xf32, #tpu.memory_space<vmem>> -> memref<1x128x128xf32, #tpu.memory_space<vmem>>
      %dma_wait3A_88 = tpu.memref_squeeze %dma_wait3A_87 : memref<1x128x128xf32, #tpu.memory_space<vmem>> -> memref<128x128xf32, #tpu.memory_space<vmem>>
      %dma_wait3A_89 = arith.constant 0 : i32
      %dma_wait3A_90 = tpu.memref_slice %arg2[%arg0, %add3A_11, %dma_wait3A_89] : memref<2x4096x128xf32, #tpu.memory_space<hbm>> -> memref<1x128x128xf32, #tpu.memory_space<hbm>>
      %dma_wait3A_91 = tpu.memref_squeeze %dma_wait3A_90 : memref<1x128x128xf32, #tpu.memory_space<hbm>> -> memref<128x128xf32, #tpu.memory_space<hbm>>
      %dma_wait3A_92 = arith.constant 0 : i32
      %dma_wait3A_93 = arith.constant 0 : i32
      %dma_wait3A_94 = tpu.memref_slice %arg5[%run_scoped3A_12, %dma_wait3A_92, %dma_wait3A_93] : memref<2x128x128xf32, #tpu.memory_space<vmem>> -> memref<1x128x128xf32, #tpu.memory_space<vmem>>
      %dma_wait3A_95 = tpu.memref_squeeze %dma_wait3A_94 : memref<1x128x128xf32, #tpu.memory_space<vmem>> -> memref<128x128xf32, #tpu.memory_space<vmem>>
      %dma_wait3A_96 = arith.constant 0 : i32
      %dma_wait3A_97 = tpu.memref_slice %arg2[%arg0, %add3A_11, %dma_wait3A_96] : memref<2x4096x128xf32, #tpu.memory_space<hbm>> -> memref<1x128x128xf32, #tpu.memory_space<hbm>>
      %dma_wait3A_98 = tpu.memref_squeeze %dma_wait3A_97 : memref<1x128x128xf32, #tpu.memory_space<hbm>> -> memref<128x128xf32, #tpu.memory_space<hbm>>
      tpu.wait_dma2 semaphore(%run_scoped3A_72 : memref<!tpu.dma_semaphore, #tpu.memory_space<semaphore_mem>>) src(%dma_wait3A_98 : memref<128x128xf32, #tpu.memory_space<hbm>>) dst(%dma_wait3A_95 : memref<128x128xf32, #tpu.memory_space<vmem>>)
      tpu.yield
    }) : () -> ()
    %mul3A_13 = arith.constant 2 : i32
    %mul3A_14 = arith.muli %mul3A_13, %arg1 : i32
    %add3A_15 = arith.constant 1 : i32
    %add3A_16 = arith.addi %mul3A_14, %add3A_15 : i32
    %run_scoped3A_17 = arith.constant 1 : i32
    "tpu.region"() ({
      %run_scoped3A_72 = tpu.sem_alloc : memref<!tpu.dma_semaphore, #tpu.memory_space<semaphore_mem>>
      %dma_start3A = arith.constant 0 : i32
      %dma_start3A_73 = arith.constant 0 : i32
      %dma_start3A_74 = tpu.memref_slice %arg6[%run_scoped3A_17, %dma_start3A, %dma_start3A_73] : memref<2x8x128xi32, #tpu.memory_space<vmem>> -> memref<1x8x128xi32, #tpu.memory_space<vmem>>
      %dma_start3A_75 = tpu.memref_squeeze %dma_start3A_74 : memref<1x8x128xi32, #tpu.memory_space<vmem>> -> memref<8x128xi32, #tpu.memory_space<vmem>>
      %dma_start3A_76 = arith.constant 0 : i32
      %dma_start3A_77 = arith.constant 0 : i32
      %dma_start3A_78 = tpu.memref_slice %arg3[%add3A_16, %dma_start3A_76, %dma_start3A_77] : memref<32x8x128xi32, #tpu.memory_space<hbm>> -> memref<1x8x128xi32, #tpu.memory_space<hbm>>
      %dma_start3A_79 = tpu.memref_squeeze %dma_start3A_78 : memref<1x8x128xi32, #tpu.memory_space<hbm>> -> memref<8x128xi32, #tpu.memory_space<hbm>>
      %dma_start3A_80 = arith.constant 0 : i32
      %dma_start3A_81 = arith.constant 0 : i32
      %dma_start3A_82 = tpu.memref_slice %arg6[%run_scoped3A_17, %dma_start3A_80, %dma_start3A_81] : memref<2x8x128xi32, #tpu.memory_space<vmem>> -> memref<1x8x128xi32, #tpu.memory_space<vmem>>
      %dma_start3A_83 = tpu.memref_squeeze %dma_start3A_82 : memref<1x8x128xi32, #tpu.memory_space<vmem>> -> memref<8x128xi32, #tpu.memory_space<vmem>>
      %dma_start3A_84 = arith.constant 0 : i32
      %dma_start3A_85 = arith.constant 0 : i32
      %dma_start3A_86 = tpu.memref_slice %arg3[%add3A_16, %dma_start3A_84, %dma_start3A_85] : memref<32x8x128xi32, #tpu.memory_space<hbm>> -> memref<1x8x128xi32, #tpu.memory_space<hbm>>
      %dma_start3A_87 = tpu.memref_squeeze %dma_start3A_86 : memref<1x8x128xi32, #tpu.memory_space<hbm>> -> memref<8x128xi32, #tpu.memory_space<hbm>>
      tpu.enqueue_dma source(%dma_start3A_87 : memref<8x128xi32, #tpu.memory_space<hbm>>) target(%dma_start3A_83 : memref<8x128xi32, #tpu.memory_space<vmem>>) target_semaphore(%run_scoped3A_72 : memref<!tpu.dma_semaphore, #tpu.memory_space<semaphore_mem>>)
      %dma_wait3A = arith.constant 0 : i32
      %dma_wait3A_88 = arith.constant 0 : i32
      %dma_wait3A_89 = tpu.memref_slice %arg6[%run_scoped3A_17, %dma_wait3A, %dma_wait3A_88] : memref<2x8x128xi32, #tpu.memory_space<vmem>> -> memref<1x8x128xi32, #tpu.memory_space<vmem>>
      %dma_wait3A_90 = tpu.memref_squeeze %dma_wait3A_89 : memref<1x8x128xi32, #tpu.memory_space<vmem>> -> memref<8x128xi32, #tpu.memory_space<vmem>>
      %dma_wait3A_91 = arith.constant 0 : i32
      %dma_wait3A_92 = arith.constant 0 : i32
      %dma_wait3A_93 = tpu.memref_slice %arg3[%add3A_16, %dma_wait3A_91, %dma_wait3A_92] : memref<32x8x128xi32, #tpu.memory_space<hbm>> -> memref<1x8x128xi32, #tpu.memory_space<hbm>>
      %dma_wait3A_94 = tpu.memref_squeeze %dma_wait3A_93 : memref<1x8x128xi32, #tpu.memory_space<hbm>> -> memref<8x128xi32, #tpu.memory_space<hbm>>
      %dma_wait3A_95 = arith.constant 0 : i32
      %dma_wait3A_96 = arith.constant 0 : i32
      %dma_wait3A_97 = tpu.memref_slice %arg6[%run_scoped3A_17, %dma_wait3A_95, %dma_wait3A_96] : memref<2x8x128xi32, #tpu.memory_space<vmem>> -> memref<1x8x128xi32, #tpu.memory_space<vmem>>
      %dma_wait3A_98 = tpu.memref_squeeze %dma_wait3A_97 : memref<1x8x128xi32, #tpu.memory_space<vmem>> -> memref<8x128xi32, #tpu.memory_space<vmem>>
      %dma_wait3A_99 = arith.constant 0 : i32
      %dma_wait3A_100 = arith.constant 0 : i32
      %dma_wait3A_101 = tpu.memref_slice %arg3[%add3A_16, %dma_wait3A_99, %dma_wait3A_100] : memref<32x8x128xi32, #tpu.memory_space<hbm>> -> memref<1x8x128xi32, #tpu.memory_space<hbm>>
      %dma_wait3A_102 = tpu.memref_squeeze %dma_wait3A_101 : memref<1x8x128xi32, #tpu.memory_space<hbm>> -> memref<8x128xi32, #tpu.memory_space<hbm>>
      tpu.wait_dma2 semaphore(%run_scoped3A_72 : memref<!tpu.dma_semaphore, #tpu.memory_space<semaphore_mem>>) src(%dma_wait3A_102 : memref<8x128xi32, #tpu.memory_space<hbm>>) dst(%dma_wait3A_98 : memref<8x128xi32, #tpu.memory_space<vmem>>)
      tpu.yield
    }) : () -> ()
    %run_scoped3A_18 = arith.constant 1 : i32
    "tpu.region"() ({
      %run_scoped3A_72 = tpu.sem_alloc : memref<!tpu.dma_semaphore, #tpu.memory_space<semaphore_mem>>
      %dma_start3A = arith.constant 0 : i32
      %dma_start3A_73 = arith.constant 0 : i32
      %dma_start3A_74 = tpu.memref_slice %arg5[%run_scoped3A_18, %dma_start3A, %dma_start3A_73] : memref<2x128x128xf32, #tpu.memory_space<vmem>> -> memref<1x128x128xf32, #tpu.memory_space<vmem>>
      %dma_start3A_75 = tpu.memref_squeeze %dma_start3A_74 : memref<1x128x128xf32, #tpu.memory_space<vmem>> -> memref<128x128xf32, #tpu.memory_space<vmem>>
      %dma_start3A_76 = arith.constant 0 : i32
      %dma_start3A_77 = tpu.memref_slice %arg7[%add3A_11, %dma_start3A_76] : memref<4096x128xf32, #tpu.memory_space<vmem_shared>> -> memref<128x128xf32, #tpu.memory_space<vmem_shared>>
      %dma_start3A_78 = arith.constant 0 : i32
      %dma_start3A_79 = tpu.memref_slice %arg7[%add3A_11, %dma_start3A_78] : memref<4096x128xf32, #tpu.memory_space<vmem_shared>> -> memref<128x128xf32, #tpu.memory_space<vmem_shared>>
      %dma_start3A_80 = arith.constant 0 : i32
      %dma_start3A_81 = arith.constant 0 : i32
      %dma_start3A_82 = tpu.memref_slice %arg5[%run_scoped3A_18, %dma_start3A_80, %dma_start3A_81] : memref<2x128x128xf32, #tpu.memory_space<vmem>> -> memref<1x128x128xf32, #tpu.memory_space<vmem>>
      %dma_start3A_83 = tpu.memref_squeeze %dma_start3A_82 : memref<1x128x128xf32, #tpu.memory_space<vmem>> -> memref<128x128xf32, #tpu.memory_space<vmem>>
      tpu.enqueue_dma source(%dma_start3A_83 : memref<128x128xf32, #tpu.memory_space<vmem>>) target(%dma_start3A_79 : memref<128x128xf32, #tpu.memory_space<vmem_shared>>) target_semaphore(%run_scoped3A_72 : memref<!tpu.dma_semaphore, #tpu.memory_space<semaphore_mem>>)
      %dma_wait3A = arith.constant 0 : i32
      %dma_wait3A_84 = arith.constant 0 : i32
      %dma_wait3A_85 = tpu.memref_slice %arg5[%run_scoped3A_18, %dma_wait3A, %dma_wait3A_84] : memref<2x128x128xf32, #tpu.memory_space<vmem>> -> memref<1x128x128xf32, #tpu.memory_space<vmem>>
      %dma_wait3A_86 = tpu.memref_squeeze %dma_wait3A_85 : memref<1x128x128xf32, #tpu.memory_space<vmem>> -> memref<128x128xf32, #tpu.memory_space<vmem>>
      %dma_wait3A_87 = arith.constant 0 : i32
      %dma_wait3A_88 = tpu.memref_slice %arg7[%add3A_11, %dma_wait3A_87] : memref<4096x128xf32, #tpu.memory_space<vmem_shared>> -> memref<128x128xf32, #tpu.memory_space<vmem_shared>>
      %dma_wait3A_89 = arith.constant 0 : i32
      %dma_wait3A_90 = tpu.memref_slice %arg7[%add3A_11, %dma_wait3A_89] : memref<4096x128xf32, #tpu.memory_space<vmem_shared>> -> memref<128x128xf32, #tpu.memory_space<vmem_shared>>
      %dma_wait3A_91 = arith.constant 0 : i32
      %dma_wait3A_92 = arith.constant 0 : i32
      %dma_wait3A_93 = tpu.memref_slice %arg5[%run_scoped3A_18, %dma_wait3A_91, %dma_wait3A_92] : memref<2x128x128xf32, #tpu.memory_space<vmem>> -> memref<1x128x128xf32, #tpu.memory_space<vmem>>
      %dma_wait3A_94 = tpu.memref_squeeze %dma_wait3A_93 : memref<1x128x128xf32, #tpu.memory_space<vmem>> -> memref<128x128xf32, #tpu.memory_space<vmem>>
      tpu.wait_dma2 semaphore(%run_scoped3A_72 : memref<!tpu.dma_semaphore, #tpu.memory_space<semaphore_mem>>) src(%dma_wait3A_94 : memref<128x128xf32, #tpu.memory_space<vmem>>) dst(%dma_wait3A_90 : memref<128x128xf32, #tpu.memory_space<vmem_shared>>)
      tpu.yield
    }) : () -> ()
    %barrier3A = arith.constant 0 : index
    tpu.barrier barrier_id(%barrier3A)
    %run_scoped3A_19 = arith.constant 0 : i32
    %run_scoped3A_20 = arith.constant 0 : i32
    %run_scoped3A_21 = arith.constant 0 : i32
    "tpu.region"() ({
      %run_scoped3A_72 = tpu.sem_alloc : memref<!tpu.dma_semaphore, #tpu.memory_space<semaphore_mem>>
      %dma_start3A = arith.constant 0 : i32
      %dma_start3A_73 = arith.constant 0 : i32
      %dma_start3A_74 = tpu.memref_slice %arg5[%run_scoped3A_19, %dma_start3A, %dma_start3A_73] : memref<2x128x128xf32, #tpu.memory_space<vmem>> -> memref<1x128x128xf32, #tpu.memory_space<vmem>>
      %dma_start3A_75 = tpu.memref_squeeze %dma_start3A_74 : memref<1x128x128xf32, #tpu.memory_space<vmem>> -> memref<128x128xf32, #tpu.memory_space<vmem>>
      %dma_start3A_76 = arith.constant 0 : i32
      %dma_start3A_77 = tpu.memref_slice %arg6[%run_scoped3A_20, %run_scoped3A_21, %dma_start3A_76] : memref<2x8x128xi32, #tpu.memory_space<vmem>> -> memref<1x1x128xi32, #tpu.memory_space<vmem>>
      %dma_start3A_78 = tpu.memref_squeeze %dma_start3A_77 : memref<1x1x128xi32, #tpu.memory_space<vmem>> -> memref<128xi32, #tpu.memory_space<vmem>>
      %dma_start3A_79 = arith.constant 0 : i32
      %dma_start3A_80 = arith.constant 0 : i32
      %dma_start3A_81 = tpu.memref_slice %arg7[%dma_start3A_79, %dma_start3A_80] : memref<4096x128xf32, #tpu.memory_space<vmem_shared>> -> memref<4096x128xf32, #tpu.memory_space<vmem_shared>>
      tpu.enqueue_indirect_dma source(%dma_start3A_75 : memref<128x128xf32, #tpu.memory_space<vmem>>) target(%dma_start3A_81 : memref<4096x128xf32, #tpu.memory_space<vmem_shared>>) offsets(%dma_start3A_78 : memref<128xi32, #tpu.memory_space<vmem>>) semaphore(%run_scoped3A_72 : memref<!tpu.dma_semaphore, #tpu.memory_space<semaphore_mem>>) {add = true}
      %dma_wait3A = arith.constant 0 : i32
      %dma_wait3A_82 = arith.constant 0 : i32
      %dma_wait3A_83 = tpu.memref_slice %arg5[%run_scoped3A_19, %dma_wait3A, %dma_wait3A_82] : memref<2x128x128xf32, #tpu.memory_space<vmem>> -> memref<1x128x128xf32, #tpu.memory_space<vmem>>
      %dma_wait3A_84 = tpu.memref_squeeze %dma_wait3A_83 : memref<1x128x128xf32, #tpu.memory_space<vmem>> -> memref<128x128xf32, #tpu.memory_space<vmem>>
      %dma_wait3A_85 = arith.constant 0 : i32
      %dma_wait3A_86 = tpu.memref_slice %arg6[%run_scoped3A_20, %run_scoped3A_21, %dma_wait3A_85] : memref<2x8x128xi32, #tpu.memory_space<vmem>> -> memref<1x1x128xi32, #tpu.memory_space<vmem>>
      %dma_wait3A_87 = tpu.memref_squeeze %dma_wait3A_86 : memref<1x1x128xi32, #tpu.memory_space<vmem>> -> memref<128xi32, #tpu.memory_space<vmem>>
      %dma_wait3A_88 = arith.constant 0 : i32
      %dma_wait3A_89 = arith.constant 0 : i32
      %dma_wait3A_90 = tpu.memref_slice %arg7[%dma_wait3A_88, %dma_wait3A_89] : memref<4096x128xf32, #tpu.memory_space<vmem_shared>> -> memref<4096x128xf32, #tpu.memory_space<vmem_shared>>
      tpu.wait_indirect_dma semaphore(%run_scoped3A_72 : memref<!tpu.dma_semaphore, #tpu.memory_space<semaphore_mem>>) src(%dma_wait3A_84 : memref<128x128xf32, #tpu.memory_space<vmem>>) dst(%dma_wait3A_90 : memref<4096x128xf32, #tpu.memory_space<vmem_shared>>)
      tpu.yield
    }) : () -> ()
    %run_scoped3A_22 = arith.constant 0 : i32
    %run_scoped3A_23 = arith.constant 0 : i32
    %run_scoped3A_24 = arith.constant 1 : i32
    "tpu.region"() ({
      %run_scoped3A_72 = tpu.sem_alloc : memref<!tpu.dma_semaphore, #tpu.memory_space<semaphore_mem>>
      %dma_start3A = arith.constant 0 : i32
      %dma_start3A_73 = arith.constant 0 : i32
      %dma_start3A_74 = tpu.memref_slice %arg5[%run_scoped3A_22, %dma_start3A, %dma_start3A_73] : memref<2x128x128xf32, #tpu.memory_space<vmem>> -> memref<1x128x128xf32, #tpu.memory_space<vmem>>
      %dma_start3A_75 = tpu.memref_squeeze %dma_start3A_74 : memref<1x128x128xf32, #tpu.memory_space<vmem>> -> memref<128x128xf32, #tpu.memory_space<vmem>>
      %dma_start3A_76 = arith.constant 0 : i32
      %dma_start3A_77 = tpu.memref_slice %arg6[%run_scoped3A_23, %run_scoped3A_24, %dma_start3A_76] : memref<2x8x128xi32, #tpu.memory_space<vmem>> -> memref<1x1x128xi32, #tpu.memory_space<vmem>>
      %dma_start3A_78 = tpu.memref_squeeze %dma_start3A_77 : memref<1x1x128xi32, #tpu.memory_space<vmem>> -> memref<128xi32, #tpu.memory_space<vmem>>
      %dma_start3A_79 = arith.constant 0 : i32
      %dma_start3A_80 = arith.constant 0 : i32
      %dma_start3A_81 = tpu.memref_slice %arg7[%dma_start3A_79, %dma_start3A_80] : memref<4096x128xf32, #tpu.memory_space<vmem_shared>> -> memref<4096x128xf32, #tpu.memory_space<vmem_shared>>
      tpu.enqueue_indirect_dma source(%dma_start3A_75 : memref<128x128xf32, #tpu.memory_space<vmem>>) target(%dma_start3A_81 : memref<4096x128xf32, #tpu.memory_space<vmem_shared>>) offsets(%dma_start3A_78 : memref<128xi32, #tpu.memory_space<vmem>>) semaphore(%run_scoped3A_72 : memref<!tpu.dma_semaphore, #tpu.memory_space<semaphore_mem>>) {add = true}
      %dma_wait3A = arith.constant 0 : i32
      %dma_wait3A_82 = arith.constant 0 : i32
      %dma_wait3A_83 = tpu.memref_slice %arg5[%run_scoped3A_22, %dma_wait3A, %dma_wait3A_82] : memref<2x128x128xf32, #tpu.memory_space<vmem>> -> memref<1x128x128xf32, #tpu.memory_space<vmem>>
      %dma_wait3A_84 = tpu.memref_squeeze %dma_wait3A_83 : memref<1x128x128xf32, #tpu.memory_space<vmem>> -> memref<128x128xf32, #tpu.memory_space<vmem>>
      %dma_wait3A_85 = arith.constant 0 : i32
      %dma_wait3A_86 = tpu.memref_slice %arg6[%run_scoped3A_23, %run_scoped3A_24, %dma_wait3A_85] : memref<2x8x128xi32, #tpu.memory_space<vmem>> -> memref<1x1x128xi32, #tpu.memory_space<vmem>>
      %dma_wait3A_87 = tpu.memref_squeeze %dma_wait3A_86 : memref<1x1x128xi32, #tpu.memory_space<vmem>> -> memref<128xi32, #tpu.memory_space<vmem>>
      %dma_wait3A_88 = arith.constant 0 : i32
      %dma_wait3A_89 = arith.constant 0 : i32
      %dma_wait3A_90 = tpu.memref_slice %arg7[%dma_wait3A_88, %dma_wait3A_89] : memref<4096x128xf32, #tpu.memory_space<vmem_shared>> -> memref<4096x128xf32, #tpu.memory_space<vmem_shared>>
      tpu.wait_indirect_dma semaphore(%run_scoped3A_72 : memref<!tpu.dma_semaphore, #tpu.memory_space<semaphore_mem>>) src(%dma_wait3A_84 : memref<128x128xf32, #tpu.memory_space<vmem>>) dst(%dma_wait3A_90 : memref<4096x128xf32, #tpu.memory_space<vmem_shared>>)
      tpu.yield
    }) : () -> ()
    %run_scoped3A_25 = arith.constant 0 : i32
    %run_scoped3A_26 = arith.constant 0 : i32
    %run_scoped3A_27 = arith.constant 2 : i32
    "tpu.region"() ({
      %run_scoped3A_72 = tpu.sem_alloc : memref<!tpu.dma_semaphore, #tpu.memory_space<semaphore_mem>>
      %dma_start3A = arith.constant 0 : i32
      %dma_start3A_73 = arith.constant 0 : i32
      %dma_start3A_74 = tpu.memref_slice %arg5[%run_scoped3A_25, %dma_start3A, %dma_start3A_73] : memref<2x128x128xf32, #tpu.memory_space<vmem>> -> memref<1x128x128xf32, #tpu.memory_space<vmem>>
      %dma_start3A_75 = tpu.memref_squeeze %dma_start3A_74 : memref<1x128x128xf32, #tpu.memory_space<vmem>> -> memref<128x128xf32, #tpu.memory_space<vmem>>
      %dma_start3A_76 = arith.constant 0 : i32
      %dma_start3A_77 = tpu.memref_slice %arg6[%run_scoped3A_26, %run_scoped3A_27, %dma_start3A_76] : memref<2x8x128xi32, #tpu.memory_space<vmem>> -> memref<1x1x128xi32, #tpu.memory_space<vmem>>
      %dma_start3A_78 = tpu.memref_squeeze %dma_start3A_77 : memref<1x1x128xi32, #tpu.memory_space<vmem>> -> memref<128xi32, #tpu.memory_space<vmem>>
      %dma_start3A_79 = arith.constant 0 : i32
      %dma_start3A_80 = arith.constant 0 : i32
      %dma_start3A_81 = tpu.memref_slice %arg7[%dma_start3A_79, %dma_start3A_80] : memref<4096x128xf32, #tpu.memory_space<vmem_shared>> -> memref<4096x128xf32, #tpu.memory_space<vmem_shared>>
      tpu.enqueue_indirect_dma source(%dma_start3A_75 : memref<128x128xf32, #tpu.memory_space<vmem>>) target(%dma_start3A_81 : memref<4096x128xf32, #tpu.memory_space<vmem_shared>>) offsets(%dma_start3A_78 : memref<128xi32, #tpu.memory_space<vmem>>) semaphore(%run_scoped3A_72 : memref<!tpu.dma_semaphore, #tpu.memory_space<semaphore_mem>>) {add = true}
      %dma_wait3A = arith.constant 0 : i32
      %dma_wait3A_82 = arith.constant 0 : i32
      %dma_wait3A_83 = tpu.memref_slice %arg5[%run_scoped3A_25, %dma_wait3A, %dma_wait3A_82] : memref<2x128x128xf32, #tpu.memory_space<vmem>> -> memref<1x128x128xf32, #tpu.memory_space<vmem>>
      %dma_wait3A_84 = tpu.memref_squeeze %dma_wait3A_83 : memref<1x128x128xf32, #tpu.memory_space<vmem>> -> memref<128x128xf32, #tpu.memory_space<vmem>>
      %dma_wait3A_85 = arith.constant 0 : i32
      %dma_wait3A_86 = tpu.memref_slice %arg6[%run_scoped3A_26, %run_scoped3A_27, %dma_wait3A_85] : memref<2x8x128xi32, #tpu.memory_space<vmem>> -> memref<1x1x128xi32, #tpu.memory_space<vmem>>
      %dma_wait3A_87 = tpu.memref_squeeze %dma_wait3A_86 : memref<1x1x128xi32, #tpu.memory_space<vmem>> -> memref<128xi32, #tpu.memory_space<vmem>>
      %dma_wait3A_88 = arith.constant 0 : i32
      %dma_wait3A_89 = arith.constant 0 : i32
      %dma_wait3A_90 = tpu.memref_slice %arg7[%dma_wait3A_88, %dma_wait3A_89] : memref<4096x128xf32, #tpu.memory_space<vmem_shared>> -> memref<4096x128xf32, #tpu.memory_space<vmem_shared>>
      tpu.wait_indirect_dma semaphore(%run_scoped3A_72 : memref<!tpu.dma_semaphore, #tpu.memory_space<semaphore_mem>>) src(%dma_wait3A_84 : memref<128x128xf32, #tpu.memory_space<vmem>>) dst(%dma_wait3A_90 : memref<4096x128xf32, #tpu.memory_space<vmem_shared>>)
      tpu.yield
    }) : () -> ()
    %run_scoped3A_28 = arith.constant 0 : i32
    %run_scoped3A_29 = arith.constant 0 : i32
    %run_scoped3A_30 = arith.constant 3 : i32
    "tpu.region"() ({
      %run_scoped3A_72 = tpu.sem_alloc : memref<!tpu.dma_semaphore, #tpu.memory_space<semaphore_mem>>
      %dma_start3A = arith.constant 0 : i32
      %dma_start3A_73 = arith.constant 0 : i32
      %dma_start3A_74 = tpu.memref_slice %arg5[%run_scoped3A_28, %dma_start3A, %dma_start3A_73] : memref<2x128x128xf32, #tpu.memory_space<vmem>> -> memref<1x128x128xf32, #tpu.memory_space<vmem>>
      %dma_start3A_75 = tpu.memref_squeeze %dma_start3A_74 : memref<1x128x128xf32, #tpu.memory_space<vmem>> -> memref<128x128xf32, #tpu.memory_space<vmem>>
      %dma_start3A_76 = arith.constant 0 : i32
      %dma_start3A_77 = tpu.memref_slice %arg6[%run_scoped3A_29, %run_scoped3A_30, %dma_start3A_76] : memref<2x8x128xi32, #tpu.memory_space<vmem>> -> memref<1x1x128xi32, #tpu.memory_space<vmem>>
      %dma_start3A_78 = tpu.memref_squeeze %dma_start3A_77 : memref<1x1x128xi32, #tpu.memory_space<vmem>> -> memref<128xi32, #tpu.memory_space<vmem>>
      %dma_start3A_79 = arith.constant 0 : i32
      %dma_start3A_80 = arith.constant 0 : i32
      %dma_start3A_81 = tpu.memref_slice %arg7[%dma_start3A_79, %dma_start3A_80] : memref<4096x128xf32, #tpu.memory_space<vmem_shared>> -> memref<4096x128xf32, #tpu.memory_space<vmem_shared>>
      tpu.enqueue_indirect_dma source(%dma_start3A_75 : memref<128x128xf32, #tpu.memory_space<vmem>>) target(%dma_start3A_81 : memref<4096x128xf32, #tpu.memory_space<vmem_shared>>) offsets(%dma_start3A_78 : memref<128xi32, #tpu.memory_space<vmem>>) semaphore(%run_scoped3A_72 : memref<!tpu.dma_semaphore, #tpu.memory_space<semaphore_mem>>) {add = true}
      %dma_wait3A = arith.constant 0 : i32
      %dma_wait3A_82 = arith.constant 0 : i32
      %dma_wait3A_83 = tpu.memref_slice %arg5[%run_scoped3A_28, %dma_wait3A, %dma_wait3A_82] : memref<2x128x128xf32, #tpu.memory_space<vmem>> -> memref<1x128x128xf32, #tpu.memory_space<vmem>>
      %dma_wait3A_84 = tpu.memref_squeeze %dma_wait3A_83 : memref<1x128x128xf32, #tpu.memory_space<vmem>> -> memref<128x128xf32, #tpu.memory_space<vmem>>
      %dma_wait3A_85 = arith.constant 0 : i32
      %dma_wait3A_86 = tpu.memref_slice %arg6[%run_scoped3A_29, %run_scoped3A_30, %dma_wait3A_85] : memref<2x8x128xi32, #tpu.memory_space<vmem>> -> memref<1x1x128xi32, #tpu.memory_space<vmem>>
      %dma_wait3A_87 = tpu.memref_squeeze %dma_wait3A_86 : memref<1x1x128xi32, #tpu.memory_space<vmem>> -> memref<128xi32, #tpu.memory_space<vmem>>
      %dma_wait3A_88 = arith.constant 0 : i32
      %dma_wait3A_89 = arith.constant 0 : i32
      %dma_wait3A_90 = tpu.memref_slice %arg7[%dma_wait3A_88, %dma_wait3A_89] : memref<4096x128xf32, #tpu.memory_space<vmem_shared>> -> memref<4096x128xf32, #tpu.memory_space<vmem_shared>>
      tpu.wait_indirect_dma semaphore(%run_scoped3A_72 : memref<!tpu.dma_semaphore, #tpu.memory_space<semaphore_mem>>) src(%dma_wait3A_84 : memref<128x128xf32, #tpu.memory_space<vmem>>) dst(%dma_wait3A_90 : memref<4096x128xf32, #tpu.memory_space<vmem_shared>>)
      tpu.yield
    }) : () -> ()
    %run_scoped3A_31 = arith.constant 0 : i32
    %run_scoped3A_32 = arith.constant 0 : i32
    %run_scoped3A_33 = arith.constant 4 : i32
    "tpu.region"() ({
      %run_scoped3A_72 = tpu.sem_alloc : memref<!tpu.dma_semaphore, #tpu.memory_space<semaphore_mem>>
      %dma_start3A = arith.constant 0 : i32
      %dma_start3A_73 = arith.constant 0 : i32
      %dma_start3A_74 = tpu.memref_slice %arg5[%run_scoped3A_31, %dma_start3A, %dma_start3A_73] : memref<2x128x128xf32, #tpu.memory_space<vmem>> -> memref<1x128x128xf32, #tpu.memory_space<vmem>>
      %dma_start3A_75 = tpu.memref_squeeze %dma_start3A_74 : memref<1x128x128xf32, #tpu.memory_space<vmem>> -> memref<128x128xf32, #tpu.memory_space<vmem>>
      %dma_start3A_76 = arith.constant 0 : i32
      %dma_start3A_77 = tpu.memref_slice %arg6[%run_scoped3A_32, %run_scoped3A_33, %dma_start3A_76] : memref<2x8x128xi32, #tpu.memory_space<vmem>> -> memref<1x1x128xi32, #tpu.memory_space<vmem>>
      %dma_start3A_78 = tpu.memref_squeeze %dma_start3A_77 : memref<1x1x128xi32, #tpu.memory_space<vmem>> -> memref<128xi32, #tpu.memory_space<vmem>>
      %dma_start3A_79 = arith.constant 0 : i32
      %dma_start3A_80 = arith.constant 0 : i32
      %dma_start3A_81 = tpu.memref_slice %arg7[%dma_start3A_79, %dma_start3A_80] : memref<4096x128xf32, #tpu.memory_space<vmem_shared>> -> memref<4096x128xf32, #tpu.memory_space<vmem_shared>>
      tpu.enqueue_indirect_dma source(%dma_start3A_75 : memref<128x128xf32, #tpu.memory_space<vmem>>) target(%dma_start3A_81 : memref<4096x128xf32, #tpu.memory_space<vmem_shared>>) offsets(%dma_start3A_78 : memref<128xi32, #tpu.memory_space<vmem>>) semaphore(%run_scoped3A_72 : memref<!tpu.dma_semaphore, #tpu.memory_space<semaphore_mem>>) {add = true}
      %dma_wait3A = arith.constant 0 : i32
      %dma_wait3A_82 = arith.constant 0 : i32
      %dma_wait3A_83 = tpu.memref_slice %arg5[%run_scoped3A_31, %dma_wait3A, %dma_wait3A_82] : memref<2x128x128xf32, #tpu.memory_space<vmem>> -> memref<1x128x128xf32, #tpu.memory_space<vmem>>
      %dma_wait3A_84 = tpu.memref_squeeze %dma_wait3A_83 : memref<1x128x128xf32, #tpu.memory_space<vmem>> -> memref<128x128xf32, #tpu.memory_space<vmem>>
      %dma_wait3A_85 = arith.constant 0 : i32
      %dma_wait3A_86 = tpu.memref_slice %arg6[%run_scoped3A_32, %run_scoped3A_33, %dma_wait3A_85] : memref<2x8x128xi32, #tpu.memory_space<vmem>> -> memref<1x1x128xi32, #tpu.memory_space<vmem>>
      %dma_wait3A_87 = tpu.memref_squeeze %dma_wait3A_86 : memref<1x1x128xi32, #tpu.memory_space<vmem>> -> memref<128xi32, #tpu.memory_space<vmem>>
      %dma_wait3A_88 = arith.constant 0 : i32
      %dma_wait3A_89 = arith.constant 0 : i32
      %dma_wait3A_90 = tpu.memref_slice %arg7[%dma_wait3A_88, %dma_wait3A_89] : memref<4096x128xf32, #tpu.memory_space<vmem_shared>> -> memref<4096x128xf32, #tpu.memory_space<vmem_shared>>
      tpu.wait_indirect_dma semaphore(%run_scoped3A_72 : memref<!tpu.dma_semaphore, #tpu.memory_space<semaphore_mem>>) src(%dma_wait3A_84 : memref<128x128xf32, #tpu.memory_space<vmem>>) dst(%dma_wait3A_90 : memref<4096x128xf32, #tpu.memory_space<vmem_shared>>)
      tpu.yield
    }) : () -> ()
    %run_scoped3A_34 = arith.constant 0 : i32
    %run_scoped3A_35 = arith.constant 0 : i32
    %run_scoped3A_36 = arith.constant 5 : i32
    "tpu.region"() ({
      %run_scoped3A_72 = tpu.sem_alloc : memref<!tpu.dma_semaphore, #tpu.memory_space<semaphore_mem>>
      %dma_start3A = arith.constant 0 : i32
      %dma_start3A_73 = arith.constant 0 : i32
      %dma_start3A_74 = tpu.memref_slice %arg5[%run_scoped3A_34, %dma_start3A, %dma_start3A_73] : memref<2x128x128xf32, #tpu.memory_space<vmem>> -> memref<1x128x128xf32, #tpu.memory_space<vmem>>
      %dma_start3A_75 = tpu.memref_squeeze %dma_start3A_74 : memref<1x128x128xf32, #tpu.memory_space<vmem>> -> memref<128x128xf32, #tpu.memory_space<vmem>>
      %dma_start3A_76 = arith.constant 0 : i32
      %dma_start3A_77 = tpu.memref_slice %arg6[%run_scoped3A_35, %run_scoped3A_36, %dma_start3A_76] : memref<2x8x128xi32, #tpu.memory_space<vmem>> -> memref<1x1x128xi32, #tpu.memory_space<vmem>>
      %dma_start3A_78 = tpu.memref_squeeze %dma_start3A_77 : memref<1x1x128xi32, #tpu.memory_space<vmem>> -> memref<128xi32, #tpu.memory_space<vmem>>
      %dma_start3A_79 = arith.constant 0 : i32
      %dma_start3A_80 = arith.constant 0 : i32
      %dma_start3A_81 = tpu.memref_slice %arg7[%dma_start3A_79, %dma_start3A_80] : memref<4096x128xf32, #tpu.memory_space<vmem_shared>> -> memref<4096x128xf32, #tpu.memory_space<vmem_shared>>
      tpu.enqueue_indirect_dma source(%dma_start3A_75 : memref<128x128xf32, #tpu.memory_space<vmem>>) target(%dma_start3A_81 : memref<4096x128xf32, #tpu.memory_space<vmem_shared>>) offsets(%dma_start3A_78 : memref<128xi32, #tpu.memory_space<vmem>>) semaphore(%run_scoped3A_72 : memref<!tpu.dma_semaphore, #tpu.memory_space<semaphore_mem>>) {add = true}
      %dma_wait3A = arith.constant 0 : i32
      %dma_wait3A_82 = arith.constant 0 : i32
      %dma_wait3A_83 = tpu.memref_slice %arg5[%run_scoped3A_34, %dma_wait3A, %dma_wait3A_82] : memref<2x128x128xf32, #tpu.memory_space<vmem>> -> memref<1x128x128xf32, #tpu.memory_space<vmem>>
      %dma_wait3A_84 = tpu.memref_squeeze %dma_wait3A_83 : memref<1x128x128xf32, #tpu.memory_space<vmem>> -> memref<128x128xf32, #tpu.memory_space<vmem>>
      %dma_wait3A_85 = arith.constant 0 : i32
      %dma_wait3A_86 = tpu.memref_slice %arg6[%run_scoped3A_35, %run_scoped3A_36, %dma_wait3A_85] : memref<2x8x128xi32, #tpu.memory_space<vmem>> -> memref<1x1x128xi32, #tpu.memory_space<vmem>>
      %dma_wait3A_87 = tpu.memref_squeeze %dma_wait3A_86 : memref<1x1x128xi32, #tpu.memory_space<vmem>> -> memref<128xi32, #tpu.memory_space<vmem>>
      %dma_wait3A_88 = arith.constant 0 : i32
      %dma_wait3A_89 = arith.constant 0 : i32
      %dma_wait3A_90 = tpu.memref_slice %arg7[%dma_wait3A_88, %dma_wait3A_89] : memref<4096x128xf32, #tpu.memory_space<vmem_shared>> -> memref<4096x128xf32, #tpu.memory_space<vmem_shared>>
      tpu.wait_indirect_dma semaphore(%run_scoped3A_72 : memref<!tpu.dma_semaphore, #tpu.memory_space<semaphore_mem>>) src(%dma_wait3A_84 : memref<128x128xf32, #tpu.memory_space<vmem>>) dst(%dma_wait3A_90 : memref<4096x128xf32, #tpu.memory_space<vmem_shared>>)
      tpu.yield
    }) : () -> ()
    %run_scoped3A_37 = arith.constant 0 : i32
    %run_scoped3A_38 = arith.constant 0 : i32
    %run_scoped3A_39 = arith.constant 6 : i32
    "tpu.region"() ({
      %run_scoped3A_72 = tpu.sem_alloc : memref<!tpu.dma_semaphore, #tpu.memory_space<semaphore_mem>>
      %dma_start3A = arith.constant 0 : i32
      %dma_start3A_73 = arith.constant 0 : i32
      %dma_start3A_74 = tpu.memref_slice %arg5[%run_scoped3A_37, %dma_start3A, %dma_start3A_73] : memref<2x128x128xf32, #tpu.memory_space<vmem>> -> memref<1x128x128xf32, #tpu.memory_space<vmem>>
      %dma_start3A_75 = tpu.memref_squeeze %dma_start3A_74 : memref<1x128x128xf32, #tpu.memory_space<vmem>> -> memref<128x128xf32, #tpu.memory_space<vmem>>
      %dma_start3A_76 = arith.constant 0 : i32
      %dma_start3A_77 = tpu.memref_slice %arg6[%run_scoped3A_38, %run_scoped3A_39, %dma_start3A_76] : memref<2x8x128xi32, #tpu.memory_space<vmem>> -> memref<1x1x128xi32, #tpu.memory_space<vmem>>
      %dma_start3A_78 = tpu.memref_squeeze %dma_start3A_77 : memref<1x1x128xi32, #tpu.memory_space<vmem>> -> memref<128xi32, #tpu.memory_space<vmem>>
      %dma_start3A_79 = arith.constant 0 : i32
      %dma_start3A_80 = arith.constant 0 : i32
      %dma_start3A_81 = tpu.memref_slice %arg7[%dma_start3A_79, %dma_start3A_80] : memref<4096x128xf32, #tpu.memory_space<vmem_shared>> -> memref<4096x128xf32, #tpu.memory_space<vmem_shared>>
      tpu.enqueue_indirect_dma source(%dma_start3A_75 : memref<128x128xf32, #tpu.memory_space<vmem>>) target(%dma_start3A_81 : memref<4096x128xf32, #tpu.memory_space<vmem_shared>>) offsets(%dma_start3A_78 : memref<128xi32, #tpu.memory_space<vmem>>) semaphore(%run_scoped3A_72 : memref<!tpu.dma_semaphore, #tpu.memory_space<semaphore_mem>>) {add = true}
      %dma_wait3A = arith.constant 0 : i32
      %dma_wait3A_82 = arith.constant 0 : i32
      %dma_wait3A_83 = tpu.memref_slice %arg5[%run_scoped3A_37, %dma_wait3A, %dma_wait3A_82] : memref<2x128x128xf32, #tpu.memory_space<vmem>> -> memref<1x128x128xf32, #tpu.memory_space<vmem>>
      %dma_wait3A_84 = tpu.memref_squeeze %dma_wait3A_83 : memref<1x128x128xf32, #tpu.memory_space<vmem>> -> memref<128x128xf32, #tpu.memory_space<vmem>>
      %dma_wait3A_85 = arith.constant 0 : i32
      %dma_wait3A_86 = tpu.memref_slice %arg6[%run_scoped3A_38, %run_scoped3A_39, %dma_wait3A_85] : memref<2x8x128xi32, #tpu.memory_space<vmem>> -> memref<1x1x128xi32, #tpu.memory_space<vmem>>
      %dma_wait3A_87 = tpu.memref_squeeze %dma_wait3A_86 : memref<1x1x128xi32, #tpu.memory_space<vmem>> -> memref<128xi32, #tpu.memory_space<vmem>>
      %dma_wait3A_88 = arith.constant 0 : i32
      %dma_wait3A_89 = arith.constant 0 : i32
      %dma_wait3A_90 = tpu.memref_slice %arg7[%dma_wait3A_88, %dma_wait3A_89] : memref<4096x128xf32, #tpu.memory_space<vmem_shared>> -> memref<4096x128xf32, #tpu.memory_space<vmem_shared>>
      tpu.wait_indirect_dma semaphore(%run_scoped3A_72 : memref<!tpu.dma_semaphore, #tpu.memory_space<semaphore_mem>>) src(%dma_wait3A_84 : memref<128x128xf32, #tpu.memory_space<vmem>>) dst(%dma_wait3A_90 : memref<4096x128xf32, #tpu.memory_space<vmem_shared>>)
      tpu.yield
    }) : () -> ()
    %run_scoped3A_40 = arith.constant 0 : i32
    %run_scoped3A_41 = arith.constant 0 : i32
    %run_scoped3A_42 = arith.constant 7 : i32
    "tpu.region"() ({
      %run_scoped3A_72 = tpu.sem_alloc : memref<!tpu.dma_semaphore, #tpu.memory_space<semaphore_mem>>
      %dma_start3A = arith.constant 0 : i32
      %dma_start3A_73 = arith.constant 0 : i32
      %dma_start3A_74 = tpu.memref_slice %arg5[%run_scoped3A_40, %dma_start3A, %dma_start3A_73] : memref<2x128x128xf32, #tpu.memory_space<vmem>> -> memref<1x128x128xf32, #tpu.memory_space<vmem>>
      %dma_start3A_75 = tpu.memref_squeeze %dma_start3A_74 : memref<1x128x128xf32, #tpu.memory_space<vmem>> -> memref<128x128xf32, #tpu.memory_space<vmem>>
      %dma_start3A_76 = arith.constant 0 : i32
      %dma_start3A_77 = tpu.memref_slice %arg6[%run_scoped3A_41, %run_scoped3A_42, %dma_start3A_76] : memref<2x8x128xi32, #tpu.memory_space<vmem>> -> memref<1x1x128xi32, #tpu.memory_space<vmem>>
      %dma_start3A_78 = tpu.memref_squeeze %dma_start3A_77 : memref<1x1x128xi32, #tpu.memory_space<vmem>> -> memref<128xi32, #tpu.memory_space<vmem>>
      %dma_start3A_79 = arith.constant 0 : i32
      %dma_start3A_80 = arith.constant 0 : i32
      %dma_start3A_81 = tpu.memref_slice %arg7[%dma_start3A_79, %dma_start3A_80] : memref<4096x128xf32, #tpu.memory_space<vmem_shared>> -> memref<4096x128xf32, #tpu.memory_space<vmem_shared>>
      tpu.enqueue_indirect_dma source(%dma_start3A_75 : memref<128x128xf32, #tpu.memory_space<vmem>>) target(%dma_start3A_81 : memref<4096x128xf32, #tpu.memory_space<vmem_shared>>) offsets(%dma_start3A_78 : memref<128xi32, #tpu.memory_space<vmem>>) semaphore(%run_scoped3A_72 : memref<!tpu.dma_semaphore, #tpu.memory_space<semaphore_mem>>) {add = true}
      %dma_wait3A = arith.constant 0 : i32
      %dma_wait3A_82 = arith.constant 0 : i32
      %dma_wait3A_83 = tpu.memref_slice %arg5[%run_scoped3A_40, %dma_wait3A, %dma_wait3A_82] : memref<2x128x128xf32, #tpu.memory_space<vmem>> -> memref<1x128x128xf32, #tpu.memory_space<vmem>>
      %dma_wait3A_84 = tpu.memref_squeeze %dma_wait3A_83 : memref<1x128x128xf32, #tpu.memory_space<vmem>> -> memref<128x128xf32, #tpu.memory_space<vmem>>
      %dma_wait3A_85 = arith.constant 0 : i32
      %dma_wait3A_86 = tpu.memref_slice %arg6[%run_scoped3A_41, %run_scoped3A_42, %dma_wait3A_85] : memref<2x8x128xi32, #tpu.memory_space<vmem>> -> memref<1x1x128xi32, #tpu.memory_space<vmem>>
      %dma_wait3A_87 = tpu.memref_squeeze %dma_wait3A_86 : memref<1x1x128xi32, #tpu.memory_space<vmem>> -> memref<128xi32, #tpu.memory_space<vmem>>
      %dma_wait3A_88 = arith.constant 0 : i32
      %dma_wait3A_89 = arith.constant 0 : i32
      %dma_wait3A_90 = tpu.memref_slice %arg7[%dma_wait3A_88, %dma_wait3A_89] : memref<4096x128xf32, #tpu.memory_space<vmem_shared>> -> memref<4096x128xf32, #tpu.memory_space<vmem_shared>>
      tpu.wait_indirect_dma semaphore(%run_scoped3A_72 : memref<!tpu.dma_semaphore, #tpu.memory_space<semaphore_mem>>) src(%dma_wait3A_84 : memref<128x128xf32, #tpu.memory_space<vmem>>) dst(%dma_wait3A_90 : memref<4096x128xf32, #tpu.memory_space<vmem_shared>>)
      tpu.yield
    }) : () -> ()
    %run_scoped3A_43 = arith.constant 1 : i32
    %run_scoped3A_44 = arith.constant 1 : i32
    %run_scoped3A_45 = arith.constant 0 : i32
    "tpu.region"() ({
      %run_scoped3A_72 = tpu.sem_alloc : memref<!tpu.dma_semaphore, #tpu.memory_space<semaphore_mem>>
      %dma_start3A = arith.constant 0 : i32
      %dma_start3A_73 = arith.constant 0 : i32
      %dma_start3A_74 = tpu.memref_slice %arg5[%run_scoped3A_43, %dma_start3A, %dma_start3A_73] : memref<2x128x128xf32, #tpu.memory_space<vmem>> -> memref<1x128x128xf32, #tpu.memory_space<vmem>>
      %dma_start3A_75 = tpu.memref_squeeze %dma_start3A_74 : memref<1x128x128xf32, #tpu.memory_space<vmem>> -> memref<128x128xf32, #tpu.memory_space<vmem>>
      %dma_start3A_76 = arith.constant 0 : i32
      %dma_start3A_77 = tpu.memref_slice %arg6[%run_scoped3A_44, %run_scoped3A_45, %dma_start3A_76] : memref<2x8x128xi32, #tpu.memory_space<vmem>> -> memref<1x1x128xi32, #tpu.memory_space<vmem>>
      %dma_start3A_78 = tpu.memref_squeeze %dma_start3A_77 : memref<1x1x128xi32, #tpu.memory_space<vmem>> -> memref<128xi32, #tpu.memory_space<vmem>>
      %dma_start3A_79 = arith.constant 0 : i32
      %dma_start3A_80 = arith.constant 0 : i32
      %dma_start3A_81 = tpu.memref_slice %arg7[%dma_start3A_79, %dma_start3A_80] : memref<4096x128xf32, #tpu.memory_space<vmem_shared>> -> memref<4096x128xf32, #tpu.memory_space<vmem_shared>>
      tpu.enqueue_indirect_dma source(%dma_start3A_75 : memref<128x128xf32, #tpu.memory_space<vmem>>) target(%dma_start3A_81 : memref<4096x128xf32, #tpu.memory_space<vmem_shared>>) offsets(%dma_start3A_78 : memref<128xi32, #tpu.memory_space<vmem>>) semaphore(%run_scoped3A_72 : memref<!tpu.dma_semaphore, #tpu.memory_space<semaphore_mem>>) {add = true}
      %dma_wait3A = arith.constant 0 : i32
      %dma_wait3A_82 = arith.constant 0 : i32
      %dma_wait3A_83 = tpu.memref_slice %arg5[%run_scoped3A_43, %dma_wait3A, %dma_wait3A_82] : memref<2x128x128xf32, #tpu.memory_space<vmem>> -> memref<1x128x128xf32, #tpu.memory_space<vmem>>
      %dma_wait3A_84 = tpu.memref_squeeze %dma_wait3A_83 : memref<1x128x128xf32, #tpu.memory_space<vmem>> -> memref<128x128xf32, #tpu.memory_space<vmem>>
      %dma_wait3A_85 = arith.constant 0 : i32
      %dma_wait3A_86 = tpu.memref_slice %arg6[%run_scoped3A_44, %run_scoped3A_45, %dma_wait3A_85] : memref<2x8x128xi32, #tpu.memory_space<vmem>> -> memref<1x1x128xi32, #tpu.memory_space<vmem>>
      %dma_wait3A_87 = tpu.memref_squeeze %dma_wait3A_86 : memref<1x1x128xi32, #tpu.memory_space<vmem>> -> memref<128xi32, #tpu.memory_space<vmem>>
      %dma_wait3A_88 = arith.constant 0 : i32
      %dma_wait3A_89 = arith.constant 0 : i32
      %dma_wait3A_90 = tpu.memref_slice %arg7[%dma_wait3A_88, %dma_wait3A_89] : memref<4096x128xf32, #tpu.memory_space<vmem_shared>> -> memref<4096x128xf32, #tpu.memory_space<vmem_shared>>
      tpu.wait_indirect_dma semaphore(%run_scoped3A_72 : memref<!tpu.dma_semaphore, #tpu.memory_space<semaphore_mem>>) src(%dma_wait3A_84 : memref<128x128xf32, #tpu.memory_space<vmem>>) dst(%dma_wait3A_90 : memref<4096x128xf32, #tpu.memory_space<vmem_shared>>)
      tpu.yield
    }) : () -> ()
    %run_scoped3A_46 = arith.constant 1 : i32
    %run_scoped3A_47 = arith.constant 1 : i32
    %run_scoped3A_48 = arith.constant 1 : i32
    "tpu.region"() ({
      %run_scoped3A_72 = tpu.sem_alloc : memref<!tpu.dma_semaphore, #tpu.memory_space<semaphore_mem>>
      %dma_start3A = arith.constant 0 : i32
      %dma_start3A_73 = arith.constant 0 : i32
      %dma_start3A_74 = tpu.memref_slice %arg5[%run_scoped3A_46, %dma_start3A, %dma_start3A_73] : memref<2x128x128xf32, #tpu.memory_space<vmem>> -> memref<1x128x128xf32, #tpu.memory_space<vmem>>
      %dma_start3A_75 = tpu.memref_squeeze %dma_start3A_74 : memref<1x128x128xf32, #tpu.memory_space<vmem>> -> memref<128x128xf32, #tpu.memory_space<vmem>>
      %dma_start3A_76 = arith.constant 0 : i32
      %dma_start3A_77 = tpu.memref_slice %arg6[%run_scoped3A_47, %run_scoped3A_48, %dma_start3A_76] : memref<2x8x128xi32, #tpu.memory_space<vmem>> -> memref<1x1x128xi32, #tpu.memory_space<vmem>>
      %dma_start3A_78 = tpu.memref_squeeze %dma_start3A_77 : memref<1x1x128xi32, #tpu.memory_space<vmem>> -> memref<128xi32, #tpu.memory_space<vmem>>
      %dma_start3A_79 = arith.constant 0 : i32
      %dma_start3A_80 = arith.constant 0 : i32
      %dma_start3A_81 = tpu.memref_slice %arg7[%dma_start3A_79, %dma_start3A_80] : memref<4096x128xf32, #tpu.memory_space<vmem_shared>> -> memref<4096x128xf32, #tpu.memory_space<vmem_shared>>
      tpu.enqueue_indirect_dma source(%dma_start3A_75 : memref<128x128xf32, #tpu.memory_space<vmem>>) target(%dma_start3A_81 : memref<4096x128xf32, #tpu.memory_space<vmem_shared>>) offsets(%dma_start3A_78 : memref<128xi32, #tpu.memory_space<vmem>>) semaphore(%run_scoped3A_72 : memref<!tpu.dma_semaphore, #tpu.memory_space<semaphore_mem>>) {add = true}
      %dma_wait3A = arith.constant 0 : i32
      %dma_wait3A_82 = arith.constant 0 : i32
      %dma_wait3A_83 = tpu.memref_slice %arg5[%run_scoped3A_46, %dma_wait3A, %dma_wait3A_82] : memref<2x128x128xf32, #tpu.memory_space<vmem>> -> memref<1x128x128xf32, #tpu.memory_space<vmem>>
      %dma_wait3A_84 = tpu.memref_squeeze %dma_wait3A_83 : memref<1x128x128xf32, #tpu.memory_space<vmem>> -> memref<128x128xf32, #tpu.memory_space<vmem>>
      %dma_wait3A_85 = arith.constant 0 : i32
      %dma_wait3A_86 = tpu.memref_slice %arg6[%run_scoped3A_47, %run_scoped3A_48, %dma_wait3A_85] : memref<2x8x128xi32, #tpu.memory_space<vmem>> -> memref<1x1x128xi32, #tpu.memory_space<vmem>>
      %dma_wait3A_87 = tpu.memref_squeeze %dma_wait3A_86 : memref<1x1x128xi32, #tpu.memory_space<vmem>> -> memref<128xi32, #tpu.memory_space<vmem>>
      %dma_wait3A_88 = arith.constant 0 : i32
      %dma_wait3A_89 = arith.constant 0 : i32
      %dma_wait3A_90 = tpu.memref_slice %arg7[%dma_wait3A_88, %dma_wait3A_89] : memref<4096x128xf32, #tpu.memory_space<vmem_shared>> -> memref<4096x128xf32, #tpu.memory_space<vmem_shared>>
      tpu.wait_indirect_dma semaphore(%run_scoped3A_72 : memref<!tpu.dma_semaphore, #tpu.memory_space<semaphore_mem>>) src(%dma_wait3A_84 : memref<128x128xf32, #tpu.memory_space<vmem>>) dst(%dma_wait3A_90 : memref<4096x128xf32, #tpu.memory_space<vmem_shared>>)
      tpu.yield
    }) : () -> ()
    %run_scoped3A_49 = arith.constant 1 : i32
    %run_scoped3A_50 = arith.constant 1 : i32
    %run_scoped3A_51 = arith.constant 2 : i32
    "tpu.region"() ({
      %run_scoped3A_72 = tpu.sem_alloc : memref<!tpu.dma_semaphore, #tpu.memory_space<semaphore_mem>>
      %dma_start3A = arith.constant 0 : i32
      %dma_start3A_73 = arith.constant 0 : i32
      %dma_start3A_74 = tpu.memref_slice %arg5[%run_scoped3A_49, %dma_start3A, %dma_start3A_73] : memref<2x128x128xf32, #tpu.memory_space<vmem>> -> memref<1x128x128xf32, #tpu.memory_space<vmem>>
      %dma_start3A_75 = tpu.memref_squeeze %dma_start3A_74 : memref<1x128x128xf32, #tpu.memory_space<vmem>> -> memref<128x128xf32, #tpu.memory_space<vmem>>
      %dma_start3A_76 = arith.constant 0 : i32
      %dma_start3A_77 = tpu.memref_slice %arg6[%run_scoped3A_50, %run_scoped3A_51, %dma_start3A_76] : memref<2x8x128xi32, #tpu.memory_space<vmem>> -> memref<1x1x128xi32, #tpu.memory_space<vmem>>
      %dma_start3A_78 = tpu.memref_squeeze %dma_start3A_77 : memref<1x1x128xi32, #tpu.memory_space<vmem>> -> memref<128xi32, #tpu.memory_space<vmem>>
      %dma_start3A_79 = arith.constant 0 : i32
      %dma_start3A_80 = arith.constant 0 : i32
      %dma_start3A_81 = tpu.memref_slice %arg7[%dma_start3A_79, %dma_start3A_80] : memref<4096x128xf32, #tpu.memory_space<vmem_shared>> -> memref<4096x128xf32, #tpu.memory_space<vmem_shared>>
      tpu.enqueue_indirect_dma source(%dma_start3A_75 : memref<128x128xf32, #tpu.memory_space<vmem>>) target(%dma_start3A_81 : memref<4096x128xf32, #tpu.memory_space<vmem_shared>>) offsets(%dma_start3A_78 : memref<128xi32, #tpu.memory_space<vmem>>) semaphore(%run_scoped3A_72 : memref<!tpu.dma_semaphore, #tpu.memory_space<semaphore_mem>>) {add = true}
      %dma_wait3A = arith.constant 0 : i32
      %dma_wait3A_82 = arith.constant 0 : i32
      %dma_wait3A_83 = tpu.memref_slice %arg5[%run_scoped3A_49, %dma_wait3A, %dma_wait3A_82] : memref<2x128x128xf32, #tpu.memory_space<vmem>> -> memref<1x128x128xf32, #tpu.memory_space<vmem>>
      %dma_wait3A_84 = tpu.memref_squeeze %dma_wait3A_83 : memref<1x128x128xf32, #tpu.memory_space<vmem>> -> memref<128x128xf32, #tpu.memory_space<vmem>>
      %dma_wait3A_85 = arith.constant 0 : i32
      %dma_wait3A_86 = tpu.memref_slice %arg6[%run_scoped3A_50, %run_scoped3A_51, %dma_wait3A_85] : memref<2x8x128xi32, #tpu.memory_space<vmem>> -> memref<1x1x128xi32, #tpu.memory_space<vmem>>
      %dma_wait3A_87 = tpu.memref_squeeze %dma_wait3A_86 : memref<1x1x128xi32, #tpu.memory_space<vmem>> -> memref<128xi32, #tpu.memory_space<vmem>>
      %dma_wait3A_88 = arith.constant 0 : i32
      %dma_wait3A_89 = arith.constant 0 : i32
      %dma_wait3A_90 = tpu.memref_slice %arg7[%dma_wait3A_88, %dma_wait3A_89] : memref<4096x128xf32, #tpu.memory_space<vmem_shared>> -> memref<4096x128xf32, #tpu.memory_space<vmem_shared>>
      tpu.wait_indirect_dma semaphore(%run_scoped3A_72 : memref<!tpu.dma_semaphore, #tpu.memory_space<semaphore_mem>>) src(%dma_wait3A_84 : memref<128x128xf32, #tpu.memory_space<vmem>>) dst(%dma_wait3A_90 : memref<4096x128xf32, #tpu.memory_space<vmem_shared>>)
      tpu.yield
    }) : () -> ()
    %run_scoped3A_52 = arith.constant 1 : i32
    %run_scoped3A_53 = arith.constant 1 : i32
    %run_scoped3A_54 = arith.constant 3 : i32
    "tpu.region"() ({
      %run_scoped3A_72 = tpu.sem_alloc : memref<!tpu.dma_semaphore, #tpu.memory_space<semaphore_mem>>
      %dma_start3A = arith.constant 0 : i32
      %dma_start3A_73 = arith.constant 0 : i32
      %dma_start3A_74 = tpu.memref_slice %arg5[%run_scoped3A_52, %dma_start3A, %dma_start3A_73] : memref<2x128x128xf32, #tpu.memory_space<vmem>> -> memref<1x128x128xf32, #tpu.memory_space<vmem>>
      %dma_start3A_75 = tpu.memref_squeeze %dma_start3A_74 : memref<1x128x128xf32, #tpu.memory_space<vmem>> -> memref<128x128xf32, #tpu.memory_space<vmem>>
      %dma_start3A_76 = arith.constant 0 : i32
      %dma_start3A_77 = tpu.memref_slice %arg6[%run_scoped3A_53, %run_scoped3A_54, %dma_start3A_76] : memref<2x8x128xi32, #tpu.memory_space<vmem>> -> memref<1x1x128xi32, #tpu.memory_space<vmem>>
      %dma_start3A_78 = tpu.memref_squeeze %dma_start3A_77 : memref<1x1x128xi32, #tpu.memory_space<vmem>> -> memref<128xi32, #tpu.memory_space<vmem>>
      %dma_start3A_79 = arith.constant 0 : i32
      %dma_start3A_80 = arith.constant 0 : i32
      %dma_start3A_81 = tpu.memref_slice %arg7[%dma_start3A_79, %dma_start3A_80] : memref<4096x128xf32, #tpu.memory_space<vmem_shared>> -> memref<4096x128xf32, #tpu.memory_space<vmem_shared>>
      tpu.enqueue_indirect_dma source(%dma_start3A_75 : memref<128x128xf32, #tpu.memory_space<vmem>>) target(%dma_start3A_81 : memref<4096x128xf32, #tpu.memory_space<vmem_shared>>) offsets(%dma_start3A_78 : memref<128xi32, #tpu.memory_space<vmem>>) semaphore(%run_scoped3A_72 : memref<!tpu.dma_semaphore, #tpu.memory_space<semaphore_mem>>) {add = true}
      %dma_wait3A = arith.constant 0 : i32
      %dma_wait3A_82 = arith.constant 0 : i32
      %dma_wait3A_83 = tpu.memref_slice %arg5[%run_scoped3A_52, %dma_wait3A, %dma_wait3A_82] : memref<2x128x128xf32, #tpu.memory_space<vmem>> -> memref<1x128x128xf32, #tpu.memory_space<vmem>>
      %dma_wait3A_84 = tpu.memref_squeeze %dma_wait3A_83 : memref<1x128x128xf32, #tpu.memory_space<vmem>> -> memref<128x128xf32, #tpu.memory_space<vmem>>
      %dma_wait3A_85 = arith.constant 0 : i32
      %dma_wait3A_86 = tpu.memref_slice %arg6[%run_scoped3A_53, %run_scoped3A_54, %dma_wait3A_85] : memref<2x8x128xi32, #tpu.memory_space<vmem>> -> memref<1x1x128xi32, #tpu.memory_space<vmem>>
      %dma_wait3A_87 = tpu.memref_squeeze %dma_wait3A_86 : memref<1x1x128xi32, #tpu.memory_space<vmem>> -> memref<128xi32, #tpu.memory_space<vmem>>
      %dma_wait3A_88 = arith.constant 0 : i32
      %dma_wait3A_89 = arith.constant 0 : i32
      %dma_wait3A_90 = tpu.memref_slice %arg7[%dma_wait3A_88, %dma_wait3A_89] : memref<4096x128xf32, #tpu.memory_space<vmem_shared>> -> memref<4096x128xf32, #tpu.memory_space<vmem_shared>>
      tpu.wait_indirect_dma semaphore(%run_scoped3A_72 : memref<!tpu.dma_semaphore, #tpu.memory_space<semaphore_mem>>) src(%dma_wait3A_84 : memref<128x128xf32, #tpu.memory_space<vmem>>) dst(%dma_wait3A_90 : memref<4096x128xf32, #tpu.memory_space<vmem_shared>>)
      tpu.yield
    }) : () -> ()
    %run_scoped3A_55 = arith.constant 1 : i32
    %run_scoped3A_56 = arith.constant 1 : i32
    %run_scoped3A_57 = arith.constant 4 : i32
    "tpu.region"() ({
      %run_scoped3A_72 = tpu.sem_alloc : memref<!tpu.dma_semaphore, #tpu.memory_space<semaphore_mem>>
      %dma_start3A = arith.constant 0 : i32
      %dma_start3A_73 = arith.constant 0 : i32
      %dma_start3A_74 = tpu.memref_slice %arg5[%run_scoped3A_55, %dma_start3A, %dma_start3A_73] : memref<2x128x128xf32, #tpu.memory_space<vmem>> -> memref<1x128x128xf32, #tpu.memory_space<vmem>>
      %dma_start3A_75 = tpu.memref_squeeze %dma_start3A_74 : memref<1x128x128xf32, #tpu.memory_space<vmem>> -> memref<128x128xf32, #tpu.memory_space<vmem>>
      %dma_start3A_76 = arith.constant 0 : i32
      %dma_start3A_77 = tpu.memref_slice %arg6[%run_scoped3A_56, %run_scoped3A_57, %dma_start3A_76] : memref<2x8x128xi32, #tpu.memory_space<vmem>> -> memref<1x1x128xi32, #tpu.memory_space<vmem>>
      %dma_start3A_78 = tpu.memref_squeeze %dma_start3A_77 : memref<1x1x128xi32, #tpu.memory_space<vmem>> -> memref<128xi32, #tpu.memory_space<vmem>>
      %dma_start3A_79 = arith.constant 0 : i32
      %dma_start3A_80 = arith.constant 0 : i32
      %dma_start3A_81 = tpu.memref_slice %arg7[%dma_start3A_79, %dma_start3A_80] : memref<4096x128xf32, #tpu.memory_space<vmem_shared>> -> memref<4096x128xf32, #tpu.memory_space<vmem_shared>>
      tpu.enqueue_indirect_dma source(%dma_start3A_75 : memref<128x128xf32, #tpu.memory_space<vmem>>) target(%dma_start3A_81 : memref<4096x128xf32, #tpu.memory_space<vmem_shared>>) offsets(%dma_start3A_78 : memref<128xi32, #tpu.memory_space<vmem>>) semaphore(%run_scoped3A_72 : memref<!tpu.dma_semaphore, #tpu.memory_space<semaphore_mem>>) {add = true}
      %dma_wait3A = arith.constant 0 : i32
      %dma_wait3A_82 = arith.constant 0 : i32
      %dma_wait3A_83 = tpu.memref_slice %arg5[%run_scoped3A_55, %dma_wait3A, %dma_wait3A_82] : memref<2x128x128xf32, #tpu.memory_space<vmem>> -> memref<1x128x128xf32, #tpu.memory_space<vmem>>
      %dma_wait3A_84 = tpu.memref_squeeze %dma_wait3A_83 : memref<1x128x128xf32, #tpu.memory_space<vmem>> -> memref<128x128xf32, #tpu.memory_space<vmem>>
      %dma_wait3A_85 = arith.constant 0 : i32
      %dma_wait3A_86 = tpu.memref_slice %arg6[%run_scoped3A_56, %run_scoped3A_57, %dma_wait3A_85] : memref<2x8x128xi32, #tpu.memory_space<vmem>> -> memref<1x1x128xi32, #tpu.memory_space<vmem>>
      %dma_wait3A_87 = tpu.memref_squeeze %dma_wait3A_86 : memref<1x1x128xi32, #tpu.memory_space<vmem>> -> memref<128xi32, #tpu.memory_space<vmem>>
      %dma_wait3A_88 = arith.constant 0 : i32
      %dma_wait3A_89 = arith.constant 0 : i32
      %dma_wait3A_90 = tpu.memref_slice %arg7[%dma_wait3A_88, %dma_wait3A_89] : memref<4096x128xf32, #tpu.memory_space<vmem_shared>> -> memref<4096x128xf32, #tpu.memory_space<vmem_shared>>
      tpu.wait_indirect_dma semaphore(%run_scoped3A_72 : memref<!tpu.dma_semaphore, #tpu.memory_space<semaphore_mem>>) src(%dma_wait3A_84 : memref<128x128xf32, #tpu.memory_space<vmem>>) dst(%dma_wait3A_90 : memref<4096x128xf32, #tpu.memory_space<vmem_shared>>)
      tpu.yield
    }) : () -> ()
    %run_scoped3A_58 = arith.constant 1 : i32
    %run_scoped3A_59 = arith.constant 1 : i32
    %run_scoped3A_60 = arith.constant 5 : i32
    "tpu.region"() ({
      %run_scoped3A_72 = tpu.sem_alloc : memref<!tpu.dma_semaphore, #tpu.memory_space<semaphore_mem>>
      %dma_start3A = arith.constant 0 : i32
      %dma_start3A_73 = arith.constant 0 : i32
      %dma_start3A_74 = tpu.memref_slice %arg5[%run_scoped3A_58, %dma_start3A, %dma_start3A_73] : memref<2x128x128xf32, #tpu.memory_space<vmem>> -> memref<1x128x128xf32, #tpu.memory_space<vmem>>
      %dma_start3A_75 = tpu.memref_squeeze %dma_start3A_74 : memref<1x128x128xf32, #tpu.memory_space<vmem>> -> memref<128x128xf32, #tpu.memory_space<vmem>>
      %dma_start3A_76 = arith.constant 0 : i32
      %dma_start3A_77 = tpu.memref_slice %arg6[%run_scoped3A_59, %run_scoped3A_60, %dma_start3A_76] : memref<2x8x128xi32, #tpu.memory_space<vmem>> -> memref<1x1x128xi32, #tpu.memory_space<vmem>>
      %dma_start3A_78 = tpu.memref_squeeze %dma_start3A_77 : memref<1x1x128xi32, #tpu.memory_space<vmem>> -> memref<128xi32, #tpu.memory_space<vmem>>
      %dma_start3A_79 = arith.constant 0 : i32
      %dma_start3A_80 = arith.constant 0 : i32
      %dma_start3A_81 = tpu.memref_slice %arg7[%dma_start3A_79, %dma_start3A_80] : memref<4096x128xf32, #tpu.memory_space<vmem_shared>> -> memref<4096x128xf32, #tpu.memory_space<vmem_shared>>
      tpu.enqueue_indirect_dma source(%dma_start3A_75 : memref<128x128xf32, #tpu.memory_space<vmem>>) target(%dma_start3A_81 : memref<4096x128xf32, #tpu.memory_space<vmem_shared>>) offsets(%dma_start3A_78 : memref<128xi32, #tpu.memory_space<vmem>>) semaphore(%run_scoped3A_72 : memref<!tpu.dma_semaphore, #tpu.memory_space<semaphore_mem>>) {add = true}
      %dma_wait3A = arith.constant 0 : i32
      %dma_wait3A_82 = arith.constant 0 : i32
      %dma_wait3A_83 = tpu.memref_slice %arg5[%run_scoped3A_58, %dma_wait3A, %dma_wait3A_82] : memref<2x128x128xf32, #tpu.memory_space<vmem>> -> memref<1x128x128xf32, #tpu.memory_space<vmem>>
      %dma_wait3A_84 = tpu.memref_squeeze %dma_wait3A_83 : memref<1x128x128xf32, #tpu.memory_space<vmem>> -> memref<128x128xf32, #tpu.memory_space<vmem>>
      %dma_wait3A_85 = arith.constant 0 : i32
      %dma_wait3A_86 = tpu.memref_slice %arg6[%run_scoped3A_59, %run_scoped3A_60, %dma_wait3A_85] : memref<2x8x128xi32, #tpu.memory_space<vmem>> -> memref<1x1x128xi32, #tpu.memory_space<vmem>>
      %dma_wait3A_87 = tpu.memref_squeeze %dma_wait3A_86 : memref<1x1x128xi32, #tpu.memory_space<vmem>> -> memref<128xi32, #tpu.memory_space<vmem>>
      %dma_wait3A_88 = arith.constant 0 : i32
      %dma_wait3A_89 = arith.constant 0 : i32
      %dma_wait3A_90 = tpu.memref_slice %arg7[%dma_wait3A_88, %dma_wait3A_89] : memref<4096x128xf32, #tpu.memory_space<vmem_shared>> -> memref<4096x128xf32, #tpu.memory_space<vmem_shared>>
      tpu.wait_indirect_dma semaphore(%run_scoped3A_72 : memref<!tpu.dma_semaphore, #tpu.memory_space<semaphore_mem>>) src(%dma_wait3A_84 : memref<128x128xf32, #tpu.memory_space<vmem>>) dst(%dma_wait3A_90 : memref<4096x128xf32, #tpu.memory_space<vmem_shared>>)
      tpu.yield
    }) : () -> ()
    %run_scoped3A_61 = arith.constant 1 : i32
    %run_scoped3A_62 = arith.constant 1 : i32
    %run_scoped3A_63 = arith.constant 6 : i32
    "tpu.region"() ({
      %run_scoped3A_72 = tpu.sem_alloc : memref<!tpu.dma_semaphore, #tpu.memory_space<semaphore_mem>>
      %dma_start3A = arith.constant 0 : i32
      %dma_start3A_73 = arith.constant 0 : i32
      %dma_start3A_74 = tpu.memref_slice %arg5[%run_scoped3A_61, %dma_start3A, %dma_start3A_73] : memref<2x128x128xf32, #tpu.memory_space<vmem>> -> memref<1x128x128xf32, #tpu.memory_space<vmem>>
      %dma_start3A_75 = tpu.memref_squeeze %dma_start3A_74 : memref<1x128x128xf32, #tpu.memory_space<vmem>> -> memref<128x128xf32, #tpu.memory_space<vmem>>
      %dma_start3A_76 = arith.constant 0 : i32
      %dma_start3A_77 = tpu.memref_slice %arg6[%run_scoped3A_62, %run_scoped3A_63, %dma_start3A_76] : memref<2x8x128xi32, #tpu.memory_space<vmem>> -> memref<1x1x128xi32, #tpu.memory_space<vmem>>
      %dma_start3A_78 = tpu.memref_squeeze %dma_start3A_77 : memref<1x1x128xi32, #tpu.memory_space<vmem>> -> memref<128xi32, #tpu.memory_space<vmem>>
      %dma_start3A_79 = arith.constant 0 : i32
      %dma_start3A_80 = arith.constant 0 : i32
      %dma_start3A_81 = tpu.memref_slice %arg7[%dma_start3A_79, %dma_start3A_80] : memref<4096x128xf32, #tpu.memory_space<vmem_shared>> -> memref<4096x128xf32, #tpu.memory_space<vmem_shared>>
      tpu.enqueue_indirect_dma source(%dma_start3A_75 : memref<128x128xf32, #tpu.memory_space<vmem>>) target(%dma_start3A_81 : memref<4096x128xf32, #tpu.memory_space<vmem_shared>>) offsets(%dma_start3A_78 : memref<128xi32, #tpu.memory_space<vmem>>) semaphore(%run_scoped3A_72 : memref<!tpu.dma_semaphore, #tpu.memory_space<semaphore_mem>>) {add = true}
      %dma_wait3A = arith.constant 0 : i32
      %dma_wait3A_82 = arith.constant 0 : i32
      %dma_wait3A_83 = tpu.memref_slice %arg5[%run_scoped3A_61, %dma_wait3A, %dma_wait3A_82] : memref<2x128x128xf32, #tpu.memory_space<vmem>> -> memref<1x128x128xf32, #tpu.memory_space<vmem>>
      %dma_wait3A_84 = tpu.memref_squeeze %dma_wait3A_83 : memref<1x128x128xf32, #tpu.memory_space<vmem>> -> memref<128x128xf32, #tpu.memory_space<vmem>>
      %dma_wait3A_85 = arith.constant 0 : i32
      %dma_wait3A_86 = tpu.memref_slice %arg6[%run_scoped3A_62, %run_scoped3A_63, %dma_wait3A_85] : memref<2x8x128xi32, #tpu.memory_space<vmem>> -> memref<1x1x128xi32, #tpu.memory_space<vmem>>
      %dma_wait3A_87 = tpu.memref_squeeze %dma_wait3A_86 : memref<1x1x128xi32, #tpu.memory_space<vmem>> -> memref<128xi32, #tpu.memory_space<vmem>>
      %dma_wait3A_88 = arith.constant 0 : i32
      %dma_wait3A_89 = arith.constant 0 : i32
      %dma_wait3A_90 = tpu.memref_slice %arg7[%dma_wait3A_88, %dma_wait3A_89] : memref<4096x128xf32, #tpu.memory_space<vmem_shared>> -> memref<4096x128xf32, #tpu.memory_space<vmem_shared>>
      tpu.wait_indirect_dma semaphore(%run_scoped3A_72 : memref<!tpu.dma_semaphore, #tpu.memory_space<semaphore_mem>>) src(%dma_wait3A_84 : memref<128x128xf32, #tpu.memory_space<vmem>>) dst(%dma_wait3A_90 : memref<4096x128xf32, #tpu.memory_space<vmem_shared>>)
      tpu.yield
    }) : () -> ()
    %run_scoped3A_64 = arith.constant 1 : i32
    %run_scoped3A_65 = arith.constant 1 : i32
    %run_scoped3A_66 = arith.constant 7 : i32
    "tpu.region"() ({
      %run_scoped3A_72 = tpu.sem_alloc : memref<!tpu.dma_semaphore, #tpu.memory_space<semaphore_mem>>
      %dma_start3A = arith.constant 0 : i32
      %dma_start3A_73 = arith.constant 0 : i32
      %dma_start3A_74 = tpu.memref_slice %arg5[%run_scoped3A_64, %dma_start3A, %dma_start3A_73] : memref<2x128x128xf32, #tpu.memory_space<vmem>> -> memref<1x128x128xf32, #tpu.memory_space<vmem>>
      %dma_start3A_75 = tpu.memref_squeeze %dma_start3A_74 : memref<1x128x128xf32, #tpu.memory_space<vmem>> -> memref<128x128xf32, #tpu.memory_space<vmem>>
      %dma_start3A_76 = arith.constant 0 : i32
      %dma_start3A_77 = tpu.memref_slice %arg6[%run_scoped3A_65, %run_scoped3A_66, %dma_start3A_76] : memref<2x8x128xi32, #tpu.memory_space<vmem>> -> memref<1x1x128xi32, #tpu.memory_space<vmem>>
      %dma_start3A_78 = tpu.memref_squeeze %dma_start3A_77 : memref<1x1x128xi32, #tpu.memory_space<vmem>> -> memref<128xi32, #tpu.memory_space<vmem>>
      %dma_start3A_79 = arith.constant 0 : i32
      %dma_start3A_80 = arith.constant 0 : i32
      %dma_start3A_81 = tpu.memref_slice %arg7[%dma_start3A_79, %dma_start3A_80] : memref<4096x128xf32, #tpu.memory_space<vmem_shared>> -> memref<4096x128xf32, #tpu.memory_space<vmem_shared>>
      tpu.enqueue_indirect_dma source(%dma_start3A_75 : memref<128x128xf32, #tpu.memory_space<vmem>>) target(%dma_start3A_81 : memref<4096x128xf32, #tpu.memory_space<vmem_shared>>) offsets(%dma_start3A_78 : memref<128xi32, #tpu.memory_space<vmem>>) semaphore(%run_scoped3A_72 : memref<!tpu.dma_semaphore, #tpu.memory_space<semaphore_mem>>) {add = true}
      %dma_wait3A = arith.constant 0 : i32
      %dma_wait3A_82 = arith.constant 0 : i32
      %dma_wait3A_83 = tpu.memref_slice %arg5[%run_scoped3A_64, %dma_wait3A, %dma_wait3A_82] : memref<2x128x128xf32, #tpu.memory_space<vmem>> -> memref<1x128x128xf32, #tpu.memory_space<vmem>>
      %dma_wait3A_84 = tpu.memref_squeeze %dma_wait3A_83 : memref<1x128x128xf32, #tpu.memory_space<vmem>> -> memref<128x128xf32, #tpu.memory_space<vmem>>
      %dma_wait3A_85 = arith.constant 0 : i32
      %dma_wait3A_86 = tpu.memref_slice %arg6[%run_scoped3A_65, %run_scoped3A_66, %dma_wait3A_85] : memref<2x8x128xi32, #tpu.memory_space<vmem>> -> memref<1x1x128xi32, #tpu.memory_space<vmem>>
      %dma_wait3A_87 = tpu.memref_squeeze %dma_wait3A_86 : memref<1x1x128xi32, #tpu.memory_space<vmem>> -> memref<128xi32, #tpu.memory_space<vmem>>
      %dma_wait3A_88 = arith.constant 0 : i32
      %dma_wait3A_89 = arith.constant 0 : i32
      %dma_wait3A_90 = tpu.memref_slice %arg7[%dma_wait3A_88, %dma_wait3A_89] : memref<4096x128xf32, #tpu.memory_space<vmem_shared>> -> memref<4096x128xf32, #tpu.memory_space<vmem_shared>>
      tpu.wait_indirect_dma semaphore(%run_scoped3A_72 : memref<!tpu.dma_semaphore, #tpu.memory_space<semaphore_mem>>) src(%dma_wait3A_84 : memref<128x128xf32, #tpu.memory_space<vmem>>) dst(%dma_wait3A_90 : memref<4096x128xf32, #tpu.memory_space<vmem_shared>>)
      tpu.yield
    }) : () -> ()
    %barrier3A_67 = arith.constant 0 : index
    tpu.barrier barrier_id(%barrier3A_67)
    %mul3A_68 = arith.constant 256 : i32
    %mul3A_69 = arith.muli %arg1, %mul3A_68 : i32
    %mul3A_70 = arith.constant 256 : i32
    %mul3A_71 = arith.muli %arg1, %mul3A_70 : i32
    "tpu.region"() ({
      %run_scoped3A_72 = tpu.sem_alloc : memref<!tpu.dma_semaphore, #tpu.memory_space<semaphore_mem>>
      %dma_start3A = arith.constant 0 : i32
      %dma_start3A_73 = tpu.memref_slice %arg4[%arg0, %mul3A_71, %dma_start3A] : memref<2x4096x128xf32, #tpu.memory_space<hbm>> -> memref<1x256x128xf32, #tpu.memory_space<hbm>>
      %dma_start3A_74 = tpu.memref_squeeze %dma_start3A_73 : memref<1x256x128xf32, #tpu.memory_space<hbm>> -> memref<256x128xf32, #tpu.memory_space<hbm>>
      %dma_start3A_75 = arith.constant 0 : i32
      %dma_start3A_76 = tpu.memref_slice %arg7[%mul3A_69, %dma_start3A_75] : memref<4096x128xf32, #tpu.memory_space<vmem_shared>> -> memref<256x128xf32, #tpu.memory_space<vmem_shared>>
      tpu.enqueue_dma source(%dma_start3A_76 : memref<256x128xf32, #tpu.memory_space<vmem_shared>>) target(%dma_start3A_74 : memref<256x128xf32, #tpu.memory_space<hbm>>) target_semaphore(%run_scoped3A_72 : memref<!tpu.dma_semaphore, #tpu.memory_space<semaphore_mem>>)
      %dma_wait3A = arith.constant 0 : i32
      %dma_wait3A_77 = tpu.memref_slice %arg4[%arg0, %mul3A_71, %dma_wait3A] : memref<2x4096x128xf32, #tpu.memory_space<hbm>> -> memref<1x256x128xf32, #tpu.memory_space<hbm>>
      %dma_wait3A_78 = tpu.memref_squeeze %dma_wait3A_77 : memref<1x256x128xf32, #tpu.memory_space<hbm>> -> memref<256x128xf32, #tpu.memory_space<hbm>>
      %dma_wait3A_79 = arith.constant 0 : i32
      %dma_wait3A_80 = tpu.memref_slice %arg7[%mul3A_69, %dma_wait3A_79] : memref<4096x128xf32, #tpu.memory_space<vmem_shared>> -> memref<256x128xf32, #tpu.memory_space<vmem_shared>>
      tpu.wait_dma2 semaphore(%run_scoped3A_72 : memref<!tpu.dma_semaphore, #tpu.memory_space<semaphore_mem>>) src(%dma_wait3A_80 : memref<256x128xf32, #tpu.memory_space<vmem_shared>>) dst(%dma_wait3A_78 : memref<256x128xf32, #tpu.memory_space<hbm>>)
      tpu.yield
    }) : () -> ()
    return
  }
}

#map = affine_map<(d0, d1) -> (0, 0, 0)>
module attributes {stable_mosaic.version = 14 : i64} {
  func.func @_deg_body(%arg0: i32, %arg1: i32, %arg2: memref<32x8x128xi32, #tpu.memory_space<hbm>>, %arg3: memref<2x4096x16xf32, #tpu.memory_space<hbm>>, %arg4: memref<256x16xf32, #tpu.memory_space<vmem>>, %arg5: memref<128x16xf32, #tpu.memory_space<vmem>>, %arg6: memref<8x128xi32, #tpu.memory_space<vmem>>, %arg7: memref<4096x16xf32, #tpu.memory_space<vmem_shared>>) attributes {dimension_semantics = [#tpu.dimension_semantics<core_parallel>, #tpu.dimension_semantics<subcore_parallel>], iteration_bounds = array<i64: 2, 16>, scalar_prefetch = 0 : i64, scratch_operands = 4 : i64, tpu.core_type = #tpu.core_type<sc_vector_subcore>, window_params = [{transform_indices = #map}, {transform_indices = #map}]} {
    %scan3A = arith.constant 0 : i32
    %scan3A_0 = arith.constant 0 : i32
    %scan3A_1 = arith.constant 256 : i32
    %scan3A_2 = arith.addi %scan3A_0, %scan3A_1 : i32
    %scan3A_3 = arith.constant 1 : i32
    %scan3A_4 = scf.for %scan3A_28 = %scan3A_0 to %scan3A_2 step %scan3A_3 iter_args(%scan3A_29 = %scan3A) -> (i32)  : i32 {
      %broadcast_in_dim3A = arith.constant 0.000000e+00 : f32
      %broadcast_in_dim3A_30 = vector.broadcast %broadcast_in_dim3A : f32 to vector<16xf32>
      %swap3A = arith.index_cast %scan3A_28 : i32 to index
      %swap3A_31 = arith.constant 0 : index
      %swap3A_32 = tpu.vector_load %arg4[%swap3A, %swap3A_31] {strides = array<i32>} : memref<256x16xf32, #tpu.memory_space<vmem>>, vector<1x16xf32>,
      %swap3A_33 = vector.shape_cast %swap3A_32 : vector<1x16xf32> to vector<16xf32>
      %swap3A_34 = vector.shape_cast %broadcast_in_dim3A_30 : vector<16xf32> to vector<1x16xf32>
      tpu.vector_store %arg4[%swap3A, %swap3A_31], %swap3A_34 {strides = array<i32>} : memref<256x16xf32, #tpu.memory_space<vmem>>, vector<1x16xf32>,
      %scan3A_35 = arith.constant 0 : i32
      scf.yield %scan3A_35 : i32
    }
    %scan3A_5 = arith.constant 256 : i32
    %scan3A_6 = arith.constant 0 : i32
    %scan3A_7 = arith.constant 0 : i32
    %scan3A_8 = arith.constant 128 : i32
    %scan3A_9 = arith.addi %scan3A_7, %scan3A_8 : i32
    %scan3A_10 = arith.constant 1 : i32
    %scan3A_11 = scf.for %scan3A_28 = %scan3A_7 to %scan3A_9 step %scan3A_10 iter_args(%scan3A_29 = %scan3A_6) -> (i32)  : i32 {
      %broadcast_in_dim3A = arith.constant 1.000000e+00 : f32
      %broadcast_in_dim3A_30 = vector.broadcast %broadcast_in_dim3A : f32 to vector<16xf32>
      %swap3A = arith.index_cast %scan3A_28 : i32 to index
      %swap3A_31 = arith.constant 0 : index
      %swap3A_32 = tpu.vector_load %arg5[%swap3A, %swap3A_31] {strides = array<i32>} : memref<128x16xf32, #tpu.memory_space<vmem>>, vector<1x16xf32>,
      %swap3A_33 = vector.shape_cast %swap3A_32 : vector<1x16xf32> to vector<16xf32>
      %swap3A_34 = vector.shape_cast %broadcast_in_dim3A_30 : vector<16xf32> to vector<1x16xf32>
      tpu.vector_store %arg5[%swap3A, %swap3A_31], %swap3A_34 {strides = array<i32>} : memref<128x16xf32, #tpu.memory_space<vmem>>, vector<1x16xf32>,
      %scan3A_35 = arith.constant 0 : i32
      scf.yield %scan3A_35 : i32
    }
    %scan3A_12 = arith.constant 128 : i32
    %mul3A = arith.constant 256 : i32
    %mul3A_13 = arith.muli %arg1, %mul3A : i32
    "tpu.region"() ({
      %run_scoped3A_28 = tpu.sem_alloc : memref<!tpu.dma_semaphore, #tpu.memory_space<semaphore_mem>>
      %dma_start3A = arith.constant 0 : i32
      %dma_start3A_29 = tpu.memref_slice %arg7[%mul3A_13, %dma_start3A] : memref<4096x16xf32, #tpu.memory_space<vmem_shared>> -> memref<256x16xf32, #tpu.memory_space<vmem_shared>>
      %dma_start3A_30 = arith.constant 0 : i32
      %dma_start3A_31 = tpu.memref_slice %arg7[%mul3A_13, %dma_start3A_30] : memref<4096x16xf32, #tpu.memory_space<vmem_shared>> -> memref<256x16xf32, #tpu.memory_space<vmem_shared>>
      tpu.enqueue_dma source(%arg4 : memref<256x16xf32, #tpu.memory_space<vmem>>) target(%dma_start3A_31 : memref<256x16xf32, #tpu.memory_space<vmem_shared>>) target_semaphore(%run_scoped3A_28 : memref<!tpu.dma_semaphore, #tpu.memory_space<semaphore_mem>>)
      %dma_wait3A = arith.constant 0 : i32
      %dma_wait3A_32 = tpu.memref_slice %arg7[%mul3A_13, %dma_wait3A] : memref<4096x16xf32, #tpu.memory_space<vmem_shared>> -> memref<256x16xf32, #tpu.memory_space<vmem_shared>>
      %dma_wait3A_33 = arith.constant 0 : i32
      %dma_wait3A_34 = tpu.memref_slice %arg7[%mul3A_13, %dma_wait3A_33] : memref<4096x16xf32, #tpu.memory_space<vmem_shared>> -> memref<256x16xf32, #tpu.memory_space<vmem_shared>>
      tpu.wait_dma2 semaphore(%run_scoped3A_28 : memref<!tpu.dma_semaphore, #tpu.memory_space<semaphore_mem>>) src(%arg4 : memref<256x16xf32, #tpu.memory_space<vmem>>) dst(%dma_wait3A_34 : memref<256x16xf32, #tpu.memory_space<vmem_shared>>)
      tpu.yield
    }) : () -> ()
    %mul3A_14 = arith.constant 16 : i32
    %mul3A_15 = arith.muli %arg0, %mul3A_14 : i32
    %add3A = arith.addi %mul3A_15, %arg1 : i32
    "tpu.region"() ({
      %run_scoped3A_28 = tpu.sem_alloc : memref<!tpu.dma_semaphore, #tpu.memory_space<semaphore_mem>>
      %dma_start3A = arith.constant 0 : i32
      %dma_start3A_29 = arith.constant 0 : i32
      %dma_start3A_30 = tpu.memref_slice %arg2[%add3A, %dma_start3A, %dma_start3A_29] : memref<32x8x128xi32, #tpu.memory_space<hbm>> -> memref<1x8x128xi32, #tpu.memory_space<hbm>>
      %dma_start3A_31 = tpu.memref_squeeze %dma_start3A_30 : memref<1x8x128xi32, #tpu.memory_space<hbm>> -> memref<8x128xi32, #tpu.memory_space<hbm>>
      %dma_start3A_32 = arith.constant 0 : i32
      %dma_start3A_33 = arith.constant 0 : i32
      %dma_start3A_34 = tpu.memref_slice %arg2[%add3A, %dma_start3A_32, %dma_start3A_33] : memref<32x8x128xi32, #tpu.memory_space<hbm>> -> memref<1x8x128xi32, #tpu.memory_space<hbm>>
      %dma_start3A_35 = tpu.memref_squeeze %dma_start3A_34 : memref<1x8x128xi32, #tpu.memory_space<hbm>> -> memref<8x128xi32, #tpu.memory_space<hbm>>
      tpu.enqueue_dma source(%dma_start3A_35 : memref<8x128xi32, #tpu.memory_space<hbm>>) target(%arg6 : memref<8x128xi32, #tpu.memory_space<vmem>>) target_semaphore(%run_scoped3A_28 : memref<!tpu.dma_semaphore, #tpu.memory_space<semaphore_mem>>)
      %dma_wait3A = arith.constant 0 : i32
      %dma_wait3A_36 = arith.constant 0 : i32
      %dma_wait3A_37 = tpu.memref_slice %arg2[%add3A, %dma_wait3A, %dma_wait3A_36] : memref<32x8x128xi32, #tpu.memory_space<hbm>> -> memref<1x8x128xi32, #tpu.memory_space<hbm>>
      %dma_wait3A_38 = tpu.memref_squeeze %dma_wait3A_37 : memref<1x8x128xi32, #tpu.memory_space<hbm>> -> memref<8x128xi32, #tpu.memory_space<hbm>>
      %dma_wait3A_39 = arith.constant 0 : i32
      %dma_wait3A_40 = arith.constant 0 : i32
      %dma_wait3A_41 = tpu.memref_slice %arg2[%add3A, %dma_wait3A_39, %dma_wait3A_40] : memref<32x8x128xi32, #tpu.memory_space<hbm>> -> memref<1x8x128xi32, #tpu.memory_space<hbm>>
      %dma_wait3A_42 = tpu.memref_squeeze %dma_wait3A_41 : memref<1x8x128xi32, #tpu.memory_space<hbm>> -> memref<8x128xi32, #tpu.memory_space<hbm>>
      tpu.wait_dma2 semaphore(%run_scoped3A_28 : memref<!tpu.dma_semaphore, #tpu.memory_space<semaphore_mem>>) src(%dma_wait3A_42 : memref<8x128xi32, #tpu.memory_space<hbm>>) dst(%arg6 : memref<8x128xi32, #tpu.memory_space<vmem>>)
      tpu.yield
    }) : () -> ()
    %barrier3A = arith.constant 0 : index
    tpu.barrier barrier_id(%barrier3A)
    %run_scoped3A = arith.constant 0 : i32
    "tpu.region"() ({
      %run_scoped3A_28 = tpu.sem_alloc : memref<!tpu.dma_semaphore, #tpu.memory_space<semaphore_mem>>
      %dma_start3A = arith.constant 0 : i32
      %dma_start3A_29 = tpu.memref_slice %arg6[%run_scoped3A, %dma_start3A] : memref<8x128xi32, #tpu.memory_space<vmem>> -> memref<1x128xi32, #tpu.memory_space<vmem>>
      %dma_start3A_30 = tpu.memref_squeeze %dma_start3A_29 : memref<1x128xi32, #tpu.memory_space<vmem>> -> memref<128xi32, #tpu.memory_space<vmem>>
      %dma_start3A_31 = arith.constant 0 : i32
      %dma_start3A_32 = arith.constant 0 : i32
      %dma_start3A_33 = tpu.memref_slice %arg7[%dma_start3A_31, %dma_start3A_32] : memref<4096x16xf32, #tpu.memory_space<vmem_shared>> -> memref<4096x16xf32, #tpu.memory_space<vmem_shared>>
      tpu.enqueue_indirect_dma source(%arg5 : memref<128x16xf32, #tpu.memory_space<vmem>>) target(%dma_start3A_33 : memref<4096x16xf32, #tpu.memory_space<vmem_shared>>) offsets(%dma_start3A_30 : memref<128xi32, #tpu.memory_space<vmem>>) semaphore(%run_scoped3A_28 : memref<!tpu.dma_semaphore, #tpu.memory_space<semaphore_mem>>) {add = true}
      %dma_wait3A = arith.constant 0 : i32
      %dma_wait3A_34 = tpu.memref_slice %arg6[%run_scoped3A, %dma_wait3A] : memref<8x128xi32, #tpu.memory_space<vmem>> -> memref<1x128xi32, #tpu.memory_space<vmem>>
      %dma_wait3A_35 = tpu.memref_squeeze %dma_wait3A_34 : memref<1x128xi32, #tpu.memory_space<vmem>> -> memref<128xi32, #tpu.memory_space<vmem>>
      %dma_wait3A_36 = arith.constant 0 : i32
      %dma_wait3A_37 = arith.constant 0 : i32
      %dma_wait3A_38 = tpu.memref_slice %arg7[%dma_wait3A_36, %dma_wait3A_37] : memref<4096x16xf32, #tpu.memory_space<vmem_shared>> -> memref<4096x16xf32, #tpu.memory_space<vmem_shared>>
      tpu.wait_indirect_dma semaphore(%run_scoped3A_28 : memref<!tpu.dma_semaphore, #tpu.memory_space<semaphore_mem>>) src(%arg5 : memref<128x16xf32, #tpu.memory_space<vmem>>) dst(%dma_wait3A_38 : memref<4096x16xf32, #tpu.memory_space<vmem_shared>>)
      tpu.yield
    }) : () -> ()
    %run_scoped3A_16 = arith.constant 1 : i32
    "tpu.region"() ({
      %run_scoped3A_28 = tpu.sem_alloc : memref<!tpu.dma_semaphore, #tpu.memory_space<semaphore_mem>>
      %dma_start3A = arith.constant 0 : i32
      %dma_start3A_29 = tpu.memref_slice %arg6[%run_scoped3A_16, %dma_start3A] : memref<8x128xi32, #tpu.memory_space<vmem>> -> memref<1x128xi32, #tpu.memory_space<vmem>>
      %dma_start3A_30 = tpu.memref_squeeze %dma_start3A_29 : memref<1x128xi32, #tpu.memory_space<vmem>> -> memref<128xi32, #tpu.memory_space<vmem>>
      %dma_start3A_31 = arith.constant 0 : i32
      %dma_start3A_32 = arith.constant 0 : i32
      %dma_start3A_33 = tpu.memref_slice %arg7[%dma_start3A_31, %dma_start3A_32] : memref<4096x16xf32, #tpu.memory_space<vmem_shared>> -> memref<4096x16xf32, #tpu.memory_space<vmem_shared>>
      tpu.enqueue_indirect_dma source(%arg5 : memref<128x16xf32, #tpu.memory_space<vmem>>) target(%dma_start3A_33 : memref<4096x16xf32, #tpu.memory_space<vmem_shared>>) offsets(%dma_start3A_30 : memref<128xi32, #tpu.memory_space<vmem>>) semaphore(%run_scoped3A_28 : memref<!tpu.dma_semaphore, #tpu.memory_space<semaphore_mem>>) {add = true}
      %dma_wait3A = arith.constant 0 : i32
      %dma_wait3A_34 = tpu.memref_slice %arg6[%run_scoped3A_16, %dma_wait3A] : memref<8x128xi32, #tpu.memory_space<vmem>> -> memref<1x128xi32, #tpu.memory_space<vmem>>
      %dma_wait3A_35 = tpu.memref_squeeze %dma_wait3A_34 : memref<1x128xi32, #tpu.memory_space<vmem>> -> memref<128xi32, #tpu.memory_space<vmem>>
      %dma_wait3A_36 = arith.constant 0 : i32
      %dma_wait3A_37 = arith.constant 0 : i32
      %dma_wait3A_38 = tpu.memref_slice %arg7[%dma_wait3A_36, %dma_wait3A_37] : memref<4096x16xf32, #tpu.memory_space<vmem_shared>> -> memref<4096x16xf32, #tpu.memory_space<vmem_shared>>
      tpu.wait_indirect_dma semaphore(%run_scoped3A_28 : memref<!tpu.dma_semaphore, #tpu.memory_space<semaphore_mem>>) src(%arg5 : memref<128x16xf32, #tpu.memory_space<vmem>>) dst(%dma_wait3A_38 : memref<4096x16xf32, #tpu.memory_space<vmem_shared>>)
      tpu.yield
    }) : () -> ()
    %run_scoped3A_17 = arith.constant 2 : i32
    "tpu.region"() ({
      %run_scoped3A_28 = tpu.sem_alloc : memref<!tpu.dma_semaphore, #tpu.memory_space<semaphore_mem>>
      %dma_start3A = arith.constant 0 : i32
      %dma_start3A_29 = tpu.memref_slice %arg6[%run_scoped3A_17, %dma_start3A] : memref<8x128xi32, #tpu.memory_space<vmem>> -> memref<1x128xi32, #tpu.memory_space<vmem>>
      %dma_start3A_30 = tpu.memref_squeeze %dma_start3A_29 : memref<1x128xi32, #tpu.memory_space<vmem>> -> memref<128xi32, #tpu.memory_space<vmem>>
      %dma_start3A_31 = arith.constant 0 : i32
      %dma_start3A_32 = arith.constant 0 : i32
      %dma_start3A_33 = tpu.memref_slice %arg7[%dma_start3A_31, %dma_start3A_32] : memref<4096x16xf32, #tpu.memory_space<vmem_shared>> -> memref<4096x16xf32, #tpu.memory_space<vmem_shared>>
      tpu.enqueue_indirect_dma source(%arg5 : memref<128x16xf32, #tpu.memory_space<vmem>>) target(%dma_start3A_33 : memref<4096x16xf32, #tpu.memory_space<vmem_shared>>) offsets(%dma_start3A_30 : memref<128xi32, #tpu.memory_space<vmem>>) semaphore(%run_scoped3A_28 : memref<!tpu.dma_semaphore, #tpu.memory_space<semaphore_mem>>) {add = true}
      %dma_wait3A = arith.constant 0 : i32
      %dma_wait3A_34 = tpu.memref_slice %arg6[%run_scoped3A_17, %dma_wait3A] : memref<8x128xi32, #tpu.memory_space<vmem>> -> memref<1x128xi32, #tpu.memory_space<vmem>>
      %dma_wait3A_35 = tpu.memref_squeeze %dma_wait3A_34 : memref<1x128xi32, #tpu.memory_space<vmem>> -> memref<128xi32, #tpu.memory_space<vmem>>
      %dma_wait3A_36 = arith.constant 0 : i32
      %dma_wait3A_37 = arith.constant 0 : i32
      %dma_wait3A_38 = tpu.memref_slice %arg7[%dma_wait3A_36, %dma_wait3A_37] : memref<4096x16xf32, #tpu.memory_space<vmem_shared>> -> memref<4096x16xf32, #tpu.memory_space<vmem_shared>>
      tpu.wait_indirect_dma semaphore(%run_scoped3A_28 : memref<!tpu.dma_semaphore, #tpu.memory_space<semaphore_mem>>) src(%arg5 : memref<128x16xf32, #tpu.memory_space<vmem>>) dst(%dma_wait3A_38 : memref<4096x16xf32, #tpu.memory_space<vmem_shared>>)
      tpu.yield
    }) : () -> ()
    %run_scoped3A_18 = arith.constant 3 : i32
    "tpu.region"() ({
      %run_scoped3A_28 = tpu.sem_alloc : memref<!tpu.dma_semaphore, #tpu.memory_space<semaphore_mem>>
      %dma_start3A = arith.constant 0 : i32
      %dma_start3A_29 = tpu.memref_slice %arg6[%run_scoped3A_18, %dma_start3A] : memref<8x128xi32, #tpu.memory_space<vmem>> -> memref<1x128xi32, #tpu.memory_space<vmem>>
      %dma_start3A_30 = tpu.memref_squeeze %dma_start3A_29 : memref<1x128xi32, #tpu.memory_space<vmem>> -> memref<128xi32, #tpu.memory_space<vmem>>
      %dma_start3A_31 = arith.constant 0 : i32
      %dma_start3A_32 = arith.constant 0 : i32
      %dma_start3A_33 = tpu.memref_slice %arg7[%dma_start3A_31, %dma_start3A_32] : memref<4096x16xf32, #tpu.memory_space<vmem_shared>> -> memref<4096x16xf32, #tpu.memory_space<vmem_shared>>
      tpu.enqueue_indirect_dma source(%arg5 : memref<128x16xf32, #tpu.memory_space<vmem>>) target(%dma_start3A_33 : memref<4096x16xf32, #tpu.memory_space<vmem_shared>>) offsets(%dma_start3A_30 : memref<128xi32, #tpu.memory_space<vmem>>) semaphore(%run_scoped3A_28 : memref<!tpu.dma_semaphore, #tpu.memory_space<semaphore_mem>>) {add = true}
      %dma_wait3A = arith.constant 0 : i32
      %dma_wait3A_34 = tpu.memref_slice %arg6[%run_scoped3A_18, %dma_wait3A] : memref<8x128xi32, #tpu.memory_space<vmem>> -> memref<1x128xi32, #tpu.memory_space<vmem>>
      %dma_wait3A_35 = tpu.memref_squeeze %dma_wait3A_34 : memref<1x128xi32, #tpu.memory_space<vmem>> -> memref<128xi32, #tpu.memory_space<vmem>>
      %dma_wait3A_36 = arith.constant 0 : i32
      %dma_wait3A_37 = arith.constant 0 : i32
      %dma_wait3A_38 = tpu.memref_slice %arg7[%dma_wait3A_36, %dma_wait3A_37] : memref<4096x16xf32, #tpu.memory_space<vmem_shared>> -> memref<4096x16xf32, #tpu.memory_space<vmem_shared>>
      tpu.wait_indirect_dma semaphore(%run_scoped3A_28 : memref<!tpu.dma_semaphore, #tpu.memory_space<semaphore_mem>>) src(%arg5 : memref<128x16xf32, #tpu.memory_space<vmem>>) dst(%dma_wait3A_38 : memref<4096x16xf32, #tpu.memory_space<vmem_shared>>)
      tpu.yield
    }) : () -> ()
    %run_scoped3A_19 = arith.constant 4 : i32
    "tpu.region"() ({
      %run_scoped3A_28 = tpu.sem_alloc : memref<!tpu.dma_semaphore, #tpu.memory_space<semaphore_mem>>
      %dma_start3A = arith.constant 0 : i32
      %dma_start3A_29 = tpu.memref_slice %arg6[%run_scoped3A_19, %dma_start3A] : memref<8x128xi32, #tpu.memory_space<vmem>> -> memref<1x128xi32, #tpu.memory_space<vmem>>
      %dma_start3A_30 = tpu.memref_squeeze %dma_start3A_29 : memref<1x128xi32, #tpu.memory_space<vmem>> -> memref<128xi32, #tpu.memory_space<vmem>>
      %dma_start3A_31 = arith.constant 0 : i32
      %dma_start3A_32 = arith.constant 0 : i32
      %dma_start3A_33 = tpu.memref_slice %arg7[%dma_start3A_31, %dma_start3A_32] : memref<4096x16xf32, #tpu.memory_space<vmem_shared>> -> memref<4096x16xf32, #tpu.memory_space<vmem_shared>>
      tpu.enqueue_indirect_dma source(%arg5 : memref<128x16xf32, #tpu.memory_space<vmem>>) target(%dma_start3A_33 : memref<4096x16xf32, #tpu.memory_space<vmem_shared>>) offsets(%dma_start3A_30 : memref<128xi32, #tpu.memory_space<vmem>>) semaphore(%run_scoped3A_28 : memref<!tpu.dma_semaphore, #tpu.memory_space<semaphore_mem>>) {add = true}
      %dma_wait3A = arith.constant 0 : i32
      %dma_wait3A_34 = tpu.memref_slice %arg6[%run_scoped3A_19, %dma_wait3A] : memref<8x128xi32, #tpu.memory_space<vmem>> -> memref<1x128xi32, #tpu.memory_space<vmem>>
      %dma_wait3A_35 = tpu.memref_squeeze %dma_wait3A_34 : memref<1x128xi32, #tpu.memory_space<vmem>> -> memref<128xi32, #tpu.memory_space<vmem>>
      %dma_wait3A_36 = arith.constant 0 : i32
      %dma_wait3A_37 = arith.constant 0 : i32
      %dma_wait3A_38 = tpu.memref_slice %arg7[%dma_wait3A_36, %dma_wait3A_37] : memref<4096x16xf32, #tpu.memory_space<vmem_shared>> -> memref<4096x16xf32, #tpu.memory_space<vmem_shared>>
      tpu.wait_indirect_dma semaphore(%run_scoped3A_28 : memref<!tpu.dma_semaphore, #tpu.memory_space<semaphore_mem>>) src(%arg5 : memref<128x16xf32, #tpu.memory_space<vmem>>) dst(%dma_wait3A_38 : memref<4096x16xf32, #tpu.memory_space<vmem_shared>>)
      tpu.yield
    }) : () -> ()
    %run_scoped3A_20 = arith.constant 5 : i32
    "tpu.region"() ({
      %run_scoped3A_28 = tpu.sem_alloc : memref<!tpu.dma_semaphore, #tpu.memory_space<semaphore_mem>>
      %dma_start3A = arith.constant 0 : i32
      %dma_start3A_29 = tpu.memref_slice %arg6[%run_scoped3A_20, %dma_start3A] : memref<8x128xi32, #tpu.memory_space<vmem>> -> memref<1x128xi32, #tpu.memory_space<vmem>>
      %dma_start3A_30 = tpu.memref_squeeze %dma_start3A_29 : memref<1x128xi32, #tpu.memory_space<vmem>> -> memref<128xi32, #tpu.memory_space<vmem>>
      %dma_start3A_31 = arith.constant 0 : i32
      %dma_start3A_32 = arith.constant 0 : i32
      %dma_start3A_33 = tpu.memref_slice %arg7[%dma_start3A_31, %dma_start3A_32] : memref<4096x16xf32, #tpu.memory_space<vmem_shared>> -> memref<4096x16xf32, #tpu.memory_space<vmem_shared>>
      tpu.enqueue_indirect_dma source(%arg5 : memref<128x16xf32, #tpu.memory_space<vmem>>) target(%dma_start3A_33 : memref<4096x16xf32, #tpu.memory_space<vmem_shared>>) offsets(%dma_start3A_30 : memref<128xi32, #tpu.memory_space<vmem>>) semaphore(%run_scoped3A_28 : memref<!tpu.dma_semaphore, #tpu.memory_space<semaphore_mem>>) {add = true}
      %dma_wait3A = arith.constant 0 : i32
      %dma_wait3A_34 = tpu.memref_slice %arg6[%run_scoped3A_20, %dma_wait3A] : memref<8x128xi32, #tpu.memory_space<vmem>> -> memref<1x128xi32, #tpu.memory_space<vmem>>
      %dma_wait3A_35 = tpu.memref_squeeze %dma_wait3A_34 : memref<1x128xi32, #tpu.memory_space<vmem>> -> memref<128xi32, #tpu.memory_space<vmem>>
      %dma_wait3A_36 = arith.constant 0 : i32
      %dma_wait3A_37 = arith.constant 0 : i32
      %dma_wait3A_38 = tpu.memref_slice %arg7[%dma_wait3A_36, %dma_wait3A_37] : memref<4096x16xf32, #tpu.memory_space<vmem_shared>> -> memref<4096x16xf32, #tpu.memory_space<vmem_shared>>
      tpu.wait_indirect_dma semaphore(%run_scoped3A_28 : memref<!tpu.dma_semaphore, #tpu.memory_space<semaphore_mem>>) src(%arg5 : memref<128x16xf32, #tpu.memory_space<vmem>>) dst(%dma_wait3A_38 : memref<4096x16xf32, #tpu.memory_space<vmem_shared>>)
      tpu.yield
    }) : () -> ()
    %run_scoped3A_21 = arith.constant 6 : i32
    "tpu.region"() ({
      %run_scoped3A_28 = tpu.sem_alloc : memref<!tpu.dma_semaphore, #tpu.memory_space<semaphore_mem>>
      %dma_start3A = arith.constant 0 : i32
      %dma_start3A_29 = tpu.memref_slice %arg6[%run_scoped3A_21, %dma_start3A] : memref<8x128xi32, #tpu.memory_space<vmem>> -> memref<1x128xi32, #tpu.memory_space<vmem>>
      %dma_start3A_30 = tpu.memref_squeeze %dma_start3A_29 : memref<1x128xi32, #tpu.memory_space<vmem>> -> memref<128xi32, #tpu.memory_space<vmem>>
      %dma_start3A_31 = arith.constant 0 : i32
      %dma_start3A_32 = arith.constant 0 : i32
      %dma_start3A_33 = tpu.memref_slice %arg7[%dma_start3A_31, %dma_start3A_32] : memref<4096x16xf32, #tpu.memory_space<vmem_shared>> -> memref<4096x16xf32, #tpu.memory_space<vmem_shared>>
      tpu.enqueue_indirect_dma source(%arg5 : memref<128x16xf32, #tpu.memory_space<vmem>>) target(%dma_start3A_33 : memref<4096x16xf32, #tpu.memory_space<vmem_shared>>) offsets(%dma_start3A_30 : memref<128xi32, #tpu.memory_space<vmem>>) semaphore(%run_scoped3A_28 : memref<!tpu.dma_semaphore, #tpu.memory_space<semaphore_mem>>) {add = true}
      %dma_wait3A = arith.constant 0 : i32
      %dma_wait3A_34 = tpu.memref_slice %arg6[%run_scoped3A_21, %dma_wait3A] : memref<8x128xi32, #tpu.memory_space<vmem>> -> memref<1x128xi32, #tpu.memory_space<vmem>>
      %dma_wait3A_35 = tpu.memref_squeeze %dma_wait3A_34 : memref<1x128xi32, #tpu.memory_space<vmem>> -> memref<128xi32, #tpu.memory_space<vmem>>
      %dma_wait3A_36 = arith.constant 0 : i32
      %dma_wait3A_37 = arith.constant 0 : i32
      %dma_wait3A_38 = tpu.memref_slice %arg7[%dma_wait3A_36, %dma_wait3A_37] : memref<4096x16xf32, #tpu.memory_space<vmem_shared>> -> memref<4096x16xf32, #tpu.memory_space<vmem_shared>>
      tpu.wait_indirect_dma semaphore(%run_scoped3A_28 : memref<!tpu.dma_semaphore, #tpu.memory_space<semaphore_mem>>) src(%arg5 : memref<128x16xf32, #tpu.memory_space<vmem>>) dst(%dma_wait3A_38 : memref<4096x16xf32, #tpu.memory_space<vmem_shared>>)
      tpu.yield
    }) : () -> ()
    %run_scoped3A_22 = arith.constant 7 : i32
    "tpu.region"() ({
      %run_scoped3A_28 = tpu.sem_alloc : memref<!tpu.dma_semaphore, #tpu.memory_space<semaphore_mem>>
      %dma_start3A = arith.constant 0 : i32
      %dma_start3A_29 = tpu.memref_slice %arg6[%run_scoped3A_22, %dma_start3A] : memref<8x128xi32, #tpu.memory_space<vmem>> -> memref<1x128xi32, #tpu.memory_space<vmem>>
      %dma_start3A_30 = tpu.memref_squeeze %dma_start3A_29 : memref<1x128xi32, #tpu.memory_space<vmem>> -> memref<128xi32, #tpu.memory_space<vmem>>
      %dma_start3A_31 = arith.constant 0 : i32
      %dma_start3A_32 = arith.constant 0 : i32
      %dma_start3A_33 = tpu.memref_slice %arg7[%dma_start3A_31, %dma_start3A_32] : memref<4096x16xf32, #tpu.memory_space<vmem_shared>> -> memref<4096x16xf32, #tpu.memory_space<vmem_shared>>
      tpu.enqueue_indirect_dma source(%arg5 : memref<128x16xf32, #tpu.memory_space<vmem>>) target(%dma_start3A_33 : memref<4096x16xf32, #tpu.memory_space<vmem_shared>>) offsets(%dma_start3A_30 : memref<128xi32, #tpu.memory_space<vmem>>) semaphore(%run_scoped3A_28 : memref<!tpu.dma_semaphore, #tpu.memory_space<semaphore_mem>>) {add = true}
      %dma_wait3A = arith.constant 0 : i32
      %dma_wait3A_34 = tpu.memref_slice %arg6[%run_scoped3A_22, %dma_wait3A] : memref<8x128xi32, #tpu.memory_space<vmem>> -> memref<1x128xi32, #tpu.memory_space<vmem>>
      %dma_wait3A_35 = tpu.memref_squeeze %dma_wait3A_34 : memref<1x128xi32, #tpu.memory_space<vmem>> -> memref<128xi32, #tpu.memory_space<vmem>>
      %dma_wait3A_36 = arith.constant 0 : i32
      %dma_wait3A_37 = arith.constant 0 : i32
      %dma_wait3A_38 = tpu.memref_slice %arg7[%dma_wait3A_36, %dma_wait3A_37] : memref<4096x16xf32, #tpu.memory_space<vmem_shared>> -> memref<4096x16xf32, #tpu.memory_space<vmem_shared>>
      tpu.wait_indirect_dma semaphore(%run_scoped3A_28 : memref<!tpu.dma_semaphore, #tpu.memory_space<semaphore_mem>>) src(%arg5 : memref<128x16xf32, #tpu.memory_space<vmem>>) dst(%dma_wait3A_38 : memref<4096x16xf32, #tpu.memory_space<vmem_shared>>)
      tpu.yield
    }) : () -> ()
    %barrier3A_23 = arith.constant 0 : index
    tpu.barrier barrier_id(%barrier3A_23)
    %mul3A_24 = arith.constant 256 : i32
    %mul3A_25 = arith.muli %arg1, %mul3A_24 : i32
    %mul3A_26 = arith.constant 256 : i32
    %mul3A_27 = arith.muli %arg1, %mul3A_26 : i32
    "tpu.region"() ({
      %run_scoped3A_28 = tpu.sem_alloc : memref<!tpu.dma_semaphore, #tpu.memory_space<semaphore_mem>>
      %dma_start3A = arith.constant 0 : i32
      %dma_start3A_29 = tpu.memref_slice %arg3[%arg0, %mul3A_27, %dma_start3A] : memref<2x4096x16xf32, #tpu.memory_space<hbm>> -> memref<1x256x16xf32, #tpu.memory_space<hbm>>
      %dma_start3A_30 = tpu.memref_squeeze %dma_start3A_29 : memref<1x256x16xf32, #tpu.memory_space<hbm>> -> memref<256x16xf32, #tpu.memory_space<hbm>>
      %dma_start3A_31 = arith.constant 0 : i32
      %dma_start3A_32 = tpu.memref_slice %arg7[%mul3A_25, %dma_start3A_31] : memref<4096x16xf32, #tpu.memory_space<vmem_shared>> -> memref<256x16xf32, #tpu.memory_space<vmem_shared>>
      tpu.enqueue_dma source(%dma_start3A_32 : memref<256x16xf32, #tpu.memory_space<vmem_shared>>) target(%dma_start3A_30 : memref<256x16xf32, #tpu.memory_space<hbm>>) target_semaphore(%run_scoped3A_28 : memref<!tpu.dma_semaphore, #tpu.memory_space<semaphore_mem>>)
      %dma_wait3A = arith.constant 0 : i32
      %dma_wait3A_33 = tpu.memref_slice %arg3[%arg0, %mul3A_27, %dma_wait3A] : memref<2x4096x16xf32, #tpu.memory_space<hbm>> -> memref<1x256x16xf32, #tpu.memory_space<hbm>>
      %dma_wait3A_34 = tpu.memref_squeeze %dma_wait3A_33 : memref<1x256x16xf32, #tpu.memory_space<hbm>> -> memref<256x16xf32, #tpu.memory_space<hbm>>
      %dma_wait3A_35 = arith.constant 0 : i32
      %dma_wait3A_36 = tpu.memref_slice %arg7[%mul3A_25, %dma_wait3A_35] : memref<4096x16xf32, #tpu.memory_space<vmem_shared>> -> memref<256x16xf32, #tpu.memory_space<vmem_shared>>
      tpu.wait_dma2 semaphore(%run_scoped3A_28 : memref<!tpu.dma_semaphore, #tpu.memory_space<semaphore_mem>>) src(%dma_wait3A_36 : memref<256x16xf32, #tpu.memory_space<vmem_shared>>) dst(%dma_wait3A_34 : memref<256x16xf32, #tpu.memory_space<hbm>>)
      tpu.yield
    }) : () -> ()
    return
  }
}

#map = affine_map<(d0, d1) -> (0, 0, 0)>
module attributes {stable_mosaic.version = 14 : i64} {
  func.func @_scatter_body(%arg0: i32, %arg1: i32, %arg2: memref<2x4096x128xf32, #tpu.memory_space<hbm>>, %arg3: memref<32x8x128xi32, #tpu.memory_space<hbm>>, %arg4: memref<2x4096x128xf32, #tpu.memory_space<hbm>>, %arg5: memref<2x128x128xf32, #tpu.memory_space<vmem>>, %arg6: memref<2x8x128xi32, #tpu.memory_space<vmem>>, %arg7: memref<4096x128xf32, #tpu.memory_space<vmem_shared>>) attributes {dimension_semantics = [#tpu.dimension_semantics<core_parallel>, #tpu.dimension_semantics<subcore_parallel>], iteration_bounds = array<i64: 2, 16>, scalar_prefetch = 0 : i64, scratch_operands = 3 : i64, tpu.core_type = #tpu.core_type<sc_vector_subcore>, window_params = [{transform_indices = #map}, {transform_indices = #map}, {transform_indices = #map}]} {
    %mul3A = arith.constant 256 : i32
    %mul3A_0 = arith.muli %arg1, %mul3A : i32
    %add3A = arith.constant 0 : i32
    %add3A_1 = arith.addi %mul3A_0, %add3A : i32
    %run_scoped3A = arith.constant 0 : i32
    "tpu.region"() ({
      %run_scoped3A_72 = tpu.sem_alloc : memref<!tpu.dma_semaphore, #tpu.memory_space<semaphore_mem>>
      %dma_start3A = arith.constant 0 : i32
      %dma_start3A_73 = arith.constant 0 : i32
      %dma_start3A_74 = tpu.memref_slice %arg5[%run_scoped3A, %dma_start3A, %dma_start3A_73] : memref<2x128x128xf32, #tpu.memory_space<vmem>> -> memref<1x128x128xf32, #tpu.memory_space<vmem>>
      %dma_start3A_75 = tpu.memref_squeeze %dma_start3A_74 : memref<1x128x128xf32, #tpu.memory_space<vmem>> -> memref<128x128xf32, #tpu.memory_space<vmem>>
      %dma_start3A_76 = arith.constant 0 : i32
      %dma_start3A_77 = tpu.memref_slice %arg2[%arg0, %add3A_1, %dma_start3A_76] : memref<2x4096x128xf32, #tpu.memory_space<hbm>> -> memref<1x128x128xf32, #tpu.memory_space<hbm>>
      %dma_start3A_78 = tpu.memref_squeeze %dma_start3A_77 : memref<1x128x128xf32, #tpu.memory_space<hbm>> -> memref<128x128xf32, #tpu.memory_space<hbm>>
      %dma_start3A_79 = arith.constant 0 : i32
      %dma_start3A_80 = arith.constant 0 : i32
      %dma_start3A_81 = tpu.memref_slice %arg5[%run_scoped3A, %dma_start3A_79, %dma_start3A_80] : memref<2x128x128xf32, #tpu.memory_space<vmem>> -> memref<1x128x128xf32, #tpu.memory_space<vmem>>
      %dma_start3A_82 = tpu.memref_squeeze %dma_start3A_81 : memref<1x128x128xf32, #tpu.memory_space<vmem>> -> memref<128x128xf32, #tpu.memory_space<vmem>>
      %dma_start3A_83 = arith.constant 0 : i32
      %dma_start3A_84 = tpu.memref_slice %arg2[%arg0, %add3A_1, %dma_start3A_83] : memref<2x4096x128xf32, #tpu.memory_space<hbm>> -> memref<1x128x128xf32, #tpu.memory_space<hbm>>
      %dma_start3A_85 = tpu.memref_squeeze %dma_start3A_84 : memref<1x128x128xf32, #tpu.memory_space<hbm>> -> memref<128x128xf32, #tpu.memory_space<hbm>>
      tpu.enqueue_dma source(%dma_start3A_85 : memref<128x128xf32, #tpu.memory_space<hbm>>) target(%dma_start3A_82 : memref<128x128xf32, #tpu.memory_space<vmem>>) target_semaphore(%run_scoped3A_72 : memref<!tpu.dma_semaphore, #tpu.memory_space<semaphore_mem>>)
      %dma_wait3A = arith.constant 0 : i32
      %dma_wait3A_86 = arith.constant 0 : i32
      %dma_wait3A_87 = tpu.memref_slice %arg5[%run_scoped3A, %dma_wait3A, %dma_wait3A_86] : memref<2x128x128xf32, #tpu.memory_space<vmem>> -> memref<1x128x128xf32, #tpu.memory_space<vmem>>
      %dma_wait3A_88 = tpu.memref_squeeze %dma_wait3A_87 : memref<1x128x128xf32, #tpu.memory_space<vmem>> -> memref<128x128xf32, #tpu.memory_space<vmem>>
      %dma_wait3A_89 = arith.constant 0 : i32
      %dma_wait3A_90 = tpu.memref_slice %arg2[%arg0, %add3A_1, %dma_wait3A_89] : memref<2x4096x128xf32, #tpu.memory_space<hbm>> -> memref<1x128x128xf32, #tpu.memory_space<hbm>>
      %dma_wait3A_91 = tpu.memref_squeeze %dma_wait3A_90 : memref<1x128x128xf32, #tpu.memory_space<hbm>> -> memref<128x128xf32, #tpu.memory_space<hbm>>
      %dma_wait3A_92 = arith.constant 0 : i32
      %dma_wait3A_93 = arith.constant 0 : i32
      %dma_wait3A_94 = tpu.memref_slice %arg5[%run_scoped3A, %dma_wait3A_92, %dma_wait3A_93] : memref<2x128x128xf32, #tpu.memory_space<vmem>> -> memref<1x128x128xf32, #tpu.memory_space<vmem>>
      %dma_wait3A_95 = tpu.memref_squeeze %dma_wait3A_94 : memref<1x128x128xf32, #tpu.memory_space<vmem>> -> memref<128x128xf32, #tpu.memory_space<vmem>>
      %dma_wait3A_96 = arith.constant 0 : i32
      %dma_wait3A_97 = tpu.memref_slice %arg2[%arg0, %add3A_1, %dma_wait3A_96] : memref<2x4096x128xf32, #tpu.memory_space<hbm>> -> memref<1x128x128xf32, #tpu.memory_space<hbm>>
      %dma_wait3A_98 = tpu.memref_squeeze %dma_wait3A_97 : memref<1x128x128xf32, #tpu.memory_space<hbm>> -> memref<128x128xf32, #tpu.memory_space<hbm>>
      tpu.wait_dma2 semaphore(%run_scoped3A_72 : memref<!tpu.dma_semaphore, #tpu.memory_space<semaphore_mem>>) src(%dma_wait3A_98 : memref<128x128xf32, #tpu.memory_space<hbm>>) dst(%dma_wait3A_95 : memref<128x128xf32, #tpu.memory_space<vmem>>)
      tpu.yield
    }) : () -> ()
    %mul3A_2 = arith.constant 2 : i32
    %mul3A_3 = arith.muli %mul3A_2, %arg1 : i32
    %add3A_4 = arith.constant 0 : i32
    %add3A_5 = arith.addi %mul3A_3, %add3A_4 : i32
    %run_scoped3A_6 = arith.constant 0 : i32
    "tpu.region"() ({
      %run_scoped3A_72 = tpu.sem_alloc : memref<!tpu.dma_semaphore, #tpu.memory_space<semaphore_mem>>
      %dma_start3A = arith.constant 0 : i32
      %dma_start3A_73 = arith.constant 0 : i32
      %dma_start3A_74 = tpu.memref_slice %arg6[%run_scoped3A_6, %dma_start3A, %dma_start3A_73] : memref<2x8x128xi32, #tpu.memory_space<vmem>> -> memref<1x8x128xi32, #tpu.memory_space<vmem>>
      %dma_start3A_75 = tpu.memref_squeeze %dma_start3A_74 : memref<1x8x128xi32, #tpu.memory_space<vmem>> -> memref<8x128xi32, #tpu.memory_space<vmem>>
      %dma_start3A_76 = arith.constant 0 : i32
      %dma_start3A_77 = arith.constant 0 : i32
      %dma_start3A_78 = tpu.memref_slice %arg3[%add3A_5, %dma_start3A_76, %dma_start3A_77] : memref<32x8x128xi32, #tpu.memory_space<hbm>> -> memref<1x8x128xi32, #tpu.memory_space<hbm>>
      %dma_start3A_79 = tpu.memref_squeeze %dma_start3A_78 : memref<1x8x128xi32, #tpu.memory_space<hbm>> -> memref<8x128xi32, #tpu.memory_space<hbm>>
      %dma_start3A_80 = arith.constant 0 : i32
      %dma_start3A_81 = arith.constant 0 : i32
      %dma_start3A_82 = tpu.memref_slice %arg6[%run_scoped3A_6, %dma_start3A_80, %dma_start3A_81] : memref<2x8x128xi32, #tpu.memory_space<vmem>> -> memref<1x8x128xi32, #tpu.memory_space<vmem>>
      %dma_start3A_83 = tpu.memref_squeeze %dma_start3A_82 : memref<1x8x128xi32, #tpu.memory_space<vmem>> -> memref<8x128xi32, #tpu.memory_space<vmem>>
      %dma_start3A_84 = arith.constant 0 : i32
      %dma_start3A_85 = arith.constant 0 : i32
      %dma_start3A_86 = tpu.memref_slice %arg3[%add3A_5, %dma_start3A_84, %dma_start3A_85] : memref<32x8x128xi32, #tpu.memory_space<hbm>> -> memref<1x8x128xi32, #tpu.memory_space<hbm>>
      %dma_start3A_87 = tpu.memref_squeeze %dma_start3A_86 : memref<1x8x128xi32, #tpu.memory_space<hbm>> -> memref<8x128xi32, #tpu.memory_space<hbm>>
      tpu.enqueue_dma source(%dma_start3A_87 : memref<8x128xi32, #tpu.memory_space<hbm>>) target(%dma_start3A_83 : memref<8x128xi32, #tpu.memory_space<vmem>>) target_semaphore(%run_scoped3A_72 : memref<!tpu.dma_semaphore, #tpu.memory_space<semaphore_mem>>)
      %dma_wait3A = arith.constant 0 : i32
      %dma_wait3A_88 = arith.constant 0 : i32
      %dma_wait3A_89 = tpu.memref_slice %arg6[%run_scoped3A_6, %dma_wait3A, %dma_wait3A_88] : memref<2x8x128xi32, #tpu.memory_space<vmem>> -> memref<1x8x128xi32, #tpu.memory_space<vmem>>
      %dma_wait3A_90 = tpu.memref_squeeze %dma_wait3A_89 : memref<1x8x128xi32, #tpu.memory_space<vmem>> -> memref<8x128xi32, #tpu.memory_space<vmem>>
      %dma_wait3A_91 = arith.constant 0 : i32
      %dma_wait3A_92 = arith.constant 0 : i32
      %dma_wait3A_93 = tpu.memref_slice %arg3[%add3A_5, %dma_wait3A_91, %dma_wait3A_92] : memref<32x8x128xi32, #tpu.memory_space<hbm>> -> memref<1x8x128xi32, #tpu.memory_space<hbm>>
      %dma_wait3A_94 = tpu.memref_squeeze %dma_wait3A_93 : memref<1x8x128xi32, #tpu.memory_space<hbm>> -> memref<8x128xi32, #tpu.memory_space<hbm>>
      %dma_wait3A_95 = arith.constant 0 : i32
      %dma_wait3A_96 = arith.constant 0 : i32
      %dma_wait3A_97 = tpu.memref_slice %arg6[%run_scoped3A_6, %dma_wait3A_95, %dma_wait3A_96] : memref<2x8x128xi32, #tpu.memory_space<vmem>> -> memref<1x8x128xi32, #tpu.memory_space<vmem>>
      %dma_wait3A_98 = tpu.memref_squeeze %dma_wait3A_97 : memref<1x8x128xi32, #tpu.memory_space<vmem>> -> memref<8x128xi32, #tpu.memory_space<vmem>>
      %dma_wait3A_99 = arith.constant 0 : i32
      %dma_wait3A_100 = arith.constant 0 : i32
      %dma_wait3A_101 = tpu.memref_slice %arg3[%add3A_5, %dma_wait3A_99, %dma_wait3A_100] : memref<32x8x128xi32, #tpu.memory_space<hbm>> -> memref<1x8x128xi32, #tpu.memory_space<hbm>>
      %dma_wait3A_102 = tpu.memref_squeeze %dma_wait3A_101 : memref<1x8x128xi32, #tpu.memory_space<hbm>> -> memref<8x128xi32, #tpu.memory_space<hbm>>
      tpu.wait_dma2 semaphore(%run_scoped3A_72 : memref<!tpu.dma_semaphore, #tpu.memory_space<semaphore_mem>>) src(%dma_wait3A_102 : memref<8x128xi32, #tpu.memory_space<hbm>>) dst(%dma_wait3A_98 : memref<8x128xi32, #tpu.memory_space<vmem>>)
      tpu.yield
    }) : () -> ()
    %run_scoped3A_7 = arith.constant 0 : i32
    "tpu.region"() ({
      %run_scoped3A_72 = tpu.sem_alloc : memref<!tpu.dma_semaphore, #tpu.memory_space<semaphore_mem>>
      %dma_start3A = arith.constant 0 : i32
      %dma_start3A_73 = arith.constant 0 : i32
      %dma_start3A_74 = tpu.memref_slice %arg5[%run_scoped3A_7, %dma_start3A, %dma_start3A_73] : memref<2x128x128xf32, #tpu.memory_space<vmem>> -> memref<1x128x128xf32, #tpu.memory_space<vmem>>
      %dma_start3A_75 = tpu.memref_squeeze %dma_start3A_74 : memref<1x128x128xf32, #tpu.memory_space<vmem>> -> memref<128x128xf32, #tpu.memory_space<vmem>>
      %dma_start3A_76 = arith.constant 0 : i32
      %dma_start3A_77 = tpu.memref_slice %arg7[%add3A_1, %dma_start3A_76] : memref<4096x128xf32, #tpu.memory_space<vmem_shared>> -> memref<128x128xf32, #tpu.memory_space<vmem_shared>>
      %dma_start3A_78 = arith.constant 0 : i32
      %dma_start3A_79 = tpu.memref_slice %arg7[%add3A_1, %dma_start3A_78] : memref<4096x128xf32, #tpu.memory_space<vmem_shared>> -> memref<128x128xf32, #tpu.memory_space<vmem_shared>>
      %dma_start3A_80 = arith.constant 0 : i32
      %dma_start3A_81 = arith.constant 0 : i32
      %dma_start3A_82 = tpu.memref_slice %arg5[%run_scoped3A_7, %dma_start3A_80, %dma_start3A_81] : memref<2x128x128xf32, #tpu.memory_space<vmem>> -> memref<1x128x128xf32, #tpu.memory_space<vmem>>
      %dma_start3A_83 = tpu.memref_squeeze %dma_start3A_82 : memref<1x128x128xf32, #tpu.memory_space<vmem>> -> memref<128x128xf32, #tpu.memory_space<vmem>>
      tpu.enqueue_dma source(%dma_start3A_83 : memref<128x128xf32, #tpu.memory_space<vmem>>) target(%dma_start3A_79 : memref<128x128xf32, #tpu.memory_space<vmem_shared>>) target_semaphore(%run_scoped3A_72 : memref<!tpu.dma_semaphore, #tpu.memory_space<semaphore_mem>>)
      %dma_wait3A = arith.constant 0 : i32
      %dma_wait3A_84 = arith.constant 0 : i32
      %dma_wait3A_85 = tpu.memref_slice %arg5[%run_scoped3A_7, %dma_wait3A, %dma_wait3A_84] : memref<2x128x128xf32, #tpu.memory_space<vmem>> -> memref<1x128x128xf32, #tpu.memory_space<vmem>>
      %dma_wait3A_86 = tpu.memref_squeeze %dma_wait3A_85 : memref<1x128x128xf32, #tpu.memory_space<vmem>> -> memref<128x128xf32, #tpu.memory_space<vmem>>
      %dma_wait3A_87 = arith.constant 0 : i32
      %dma_wait3A_88 = tpu.memref_slice %arg7[%add3A_1, %dma_wait3A_87] : memref<4096x128xf32, #tpu.memory_space<vmem_shared>> -> memref<128x128xf32, #tpu.memory_space<vmem_shared>>
      %dma_wait3A_89 = arith.constant 0 : i32
      %dma_wait3A_90 = tpu.memref_slice %arg7[%add3A_1, %dma_wait3A_89] : memref<4096x128xf32, #tpu.memory_space<vmem_shared>> -> memref<128x128xf32, #tpu.memory_space<vmem_shared>>
      %dma_wait3A_91 = arith.constant 0 : i32
      %dma_wait3A_92 = arith.constant 0 : i32
      %dma_wait3A_93 = tpu.memref_slice %arg5[%run_scoped3A_7, %dma_wait3A_91, %dma_wait3A_92] : memref<2x128x128xf32, #tpu.memory_space<vmem>> -> memref<1x128x128xf32, #tpu.memory_space<vmem>>
      %dma_wait3A_94 = tpu.memref_squeeze %dma_wait3A_93 : memref<1x128x128xf32, #tpu.memory_space<vmem>> -> memref<128x128xf32, #tpu.memory_space<vmem>>
      tpu.wait_dma2 semaphore(%run_scoped3A_72 : memref<!tpu.dma_semaphore, #tpu.memory_space<semaphore_mem>>) src(%dma_wait3A_94 : memref<128x128xf32, #tpu.memory_space<vmem>>) dst(%dma_wait3A_90 : memref<128x128xf32, #tpu.memory_space<vmem_shared>>)
      tpu.yield
    }) : () -> ()
    %mul3A_8 = arith.constant 256 : i32
    %mul3A_9 = arith.muli %arg1, %mul3A_8 : i32
    %add3A_10 = arith.constant 128 : i32
    %add3A_11 = arith.addi %mul3A_9, %add3A_10 : i32
    %run_scoped3A_12 = arith.constant 1 : i32
    "tpu.region"() ({
      %run_scoped3A_72 = tpu.sem_alloc : memref<!tpu.dma_semaphore, #tpu.memory_space<semaphore_mem>>
      %dma_start3A = arith.constant 0 : i32
      %dma_start3A_73 = arith.constant 0 : i32
      %dma_start3A_74 = tpu.memref_slice %arg5[%run_scoped3A_12, %dma_start3A, %dma_start3A_73] : memref<2x128x128xf32, #tpu.memory_space<vmem>> -> memref<1x128x128xf32, #tpu.memory_space<vmem>>
      %dma_start3A_75 = tpu.memref_squeeze %dma_start3A_74 : memref<1x128x128xf32, #tpu.memory_space<vmem>> -> memref<128x128xf32, #tpu.memory_space<vmem>>
      %dma_start3A_76 = arith.constant 0 : i32
      %dma_start3A_77 = tpu.memref_slice %arg2[%arg0, %add3A_11, %dma_start3A_76] : memref<2x4096x128xf32, #tpu.memory_space<hbm>> -> memref<1x128x128xf32, #tpu.memory_space<hbm>>
      %dma_start3A_78 = tpu.memref_squeeze %dma_start3A_77 : memref<1x128x128xf32, #tpu.memory_space<hbm>> -> memref<128x128xf32, #tpu.memory_space<hbm>>
      %dma_start3A_79 = arith.constant 0 : i32
      %dma_start3A_80 = arith.constant 0 : i32
      %dma_start3A_81 = tpu.memref_slice %arg5[%run_scoped3A_12, %dma_start3A_79, %dma_start3A_80] : memref<2x128x128xf32, #tpu.memory_space<vmem>> -> memref<1x128x128xf32, #tpu.memory_space<vmem>>
      %dma_start3A_82 = tpu.memref_squeeze %dma_start3A_81 : memref<1x128x128xf32, #tpu.memory_space<vmem>> -> memref<128x128xf32, #tpu.memory_space<vmem>>
      %dma_start3A_83 = arith.constant 0 : i32
      %dma_start3A_84 = tpu.memref_slice %arg2[%arg0, %add3A_11, %dma_start3A_83] : memref<2x4096x128xf32, #tpu.memory_space<hbm>> -> memref<1x128x128xf32, #tpu.memory_space<hbm>>
      %dma_start3A_85 = tpu.memref_squeeze %dma_start3A_84 : memref<1x128x128xf32, #tpu.memory_space<hbm>> -> memref<128x128xf32, #tpu.memory_space<hbm>>
      tpu.enqueue_dma source(%dma_start3A_85 : memref<128x128xf32, #tpu.memory_space<hbm>>) target(%dma_start3A_82 : memref<128x128xf32, #tpu.memory_space<vmem>>) target_semaphore(%run_scoped3A_72 : memref<!tpu.dma_semaphore, #tpu.memory_space<semaphore_mem>>)
      %dma_wait3A = arith.constant 0 : i32
      %dma_wait3A_86 = arith.constant 0 : i32
      %dma_wait3A_87 = tpu.memref_slice %arg5[%run_scoped3A_12, %dma_wait3A, %dma_wait3A_86] : memref<2x128x128xf32, #tpu.memory_space<vmem>> -> memref<1x128x128xf32, #tpu.memory_space<vmem>>
      %dma_wait3A_88 = tpu.memref_squeeze %dma_wait3A_87 : memref<1x128x128xf32, #tpu.memory_space<vmem>> -> memref<128x128xf32, #tpu.memory_space<vmem>>
      %dma_wait3A_89 = arith.constant 0 : i32
      %dma_wait3A_90 = tpu.memref_slice %arg2[%arg0, %add3A_11, %dma_wait3A_89] : memref<2x4096x128xf32, #tpu.memory_space<hbm>> -> memref<1x128x128xf32, #tpu.memory_space<hbm>>
      %dma_wait3A_91 = tpu.memref_squeeze %dma_wait3A_90 : memref<1x128x128xf32, #tpu.memory_space<hbm>> -> memref<128x128xf32, #tpu.memory_space<hbm>>
      %dma_wait3A_92 = arith.constant 0 : i32
      %dma_wait3A_93 = arith.constant 0 : i32
      %dma_wait3A_94 = tpu.memref_slice %arg5[%run_scoped3A_12, %dma_wait3A_92, %dma_wait3A_93] : memref<2x128x128xf32, #tpu.memory_space<vmem>> -> memref<1x128x128xf32, #tpu.memory_space<vmem>>
      %dma_wait3A_95 = tpu.memref_squeeze %dma_wait3A_94 : memref<1x128x128xf32, #tpu.memory_space<vmem>> -> memref<128x128xf32, #tpu.memory_space<vmem>>
      %dma_wait3A_96 = arith.constant 0 : i32
      %dma_wait3A_97 = tpu.memref_slice %arg2[%arg0, %add3A_11, %dma_wait3A_96] : memref<2x4096x128xf32, #tpu.memory_space<hbm>> -> memref<1x128x128xf32, #tpu.memory_space<hbm>>
      %dma_wait3A_98 = tpu.memref_squeeze %dma_wait3A_97 : memref<1x128x128xf32, #tpu.memory_space<hbm>> -> memref<128x128xf32, #tpu.memory_space<hbm>>
      tpu.wait_dma2 semaphore(%run_scoped3A_72 : memref<!tpu.dma_semaphore, #tpu.memory_space<semaphore_mem>>) src(%dma_wait3A_98 : memref<128x128xf32, #tpu.memory_space<hbm>>) dst(%dma_wait3A_95 : memref<128x128xf32, #tpu.memory_space<vmem>>)
      tpu.yield
    }) : () -> ()
    %mul3A_13 = arith.constant 2 : i32
    %mul3A_14 = arith.muli %mul3A_13, %arg1 : i32
    %add3A_15 = arith.constant 1 : i32
    %add3A_16 = arith.addi %mul3A_14, %add3A_15 : i32
    %run_scoped3A_17 = arith.constant 1 : i32
    "tpu.region"() ({
      %run_scoped3A_72 = tpu.sem_alloc : memref<!tpu.dma_semaphore, #tpu.memory_space<semaphore_mem>>
      %dma_start3A = arith.constant 0 : i32
      %dma_start3A_73 = arith.constant 0 : i32
      %dma_start3A_74 = tpu.memref_slice %arg6[%run_scoped3A_17, %dma_start3A, %dma_start3A_73] : memref<2x8x128xi32, #tpu.memory_space<vmem>> -> memref<1x8x128xi32, #tpu.memory_space<vmem>>
      %dma_start3A_75 = tpu.memref_squeeze %dma_start3A_74 : memref<1x8x128xi32, #tpu.memory_space<vmem>> -> memref<8x128xi32, #tpu.memory_space<vmem>>
      %dma_start3A_76 = arith.constant 0 : i32
      %dma_start3A_77 = arith.constant 0 : i32
      %dma_start3A_78 = tpu.memref_slice %arg3[%add3A_16, %dma_start3A_76, %dma_start3A_77] : memref<32x8x128xi32, #tpu.memory_space<hbm>> -> memref<1x8x128xi32, #tpu.memory_space<hbm>>
      %dma_start3A_79 = tpu.memref_squeeze %dma_start3A_78 : memref<1x8x128xi32, #tpu.memory_space<hbm>> -> memref<8x128xi32, #tpu.memory_space<hbm>>
      %dma_start3A_80 = arith.constant 0 : i32
      %dma_start3A_81 = arith.constant 0 : i32
      %dma_start3A_82 = tpu.memref_slice %arg6[%run_scoped3A_17, %dma_start3A_80, %dma_start3A_81] : memref<2x8x128xi32, #tpu.memory_space<vmem>> -> memref<1x8x128xi32, #tpu.memory_space<vmem>>
      %dma_start3A_83 = tpu.memref_squeeze %dma_start3A_82 : memref<1x8x128xi32, #tpu.memory_space<vmem>> -> memref<8x128xi32, #tpu.memory_space<vmem>>
      %dma_start3A_84 = arith.constant 0 : i32
      %dma_start3A_85 = arith.constant 0 : i32
      %dma_start3A_86 = tpu.memref_slice %arg3[%add3A_16, %dma_start3A_84, %dma_start3A_85] : memref<32x8x128xi32, #tpu.memory_space<hbm>> -> memref<1x8x128xi32, #tpu.memory_space<hbm>>
      %dma_start3A_87 = tpu.memref_squeeze %dma_start3A_86 : memref<1x8x128xi32, #tpu.memory_space<hbm>> -> memref<8x128xi32, #tpu.memory_space<hbm>>
      tpu.enqueue_dma source(%dma_start3A_87 : memref<8x128xi32, #tpu.memory_space<hbm>>) target(%dma_start3A_83 : memref<8x128xi32, #tpu.memory_space<vmem>>) target_semaphore(%run_scoped3A_72 : memref<!tpu.dma_semaphore, #tpu.memory_space<semaphore_mem>>)
      %dma_wait3A = arith.constant 0 : i32
      %dma_wait3A_88 = arith.constant 0 : i32
      %dma_wait3A_89 = tpu.memref_slice %arg6[%run_scoped3A_17, %dma_wait3A, %dma_wait3A_88] : memref<2x8x128xi32, #tpu.memory_space<vmem>> -> memref<1x8x128xi32, #tpu.memory_space<vmem>>
      %dma_wait3A_90 = tpu.memref_squeeze %dma_wait3A_89 : memref<1x8x128xi32, #tpu.memory_space<vmem>> -> memref<8x128xi32, #tpu.memory_space<vmem>>
      %dma_wait3A_91 = arith.constant 0 : i32
      %dma_wait3A_92 = arith.constant 0 : i32
      %dma_wait3A_93 = tpu.memref_slice %arg3[%add3A_16, %dma_wait3A_91, %dma_wait3A_92] : memref<32x8x128xi32, #tpu.memory_space<hbm>> -> memref<1x8x128xi32, #tpu.memory_space<hbm>>
      %dma_wait3A_94 = tpu.memref_squeeze %dma_wait3A_93 : memref<1x8x128xi32, #tpu.memory_space<hbm>> -> memref<8x128xi32, #tpu.memory_space<hbm>>
      %dma_wait3A_95 = arith.constant 0 : i32
      %dma_wait3A_96 = arith.constant 0 : i32
      %dma_wait3A_97 = tpu.memref_slice %arg6[%run_scoped3A_17, %dma_wait3A_95, %dma_wait3A_96] : memref<2x8x128xi32, #tpu.memory_space<vmem>> -> memref<1x8x128xi32, #tpu.memory_space<vmem>>
      %dma_wait3A_98 = tpu.memref_squeeze %dma_wait3A_97 : memref<1x8x128xi32, #tpu.memory_space<vmem>> -> memref<8x128xi32, #tpu.memory_space<vmem>>
      %dma_wait3A_99 = arith.constant 0 : i32
      %dma_wait3A_100 = arith.constant 0 : i32
      %dma_wait3A_101 = tpu.memref_slice %arg3[%add3A_16, %dma_wait3A_99, %dma_wait3A_100] : memref<32x8x128xi32, #tpu.memory_space<hbm>> -> memref<1x8x128xi32, #tpu.memory_space<hbm>>
      %dma_wait3A_102 = tpu.memref_squeeze %dma_wait3A_101 : memref<1x8x128xi32, #tpu.memory_space<hbm>> -> memref<8x128xi32, #tpu.memory_space<hbm>>
      tpu.wait_dma2 semaphore(%run_scoped3A_72 : memref<!tpu.dma_semaphore, #tpu.memory_space<semaphore_mem>>) src(%dma_wait3A_102 : memref<8x128xi32, #tpu.memory_space<hbm>>) dst(%dma_wait3A_98 : memref<8x128xi32, #tpu.memory_space<vmem>>)
      tpu.yield
    }) : () -> ()
    %run_scoped3A_18 = arith.constant 1 : i32
    "tpu.region"() ({
      %run_scoped3A_72 = tpu.sem_alloc : memref<!tpu.dma_semaphore, #tpu.memory_space<semaphore_mem>>
      %dma_start3A = arith.constant 0 : i32
      %dma_start3A_73 = arith.constant 0 : i32
      %dma_start3A_74 = tpu.memref_slice %arg5[%run_scoped3A_18, %dma_start3A, %dma_start3A_73] : memref<2x128x128xf32, #tpu.memory_space<vmem>> -> memref<1x128x128xf32, #tpu.memory_space<vmem>>
      %dma_start3A_75 = tpu.memref_squeeze %dma_start3A_74 : memref<1x128x128xf32, #tpu.memory_space<vmem>> -> memref<128x128xf32, #tpu.memory_space<vmem>>
      %dma_start3A_76 = arith.constant 0 : i32
      %dma_start3A_77 = tpu.memref_slice %arg7[%add3A_11, %dma_start3A_76] : memref<4096x128xf32, #tpu.memory_space<vmem_shared>> -> memref<128x128xf32, #tpu.memory_space<vmem_shared>>
      %dma_start3A_78 = arith.constant 0 : i32
      %dma_start3A_79 = tpu.memref_slice %arg7[%add3A_11, %dma_start3A_78] : memref<4096x128xf32, #tpu.memory_space<vmem_shared>> -> memref<128x128xf32, #tpu.memory_space<vmem_shared>>
      %dma_start3A_80 = arith.constant 0 : i32
      %dma_start3A_81 = arith.constant 0 : i32
      %dma_start3A_82 = tpu.memref_slice %arg5[%run_scoped3A_18, %dma_start3A_80, %dma_start3A_81] : memref<2x128x128xf32, #tpu.memory_space<vmem>> -> memref<1x128x128xf32, #tpu.memory_space<vmem>>
      %dma_start3A_83 = tpu.memref_squeeze %dma_start3A_82 : memref<1x128x128xf32, #tpu.memory_space<vmem>> -> memref<128x128xf32, #tpu.memory_space<vmem>>
      tpu.enqueue_dma source(%dma_start3A_83 : memref<128x128xf32, #tpu.memory_space<vmem>>) target(%dma_start3A_79 : memref<128x128xf32, #tpu.memory_space<vmem_shared>>) target_semaphore(%run_scoped3A_72 : memref<!tpu.dma_semaphore, #tpu.memory_space<semaphore_mem>>)
      %dma_wait3A = arith.constant 0 : i32
      %dma_wait3A_84 = arith.constant 0 : i32
      %dma_wait3A_85 = tpu.memref_slice %arg5[%run_scoped3A_18, %dma_wait3A, %dma_wait3A_84] : memref<2x128x128xf32, #tpu.memory_space<vmem>> -> memref<1x128x128xf32, #tpu.memory_space<vmem>>
      %dma_wait3A_86 = tpu.memref_squeeze %dma_wait3A_85 : memref<1x128x128xf32, #tpu.memory_space<vmem>> -> memref<128x128xf32, #tpu.memory_space<vmem>>
      %dma_wait3A_87 = arith.constant 0 : i32
      %dma_wait3A_88 = tpu.memref_slice %arg7[%add3A_11, %dma_wait3A_87] : memref<4096x128xf32, #tpu.memory_space<vmem_shared>> -> memref<128x128xf32, #tpu.memory_space<vmem_shared>>
      %dma_wait3A_89 = arith.constant 0 : i32
      %dma_wait3A_90 = tpu.memref_slice %arg7[%add3A_11, %dma_wait3A_89] : memref<4096x128xf32, #tpu.memory_space<vmem_shared>> -> memref<128x128xf32, #tpu.memory_space<vmem_shared>>
      %dma_wait3A_91 = arith.constant 0 : i32
      %dma_wait3A_92 = arith.constant 0 : i32
      %dma_wait3A_93 = tpu.memref_slice %arg5[%run_scoped3A_18, %dma_wait3A_91, %dma_wait3A_92] : memref<2x128x128xf32, #tpu.memory_space<vmem>> -> memref<1x128x128xf32, #tpu.memory_space<vmem>>
      %dma_wait3A_94 = tpu.memref_squeeze %dma_wait3A_93 : memref<1x128x128xf32, #tpu.memory_space<vmem>> -> memref<128x128xf32, #tpu.memory_space<vmem>>
      tpu.wait_dma2 semaphore(%run_scoped3A_72 : memref<!tpu.dma_semaphore, #tpu.memory_space<semaphore_mem>>) src(%dma_wait3A_94 : memref<128x128xf32, #tpu.memory_space<vmem>>) dst(%dma_wait3A_90 : memref<128x128xf32, #tpu.memory_space<vmem_shared>>)
      tpu.yield
    }) : () -> ()
    %barrier3A = arith.constant 0 : index
    tpu.barrier barrier_id(%barrier3A)
    %run_scoped3A_19 = arith.constant 0 : i32
    %run_scoped3A_20 = arith.constant 0 : i32
    %run_scoped3A_21 = arith.constant 0 : i32
    "tpu.region"() ({
      %run_scoped3A_72 = tpu.sem_alloc : memref<!tpu.dma_semaphore, #tpu.memory_space<semaphore_mem>>
      %dma_start3A = arith.constant 0 : i32
      %dma_start3A_73 = arith.constant 0 : i32
      %dma_start3A_74 = tpu.memref_slice %arg5[%run_scoped3A_19, %dma_start3A, %dma_start3A_73] : memref<2x128x128xf32, #tpu.memory_space<vmem>> -> memref<1x128x128xf32, #tpu.memory_space<vmem>>
      %dma_start3A_75 = tpu.memref_squeeze %dma_start3A_74 : memref<1x128x128xf32, #tpu.memory_space<vmem>> -> memref<128x128xf32, #tpu.memory_space<vmem>>
      %dma_start3A_76 = arith.constant 0 : i32
      %dma_start3A_77 = tpu.memref_slice %arg6[%run_scoped3A_20, %run_scoped3A_21, %dma_start3A_76] : memref<2x8x128xi32, #tpu.memory_space<vmem>> -> memref<1x1x128xi32, #tpu.memory_space<vmem>>
      %dma_start3A_78 = tpu.memref_squeeze %dma_start3A_77 : memref<1x1x128xi32, #tpu.memory_space<vmem>> -> memref<128xi32, #tpu.memory_space<vmem>>
      %dma_start3A_79 = arith.constant 0 : i32
      %dma_start3A_80 = arith.constant 0 : i32
      %dma_start3A_81 = tpu.memref_slice %arg7[%dma_start3A_79, %dma_start3A_80] : memref<4096x128xf32, #tpu.memory_space<vmem_shared>> -> memref<4096x128xf32, #tpu.memory_space<vmem_shared>>
      tpu.enqueue_indirect_dma source(%dma_start3A_75 : memref<128x128xf32, #tpu.memory_space<vmem>>) target(%dma_start3A_81 : memref<4096x128xf32, #tpu.memory_space<vmem_shared>>) offsets(%dma_start3A_78 : memref<128xi32, #tpu.memory_space<vmem>>) semaphore(%run_scoped3A_72 : memref<!tpu.dma_semaphore, #tpu.memory_space<semaphore_mem>>) {add = true}
      %dma_wait3A = arith.constant 0 : i32
      %dma_wait3A_82 = arith.constant 0 : i32
      %dma_wait3A_83 = tpu.memref_slice %arg5[%run_scoped3A_19, %dma_wait3A, %dma_wait3A_82] : memref<2x128x128xf32, #tpu.memory_space<vmem>> -> memref<1x128x128xf32, #tpu.memory_space<vmem>>
      %dma_wait3A_84 = tpu.memref_squeeze %dma_wait3A_83 : memref<1x128x128xf32, #tpu.memory_space<vmem>> -> memref<128x128xf32, #tpu.memory_space<vmem>>
      %dma_wait3A_85 = arith.constant 0 : i32
      %dma_wait3A_86 = tpu.memref_slice %arg6[%run_scoped3A_20, %run_scoped3A_21, %dma_wait3A_85] : memref<2x8x128xi32, #tpu.memory_space<vmem>> -> memref<1x1x128xi32, #tpu.memory_space<vmem>>
      %dma_wait3A_87 = tpu.memref_squeeze %dma_wait3A_86 : memref<1x1x128xi32, #tpu.memory_space<vmem>> -> memref<128xi32, #tpu.memory_space<vmem>>
      %dma_wait3A_88 = arith.constant 0 : i32
      %dma_wait3A_89 = arith.constant 0 : i32
      %dma_wait3A_90 = tpu.memref_slice %arg7[%dma_wait3A_88, %dma_wait3A_89] : memref<4096x128xf32, #tpu.memory_space<vmem_shared>> -> memref<4096x128xf32, #tpu.memory_space<vmem_shared>>
      tpu.wait_indirect_dma semaphore(%run_scoped3A_72 : memref<!tpu.dma_semaphore, #tpu.memory_space<semaphore_mem>>) src(%dma_wait3A_84 : memref<128x128xf32, #tpu.memory_space<vmem>>) dst(%dma_wait3A_90 : memref<4096x128xf32, #tpu.memory_space<vmem_shared>>)
      tpu.yield
    }) : () -> ()
    %run_scoped3A_22 = arith.constant 0 : i32
    %run_scoped3A_23 = arith.constant 0 : i32
    %run_scoped3A_24 = arith.constant 1 : i32
    "tpu.region"() ({
      %run_scoped3A_72 = tpu.sem_alloc : memref<!tpu.dma_semaphore, #tpu.memory_space<semaphore_mem>>
      %dma_start3A = arith.constant 0 : i32
      %dma_start3A_73 = arith.constant 0 : i32
      %dma_start3A_74 = tpu.memref_slice %arg5[%run_scoped3A_22, %dma_start3A, %dma_start3A_73] : memref<2x128x128xf32, #tpu.memory_space<vmem>> -> memref<1x128x128xf32, #tpu.memory_space<vmem>>
      %dma_start3A_75 = tpu.memref_squeeze %dma_start3A_74 : memref<1x128x128xf32, #tpu.memory_space<vmem>> -> memref<128x128xf32, #tpu.memory_space<vmem>>
      %dma_start3A_76 = arith.constant 0 : i32
      %dma_start3A_77 = tpu.memref_slice %arg6[%run_scoped3A_23, %run_scoped3A_24, %dma_start3A_76] : memref<2x8x128xi32, #tpu.memory_space<vmem>> -> memref<1x1x128xi32, #tpu.memory_space<vmem>>
      %dma_start3A_78 = tpu.memref_squeeze %dma_start3A_77 : memref<1x1x128xi32, #tpu.memory_space<vmem>> -> memref<128xi32, #tpu.memory_space<vmem>>
      %dma_start3A_79 = arith.constant 0 : i32
      %dma_start3A_80 = arith.constant 0 : i32
      %dma_start3A_81 = tpu.memref_slice %arg7[%dma_start3A_79, %dma_start3A_80] : memref<4096x128xf32, #tpu.memory_space<vmem_shared>> -> memref<4096x128xf32, #tpu.memory_space<vmem_shared>>
      tpu.enqueue_indirect_dma source(%dma_start3A_75 : memref<128x128xf32, #tpu.memory_space<vmem>>) target(%dma_start3A_81 : memref<4096x128xf32, #tpu.memory_space<vmem_shared>>) offsets(%dma_start3A_78 : memref<128xi32, #tpu.memory_space<vmem>>) semaphore(%run_scoped3A_72 : memref<!tpu.dma_semaphore, #tpu.memory_space<semaphore_mem>>) {add = true}
      %dma_wait3A = arith.constant 0 : i32
      %dma_wait3A_82 = arith.constant 0 : i32
      %dma_wait3A_83 = tpu.memref_slice %arg5[%run_scoped3A_22, %dma_wait3A, %dma_wait3A_82] : memref<2x128x128xf32, #tpu.memory_space<vmem>> -> memref<1x128x128xf32, #tpu.memory_space<vmem>>
      %dma_wait3A_84 = tpu.memref_squeeze %dma_wait3A_83 : memref<1x128x128xf32, #tpu.memory_space<vmem>> -> memref<128x128xf32, #tpu.memory_space<vmem>>
      %dma_wait3A_85 = arith.constant 0 : i32
      %dma_wait3A_86 = tpu.memref_slice %arg6[%run_scoped3A_23, %run_scoped3A_24, %dma_wait3A_85] : memref<2x8x128xi32, #tpu.memory_space<vmem>> -> memref<1x1x128xi32, #tpu.memory_space<vmem>>
      %dma_wait3A_87 = tpu.memref_squeeze %dma_wait3A_86 : memref<1x1x128xi32, #tpu.memory_space<vmem>> -> memref<128xi32, #tpu.memory_space<vmem>>
      %dma_wait3A_88 = arith.constant 0 : i32
      %dma_wait3A_89 = arith.constant 0 : i32
      %dma_wait3A_90 = tpu.memref_slice %arg7[%dma_wait3A_88, %dma_wait3A_89] : memref<4096x128xf32, #tpu.memory_space<vmem_shared>> -> memref<4096x128xf32, #tpu.memory_space<vmem_shared>>
      tpu.wait_indirect_dma semaphore(%run_scoped3A_72 : memref<!tpu.dma_semaphore, #tpu.memory_space<semaphore_mem>>) src(%dma_wait3A_84 : memref<128x128xf32, #tpu.memory_space<vmem>>) dst(%dma_wait3A_90 : memref<4096x128xf32, #tpu.memory_space<vmem_shared>>)
      tpu.yield
    }) : () -> ()
    %run_scoped3A_25 = arith.constant 0 : i32
    %run_scoped3A_26 = arith.constant 0 : i32
    %run_scoped3A_27 = arith.constant 2 : i32
    "tpu.region"() ({
      %run_scoped3A_72 = tpu.sem_alloc : memref<!tpu.dma_semaphore, #tpu.memory_space<semaphore_mem>>
      %dma_start3A = arith.constant 0 : i32
      %dma_start3A_73 = arith.constant 0 : i32
      %dma_start3A_74 = tpu.memref_slice %arg5[%run_scoped3A_25, %dma_start3A, %dma_start3A_73] : memref<2x128x128xf32, #tpu.memory_space<vmem>> -> memref<1x128x128xf32, #tpu.memory_space<vmem>>
      %dma_start3A_75 = tpu.memref_squeeze %dma_start3A_74 : memref<1x128x128xf32, #tpu.memory_space<vmem>> -> memref<128x128xf32, #tpu.memory_space<vmem>>
      %dma_start3A_76 = arith.constant 0 : i32
      %dma_start3A_77 = tpu.memref_slice %arg6[%run_scoped3A_26, %run_scoped3A_27, %dma_start3A_76] : memref<2x8x128xi32, #tpu.memory_space<vmem>> -> memref<1x1x128xi32, #tpu.memory_space<vmem>>
      %dma_start3A_78 = tpu.memref_squeeze %dma_start3A_77 : memref<1x1x128xi32, #tpu.memory_space<vmem>> -> memref<128xi32, #tpu.memory_space<vmem>>
      %dma_start3A_79 = arith.constant 0 : i32
      %dma_start3A_80 = arith.constant 0 : i32
      %dma_start3A_81 = tpu.memref_slice %arg7[%dma_start3A_79, %dma_start3A_80] : memref<4096x128xf32, #tpu.memory_space<vmem_shared>> -> memref<4096x128xf32, #tpu.memory_space<vmem_shared>>
      tpu.enqueue_indirect_dma source(%dma_start3A_75 : memref<128x128xf32, #tpu.memory_space<vmem>>) target(%dma_start3A_81 : memref<4096x128xf32, #tpu.memory_space<vmem_shared>>) offsets(%dma_start3A_78 : memref<128xi32, #tpu.memory_space<vmem>>) semaphore(%run_scoped3A_72 : memref<!tpu.dma_semaphore, #tpu.memory_space<semaphore_mem>>) {add = true}
      %dma_wait3A = arith.constant 0 : i32
      %dma_wait3A_82 = arith.constant 0 : i32
      %dma_wait3A_83 = tpu.memref_slice %arg5[%run_scoped3A_25, %dma_wait3A, %dma_wait3A_82] : memref<2x128x128xf32, #tpu.memory_space<vmem>> -> memref<1x128x128xf32, #tpu.memory_space<vmem>>
      %dma_wait3A_84 = tpu.memref_squeeze %dma_wait3A_83 : memref<1x128x128xf32, #tpu.memory_space<vmem>> -> memref<128x128xf32, #tpu.memory_space<vmem>>
      %dma_wait3A_85 = arith.constant 0 : i32
      %dma_wait3A_86 = tpu.memref_slice %arg6[%run_scoped3A_26, %run_scoped3A_27, %dma_wait3A_85] : memref<2x8x128xi32, #tpu.memory_space<vmem>> -> memref<1x1x128xi32, #tpu.memory_space<vmem>>
      %dma_wait3A_87 = tpu.memref_squeeze %dma_wait3A_86 : memref<1x1x128xi32, #tpu.memory_space<vmem>> -> memref<128xi32, #tpu.memory_space<vmem>>
      %dma_wait3A_88 = arith.constant 0 : i32
      %dma_wait3A_89 = arith.constant 0 : i32
      %dma_wait3A_90 = tpu.memref_slice %arg7[%dma_wait3A_88, %dma_wait3A_89] : memref<4096x128xf32, #tpu.memory_space<vmem_shared>> -> memref<4096x128xf32, #tpu.memory_space<vmem_shared>>
      tpu.wait_indirect_dma semaphore(%run_scoped3A_72 : memref<!tpu.dma_semaphore, #tpu.memory_space<semaphore_mem>>) src(%dma_wait3A_84 : memref<128x128xf32, #tpu.memory_space<vmem>>) dst(%dma_wait3A_90 : memref<4096x128xf32, #tpu.memory_space<vmem_shared>>)
      tpu.yield
    }) : () -> ()
    %run_scoped3A_28 = arith.constant 0 : i32
    %run_scoped3A_29 = arith.constant 0 : i32
    %run_scoped3A_30 = arith.constant 3 : i32
    "tpu.region"() ({
      %run_scoped3A_72 = tpu.sem_alloc : memref<!tpu.dma_semaphore, #tpu.memory_space<semaphore_mem>>
      %dma_start3A = arith.constant 0 : i32
      %dma_start3A_73 = arith.constant 0 : i32
      %dma_start3A_74 = tpu.memref_slice %arg5[%run_scoped3A_28, %dma_start3A, %dma_start3A_73] : memref<2x128x128xf32, #tpu.memory_space<vmem>> -> memref<1x128x128xf32, #tpu.memory_space<vmem>>
      %dma_start3A_75 = tpu.memref_squeeze %dma_start3A_74 : memref<1x128x128xf32, #tpu.memory_space<vmem>> -> memref<128x128xf32, #tpu.memory_space<vmem>>
      %dma_start3A_76 = arith.constant 0 : i32
      %dma_start3A_77 = tpu.memref_slice %arg6[%run_scoped3A_29, %run_scoped3A_30, %dma_start3A_76] : memref<2x8x128xi32, #tpu.memory_space<vmem>> -> memref<1x1x128xi32, #tpu.memory_space<vmem>>
      %dma_start3A_78 = tpu.memref_squeeze %dma_start3A_77 : memref<1x1x128xi32, #tpu.memory_space<vmem>> -> memref<128xi32, #tpu.memory_space<vmem>>
      %dma_start3A_79 = arith.constant 0 : i32
      %dma_start3A_80 = arith.constant 0 : i32
      %dma_start3A_81 = tpu.memref_slice %arg7[%dma_start3A_79, %dma_start3A_80] : memref<4096x128xf32, #tpu.memory_space<vmem_shared>> -> memref<4096x128xf32, #tpu.memory_space<vmem_shared>>
      tpu.enqueue_indirect_dma source(%dma_start3A_75 : memref<128x128xf32, #tpu.memory_space<vmem>>) target(%dma_start3A_81 : memref<4096x128xf32, #tpu.memory_space<vmem_shared>>) offsets(%dma_start3A_78 : memref<128xi32, #tpu.memory_space<vmem>>) semaphore(%run_scoped3A_72 : memref<!tpu.dma_semaphore, #tpu.memory_space<semaphore_mem>>) {add = true}
      %dma_wait3A = arith.constant 0 : i32
      %dma_wait3A_82 = arith.constant 0 : i32
      %dma_wait3A_83 = tpu.memref_slice %arg5[%run_scoped3A_28, %dma_wait3A, %dma_wait3A_82] : memref<2x128x128xf32, #tpu.memory_space<vmem>> -> memref<1x128x128xf32, #tpu.memory_space<vmem>>
      %dma_wait3A_84 = tpu.memref_squeeze %dma_wait3A_83 : memref<1x128x128xf32, #tpu.memory_space<vmem>> -> memref<128x128xf32, #tpu.memory_space<vmem>>
      %dma_wait3A_85 = arith.constant 0 : i32
      %dma_wait3A_86 = tpu.memref_slice %arg6[%run_scoped3A_29, %run_scoped3A_30, %dma_wait3A_85] : memref<2x8x128xi32, #tpu.memory_space<vmem>> -> memref<1x1x128xi32, #tpu.memory_space<vmem>>
      %dma_wait3A_87 = tpu.memref_squeeze %dma_wait3A_86 : memref<1x1x128xi32, #tpu.memory_space<vmem>> -> memref<128xi32, #tpu.memory_space<vmem>>
      %dma_wait3A_88 = arith.constant 0 : i32
      %dma_wait3A_89 = arith.constant 0 : i32
      %dma_wait3A_90 = tpu.memref_slice %arg7[%dma_wait3A_88, %dma_wait3A_89] : memref<4096x128xf32, #tpu.memory_space<vmem_shared>> -> memref<4096x128xf32, #tpu.memory_space<vmem_shared>>
      tpu.wait_indirect_dma semaphore(%run_scoped3A_72 : memref<!tpu.dma_semaphore, #tpu.memory_space<semaphore_mem>>) src(%dma_wait3A_84 : memref<128x128xf32, #tpu.memory_space<vmem>>) dst(%dma_wait3A_90 : memref<4096x128xf32, #tpu.memory_space<vmem_shared>>)
      tpu.yield
    }) : () -> ()
    %run_scoped3A_31 = arith.constant 0 : i32
    %run_scoped3A_32 = arith.constant 0 : i32
    %run_scoped3A_33 = arith.constant 4 : i32
    "tpu.region"() ({
      %run_scoped3A_72 = tpu.sem_alloc : memref<!tpu.dma_semaphore, #tpu.memory_space<semaphore_mem>>
      %dma_start3A = arith.constant 0 : i32
      %dma_start3A_73 = arith.constant 0 : i32
      %dma_start3A_74 = tpu.memref_slice %arg5[%run_scoped3A_31, %dma_start3A, %dma_start3A_73] : memref<2x128x128xf32, #tpu.memory_space<vmem>> -> memref<1x128x128xf32, #tpu.memory_space<vmem>>
      %dma_start3A_75 = tpu.memref_squeeze %dma_start3A_74 : memref<1x128x128xf32, #tpu.memory_space<vmem>> -> memref<128x128xf32, #tpu.memory_space<vmem>>
      %dma_start3A_76 = arith.constant 0 : i32
      %dma_start3A_77 = tpu.memref_slice %arg6[%run_scoped3A_32, %run_scoped3A_33, %dma_start3A_76] : memref<2x8x128xi32, #tpu.memory_space<vmem>> -> memref<1x1x128xi32, #tpu.memory_space<vmem>>
      %dma_start3A_78 = tpu.memref_squeeze %dma_start3A_77 : memref<1x1x128xi32, #tpu.memory_space<vmem>> -> memref<128xi32, #tpu.memory_space<vmem>>
      %dma_start3A_79 = arith.constant 0 : i32
      %dma_start3A_80 = arith.constant 0 : i32
      %dma_start3A_81 = tpu.memref_slice %arg7[%dma_start3A_79, %dma_start3A_80] : memref<4096x128xf32, #tpu.memory_space<vmem_shared>> -> memref<4096x128xf32, #tpu.memory_space<vmem_shared>>
      tpu.enqueue_indirect_dma source(%dma_start3A_75 : memref<128x128xf32, #tpu.memory_space<vmem>>) target(%dma_start3A_81 : memref<4096x128xf32, #tpu.memory_space<vmem_shared>>) offsets(%dma_start3A_78 : memref<128xi32, #tpu.memory_space<vmem>>) semaphore(%run_scoped3A_72 : memref<!tpu.dma_semaphore, #tpu.memory_space<semaphore_mem>>) {add = true}
      %dma_wait3A = arith.constant 0 : i32
      %dma_wait3A_82 = arith.constant 0 : i32
      %dma_wait3A_83 = tpu.memref_slice %arg5[%run_scoped3A_31, %dma_wait3A, %dma_wait3A_82] : memref<2x128x128xf32, #tpu.memory_space<vmem>> -> memref<1x128x128xf32, #tpu.memory_space<vmem>>
      %dma_wait3A_84 = tpu.memref_squeeze %dma_wait3A_83 : memref<1x128x128xf32, #tpu.memory_space<vmem>> -> memref<128x128xf32, #tpu.memory_space<vmem>>
      %dma_wait3A_85 = arith.constant 0 : i32
      %dma_wait3A_86 = tpu.memref_slice %arg6[%run_scoped3A_32, %run_scoped3A_33, %dma_wait3A_85] : memref<2x8x128xi32, #tpu.memory_space<vmem>> -> memref<1x1x128xi32, #tpu.memory_space<vmem>>
      %dma_wait3A_87 = tpu.memref_squeeze %dma_wait3A_86 : memref<1x1x128xi32, #tpu.memory_space<vmem>> -> memref<128xi32, #tpu.memory_space<vmem>>
      %dma_wait3A_88 = arith.constant 0 : i32
      %dma_wait3A_89 = arith.constant 0 : i32
      %dma_wait3A_90 = tpu.memref_slice %arg7[%dma_wait3A_88, %dma_wait3A_89] : memref<4096x128xf32, #tpu.memory_space<vmem_shared>> -> memref<4096x128xf32, #tpu.memory_space<vmem_shared>>
      tpu.wait_indirect_dma semaphore(%run_scoped3A_72 : memref<!tpu.dma_semaphore, #tpu.memory_space<semaphore_mem>>) src(%dma_wait3A_84 : memref<128x128xf32, #tpu.memory_space<vmem>>) dst(%dma_wait3A_90 : memref<4096x128xf32, #tpu.memory_space<vmem_shared>>)
      tpu.yield
    }) : () -> ()
    %run_scoped3A_34 = arith.constant 0 : i32
    %run_scoped3A_35 = arith.constant 0 : i32
    %run_scoped3A_36 = arith.constant 5 : i32
    "tpu.region"() ({
      %run_scoped3A_72 = tpu.sem_alloc : memref<!tpu.dma_semaphore, #tpu.memory_space<semaphore_mem>>
      %dma_start3A = arith.constant 0 : i32
      %dma_start3A_73 = arith.constant 0 : i32
      %dma_start3A_74 = tpu.memref_slice %arg5[%run_scoped3A_34, %dma_start3A, %dma_start3A_73] : memref<2x128x128xf32, #tpu.memory_space<vmem>> -> memref<1x128x128xf32, #tpu.memory_space<vmem>>
      %dma_start3A_75 = tpu.memref_squeeze %dma_start3A_74 : memref<1x128x128xf32, #tpu.memory_space<vmem>> -> memref<128x128xf32, #tpu.memory_space<vmem>>
      %dma_start3A_76 = arith.constant 0 : i32
      %dma_start3A_77 = tpu.memref_slice %arg6[%run_scoped3A_35, %run_scoped3A_36, %dma_start3A_76] : memref<2x8x128xi32, #tpu.memory_space<vmem>> -> memref<1x1x128xi32, #tpu.memory_space<vmem>>
      %dma_start3A_78 = tpu.memref_squeeze %dma_start3A_77 : memref<1x1x128xi32, #tpu.memory_space<vmem>> -> memref<128xi32, #tpu.memory_space<vmem>>
      %dma_start3A_79 = arith.constant 0 : i32
      %dma_start3A_80 = arith.constant 0 : i32
      %dma_start3A_81 = tpu.memref_slice %arg7[%dma_start3A_79, %dma_start3A_80] : memref<4096x128xf32, #tpu.memory_space<vmem_shared>> -> memref<4096x128xf32, #tpu.memory_space<vmem_shared>>
      tpu.enqueue_indirect_dma source(%dma_start3A_75 : memref<128x128xf32, #tpu.memory_space<vmem>>) target(%dma_start3A_81 : memref<4096x128xf32, #tpu.memory_space<vmem_shared>>) offsets(%dma_start3A_78 : memref<128xi32, #tpu.memory_space<vmem>>) semaphore(%run_scoped3A_72 : memref<!tpu.dma_semaphore, #tpu.memory_space<semaphore_mem>>) {add = true}
      %dma_wait3A = arith.constant 0 : i32
      %dma_wait3A_82 = arith.constant 0 : i32
      %dma_wait3A_83 = tpu.memref_slice %arg5[%run_scoped3A_34, %dma_wait3A, %dma_wait3A_82] : memref<2x128x128xf32, #tpu.memory_space<vmem>> -> memref<1x128x128xf32, #tpu.memory_space<vmem>>
      %dma_wait3A_84 = tpu.memref_squeeze %dma_wait3A_83 : memref<1x128x128xf32, #tpu.memory_space<vmem>> -> memref<128x128xf32, #tpu.memory_space<vmem>>
      %dma_wait3A_85 = arith.constant 0 : i32
      %dma_wait3A_86 = tpu.memref_slice %arg6[%run_scoped3A_35, %run_scoped3A_36, %dma_wait3A_85] : memref<2x8x128xi32, #tpu.memory_space<vmem>> -> memref<1x1x128xi32, #tpu.memory_space<vmem>>
      %dma_wait3A_87 = tpu.memref_squeeze %dma_wait3A_86 : memref<1x1x128xi32, #tpu.memory_space<vmem>> -> memref<128xi32, #tpu.memory_space<vmem>>
      %dma_wait3A_88 = arith.constant 0 : i32
      %dma_wait3A_89 = arith.constant 0 : i32
      %dma_wait3A_90 = tpu.memref_slice %arg7[%dma_wait3A_88, %dma_wait3A_89] : memref<4096x128xf32, #tpu.memory_space<vmem_shared>> -> memref<4096x128xf32, #tpu.memory_space<vmem_shared>>
      tpu.wait_indirect_dma semaphore(%run_scoped3A_72 : memref<!tpu.dma_semaphore, #tpu.memory_space<semaphore_mem>>) src(%dma_wait3A_84 : memref<128x128xf32, #tpu.memory_space<vmem>>) dst(%dma_wait3A_90 : memref<4096x128xf32, #tpu.memory_space<vmem_shared>>)
      tpu.yield
    }) : () -> ()
    %run_scoped3A_37 = arith.constant 0 : i32
    %run_scoped3A_38 = arith.constant 0 : i32
    %run_scoped3A_39 = arith.constant 6 : i32
    "tpu.region"() ({
      %run_scoped3A_72 = tpu.sem_alloc : memref<!tpu.dma_semaphore, #tpu.memory_space<semaphore_mem>>
      %dma_start3A = arith.constant 0 : i32
      %dma_start3A_73 = arith.constant 0 : i32
      %dma_start3A_74 = tpu.memref_slice %arg5[%run_scoped3A_37, %dma_start3A, %dma_start3A_73] : memref<2x128x128xf32, #tpu.memory_space<vmem>> -> memref<1x128x128xf32, #tpu.memory_space<vmem>>
      %dma_start3A_75 = tpu.memref_squeeze %dma_start3A_74 : memref<1x128x128xf32, #tpu.memory_space<vmem>> -> memref<128x128xf32, #tpu.memory_space<vmem>>
      %dma_start3A_76 = arith.constant 0 : i32
      %dma_start3A_77 = tpu.memref_slice %arg6[%run_scoped3A_38, %run_scoped3A_39, %dma_start3A_76] : memref<2x8x128xi32, #tpu.memory_space<vmem>> -> memref<1x1x128xi32, #tpu.memory_space<vmem>>
      %dma_start3A_78 = tpu.memref_squeeze %dma_start3A_77 : memref<1x1x128xi32, #tpu.memory_space<vmem>> -> memref<128xi32, #tpu.memory_space<vmem>>
      %dma_start3A_79 = arith.constant 0 : i32
      %dma_start3A_80 = arith.constant 0 : i32
      %dma_start3A_81 = tpu.memref_slice %arg7[%dma_start3A_79, %dma_start3A_80] : memref<4096x128xf32, #tpu.memory_space<vmem_shared>> -> memref<4096x128xf32, #tpu.memory_space<vmem_shared>>
      tpu.enqueue_indirect_dma source(%dma_start3A_75 : memref<128x128xf32, #tpu.memory_space<vmem>>) target(%dma_start3A_81 : memref<4096x128xf32, #tpu.memory_space<vmem_shared>>) offsets(%dma_start3A_78 : memref<128xi32, #tpu.memory_space<vmem>>) semaphore(%run_scoped3A_72 : memref<!tpu.dma_semaphore, #tpu.memory_space<semaphore_mem>>) {add = true}
      %dma_wait3A = arith.constant 0 : i32
      %dma_wait3A_82 = arith.constant 0 : i32
      %dma_wait3A_83 = tpu.memref_slice %arg5[%run_scoped3A_37, %dma_wait3A, %dma_wait3A_82] : memref<2x128x128xf32, #tpu.memory_space<vmem>> -> memref<1x128x128xf32, #tpu.memory_space<vmem>>
      %dma_wait3A_84 = tpu.memref_squeeze %dma_wait3A_83 : memref<1x128x128xf32, #tpu.memory_space<vmem>> -> memref<128x128xf32, #tpu.memory_space<vmem>>
      %dma_wait3A_85 = arith.constant 0 : i32
      %dma_wait3A_86 = tpu.memref_slice %arg6[%run_scoped3A_38, %run_scoped3A_39, %dma_wait3A_85] : memref<2x8x128xi32, #tpu.memory_space<vmem>> -> memref<1x1x128xi32, #tpu.memory_space<vmem>>
      %dma_wait3A_87 = tpu.memref_squeeze %dma_wait3A_86 : memref<1x1x128xi32, #tpu.memory_space<vmem>> -> memref<128xi32, #tpu.memory_space<vmem>>
      %dma_wait3A_88 = arith.constant 0 : i32
      %dma_wait3A_89 = arith.constant 0 : i32
      %dma_wait3A_90 = tpu.memref_slice %arg7[%dma_wait3A_88, %dma_wait3A_89] : memref<4096x128xf32, #tpu.memory_space<vmem_shared>> -> memref<4096x128xf32, #tpu.memory_space<vmem_shared>>
      tpu.wait_indirect_dma semaphore(%run_scoped3A_72 : memref<!tpu.dma_semaphore, #tpu.memory_space<semaphore_mem>>) src(%dma_wait3A_84 : memref<128x128xf32, #tpu.memory_space<vmem>>) dst(%dma_wait3A_90 : memref<4096x128xf32, #tpu.memory_space<vmem_shared>>)
      tpu.yield
    }) : () -> ()
    %run_scoped3A_40 = arith.constant 0 : i32
    %run_scoped3A_41 = arith.constant 0 : i32
    %run_scoped3A_42 = arith.constant 7 : i32
    "tpu.region"() ({
      %run_scoped3A_72 = tpu.sem_alloc : memref<!tpu.dma_semaphore, #tpu.memory_space<semaphore_mem>>
      %dma_start3A = arith.constant 0 : i32
      %dma_start3A_73 = arith.constant 0 : i32
      %dma_start3A_74 = tpu.memref_slice %arg5[%run_scoped3A_40, %dma_start3A, %dma_start3A_73] : memref<2x128x128xf32, #tpu.memory_space<vmem>> -> memref<1x128x128xf32, #tpu.memory_space<vmem>>
      %dma_start3A_75 = tpu.memref_squeeze %dma_start3A_74 : memref<1x128x128xf32, #tpu.memory_space<vmem>> -> memref<128x128xf32, #tpu.memory_space<vmem>>
      %dma_start3A_76 = arith.constant 0 : i32
      %dma_start3A_77 = tpu.memref_slice %arg6[%run_scoped3A_41, %run_scoped3A_42, %dma_start3A_76] : memref<2x8x128xi32, #tpu.memory_space<vmem>> -> memref<1x1x128xi32, #tpu.memory_space<vmem>>
      %dma_start3A_78 = tpu.memref_squeeze %dma_start3A_77 : memref<1x1x128xi32, #tpu.memory_space<vmem>> -> memref<128xi32, #tpu.memory_space<vmem>>
      %dma_start3A_79 = arith.constant 0 : i32
      %dma_start3A_80 = arith.constant 0 : i32
      %dma_start3A_81 = tpu.memref_slice %arg7[%dma_start3A_79, %dma_start3A_80] : memref<4096x128xf32, #tpu.memory_space<vmem_shared>> -> memref<4096x128xf32, #tpu.memory_space<vmem_shared>>
      tpu.enqueue_indirect_dma source(%dma_start3A_75 : memref<128x128xf32, #tpu.memory_space<vmem>>) target(%dma_start3A_81 : memref<4096x128xf32, #tpu.memory_space<vmem_shared>>) offsets(%dma_start3A_78 : memref<128xi32, #tpu.memory_space<vmem>>) semaphore(%run_scoped3A_72 : memref<!tpu.dma_semaphore, #tpu.memory_space<semaphore_mem>>) {add = true}
      %dma_wait3A = arith.constant 0 : i32
      %dma_wait3A_82 = arith.constant 0 : i32
      %dma_wait3A_83 = tpu.memref_slice %arg5[%run_scoped3A_40, %dma_wait3A, %dma_wait3A_82] : memref<2x128x128xf32, #tpu.memory_space<vmem>> -> memref<1x128x128xf32, #tpu.memory_space<vmem>>
      %dma_wait3A_84 = tpu.memref_squeeze %dma_wait3A_83 : memref<1x128x128xf32, #tpu.memory_space<vmem>> -> memref<128x128xf32, #tpu.memory_space<vmem>>
      %dma_wait3A_85 = arith.constant 0 : i32
      %dma_wait3A_86 = tpu.memref_slice %arg6[%run_scoped3A_41, %run_scoped3A_42, %dma_wait3A_85] : memref<2x8x128xi32, #tpu.memory_space<vmem>> -> memref<1x1x128xi32, #tpu.memory_space<vmem>>
      %dma_wait3A_87 = tpu.memref_squeeze %dma_wait3A_86 : memref<1x1x128xi32, #tpu.memory_space<vmem>> -> memref<128xi32, #tpu.memory_space<vmem>>
      %dma_wait3A_88 = arith.constant 0 : i32
      %dma_wait3A_89 = arith.constant 0 : i32
      %dma_wait3A_90 = tpu.memref_slice %arg7[%dma_wait3A_88, %dma_wait3A_89] : memref<4096x128xf32, #tpu.memory_space<vmem_shared>> -> memref<4096x128xf32, #tpu.memory_space<vmem_shared>>
      tpu.wait_indirect_dma semaphore(%run_scoped3A_72 : memref<!tpu.dma_semaphore, #tpu.memory_space<semaphore_mem>>) src(%dma_wait3A_84 : memref<128x128xf32, #tpu.memory_space<vmem>>) dst(%dma_wait3A_90 : memref<4096x128xf32, #tpu.memory_space<vmem_shared>>)
      tpu.yield
    }) : () -> ()
    %run_scoped3A_43 = arith.constant 1 : i32
    %run_scoped3A_44 = arith.constant 1 : i32
    %run_scoped3A_45 = arith.constant 0 : i32
    "tpu.region"() ({
      %run_scoped3A_72 = tpu.sem_alloc : memref<!tpu.dma_semaphore, #tpu.memory_space<semaphore_mem>>
      %dma_start3A = arith.constant 0 : i32
      %dma_start3A_73 = arith.constant 0 : i32
      %dma_start3A_74 = tpu.memref_slice %arg5[%run_scoped3A_43, %dma_start3A, %dma_start3A_73] : memref<2x128x128xf32, #tpu.memory_space<vmem>> -> memref<1x128x128xf32, #tpu.memory_space<vmem>>
      %dma_start3A_75 = tpu.memref_squeeze %dma_start3A_74 : memref<1x128x128xf32, #tpu.memory_space<vmem>> -> memref<128x128xf32, #tpu.memory_space<vmem>>
      %dma_start3A_76 = arith.constant 0 : i32
      %dma_start3A_77 = tpu.memref_slice %arg6[%run_scoped3A_44, %run_scoped3A_45, %dma_start3A_76] : memref<2x8x128xi32, #tpu.memory_space<vmem>> -> memref<1x1x128xi32, #tpu.memory_space<vmem>>
      %dma_start3A_78 = tpu.memref_squeeze %dma_start3A_77 : memref<1x1x128xi32, #tpu.memory_space<vmem>> -> memref<128xi32, #tpu.memory_space<vmem>>
      %dma_start3A_79 = arith.constant 0 : i32
      %dma_start3A_80 = arith.constant 0 : i32
      %dma_start3A_81 = tpu.memref_slice %arg7[%dma_start3A_79, %dma_start3A_80] : memref<4096x128xf32, #tpu.memory_space<vmem_shared>> -> memref<4096x128xf32, #tpu.memory_space<vmem_shared>>
      tpu.enqueue_indirect_dma source(%dma_start3A_75 : memref<128x128xf32, #tpu.memory_space<vmem>>) target(%dma_start3A_81 : memref<4096x128xf32, #tpu.memory_space<vmem_shared>>) offsets(%dma_start3A_78 : memref<128xi32, #tpu.memory_space<vmem>>) semaphore(%run_scoped3A_72 : memref<!tpu.dma_semaphore, #tpu.memory_space<semaphore_mem>>) {add = true}
      %dma_wait3A = arith.constant 0 : i32
      %dma_wait3A_82 = arith.constant 0 : i32
      %dma_wait3A_83 = tpu.memref_slice %arg5[%run_scoped3A_43, %dma_wait3A, %dma_wait3A_82] : memref<2x128x128xf32, #tpu.memory_space<vmem>> -> memref<1x128x128xf32, #tpu.memory_space<vmem>>
      %dma_wait3A_84 = tpu.memref_squeeze %dma_wait3A_83 : memref<1x128x128xf32, #tpu.memory_space<vmem>> -> memref<128x128xf32, #tpu.memory_space<vmem>>
      %dma_wait3A_85 = arith.constant 0 : i32
      %dma_wait3A_86 = tpu.memref_slice %arg6[%run_scoped3A_44, %run_scoped3A_45, %dma_wait3A_85] : memref<2x8x128xi32, #tpu.memory_space<vmem>> -> memref<1x1x128xi32, #tpu.memory_space<vmem>>
      %dma_wait3A_87 = tpu.memref_squeeze %dma_wait3A_86 : memref<1x1x128xi32, #tpu.memory_space<vmem>> -> memref<128xi32, #tpu.memory_space<vmem>>
      %dma_wait3A_88 = arith.constant 0 : i32
      %dma_wait3A_89 = arith.constant 0 : i32
      %dma_wait3A_90 = tpu.memref_slice %arg7[%dma_wait3A_88, %dma_wait3A_89] : memref<4096x128xf32, #tpu.memory_space<vmem_shared>> -> memref<4096x128xf32, #tpu.memory_space<vmem_shared>>
      tpu.wait_indirect_dma semaphore(%run_scoped3A_72 : memref<!tpu.dma_semaphore, #tpu.memory_space<semaphore_mem>>) src(%dma_wait3A_84 : memref<128x128xf32, #tpu.memory_space<vmem>>) dst(%dma_wait3A_90 : memref<4096x128xf32, #tpu.memory_space<vmem_shared>>)
      tpu.yield
    }) : () -> ()
    %run_scoped3A_46 = arith.constant 1 : i32
    %run_scoped3A_47 = arith.constant 1 : i32
    %run_scoped3A_48 = arith.constant 1 : i32
    "tpu.region"() ({
      %run_scoped3A_72 = tpu.sem_alloc : memref<!tpu.dma_semaphore, #tpu.memory_space<semaphore_mem>>
      %dma_start3A = arith.constant 0 : i32
      %dma_start3A_73 = arith.constant 0 : i32
      %dma_start3A_74 = tpu.memref_slice %arg5[%run_scoped3A_46, %dma_start3A, %dma_start3A_73] : memref<2x128x128xf32, #tpu.memory_space<vmem>> -> memref<1x128x128xf32, #tpu.memory_space<vmem>>
      %dma_start3A_75 = tpu.memref_squeeze %dma_start3A_74 : memref<1x128x128xf32, #tpu.memory_space<vmem>> -> memref<128x128xf32, #tpu.memory_space<vmem>>
      %dma_start3A_76 = arith.constant 0 : i32
      %dma_start3A_77 = tpu.memref_slice %arg6[%run_scoped3A_47, %run_scoped3A_48, %dma_start3A_76] : memref<2x8x128xi32, #tpu.memory_space<vmem>> -> memref<1x1x128xi32, #tpu.memory_space<vmem>>
      %dma_start3A_78 = tpu.memref_squeeze %dma_start3A_77 : memref<1x1x128xi32, #tpu.memory_space<vmem>> -> memref<128xi32, #tpu.memory_space<vmem>>
      %dma_start3A_79 = arith.constant 0 : i32
      %dma_start3A_80 = arith.constant 0 : i32
      %dma_start3A_81 = tpu.memref_slice %arg7[%dma_start3A_79, %dma_start3A_80] : memref<4096x128xf32, #tpu.memory_space<vmem_shared>> -> memref<4096x128xf32, #tpu.memory_space<vmem_shared>>
      tpu.enqueue_indirect_dma source(%dma_start3A_75 : memref<128x128xf32, #tpu.memory_space<vmem>>) target(%dma_start3A_81 : memref<4096x128xf32, #tpu.memory_space<vmem_shared>>) offsets(%dma_start3A_78 : memref<128xi32, #tpu.memory_space<vmem>>) semaphore(%run_scoped3A_72 : memref<!tpu.dma_semaphore, #tpu.memory_space<semaphore_mem>>) {add = true}
      %dma_wait3A = arith.constant 0 : i32
      %dma_wait3A_82 = arith.constant 0 : i32
      %dma_wait3A_83 = tpu.memref_slice %arg5[%run_scoped3A_46, %dma_wait3A, %dma_wait3A_82] : memref<2x128x128xf32, #tpu.memory_space<vmem>> -> memref<1x128x128xf32, #tpu.memory_space<vmem>>
      %dma_wait3A_84 = tpu.memref_squeeze %dma_wait3A_83 : memref<1x128x128xf32, #tpu.memory_space<vmem>> -> memref<128x128xf32, #tpu.memory_space<vmem>>
      %dma_wait3A_85 = arith.constant 0 : i32
      %dma_wait3A_86 = tpu.memref_slice %arg6[%run_scoped3A_47, %run_scoped3A_48, %dma_wait3A_85] : memref<2x8x128xi32, #tpu.memory_space<vmem>> -> memref<1x1x128xi32, #tpu.memory_space<vmem>>
      %dma_wait3A_87 = tpu.memref_squeeze %dma_wait3A_86 : memref<1x1x128xi32, #tpu.memory_space<vmem>> -> memref<128xi32, #tpu.memory_space<vmem>>
      %dma_wait3A_88 = arith.constant 0 : i32
      %dma_wait3A_89 = arith.constant 0 : i32
      %dma_wait3A_90 = tpu.memref_slice %arg7[%dma_wait3A_88, %dma_wait3A_89] : memref<4096x128xf32, #tpu.memory_space<vmem_shared>> -> memref<4096x128xf32, #tpu.memory_space<vmem_shared>>
      tpu.wait_indirect_dma semaphore(%run_scoped3A_72 : memref<!tpu.dma_semaphore, #tpu.memory_space<semaphore_mem>>) src(%dma_wait3A_84 : memref<128x128xf32, #tpu.memory_space<vmem>>) dst(%dma_wait3A_90 : memref<4096x128xf32, #tpu.memory_space<vmem_shared>>)
      tpu.yield
    }) : () -> ()
    %run_scoped3A_49 = arith.constant 1 : i32
    %run_scoped3A_50 = arith.constant 1 : i32
    %run_scoped3A_51 = arith.constant 2 : i32
    "tpu.region"() ({
      %run_scoped3A_72 = tpu.sem_alloc : memref<!tpu.dma_semaphore, #tpu.memory_space<semaphore_mem>>
      %dma_start3A = arith.constant 0 : i32
      %dma_start3A_73 = arith.constant 0 : i32
      %dma_start3A_74 = tpu.memref_slice %arg5[%run_scoped3A_49, %dma_start3A, %dma_start3A_73] : memref<2x128x128xf32, #tpu.memory_space<vmem>> -> memref<1x128x128xf32, #tpu.memory_space<vmem>>
      %dma_start3A_75 = tpu.memref_squeeze %dma_start3A_74 : memref<1x128x128xf32, #tpu.memory_space<vmem>> -> memref<128x128xf32, #tpu.memory_space<vmem>>
      %dma_start3A_76 = arith.constant 0 : i32
      %dma_start3A_77 = tpu.memref_slice %arg6[%run_scoped3A_50, %run_scoped3A_51, %dma_start3A_76] : memref<2x8x128xi32, #tpu.memory_space<vmem>> -> memref<1x1x128xi32, #tpu.memory_space<vmem>>
      %dma_start3A_78 = tpu.memref_squeeze %dma_start3A_77 : memref<1x1x128xi32, #tpu.memory_space<vmem>> -> memref<128xi32, #tpu.memory_space<vmem>>
      %dma_start3A_79 = arith.constant 0 : i32
      %dma_start3A_80 = arith.constant 0 : i32
      %dma_start3A_81 = tpu.memref_slice %arg7[%dma_start3A_79, %dma_start3A_80] : memref<4096x128xf32, #tpu.memory_space<vmem_shared>> -> memref<4096x128xf32, #tpu.memory_space<vmem_shared>>
      tpu.enqueue_indirect_dma source(%dma_start3A_75 : memref<128x128xf32, #tpu.memory_space<vmem>>) target(%dma_start3A_81 : memref<4096x128xf32, #tpu.memory_space<vmem_shared>>) offsets(%dma_start3A_78 : memref<128xi32, #tpu.memory_space<vmem>>) semaphore(%run_scoped3A_72 : memref<!tpu.dma_semaphore, #tpu.memory_space<semaphore_mem>>) {add = true}
      %dma_wait3A = arith.constant 0 : i32
      %dma_wait3A_82 = arith.constant 0 : i32
      %dma_wait3A_83 = tpu.memref_slice %arg5[%run_scoped3A_49, %dma_wait3A, %dma_wait3A_82] : memref<2x128x128xf32, #tpu.memory_space<vmem>> -> memref<1x128x128xf32, #tpu.memory_space<vmem>>
      %dma_wait3A_84 = tpu.memref_squeeze %dma_wait3A_83 : memref<1x128x128xf32, #tpu.memory_space<vmem>> -> memref<128x128xf32, #tpu.memory_space<vmem>>
      %dma_wait3A_85 = arith.constant 0 : i32
      %dma_wait3A_86 = tpu.memref_slice %arg6[%run_scoped3A_50, %run_scoped3A_51, %dma_wait3A_85] : memref<2x8x128xi32, #tpu.memory_space<vmem>> -> memref<1x1x128xi32, #tpu.memory_space<vmem>>
      %dma_wait3A_87 = tpu.memref_squeeze %dma_wait3A_86 : memref<1x1x128xi32, #tpu.memory_space<vmem>> -> memref<128xi32, #tpu.memory_space<vmem>>
      %dma_wait3A_88 = arith.constant 0 : i32
      %dma_wait3A_89 = arith.constant 0 : i32
      %dma_wait3A_90 = tpu.memref_slice %arg7[%dma_wait3A_88, %dma_wait3A_89] : memref<4096x128xf32, #tpu.memory_space<vmem_shared>> -> memref<4096x128xf32, #tpu.memory_space<vmem_shared>>
      tpu.wait_indirect_dma semaphore(%run_scoped3A_72 : memref<!tpu.dma_semaphore, #tpu.memory_space<semaphore_mem>>) src(%dma_wait3A_84 : memref<128x128xf32, #tpu.memory_space<vmem>>) dst(%dma_wait3A_90 : memref<4096x128xf32, #tpu.memory_space<vmem_shared>>)
      tpu.yield
    }) : () -> ()
    %run_scoped3A_52 = arith.constant 1 : i32
    %run_scoped3A_53 = arith.constant 1 : i32
    %run_scoped3A_54 = arith.constant 3 : i32
    "tpu.region"() ({
      %run_scoped3A_72 = tpu.sem_alloc : memref<!tpu.dma_semaphore, #tpu.memory_space<semaphore_mem>>
      %dma_start3A = arith.constant 0 : i32
      %dma_start3A_73 = arith.constant 0 : i32
      %dma_start3A_74 = tpu.memref_slice %arg5[%run_scoped3A_52, %dma_start3A, %dma_start3A_73] : memref<2x128x128xf32, #tpu.memory_space<vmem>> -> memref<1x128x128xf32, #tpu.memory_space<vmem>>
      %dma_start3A_75 = tpu.memref_squeeze %dma_start3A_74 : memref<1x128x128xf32, #tpu.memory_space<vmem>> -> memref<128x128xf32, #tpu.memory_space<vmem>>
      %dma_start3A_76 = arith.constant 0 : i32
      %dma_start3A_77 = tpu.memref_slice %arg6[%run_scoped3A_53, %run_scoped3A_54, %dma_start3A_76] : memref<2x8x128xi32, #tpu.memory_space<vmem>> -> memref<1x1x128xi32, #tpu.memory_space<vmem>>
      %dma_start3A_78 = tpu.memref_squeeze %dma_start3A_77 : memref<1x1x128xi32, #tpu.memory_space<vmem>> -> memref<128xi32, #tpu.memory_space<vmem>>
      %dma_start3A_79 = arith.constant 0 : i32
      %dma_start3A_80 = arith.constant 0 : i32
      %dma_start3A_81 = tpu.memref_slice %arg7[%dma_start3A_79, %dma_start3A_80] : memref<4096x128xf32, #tpu.memory_space<vmem_shared>> -> memref<4096x128xf32, #tpu.memory_space<vmem_shared>>
      tpu.enqueue_indirect_dma source(%dma_start3A_75 : memref<128x128xf32, #tpu.memory_space<vmem>>) target(%dma_start3A_81 : memref<4096x128xf32, #tpu.memory_space<vmem_shared>>) offsets(%dma_start3A_78 : memref<128xi32, #tpu.memory_space<vmem>>) semaphore(%run_scoped3A_72 : memref<!tpu.dma_semaphore, #tpu.memory_space<semaphore_mem>>) {add = true}
      %dma_wait3A = arith.constant 0 : i32
      %dma_wait3A_82 = arith.constant 0 : i32
      %dma_wait3A_83 = tpu.memref_slice %arg5[%run_scoped3A_52, %dma_wait3A, %dma_wait3A_82] : memref<2x128x128xf32, #tpu.memory_space<vmem>> -> memref<1x128x128xf32, #tpu.memory_space<vmem>>
      %dma_wait3A_84 = tpu.memref_squeeze %dma_wait3A_83 : memref<1x128x128xf32, #tpu.memory_space<vmem>> -> memref<128x128xf32, #tpu.memory_space<vmem>>
      %dma_wait3A_85 = arith.constant 0 : i32
      %dma_wait3A_86 = tpu.memref_slice %arg6[%run_scoped3A_53, %run_scoped3A_54, %dma_wait3A_85] : memref<2x8x128xi32, #tpu.memory_space<vmem>> -> memref<1x1x128xi32, #tpu.memory_space<vmem>>
      %dma_wait3A_87 = tpu.memref_squeeze %dma_wait3A_86 : memref<1x1x128xi32, #tpu.memory_space<vmem>> -> memref<128xi32, #tpu.memory_space<vmem>>
      %dma_wait3A_88 = arith.constant 0 : i32
      %dma_wait3A_89 = arith.constant 0 : i32
      %dma_wait3A_90 = tpu.memref_slice %arg7[%dma_wait3A_88, %dma_wait3A_89] : memref<4096x128xf32, #tpu.memory_space<vmem_shared>> -> memref<4096x128xf32, #tpu.memory_space<vmem_shared>>
      tpu.wait_indirect_dma semaphore(%run_scoped3A_72 : memref<!tpu.dma_semaphore, #tpu.memory_space<semaphore_mem>>) src(%dma_wait3A_84 : memref<128x128xf32, #tpu.memory_space<vmem>>) dst(%dma_wait3A_90 : memref<4096x128xf32, #tpu.memory_space<vmem_shared>>)
      tpu.yield
    }) : () -> ()
    %run_scoped3A_55 = arith.constant 1 : i32
    %run_scoped3A_56 = arith.constant 1 : i32
    %run_scoped3A_57 = arith.constant 4 : i32
    "tpu.region"() ({
      %run_scoped3A_72 = tpu.sem_alloc : memref<!tpu.dma_semaphore, #tpu.memory_space<semaphore_mem>>
      %dma_start3A = arith.constant 0 : i32
      %dma_start3A_73 = arith.constant 0 : i32
      %dma_start3A_74 = tpu.memref_slice %arg5[%run_scoped3A_55, %dma_start3A, %dma_start3A_73] : memref<2x128x128xf32, #tpu.memory_space<vmem>> -> memref<1x128x128xf32, #tpu.memory_space<vmem>>
      %dma_start3A_75 = tpu.memref_squeeze %dma_start3A_74 : memref<1x128x128xf32, #tpu.memory_space<vmem>> -> memref<128x128xf32, #tpu.memory_space<vmem>>
      %dma_start3A_76 = arith.constant 0 : i32
      %dma_start3A_77 = tpu.memref_slice %arg6[%run_scoped3A_56, %run_scoped3A_57, %dma_start3A_76] : memref<2x8x128xi32, #tpu.memory_space<vmem>> -> memref<1x1x128xi32, #tpu.memory_space<vmem>>
      %dma_start3A_78 = tpu.memref_squeeze %dma_start3A_77 : memref<1x1x128xi32, #tpu.memory_space<vmem>> -> memref<128xi32, #tpu.memory_space<vmem>>
      %dma_start3A_79 = arith.constant 0 : i32
      %dma_start3A_80 = arith.constant 0 : i32
      %dma_start3A_81 = tpu.memref_slice %arg7[%dma_start3A_79, %dma_start3A_80] : memref<4096x128xf32, #tpu.memory_space<vmem_shared>> -> memref<4096x128xf32, #tpu.memory_space<vmem_shared>>
      tpu.enqueue_indirect_dma source(%dma_start3A_75 : memref<128x128xf32, #tpu.memory_space<vmem>>) target(%dma_start3A_81 : memref<4096x128xf32, #tpu.memory_space<vmem_shared>>) offsets(%dma_start3A_78 : memref<128xi32, #tpu.memory_space<vmem>>) semaphore(%run_scoped3A_72 : memref<!tpu.dma_semaphore, #tpu.memory_space<semaphore_mem>>) {add = true}
      %dma_wait3A = arith.constant 0 : i32
      %dma_wait3A_82 = arith.constant 0 : i32
      %dma_wait3A_83 = tpu.memref_slice %arg5[%run_scoped3A_55, %dma_wait3A, %dma_wait3A_82] : memref<2x128x128xf32, #tpu.memory_space<vmem>> -> memref<1x128x128xf32, #tpu.memory_space<vmem>>
      %dma_wait3A_84 = tpu.memref_squeeze %dma_wait3A_83 : memref<1x128x128xf32, #tpu.memory_space<vmem>> -> memref<128x128xf32, #tpu.memory_space<vmem>>
      %dma_wait3A_85 = arith.constant 0 : i32
      %dma_wait3A_86 = tpu.memref_slice %arg6[%run_scoped3A_56, %run_scoped3A_57, %dma_wait3A_85] : memref<2x8x128xi32, #tpu.memory_space<vmem>> -> memref<1x1x128xi32, #tpu.memory_space<vmem>>
      %dma_wait3A_87 = tpu.memref_squeeze %dma_wait3A_86 : memref<1x1x128xi32, #tpu.memory_space<vmem>> -> memref<128xi32, #tpu.memory_space<vmem>>
      %dma_wait3A_88 = arith.constant 0 : i32
      %dma_wait3A_89 = arith.constant 0 : i32
      %dma_wait3A_90 = tpu.memref_slice %arg7[%dma_wait3A_88, %dma_wait3A_89] : memref<4096x128xf32, #tpu.memory_space<vmem_shared>> -> memref<4096x128xf32, #tpu.memory_space<vmem_shared>>
      tpu.wait_indirect_dma semaphore(%run_scoped3A_72 : memref<!tpu.dma_semaphore, #tpu.memory_space<semaphore_mem>>) src(%dma_wait3A_84 : memref<128x128xf32, #tpu.memory_space<vmem>>) dst(%dma_wait3A_90 : memref<4096x128xf32, #tpu.memory_space<vmem_shared>>)
      tpu.yield
    }) : () -> ()
    %run_scoped3A_58 = arith.constant 1 : i32
    %run_scoped3A_59 = arith.constant 1 : i32
    %run_scoped3A_60 = arith.constant 5 : i32
    "tpu.region"() ({
      %run_scoped3A_72 = tpu.sem_alloc : memref<!tpu.dma_semaphore, #tpu.memory_space<semaphore_mem>>
      %dma_start3A = arith.constant 0 : i32
      %dma_start3A_73 = arith.constant 0 : i32
      %dma_start3A_74 = tpu.memref_slice %arg5[%run_scoped3A_58, %dma_start3A, %dma_start3A_73] : memref<2x128x128xf32, #tpu.memory_space<vmem>> -> memref<1x128x128xf32, #tpu.memory_space<vmem>>
      %dma_start3A_75 = tpu.memref_squeeze %dma_start3A_74 : memref<1x128x128xf32, #tpu.memory_space<vmem>> -> memref<128x128xf32, #tpu.memory_space<vmem>>
      %dma_start3A_76 = arith.constant 0 : i32
      %dma_start3A_77 = tpu.memref_slice %arg6[%run_scoped3A_59, %run_scoped3A_60, %dma_start3A_76] : memref<2x8x128xi32, #tpu.memory_space<vmem>> -> memref<1x1x128xi32, #tpu.memory_space<vmem>>
      %dma_start3A_78 = tpu.memref_squeeze %dma_start3A_77 : memref<1x1x128xi32, #tpu.memory_space<vmem>> -> memref<128xi32, #tpu.memory_space<vmem>>
      %dma_start3A_79 = arith.constant 0 : i32
      %dma_start3A_80 = arith.constant 0 : i32
      %dma_start3A_81 = tpu.memref_slice %arg7[%dma_start3A_79, %dma_start3A_80] : memref<4096x128xf32, #tpu.memory_space<vmem_shared>> -> memref<4096x128xf32, #tpu.memory_space<vmem_shared>>
      tpu.enqueue_indirect_dma source(%dma_start3A_75 : memref<128x128xf32, #tpu.memory_space<vmem>>) target(%dma_start3A_81 : memref<4096x128xf32, #tpu.memory_space<vmem_shared>>) offsets(%dma_start3A_78 : memref<128xi32, #tpu.memory_space<vmem>>) semaphore(%run_scoped3A_72 : memref<!tpu.dma_semaphore, #tpu.memory_space<semaphore_mem>>) {add = true}
      %dma_wait3A = arith.constant 0 : i32
      %dma_wait3A_82 = arith.constant 0 : i32
      %dma_wait3A_83 = tpu.memref_slice %arg5[%run_scoped3A_58, %dma_wait3A, %dma_wait3A_82] : memref<2x128x128xf32, #tpu.memory_space<vmem>> -> memref<1x128x128xf32, #tpu.memory_space<vmem>>
      %dma_wait3A_84 = tpu.memref_squeeze %dma_wait3A_83 : memref<1x128x128xf32, #tpu.memory_space<vmem>> -> memref<128x128xf32, #tpu.memory_space<vmem>>
      %dma_wait3A_85 = arith.constant 0 : i32
      %dma_wait3A_86 = tpu.memref_slice %arg6[%run_scoped3A_59, %run_scoped3A_60, %dma_wait3A_85] : memref<2x8x128xi32, #tpu.memory_space<vmem>> -> memref<1x1x128xi32, #tpu.memory_space<vmem>>
      %dma_wait3A_87 = tpu.memref_squeeze %dma_wait3A_86 : memref<1x1x128xi32, #tpu.memory_space<vmem>> -> memref<128xi32, #tpu.memory_space<vmem>>
      %dma_wait3A_88 = arith.constant 0 : i32
      %dma_wait3A_89 = arith.constant 0 : i32
      %dma_wait3A_90 = tpu.memref_slice %arg7[%dma_wait3A_88, %dma_wait3A_89] : memref<4096x128xf32, #tpu.memory_space<vmem_shared>> -> memref<4096x128xf32, #tpu.memory_space<vmem_shared>>
      tpu.wait_indirect_dma semaphore(%run_scoped3A_72 : memref<!tpu.dma_semaphore, #tpu.memory_space<semaphore_mem>>) src(%dma_wait3A_84 : memref<128x128xf32, #tpu.memory_space<vmem>>) dst(%dma_wait3A_90 : memref<4096x128xf32, #tpu.memory_space<vmem_shared>>)
      tpu.yield
    }) : () -> ()
    %run_scoped3A_61 = arith.constant 1 : i32
    %run_scoped3A_62 = arith.constant 1 : i32
    %run_scoped3A_63 = arith.constant 6 : i32
    "tpu.region"() ({
      %run_scoped3A_72 = tpu.sem_alloc : memref<!tpu.dma_semaphore, #tpu.memory_space<semaphore_mem>>
      %dma_start3A = arith.constant 0 : i32
      %dma_start3A_73 = arith.constant 0 : i32
      %dma_start3A_74 = tpu.memref_slice %arg5[%run_scoped3A_61, %dma_start3A, %dma_start3A_73] : memref<2x128x128xf32, #tpu.memory_space<vmem>> -> memref<1x128x128xf32, #tpu.memory_space<vmem>>
      %dma_start3A_75 = tpu.memref_squeeze %dma_start3A_74 : memref<1x128x128xf32, #tpu.memory_space<vmem>> -> memref<128x128xf32, #tpu.memory_space<vmem>>
      %dma_start3A_76 = arith.constant 0 : i32
      %dma_start3A_77 = tpu.memref_slice %arg6[%run_scoped3A_62, %run_scoped3A_63, %dma_start3A_76] : memref<2x8x128xi32, #tpu.memory_space<vmem>> -> memref<1x1x128xi32, #tpu.memory_space<vmem>>
      %dma_start3A_78 = tpu.memref_squeeze %dma_start3A_77 : memref<1x1x128xi32, #tpu.memory_space<vmem>> -> memref<128xi32, #tpu.memory_space<vmem>>
      %dma_start3A_79 = arith.constant 0 : i32
      %dma_start3A_80 = arith.constant 0 : i32
      %dma_start3A_81 = tpu.memref_slice %arg7[%dma_start3A_79, %dma_start3A_80] : memref<4096x128xf32, #tpu.memory_space<vmem_shared>> -> memref<4096x128xf32, #tpu.memory_space<vmem_shared>>
      tpu.enqueue_indirect_dma source(%dma_start3A_75 : memref<128x128xf32, #tpu.memory_space<vmem>>) target(%dma_start3A_81 : memref<4096x128xf32, #tpu.memory_space<vmem_shared>>) offsets(%dma_start3A_78 : memref<128xi32, #tpu.memory_space<vmem>>) semaphore(%run_scoped3A_72 : memref<!tpu.dma_semaphore, #tpu.memory_space<semaphore_mem>>) {add = true}
      %dma_wait3A = arith.constant 0 : i32
      %dma_wait3A_82 = arith.constant 0 : i32
      %dma_wait3A_83 = tpu.memref_slice %arg5[%run_scoped3A_61, %dma_wait3A, %dma_wait3A_82] : memref<2x128x128xf32, #tpu.memory_space<vmem>> -> memref<1x128x128xf32, #tpu.memory_space<vmem>>
      %dma_wait3A_84 = tpu.memref_squeeze %dma_wait3A_83 : memref<1x128x128xf32, #tpu.memory_space<vmem>> -> memref<128x128xf32, #tpu.memory_space<vmem>>
      %dma_wait3A_85 = arith.constant 0 : i32
      %dma_wait3A_86 = tpu.memref_slice %arg6[%run_scoped3A_62, %run_scoped3A_63, %dma_wait3A_85] : memref<2x8x128xi32, #tpu.memory_space<vmem>> -> memref<1x1x128xi32, #tpu.memory_space<vmem>>
      %dma_wait3A_87 = tpu.memref_squeeze %dma_wait3A_86 : memref<1x1x128xi32, #tpu.memory_space<vmem>> -> memref<128xi32, #tpu.memory_space<vmem>>
      %dma_wait3A_88 = arith.constant 0 : i32
      %dma_wait3A_89 = arith.constant 0 : i32
      %dma_wait3A_90 = tpu.memref_slice %arg7[%dma_wait3A_88, %dma_wait3A_89] : memref<4096x128xf32, #tpu.memory_space<vmem_shared>> -> memref<4096x128xf32, #tpu.memory_space<vmem_shared>>
      tpu.wait_indirect_dma semaphore(%run_scoped3A_72 : memref<!tpu.dma_semaphore, #tpu.memory_space<semaphore_mem>>) src(%dma_wait3A_84 : memref<128x128xf32, #tpu.memory_space<vmem>>) dst(%dma_wait3A_90 : memref<4096x128xf32, #tpu.memory_space<vmem_shared>>)
      tpu.yield
    }) : () -> ()
    %run_scoped3A_64 = arith.constant 1 : i32
    %run_scoped3A_65 = arith.constant 1 : i32
    %run_scoped3A_66 = arith.constant 7 : i32
    "tpu.region"() ({
      %run_scoped3A_72 = tpu.sem_alloc : memref<!tpu.dma_semaphore, #tpu.memory_space<semaphore_mem>>
      %dma_start3A = arith.constant 0 : i32
      %dma_start3A_73 = arith.constant 0 : i32
      %dma_start3A_74 = tpu.memref_slice %arg5[%run_scoped3A_64, %dma_start3A, %dma_start3A_73] : memref<2x128x128xf32, #tpu.memory_space<vmem>> -> memref<1x128x128xf32, #tpu.memory_space<vmem>>
      %dma_start3A_75 = tpu.memref_squeeze %dma_start3A_74 : memref<1x128x128xf32, #tpu.memory_space<vmem>> -> memref<128x128xf32, #tpu.memory_space<vmem>>
      %dma_start3A_76 = arith.constant 0 : i32
      %dma_start3A_77 = tpu.memref_slice %arg6[%run_scoped3A_65, %run_scoped3A_66, %dma_start3A_76] : memref<2x8x128xi32, #tpu.memory_space<vmem>> -> memref<1x1x128xi32, #tpu.memory_space<vmem>>
      %dma_start3A_78 = tpu.memref_squeeze %dma_start3A_77 : memref<1x1x128xi32, #tpu.memory_space<vmem>> -> memref<128xi32, #tpu.memory_space<vmem>>
      %dma_start3A_79 = arith.constant 0 : i32
      %dma_start3A_80 = arith.constant 0 : i32
      %dma_start3A_81 = tpu.memref_slice %arg7[%dma_start3A_79, %dma_start3A_80] : memref<4096x128xf32, #tpu.memory_space<vmem_shared>> -> memref<4096x128xf32, #tpu.memory_space<vmem_shared>>
      tpu.enqueue_indirect_dma source(%dma_start3A_75 : memref<128x128xf32, #tpu.memory_space<vmem>>) target(%dma_start3A_81 : memref<4096x128xf32, #tpu.memory_space<vmem_shared>>) offsets(%dma_start3A_78 : memref<128xi32, #tpu.memory_space<vmem>>) semaphore(%run_scoped3A_72 : memref<!tpu.dma_semaphore, #tpu.memory_space<semaphore_mem>>) {add = true}
      %dma_wait3A = arith.constant 0 : i32
      %dma_wait3A_82 = arith.constant 0 : i32
      %dma_wait3A_83 = tpu.memref_slice %arg5[%run_scoped3A_64, %dma_wait3A, %dma_wait3A_82] : memref<2x128x128xf32, #tpu.memory_space<vmem>> -> memref<1x128x128xf32, #tpu.memory_space<vmem>>
      %dma_wait3A_84 = tpu.memref_squeeze %dma_wait3A_83 : memref<1x128x128xf32, #tpu.memory_space<vmem>> -> memref<128x128xf32, #tpu.memory_space<vmem>>
      %dma_wait3A_85 = arith.constant 0 : i32
      %dma_wait3A_86 = tpu.memref_slice %arg6[%run_scoped3A_65, %run_scoped3A_66, %dma_wait3A_85] : memref<2x8x128xi32, #tpu.memory_space<vmem>> -> memref<1x1x128xi32, #tpu.memory_space<vmem>>
      %dma_wait3A_87 = tpu.memref_squeeze %dma_wait3A_86 : memref<1x1x128xi32, #tpu.memory_space<vmem>> -> memref<128xi32, #tpu.memory_space<vmem>>
      %dma_wait3A_88 = arith.constant 0 : i32
      %dma_wait3A_89 = arith.constant 0 : i32
      %dma_wait3A_90 = tpu.memref_slice %arg7[%dma_wait3A_88, %dma_wait3A_89] : memref<4096x128xf32, #tpu.memory_space<vmem_shared>> -> memref<4096x128xf32, #tpu.memory_space<vmem_shared>>
      tpu.wait_indirect_dma semaphore(%run_scoped3A_72 : memref<!tpu.dma_semaphore, #tpu.memory_space<semaphore_mem>>) src(%dma_wait3A_84 : memref<128x128xf32, #tpu.memory_space<vmem>>) dst(%dma_wait3A_90 : memref<4096x128xf32, #tpu.memory_space<vmem_shared>>)
      tpu.yield
    }) : () -> ()
    %barrier3A_67 = arith.constant 0 : index
    tpu.barrier barrier_id(%barrier3A_67)
    %mul3A_68 = arith.constant 256 : i32
    %mul3A_69 = arith.muli %arg1, %mul3A_68 : i32
    %mul3A_70 = arith.constant 256 : i32
    %mul3A_71 = arith.muli %arg1, %mul3A_70 : i32
    "tpu.region"() ({
      %run_scoped3A_72 = tpu.sem_alloc : memref<!tpu.dma_semaphore, #tpu.memory_space<semaphore_mem>>
      %dma_start3A = arith.constant 0 : i32
      %dma_start3A_73 = tpu.memref_slice %arg4[%arg0, %mul3A_71, %dma_start3A] : memref<2x4096x128xf32, #tpu.memory_space<hbm>> -> memref<1x256x128xf32, #tpu.memory_space<hbm>>
      %dma_start3A_74 = tpu.memref_squeeze %dma_start3A_73 : memref<1x256x128xf32, #tpu.memory_space<hbm>> -> memref<256x128xf32, #tpu.memory_space<hbm>>
      %dma_start3A_75 = arith.constant 0 : i32
      %dma_start3A_76 = tpu.memref_slice %arg7[%mul3A_69, %dma_start3A_75] : memref<4096x128xf32, #tpu.memory_space<vmem_shared>> -> memref<256x128xf32, #tpu.memory_space<vmem_shared>>
      tpu.enqueue_dma source(%dma_start3A_76 : memref<256x128xf32, #tpu.memory_space<vmem_shared>>) target(%dma_start3A_74 : memref<256x128xf32, #tpu.memory_space<hbm>>) target_semaphore(%run_scoped3A_72 : memref<!tpu.dma_semaphore, #tpu.memory_space<semaphore_mem>>)
      %dma_wait3A = arith.constant 0 : i32
      %dma_wait3A_77 = tpu.memref_slice %arg4[%arg0, %mul3A_71, %dma_wait3A] : memref<2x4096x128xf32, #tpu.memory_space<hbm>> -> memref<1x256x128xf32, #tpu.memory_space<hbm>>
      %dma_wait3A_78 = tpu.memref_squeeze %dma_wait3A_77 : memref<1x256x128xf32, #tpu.memory_space<hbm>> -> memref<256x128xf32, #tpu.memory_space<hbm>>
      %dma_wait3A_79 = arith.constant 0 : i32
      %dma_wait3A_80 = tpu.memref_slice %arg7[%mul3A_69, %dma_wait3A_79] : memref<4096x128xf32, #tpu.memory_space<vmem_shared>> -> memref<256x128xf32, #tpu.memory_space<vmem_shared>>
      tpu.wait_dma2 semaphore(%run_scoped3A_72 : memref<!tpu.dma_semaphore, #tpu.memory_space<semaphore_mem>>) src(%dma_wait3A_80 : memref<256x128xf32, #tpu.memory_space<vmem_shared>>) dst(%dma_wait3A_78 : memref<256x128xf32, #tpu.memory_space<hbm>>)
      tpu.yield
    }) : () -> ()
    return
  }
}

module attributes {stable_mosaic.version = 14 : i64} {
  func.func @_first_body(%arg0: i32, %arg1: memref<2x512x128xf32, #tpu.memory_space<vmem>>, %arg2: memref<2x512x1xf32, #tpu.memory_space<vmem>>, %arg3: memref<128x128xf32, #tpu.memory_space<vmem>>, %arg4: memref<2x512x128xf32, #tpu.memory_space<vmem>>) attributes {dimension_semantics = [#tpu.dimension_semantics<arbitrary>], iteration_bounds = array<i64: 8>, scalar_prefetch = 0 : i64, scratch_operands = 0 : i64, tpu.core_type = #tpu.core_type<tc>, window_params = [{transform_indices = @transform_0, window_bounds = array<i64: 2, 512, 128>}, {transform_indices = @transform_1, window_bounds = array<i64: 2, 512, 1>}, {pipeline_mode = #tpu.pipeline_mode<synchronous>, transform_indices = @transform_2, window_bounds = array<i64: 128, 128>}, {transform_indices = @transform_3, window_bounds = array<i64: 2, 512, 128>}]} {
    %get3A = arith.constant 0 : index
    %get3A_0 = arith.constant 0 : index
    %get3A_1 = arith.constant 0 : index
    %get3A_2 = vector.load %arg2[%get3A, %get3A_0, %get3A_1] : memref<2x512x1xf32, #tpu.memory_space<vmem>>, vector<1x512x1xf32>
    %get3A_3 = vector.shape_cast %get3A_2 : vector<1x512x1xf32> to vector<512x1xf32>
    %get3A_4 = arith.constant 1 : index
    %get3A_5 = arith.constant 0 : index
    %get3A_6 = arith.constant 0 : index
    %get3A_7 = vector.load %arg2[%get3A_4, %get3A_5, %get3A_6] : memref<2x512x1xf32, #tpu.memory_space<vmem>>, vector<1x512x1xf32>
    %get3A_8 = vector.shape_cast %get3A_7 : vector<1x512x1xf32> to vector<512x1xf32>
    %add3A = arith.addf %get3A_3, %get3A_8 : vector<512x1xf32>
    %add3A_9 = arith.constant 1.000000e+00 : f32
    %add3A_10 = vector.broadcast %add3A_9 : f32 to vector<512x1xf32>
    %add3A_11 = arith.addf %add3A, %add3A_10 : vector<512x1xf32>
    %rsqrt3A = math.rsqrt %add3A_11 : vector<512x1xf32>
    %get3A_12 = arith.constant 0 : index
    %get3A_13 = arith.constant 0 : index
    %get3A_14 = vector.load %arg3[%get3A_12, %get3A_13] : memref<128x128xf32, #tpu.memory_space<vmem>>, vector<128x128xf32>
    %get3A_15 = arith.constant 0 : index
    %get3A_16 = arith.constant 0 : index
    %get3A_17 = arith.constant 0 : index
    %get3A_18 = vector.load %arg1[%get3A_15, %get3A_16, %get3A_17] : memref<2x512x128xf32, #tpu.memory_space<vmem>>, vector<1x512x128xf32>
    %get3A_19 = vector.shape_cast %get3A_18 : vector<1x512x128xf32> to vector<512x128xf32>
    %dot_general3A = arith.constant dense<0.000000e+00> : vector<512x128xf32>
    %dot_general3A_20 = tpu.matmul %get3A_19, %get3A_14, %dot_general3A {dimension_numbers = #tpu.dot_dimension_numbers<[1], [0], [0], [1], [0, 0, 1, 1], [], []>, transpose_lhs_hint = false} : vector<512x128xf32>, vector<128x128xf32>, vector<512x128xf32> -> vector<512x128xf32>
    %mul3A = vector.broadcast %rsqrt3A : vector<512x1xf32> to vector<512x128xf32>
    %mul3A_21 = arith.mulf %dot_general3A_20, %mul3A : vector<512x128xf32>
    %swap3A = arith.constant 0 : index
    %swap3A_22 = arith.constant 0 : index
    %swap3A_23 = arith.constant 0 : index
    %swap3A_24 = vector.load %arg4[%swap3A, %swap3A_22, %swap3A_23] : memref<2x512x128xf32, #tpu.memory_space<vmem>>, vector<1x512x128xf32>
    %swap3A_25 = vector.shape_cast %swap3A_24 : vector<1x512x128xf32> to vector<512x128xf32>
    %swap3A_26 = vector.shape_cast %mul3A_21 : vector<512x128xf32> to vector<1x512x128xf32>
    tpu.vector_store %arg4[%swap3A, %swap3A_22, %swap3A_23], %swap3A_26 {strides = array<i32>} : memref<2x512x128xf32, #tpu.memory_space<vmem>>, vector<1x512x128xf32>,
    %get3A_27 = arith.constant 1 : index
    %get3A_28 = arith.constant 0 : index
    %get3A_29 = arith.constant 0 : index
    %get3A_30 = vector.load %arg1[%get3A_27, %get3A_28, %get3A_29] : memref<2x512x128xf32, #tpu.memory_space<vmem>>, vector<1x512x128xf32>
    %get3A_31 = vector.shape_cast %get3A_30 : vector<1x512x128xf32> to vector<512x128xf32>
    %dot_general3A_32 = arith.constant dense<0.000000e+00> : vector<512x128xf32>
    %dot_general3A_33 = tpu.matmul %get3A_31, %get3A_14, %dot_general3A_32 {dimension_numbers = #tpu.dot_dimension_numbers<[1], [0], [0], [1], [0, 0, 1, 1], [], []>, transpose_lhs_hint = false} : vector<512x128xf32>, vector<128x128xf32>, vector<512x128xf32> -> vector<512x128xf32>
    %mul3A_34 = vector.broadcast %rsqrt3A : vector<512x1xf32> to vector<512x128xf32>
    %mul3A_35 = arith.mulf %dot_general3A_33, %mul3A_34 : vector<512x128xf32>
    %swap3A_36 = arith.constant 1 : index
    %swap3A_37 = arith.constant 0 : index
    %swap3A_38 = arith.constant 0 : index
    %swap3A_39 = vector.load %arg4[%swap3A_36, %swap3A_37, %swap3A_38] : memref<2x512x128xf32, #tpu.memory_space<vmem>>, vector<1x512x128xf32>
    %swap3A_40 = vector.shape_cast %swap3A_39 : vector<1x512x128xf32> to vector<512x128xf32>
    %swap3A_41 = vector.shape_cast %mul3A_35 : vector<512x128xf32> to vector<1x512x128xf32>
    tpu.vector_store %arg4[%swap3A_36, %swap3A_37, %swap3A_38], %swap3A_41 {strides = array<i32>} : memref<2x512x128xf32, #tpu.memory_space<vmem>>, vector<1x512x128xf32>,
    return
  }
  func.func @transform_0(%arg0: i32) -> (i32, i32, i32) {
    %c0_i32 = arith.constant 0 : i32
    %c0_i32_0 = arith.constant 0 : i32
    %c0_i32_1 = arith.constant 0 : i32
    return %c0_i32, %arg0, %c0_i32_0 : i32, i32, i32
  }
  func.func @transform_1(%arg0: i32) -> (i32, i32, i32) {
    %c0_i32 = arith.constant 0 : i32
    %c0_i32_0 = arith.constant 0 : i32
    %c0_i32_1 = arith.constant 0 : i32
    return %c0_i32, %arg0, %c0_i32_0 : i32, i32, i32
  }
  func.func @transform_2(%arg0: i32) -> (i32, i32) {
    %c0_i32 = arith.constant 0 : i32
    %c0_i32_0 = arith.constant 0 : i32
    %c0_i32_1 = arith.constant 0 : i32
    return %c0_i32, %c0_i32_0 : i32, i32
  }
  func.func @transform_3(%arg0: i32) -> (i32, i32, i32) {
    %c0_i32 = arith.constant 0 : i32
    %c0_i32_0 = arith.constant 0 : i32
    %c0_i32_1 = arith.constant 0 : i32
    return %c0_i32, %arg0, %c0_i32_0 : i32, i32, i32
  }
}

module attributes {stable_mosaic.version = 14 : i64} {
  func.func @_topk_body(%arg0: i32, %arg1: memref<2x128x4096xf32, #tpu.memory_space<vmem>>, %arg2: memref<2x128x512xf32, #tpu.memory_space<vmem>>, %arg3: memref<512x8xi32, #tpu.memory_space<vmem>>, %arg4: memref<130x4096xf32, #tpu.memory_space<vmem>>) attributes {dimension_semantics = [#tpu.dimension_semantics<arbitrary>], iteration_bounds = array<i64: 8>, scalar_prefetch = 0 : i64, scratch_operands = 1 : i64, tpu.core_type = #tpu.core_type<tc>, window_params = [{pipeline_mode = #tpu.pipeline_mode<synchronous>, transform_indices = @transform_0, window_bounds = array<i64: 2, 128, 4096>}, {transform_indices = @transform_1, window_bounds = array<i64: 2, 128, 512>}, {transform_indices = @transform_2, window_bounds = array<i64: 512, 8>}]} {
    %eq3A = arith.constant 0 : i32
    %eq3A_0 = arith.cmpi eq, %arg0, %eq3A : i32
    %convert_element_type3A = arith.extui %eq3A_0 : i1 to i32
    %cond3A = arith.constant 0 : i32
    %cond3A_1 = arith.cmpi ne, %convert_element_type3A, %cond3A : i32
    scf.if %cond3A_1 {
      %get3A_283 = arith.constant 0 : index
      %get3A_284 = arith.constant 0 : index
      %get3A_285 = arith.constant 0 : index
      %get3A_286 = vector.load %arg1[%get3A_283, %get3A_284, %get3A_285] : memref<2x128x4096xf32, #tpu.memory_space<vmem>>, vector<2x128x4096xf32>
      %slice3A_287 = vector.extract_strided_slice %get3A_286 {offsets = [0, 0, 0], sizes = [1, 128, 4096], strides = [1, 1, 1]} : vector<2x128x4096xf32> to vector<1x128x4096xf32>
      %squeeze3A_288 = vector.shape_cast %slice3A_287 : vector<1x128x4096xf32> to vector<128x4096xf32>
      %slice3A_289 = vector.extract_strided_slice %get3A_286 {offsets = [1, 0, 0], sizes = [1, 128, 4096], strides = [1, 1, 1]} : vector<2x128x4096xf32> to vector<1x128x4096xf32>
      %squeeze3A_290 = vector.shape_cast %slice3A_289 : vector<1x128x4096xf32> to vector<128x4096xf32>
      %add3A_291 = arith.addf %squeeze3A_288, %squeeze3A_290 : vector<128x4096xf32>
      %mul3A_292 = arith.constant 5.000000e-01 : f32
      %mul3A_293 = vector.broadcast %mul3A_292 : f32 to vector<128x4096xf32>
      %mul3A_294 = arith.mulf %mul3A_293, %add3A_291 : vector<128x4096xf32>
      %mul3A_295 = arith.mulf %mul3A_294, %mul3A_294 : vector<128x4096xf32>
      %reduce_sum3A_296 = arith.constant dense<0.000000e+00> : vector<4096xf32>
      %reduce_sum3A_297 = vector.multi_reduction <add>, %mul3A_295, %reduce_sum3A_296 [0] : vector<128x4096xf32> to vector<4096xf32>
      %broadcast_in_dim3A_298 = vector.shape_cast %reduce_sum3A_297 : vector<4096xf32> to vector<1x4096xf32>
      %broadcast_in_dim3A_299 = arith.constant 1.000000e+00 : f32
      %broadcast_in_dim3A_300 = vector.broadcast %broadcast_in_dim3A_299 : f32 to vector<1x4096xf32>
      %mul3A_301 = arith.constant -2.000000e+00 : f32
      %mul3A_302 = vector.broadcast %mul3A_301 : f32 to vector<128x4096xf32>
      %mul3A_303 = arith.mulf %mul3A_302, %mul3A_294 : vector<128x4096xf32>
      %concatenate3A_304 = tpu.concatenate %mul3A_303, %broadcast_in_dim3A_300, %broadcast_in_dim3A_298 in 0 : vector<128x4096xf32>, vector<1x4096xf32>, vector<1x4096xf32> -> vector<130x4096xf32>
      %swap3A_305 = arith.constant 0 : index
      %swap3A_306 = arith.constant 0 : index
      %swap3A_307 = vector.load %arg4[%swap3A_305, %swap3A_306] : memref<130x4096xf32, #tpu.memory_space<vmem>>, vector<130x4096xf32>
      tpu.vector_store %arg4[%swap3A_305, %swap3A_306], %concatenate3A_304 {strides = array<i32>} : memref<130x4096xf32, #tpu.memory_space<vmem>>, vector<130x4096xf32>,
    } else {
    }
    %get3A = arith.constant 0 : index
    %get3A_2 = arith.constant 0 : index
    %get3A_3 = arith.constant 0 : index
    %get3A_4 = vector.load %arg2[%get3A, %get3A_2, %get3A_3] : memref<2x128x512xf32, #tpu.memory_space<vmem>>, vector<2x128x512xf32>
    %slice3A = vector.extract_strided_slice %get3A_4 {offsets = [0, 0, 0], sizes = [1, 128, 512], strides = [1, 1, 1]} : vector<2x128x512xf32> to vector<1x128x512xf32>
    %squeeze3A = vector.shape_cast %slice3A : vector<1x128x512xf32> to vector<128x512xf32>
    %slice3A_5 = vector.extract_strided_slice %get3A_4 {offsets = [1, 0, 0], sizes = [1, 128, 512], strides = [1, 1, 1]} : vector<2x128x512xf32> to vector<1x128x512xf32>
    %squeeze3A_6 = vector.shape_cast %slice3A_5 : vector<1x128x512xf32> to vector<128x512xf32>
    %add3A = arith.addf %squeeze3A, %squeeze3A_6 : vector<128x512xf32>
    %mul3A = arith.constant 5.000000e-01 : f32
    %mul3A_7 = vector.broadcast %mul3A : f32 to vector<128x512xf32>
    %mul3A_8 = arith.mulf %mul3A_7, %add3A : vector<128x512xf32>
    %mul3A_9 = arith.mulf %mul3A_8, %mul3A_8 : vector<128x512xf32>
    %reduce_sum3A = arith.constant dense<0.000000e+00> : vector<512xf32>
    %reduce_sum3A_10 = vector.multi_reduction <add>, %mul3A_9, %reduce_sum3A [0] : vector<128x512xf32> to vector<512xf32>
    %broadcast_in_dim3A = vector.shape_cast %reduce_sum3A_10 : vector<512xf32> to vector<1x512xf32>
    %broadcast_in_dim3A_11 = arith.constant 1.000000e+00 : f32
    %broadcast_in_dim3A_12 = vector.broadcast %broadcast_in_dim3A_11 : f32 to vector<1x512xf32>
    %concatenate3A = tpu.concatenate %mul3A_8, %broadcast_in_dim3A, %broadcast_in_dim3A_12 in 0 : vector<128x512xf32>, vector<1x512xf32>, vector<1x512xf32> -> vector<130x512xf32>
    %get3A_13 = arith.constant 0 : index
    %get3A_14 = arith.constant 0 : index
    %get3A_15 = vector.load %arg4[%get3A_13, %get3A_14] : memref<130x4096xf32, #tpu.memory_space<vmem>>, vector<130x4096xf32>
    %dot_general3A = arith.constant dense<0.000000e+00> : vector<512x4096xf32>
    %dot_general3A_16 = tpu.matmul %concatenate3A, %get3A_15, %dot_general3A {dimension_numbers = #tpu.dot_dimension_numbers<[0], [0], [1], [1], [0, 1, 1, 1], [], []>, transpose_lhs_hint = false} : vector<130x512xf32>, vector<130x4096xf32>, vector<512x4096xf32> -> vector<512x4096xf32>
    %mul3A_17 = arith.constant 512 : i32
    %mul3A_18 = arith.muli %arg0, %mul3A_17 : i32
    %iota3A = tpu.iota {dimensions = array<i32: 0>} : vector<512x1xi32>
    %add3A_19 = vector.broadcast %mul3A_18 : i32 to vector<512x1xi32>
    %add3A_20 = arith.addi %add3A_19, %iota3A : vector<512x1xi32>
    %iota3A_21 = tpu.iota {dimensions = array<i32: 1>} : vector<1x4096xi32>
    %jit3A = arith.constant 64 : i32
    %div3A = vector.broadcast %jit3A : i32 to vector<512x1xi32>
    %div3A_22 = arith.divsi %add3A_20, %div3A : vector<512x1xi32>
    %sign3A = arith.constant 0 : i32
    %sign3A_23 = vector.broadcast %sign3A : i32 to vector<512x1xi32>
    %sign3A_24 = arith.cmpi sgt, %add3A_20, %sign3A_23 : vector<512x1xi32>
    %sign3A_25 = arith.extui %sign3A_24 : vector<512x1xi1> to vector<512x1xi32>
    %sign3A_26 = arith.constant 0 : i32
    %sign3A_27 = vector.broadcast %sign3A_26 : i32 to vector<512x1xi32>
    %sign3A_28 = arith.cmpi slt, %add3A_20, %sign3A_27 : vector<512x1xi32>
    %sign3A_29 = arith.extui %sign3A_28 : vector<512x1xi1> to vector<512x1xi32>
    %sign3A_30 = arith.subi %sign3A_25, %sign3A_29 : vector<512x1xi32>
    %sign3A_31 = arith.constant 0 : i32
    %sign3A_32 = arith.cmpi sgt, %jit3A, %sign3A_31 : i32
    %sign3A_33 = arith.extui %sign3A_32 : i1 to i32
    %sign3A_34 = arith.constant 0 : i32
    %sign3A_35 = arith.cmpi slt, %jit3A, %sign3A_34 : i32
    %sign3A_36 = arith.extui %sign3A_35 : i1 to i32
    %sign3A_37 = arith.subi %sign3A_33, %sign3A_36 : i32
    %ne3A = vector.broadcast %sign3A_37 : i32 to vector<512x1xi32>
    %ne3A_38 = arith.cmpi ne, %sign3A_30, %ne3A : vector<512x1xi32>
    %rem3A = vector.broadcast %jit3A : i32 to vector<512x1xi32>
    %rem3A_39 = arith.remsi %add3A_20, %rem3A : vector<512x1xi32>
    %ne3A_40 = arith.constant 0 : i32
    %ne3A_41 = vector.broadcast %ne3A_40 : i32 to vector<512x1xi32>
    %ne3A_42 = arith.cmpi ne, %rem3A_39, %ne3A_41 : vector<512x1xi32>
    %and3A = arith.andi %ne3A_38, %ne3A_42 : vector<512x1xi1>
    %sub3A = arith.constant 1 : i32
    %sub3A_43 = vector.broadcast %sub3A : i32 to vector<512x1xi32>
    %sub3A_44 = arith.subi %div3A_22, %sub3A_43 : vector<512x1xi32>
    %select_n3A = arith.select %and3A, %sub3A_44, %div3A_22 : vector<512x1xi1>, vector<512x1xi32>
    %jit3A_45 = arith.constant 64 : i32
    %eq3A_46 = arith.constant 0 : i32
    %eq3A_47 = arith.cmpi eq, %jit3A_45, %eq3A_46 : i32
    %jit3A_48 = arith.constant 1 : i32
    %select_n3A_49 = arith.select %eq3A_47, %jit3A_48, %jit3A_45 : i32
    %rem3A_50 = vector.broadcast %select_n3A_49 : i32 to vector<512x1xi32>
    %rem3A_51 = arith.remsi %add3A_20, %rem3A_50 : vector<512x1xi32>
    %ne3A_52 = arith.constant 0 : i32
    %ne3A_53 = vector.broadcast %ne3A_52 : i32 to vector<512x1xi32>
    %ne3A_54 = arith.cmpi ne, %rem3A_51, %ne3A_53 : vector<512x1xi32>
    %lt3A = arith.constant 0 : i32
    %lt3A_55 = vector.broadcast %lt3A : i32 to vector<512x1xi32>
    %lt3A_56 = arith.cmpi slt, %rem3A_51, %lt3A_55 : vector<512x1xi32>
    %lt3A_57 = arith.constant 0 : i32
    %lt3A_58 = arith.cmpi slt, %select_n3A_49, %lt3A_57 : i32
    %ne3A_59 = vector.broadcast %lt3A_58 : i1 to vector<512x1xi1>
    %ne3A_60 = vector.broadcast %ne3A_59 : vector<512x1xi1> to vector<512x1xi1>
    %ne3A_61 = arith.xori %lt3A_56, %ne3A_60 : vector<512x1xi1>
    %and3A_62 = arith.andi %ne3A_61, %ne3A_54 : vector<512x1xi1>
    %add3A_63 = vector.broadcast %select_n3A_49 : i32 to vector<512x1xi32>
    %add3A_64 = arith.addi %rem3A_51, %add3A_63 : vector<512x1xi32>
    %select_n3A_65 = arith.select %and3A_62, %add3A_64, %rem3A_51 : vector<512x1xi1>, vector<512x1xi32>
    %jit3A_66 = arith.constant 64 : i32
    %div3A_67 = vector.broadcast %jit3A_66 : i32 to vector<1x4096xi32>
    %div3A_68 = arith.divsi %iota3A_21, %div3A_67 : vector<1x4096xi32>
    %sign3A_69 = arith.constant 0 : i32
    %sign3A_70 = vector.broadcast %sign3A_69 : i32 to vector<1x4096xi32>
    %sign3A_71 = arith.cmpi sgt, %iota3A_21, %sign3A_70 : vector<1x4096xi32>
    %sign3A_72 = arith.extui %sign3A_71 : vector<1x4096xi1> to vector<1x4096xi32>
    %sign3A_73 = arith.constant 0 : i32
    %sign3A_74 = vector.broadcast %sign3A_73 : i32 to vector<1x4096xi32>
    %sign3A_75 = arith.cmpi slt, %iota3A_21, %sign3A_74 : vector<1x4096xi32>
    %sign3A_76 = arith.extui %sign3A_75 : vector<1x4096xi1> to vector<1x4096xi32>
    %sign3A_77 = arith.subi %sign3A_72, %sign3A_76 : vector<1x4096xi32>
    %sign3A_78 = arith.constant 0 : i32
    %sign3A_79 = arith.cmpi sgt, %jit3A_66, %sign3A_78 : i32
    %sign3A_80 = arith.extui %sign3A_79 : i1 to i32
    %sign3A_81 = arith.constant 0 : i32
    %sign3A_82 = arith.cmpi slt, %jit3A_66, %sign3A_81 : i32
    %sign3A_83 = arith.extui %sign3A_82 : i1 to i32
    %sign3A_84 = arith.subi %sign3A_80, %sign3A_83 : i32
    %ne3A_85 = vector.broadcast %sign3A_84 : i32 to vector<1x4096xi32>
    %ne3A_86 = arith.cmpi ne, %sign3A_77, %ne3A_85 : vector<1x4096xi32>
    %rem3A_87 = vector.broadcast %jit3A_66 : i32 to vector<1x4096xi32>
    %rem3A_88 = arith.remsi %iota3A_21, %rem3A_87 : vector<1x4096xi32>
    %ne3A_89 = arith.constant 0 : i32
    %ne3A_90 = vector.broadcast %ne3A_89 : i32 to vector<1x4096xi32>
    %ne3A_91 = arith.cmpi ne, %rem3A_88, %ne3A_90 : vector<1x4096xi32>
    %and3A_92 = arith.andi %ne3A_86, %ne3A_91 : vector<1x4096xi1>
    %sub3A_93 = arith.constant 1 : i32
    %sub3A_94 = vector.broadcast %sub3A_93 : i32 to vector<1x4096xi32>
    %sub3A_95 = arith.subi %div3A_68, %sub3A_94 : vector<1x4096xi32>
    %select_n3A_96 = arith.select %and3A_92, %sub3A_95, %div3A_68 : vector<1x4096xi1>, vector<1x4096xi32>
    %jit3A_97 = arith.constant 64 : i32
    %eq3A_98 = arith.constant 0 : i32
    %eq3A_99 = arith.cmpi eq, %jit3A_97, %eq3A_98 : i32
    %jit3A_100 = arith.constant 1 : i32
    %select_n3A_101 = arith.select %eq3A_99, %jit3A_100, %jit3A_97 : i32
    %rem3A_102 = vector.broadcast %select_n3A_101 : i32 to vector<1x4096xi32>
    %rem3A_103 = arith.remsi %iota3A_21, %rem3A_102 : vector<1x4096xi32>
    %ne3A_104 = arith.constant 0 : i32
    %ne3A_105 = vector.broadcast %ne3A_104 : i32 to vector<1x4096xi32>
    %ne3A_106 = arith.cmpi ne, %rem3A_103, %ne3A_105 : vector<1x4096xi32>
    %lt3A_107 = arith.constant 0 : i32
    %lt3A_108 = vector.broadcast %lt3A_107 : i32 to vector<1x4096xi32>
    %lt3A_109 = arith.cmpi slt, %rem3A_103, %lt3A_108 : vector<1x4096xi32>
    %lt3A_110 = arith.constant 0 : i32
    %lt3A_111 = arith.cmpi slt, %select_n3A_101, %lt3A_110 : i32
    %ne3A_112 = vector.broadcast %lt3A_111 : i1 to vector<1x4096xi1>
    %ne3A_113 = vector.broadcast %ne3A_112 : vector<1x4096xi1> to vector<1x4096xi1>
    %ne3A_114 = arith.xori %lt3A_109, %ne3A_113 : vector<1x4096xi1>
    %and3A_115 = arith.andi %ne3A_114, %ne3A_106 : vector<1x4096xi1>
    %add3A_116 = vector.broadcast %select_n3A_101 : i32 to vector<1x4096xi32>
    %add3A_117 = arith.addi %rem3A_103, %add3A_116 : vector<1x4096xi32>
    %select_n3A_118 = arith.select %and3A_115, %add3A_117, %rem3A_103 : vector<1x4096xi1>, vector<1x4096xi32>
    %sub3A_119 = vector.broadcast %select_n3A : vector<512x1xi32> to vector<512x4096xi32>
    %sub3A_120 = vector.broadcast %select_n3A_96 : vector<1x4096xi32> to vector<512x4096xi32>
    %sub3A_121 = arith.subi %sub3A_119, %sub3A_120 : vector<512x4096xi32>
    %sub3A_122 = vector.broadcast %select_n3A : vector<512x1xi32> to vector<512x4096xi32>
    %sub3A_123 = vector.broadcast %select_n3A_96 : vector<1x4096xi32> to vector<512x4096xi32>
    %sub3A_124 = arith.subi %sub3A_122, %sub3A_123 : vector<512x4096xi32>
    %mul3A_125 = arith.muli %sub3A_121, %sub3A_124 : vector<512x4096xi32>
    %sub3A_126 = vector.broadcast %select_n3A_65 : vector<512x1xi32> to vector<512x4096xi32>
    %sub3A_127 = vector.broadcast %select_n3A_118 : vector<1x4096xi32> to vector<512x4096xi32>
    %sub3A_128 = arith.subi %sub3A_126, %sub3A_127 : vector<512x4096xi32>
    %sub3A_129 = vector.broadcast %select_n3A_65 : vector<512x1xi32> to vector<512x4096xi32>
    %sub3A_130 = vector.broadcast %select_n3A_118 : vector<1x4096xi32> to vector<512x4096xi32>
    %sub3A_131 = arith.subi %sub3A_129, %sub3A_130 : vector<512x4096xi32>
    %mul3A_132 = arith.muli %sub3A_128, %sub3A_131 : vector<512x4096xi32>
    %add3A_133 = arith.addi %mul3A_125, %mul3A_132 : vector<512x4096xi32>
    %convert_element_type3A_134 = arith.sitofp %add3A_133 : vector<512x4096xi32> to vector<512x4096xf32>
    %sqrt3A = math.sqrt %convert_element_type3A_134 : vector<512x4096xf32>
    %mul3A_135 = arith.constant 0.699999988 : f32
    %mul3A_136 = vector.broadcast %mul3A_135 : f32 to vector<512x4096xf32>
    %mul3A_137 = arith.mulf %mul3A_136, %sqrt3A : vector<512x4096xf32>
    %max3A = arith.constant 0.000000e+00 : f32
    %max3A_138 = vector.broadcast %max3A : f32 to vector<512x4096xf32>
    %max3A_139 = arith.maximumf %dot_general3A_16, %max3A_138 : vector<512x4096xf32>
    %sqrt3A_140 = math.sqrt %max3A_139 : vector<512x4096xf32>
    %mul3A_141 = arith.constant 3.000000e-01 : f32
    %mul3A_142 = vector.broadcast %mul3A_141 : f32 to vector<512x4096xf32>
    %mul3A_143 = arith.mulf %mul3A_142, %sqrt3A_140 : vector<512x4096xf32>
    %add3A_144 = arith.addf %mul3A_137, %mul3A_143 : vector<512x4096xf32>
    %iota3A_145 = tpu.iota {dimensions = array<i32: 1>} : vector<512x4096xi32>
    %convert_element_type3A_146 = arith.sitofp %iota3A_145 : vector<512x4096xi32> to vector<512x4096xf32>
    %convert_element_type3A_147 = arith.sitofp %add3A_20 : vector<512x1xi32> to vector<512x1xf32>
    %eq3A_148 = vector.broadcast %convert_element_type3A_147 : vector<512x1xf32> to vector<512x4096xf32>
    %eq3A_149 = arith.cmpf oeq, %convert_element_type3A_146, %eq3A_148 : vector<512x4096xf32>
    %jit3A_150 = arith.constant 1.000000e+30 : f32
    %broadcast_in_dim3A_151 = vector.broadcast %jit3A_150 : f32 to vector<512x4096xf32>
    %select_n3A_152 = arith.select %eq3A_149, %convert_element_type3A_146, %broadcast_in_dim3A_151 : vector<512x4096xi1>, vector<512x4096xf32>
    %reduce_min3A = arith.constant dense<0x7F800000> : vector<512xf32>
    %reduce_min3A_153 = vector.multi_reduction <minimumf>, %select_n3A_152, %reduce_min3A [1] : vector<512x4096xf32> to vector<512xf32>
    %broadcast_in_dim3A_154 = vector.shape_cast %reduce_min3A_153 : vector<512xf32> to vector<512x1xf32>
    %convert_element_type3A_155 = arith.fptosi %broadcast_in_dim3A_154 : vector<512x1xf32> to vector<512x1xi32>
    %swap3A = arith.constant 0 : index
    %swap3A_156 = arith.constant 0 : index
    %swap3A_157 = vector.load %arg3[%swap3A, %swap3A_156] : memref<512x8xi32, #tpu.memory_space<vmem>>, vector<512x1xi32>
    tpu.vector_store %arg3[%swap3A, %swap3A_156], %convert_element_type3A_155 {strides = array<i32>} : memref<512x8xi32, #tpu.memory_space<vmem>>, vector<512x1xi32>,
    %jit3A_158 = arith.constant 1.000000e+30 : f32
    %broadcast_in_dim3A_159 = vector.broadcast %jit3A_158 : f32 to vector<512x4096xf32>
    %select_n3A_160 = arith.select %eq3A_149, %broadcast_in_dim3A_159, %add3A_144 : vector<512x4096xi1>, vector<512x4096xf32>
    %reduce_min3A_161 = arith.constant dense<0x7F800000> : vector<512xf32>
    %reduce_min3A_162 = vector.multi_reduction <minimumf>, %select_n3A_160, %reduce_min3A_161 [1] : vector<512x4096xf32> to vector<512xf32>
    %broadcast_in_dim3A_163 = vector.shape_cast %reduce_min3A_162 : vector<512xf32> to vector<512x1xf32>
    %le3A = vector.broadcast %broadcast_in_dim3A_163 : vector<512x1xf32> to vector<512x4096xf32>
    %le3A_164 = arith.cmpf ole, %select_n3A_160, %le3A : vector<512x4096xf32>
    %jit3A_165 = arith.constant 1.000000e+30 : f32
    %broadcast_in_dim3A_166 = vector.broadcast %jit3A_165 : f32 to vector<512x4096xf32>
    %select_n3A_167 = arith.select %le3A_164, %convert_element_type3A_146, %broadcast_in_dim3A_166 : vector<512x4096xi1>, vector<512x4096xf32>
    %reduce_min3A_168 = arith.constant dense<0x7F800000> : vector<512xf32>
    %reduce_min3A_169 = vector.multi_reduction <minimumf>, %select_n3A_167, %reduce_min3A_168 [1] : vector<512x4096xf32> to vector<512xf32>
    %broadcast_in_dim3A_170 = vector.shape_cast %reduce_min3A_169 : vector<512xf32> to vector<512x1xf32>
    %convert_element_type3A_171 = arith.fptosi %broadcast_in_dim3A_170 : vector<512x1xf32> to vector<512x1xi32>
    %swap3A_172 = arith.constant 0 : index
    %swap3A_173 = arith.constant 1 : index
    %swap3A_174 = vector.load %arg3[%swap3A_172, %swap3A_173] : memref<512x8xi32, #tpu.memory_space<vmem>>, vector<512x1xi32>
    tpu.vector_store %arg3[%swap3A_172, %swap3A_173], %convert_element_type3A_171 {strides = array<i32>} : memref<512x8xi32, #tpu.memory_space<vmem>>, vector<512x1xi32>,
    %jit3A_175 = arith.constant 1.000000e+30 : f32
    %broadcast_in_dim3A_176 = vector.broadcast %jit3A_175 : f32 to vector<512x4096xf32>
    %select_n3A_177 = arith.select %le3A_164, %broadcast_in_dim3A_176, %select_n3A_160 : vector<512x4096xi1>, vector<512x4096xf32>
    %reduce_min3A_178 = arith.constant dense<0x7F800000> : vector<512xf32>
    %reduce_min3A_179 = vector.multi_reduction <minimumf>, %select_n3A_177, %reduce_min3A_178 [1] : vector<512x4096xf32> to vector<512xf32>
    %broadcast_in_dim3A_180 = vector.shape_cast %reduce_min3A_179 : vector<512xf32> to vector<512x1xf32>
    %le3A_181 = vector.broadcast %broadcast_in_dim3A_180 : vector<512x1xf32> to vector<512x4096xf32>
    %le3A_182 = arith.cmpf ole, %select_n3A_177, %le3A_181 : vector<512x4096xf32>
    %jit3A_183 = arith.constant 1.000000e+30 : f32
    %broadcast_in_dim3A_184 = vector.broadcast %jit3A_183 : f32 to vector<512x4096xf32>
    %select_n3A_185 = arith.select %le3A_182, %convert_element_type3A_146, %broadcast_in_dim3A_184 : vector<512x4096xi1>, vector<512x4096xf32>
    %reduce_min3A_186 = arith.constant dense<0x7F800000> : vector<512xf32>
    %reduce_min3A_187 = vector.multi_reduction <minimumf>, %select_n3A_185, %reduce_min3A_186 [1] : vector<512x4096xf32> to vector<512xf32>
    %broadcast_in_dim3A_188 = vector.shape_cast %reduce_min3A_187 : vector<512xf32> to vector<512x1xf32>
    %convert_element_type3A_189 = arith.fptosi %broadcast_in_dim3A_188 : vector<512x1xf32> to vector<512x1xi32>
    %swap3A_190 = arith.constant 0 : index
    %swap3A_191 = arith.constant 2 : index
    %swap3A_192 = vector.load %arg3[%swap3A_190, %swap3A_191] : memref<512x8xi32, #tpu.memory_space<vmem>>, vector<512x1xi32>
    tpu.vector_store %arg3[%swap3A_190, %swap3A_191], %convert_element_type3A_189 {strides = array<i32>} : memref<512x8xi32, #tpu.memory_space<vmem>>, vector<512x1xi32>,
    %jit3A_193 = arith.constant 1.000000e+30 : f32
    %broadcast_in_dim3A_194 = vector.broadcast %jit3A_193 : f32 to vector<512x4096xf32>
    %select_n3A_195 = arith.select %le3A_182, %broadcast_in_dim3A_194, %select_n3A_177 : vector<512x4096xi1>, vector<512x4096xf32>
    %reduce_min3A_196 = arith.constant dense<0x7F800000> : vector<512xf32>
    %reduce_min3A_197 = vector.multi_reduction <minimumf>, %select_n3A_195, %reduce_min3A_196 [1] : vector<512x4096xf32> to vector<512xf32>
    %broadcast_in_dim3A_198 = vector.shape_cast %reduce_min3A_197 : vector<512xf32> to vector<512x1xf32>
    %le3A_199 = vector.broadcast %broadcast_in_dim3A_198 : vector<512x1xf32> to vector<512x4096xf32>
    %le3A_200 = arith.cmpf ole, %select_n3A_195, %le3A_199 : vector<512x4096xf32>
    %jit3A_201 = arith.constant 1.000000e+30 : f32
    %broadcast_in_dim3A_202 = vector.broadcast %jit3A_201 : f32 to vector<512x4096xf32>
    %select_n3A_203 = arith.select %le3A_200, %convert_element_type3A_146, %broadcast_in_dim3A_202 : vector<512x4096xi1>, vector<512x4096xf32>
    %reduce_min3A_204 = arith.constant dense<0x7F800000> : vector<512xf32>
    %reduce_min3A_205 = vector.multi_reduction <minimumf>, %select_n3A_203, %reduce_min3A_204 [1] : vector<512x4096xf32> to vector<512xf32>
    %broadcast_in_dim3A_206 = vector.shape_cast %reduce_min3A_205 : vector<512xf32> to vector<512x1xf32>
    %convert_element_type3A_207 = arith.fptosi %broadcast_in_dim3A_206 : vector<512x1xf32> to vector<512x1xi32>
    %swap3A_208 = arith.constant 0 : index
    %swap3A_209 = arith.constant 3 : index
    %swap3A_210 = vector.load %arg3[%swap3A_208, %swap3A_209] : memref<512x8xi32, #tpu.memory_space<vmem>>, vector<512x1xi32>
    tpu.vector_store %arg3[%swap3A_208, %swap3A_209], %convert_element_type3A_207 {strides = array<i32>} : memref<512x8xi32, #tpu.memory_space<vmem>>, vector<512x1xi32>,
    %jit3A_211 = arith.constant 1.000000e+30 : f32
    %broadcast_in_dim3A_212 = vector.broadcast %jit3A_211 : f32 to vector<512x4096xf32>
    %select_n3A_213 = arith.select %le3A_200, %broadcast_in_dim3A_212, %select_n3A_195 : vector<512x4096xi1>, vector<512x4096xf32>
    %reduce_min3A_214 = arith.constant dense<0x7F800000> : vector<512xf32>
    %reduce_min3A_215 = vector.multi_reduction <minimumf>, %select_n3A_213, %reduce_min3A_214 [1] : vector<512x4096xf32> to vector<512xf32>
    %broadcast_in_dim3A_216 = vector.shape_cast %reduce_min3A_215 : vector<512xf32> to vector<512x1xf32>
    %le3A_217 = vector.broadcast %broadcast_in_dim3A_216 : vector<512x1xf32> to vector<512x4096xf32>
    %le3A_218 = arith.cmpf ole, %select_n3A_213, %le3A_217 : vector<512x4096xf32>
    %jit3A_219 = arith.constant 1.000000e+30 : f32
    %broadcast_in_dim3A_220 = vector.broadcast %jit3A_219 : f32 to vector<512x4096xf32>
    %select_n3A_221 = arith.select %le3A_218, %convert_element_type3A_146, %broadcast_in_dim3A_220 : vector<512x4096xi1>, vector<512x4096xf32>
    %reduce_min3A_222 = arith.constant dense<0x7F800000> : vector<512xf32>
    %reduce_min3A_223 = vector.multi_reduction <minimumf>, %select_n3A_221, %reduce_min3A_222 [1] : vector<512x4096xf32> to vector<512xf32>
    %broadcast_in_dim3A_224 = vector.shape_cast %reduce_min3A_223 : vector<512xf32> to vector<512x1xf32>
    %convert_element_type3A_225 = arith.fptosi %broadcast_in_dim3A_224 : vector<512x1xf32> to vector<512x1xi32>
    %swap3A_226 = arith.constant 0 : index
    %swap3A_227 = arith.constant 4 : index
    %swap3A_228 = vector.load %arg3[%swap3A_226, %swap3A_227] : memref<512x8xi32, #tpu.memory_space<vmem>>, vector<512x1xi32>
    tpu.vector_store %arg3[%swap3A_226, %swap3A_227], %convert_element_type3A_225 {strides = array<i32>} : memref<512x8xi32, #tpu.memory_space<vmem>>, vector<512x1xi32>,
    %jit3A_229 = arith.constant 1.000000e+30 : f32
    %broadcast_in_dim3A_230 = vector.broadcast %jit3A_229 : f32 to vector<512x4096xf32>
    %select_n3A_231 = arith.select %le3A_218, %broadcast_in_dim3A_230, %select_n3A_213 : vector<512x4096xi1>, vector<512x4096xf32>
    %reduce_min3A_232 = arith.constant dense<0x7F800000> : vector<512xf32>
    %reduce_min3A_233 = vector.multi_reduction <minimumf>, %select_n3A_231, %reduce_min3A_232 [1] : vector<512x4096xf32> to vector<512xf32>
    %broadcast_in_dim3A_234 = vector.shape_cast %reduce_min3A_233 : vector<512xf32> to vector<512x1xf32>
    %le3A_235 = vector.broadcast %broadcast_in_dim3A_234 : vector<512x1xf32> to vector<512x4096xf32>
    %le3A_236 = arith.cmpf ole, %select_n3A_231, %le3A_235 : vector<512x4096xf32>
    %jit3A_237 = arith.constant 1.000000e+30 : f32
    %broadcast_in_dim3A_238 = vector.broadcast %jit3A_237 : f32 to vector<512x4096xf32>
    %select_n3A_239 = arith.select %le3A_236, %convert_element_type3A_146, %broadcast_in_dim3A_238 : vector<512x4096xi1>, vector<512x4096xf32>
    %reduce_min3A_240 = arith.constant dense<0x7F800000> : vector<512xf32>
    %reduce_min3A_241 = vector.multi_reduction <minimumf>, %select_n3A_239, %reduce_min3A_240 [1] : vector<512x4096xf32> to vector<512xf32>
    %broadcast_in_dim3A_242 = vector.shape_cast %reduce_min3A_241 : vector<512xf32> to vector<512x1xf32>
    %convert_element_type3A_243 = arith.fptosi %broadcast_in_dim3A_242 : vector<512x1xf32> to vector<512x1xi32>
    %swap3A_244 = arith.constant 0 : index
    %swap3A_245 = arith.constant 5 : index
    %swap3A_246 = vector.load %arg3[%swap3A_244, %swap3A_245] : memref<512x8xi32, #tpu.memory_space<vmem>>, vector<512x1xi32>
    tpu.vector_store %arg3[%swap3A_244, %swap3A_245], %convert_element_type3A_243 {strides = array<i32>} : memref<512x8xi32, #tpu.memory_space<vmem>>, vector<512x1xi32>,
    %jit3A_247 = arith.constant 1.000000e+30 : f32
    %broadcast_in_dim3A_248 = vector.broadcast %jit3A_247 : f32 to vector<512x4096xf32>
    %select_n3A_249 = arith.select %le3A_236, %broadcast_in_dim3A_248, %select_n3A_231 : vector<512x4096xi1>, vector<512x4096xf32>
    %reduce_min3A_250 = arith.constant dense<0x7F800000> : vector<512xf32>
    %reduce_min3A_251 = vector.multi_reduction <minimumf>, %select_n3A_249, %reduce_min3A_250 [1] : vector<512x4096xf32> to vector<512xf32>
    %broadcast_in_dim3A_252 = vector.shape_cast %reduce_min3A_251 : vector<512xf32> to vector<512x1xf32>
    %le3A_253 = vector.broadcast %broadcast_in_dim3A_252 : vector<512x1xf32> to vector<512x4096xf32>
    %le3A_254 = arith.cmpf ole, %select_n3A_249, %le3A_253 : vector<512x4096xf32>
    %jit3A_255 = arith.constant 1.000000e+30 : f32
    %broadcast_in_dim3A_256 = vector.broadcast %jit3A_255 : f32 to vector<512x4096xf32>
    %select_n3A_257 = arith.select %le3A_254, %convert_element_type3A_146, %broadcast_in_dim3A_256 : vector<512x4096xi1>, vector<512x4096xf32>
    %reduce_min3A_258 = arith.constant dense<0x7F800000> : vector<512xf32>
    %reduce_min3A_259 = vector.multi_reduction <minimumf>, %select_n3A_257, %reduce_min3A_258 [1] : vector<512x4096xf32> to vector<512xf32>
    %broadcast_in_dim3A_260 = vector.shape_cast %reduce_min3A_259 : vector<512xf32> to vector<512x1xf32>
    %convert_element_type3A_261 = arith.fptosi %broadcast_in_dim3A_260 : vector<512x1xf32> to vector<512x1xi32>
    %swap3A_262 = arith.constant 0 : index
    %swap3A_263 = arith.constant 6 : index
    %swap3A_264 = vector.load %arg3[%swap3A_262, %swap3A_263] : memref<512x8xi32, #tpu.memory_space<vmem>>, vector<512x1xi32>
    tpu.vector_store %arg3[%swap3A_262, %swap3A_263], %convert_element_type3A_261 {strides = array<i32>} : memref<512x8xi32, #tpu.memory_space<vmem>>, vector<512x1xi32>,
    %jit3A_265 = arith.constant 1.000000e+30 : f32
    %broadcast_in_dim3A_266 = vector.broadcast %jit3A_265 : f32 to vector<512x4096xf32>
    %select_n3A_267 = arith.select %le3A_254, %broadcast_in_dim3A_266, %select_n3A_249 : vector<512x4096xi1>, vector<512x4096xf32>
    %reduce_min3A_268 = arith.constant dense<0x7F800000> : vector<512xf32>
    %reduce_min3A_269 = vector.multi_reduction <minimumf>, %select_n3A_267, %reduce_min3A_268 [1] : vector<512x4096xf32> to vector<512xf32>
    %broadcast_in_dim3A_270 = vector.shape_cast %reduce_min3A_269 : vector<512xf32> to vector<512x1xf32>
    %le3A_271 = vector.broadcast %broadcast_in_dim3A_270 : vector<512x1xf32> to vector<512x4096xf32>
    %le3A_272 = arith.cmpf ole, %select_n3A_267, %le3A_271 : vector<512x4096xf32>
    %jit3A_273 = arith.constant 1.000000e+30 : f32
    %broadcast_in_dim3A_274 = vector.broadcast %jit3A_273 : f32 to vector<512x4096xf32>
    %select_n3A_275 = arith.select %le3A_272, %convert_element_type3A_146, %broadcast_in_dim3A_274 : vector<512x4096xi1>, vector<512x4096xf32>
    %reduce_min3A_276 = arith.constant dense<0x7F800000> : vector<512xf32>
    %reduce_min3A_277 = vector.multi_reduction <minimumf>, %select_n3A_275, %reduce_min3A_276 [1] : vector<512x4096xf32> to vector<512xf32>
    %broadcast_in_dim3A_278 = vector.shape_cast %reduce_min3A_277 : vector<512xf32> to vector<512x1xf32>
    %convert_element_type3A_279 = arith.fptosi %broadcast_in_dim3A_278 : vector<512x1xf32> to vector<512x1xi32>
    %swap3A_280 = arith.constant 0 : index
    %swap3A_281 = arith.constant 7 : index
    %swap3A_282 = vector.load %arg3[%swap3A_280, %swap3A_281] : memref<512x8xi32, #tpu.memory_space<vmem>>, vector<512x1xi32>
    tpu.vector_store %arg3[%swap3A_280, %swap3A_281], %convert_element_type3A_279 {strides = array<i32>} : memref<512x8xi32, #tpu.memory_space<vmem>>, vector<512x1xi32>,
    return
  }
  func.func @transform_0(%arg0: i32) -> (i32, i32, i32) {
    %c0_i32 = arith.constant 0 : i32
    %c0_i32_0 = arith.constant 0 : i32
    %c0_i32_1 = arith.constant 0 : i32
    %c0_i32_2 = arith.constant 0 : i32
    return %c0_i32, %c0_i32_0, %c0_i32_1 : i32, i32, i32
  }
  func.func @transform_1(%arg0: i32) -> (i32, i32, i32) {
    %c0_i32 = arith.constant 0 : i32
    %c0_i32_0 = arith.constant 0 : i32
    %c0_i32_1 = arith.constant 0 : i32
    return %c0_i32, %c0_i32_0, %arg0 : i32, i32, i32
  }
  func.func @transform_2(%arg0: i32) -> (i32, i32) {
    %c0_i32 = arith.constant 0 : i32
    %c0_i32_0 = arith.constant 0 : i32
    return %arg0, %c0_i32 : i32, i32
  }
}

module attributes {stable_mosaic.version = 14 : i64} {
  func.func @_layer_body(%arg0: i32, %arg1: memref<2x512x128xf32, #tpu.memory_space<vmem>>, %arg2: memref<2x512x128xf32, #tpu.memory_space<vmem>>, %arg3: memref<2x512x1xf32, #tpu.memory_space<vmem>>, %arg4: memref<1x128xf32, #tpu.memory_space<vmem>>, %arg5: memref<128x128xf32, #tpu.memory_space<vmem>>, %arg6: memref<2x512x128xf32, #tpu.memory_space<vmem>>, %arg7: memref<2x512x128xf32, #tpu.memory_space<vmem>>) attributes {dimension_semantics = [#tpu.dimension_semantics<arbitrary>], iteration_bounds = array<i64: 8>, scalar_prefetch = 0 : i64, scratch_operands = 0 : i64, tpu.core_type = #tpu.core_type<tc>, window_params = [{transform_indices = @transform_0, window_bounds = array<i64: 2, 512, 128>}, {transform_indices = @transform_1, window_bounds = array<i64: 2, 512, 128>}, {transform_indices = @transform_2, window_bounds = array<i64: 2, 512, 1>}, {pipeline_mode = #tpu.pipeline_mode<synchronous>, transform_indices = @transform_3, window_bounds = array<i64: 1, 128>}, {pipeline_mode = #tpu.pipeline_mode<synchronous>, transform_indices = @transform_4, window_bounds = array<i64: 128, 128>}, {transform_indices = @transform_5, window_bounds = array<i64: 2, 512, 128>}, {transform_indices = @transform_6, window_bounds = array<i64: 2, 512, 128>}]} {
    %get3A = arith.constant 0 : index
    %get3A_0 = arith.constant 0 : index
    %get3A_1 = arith.constant 0 : index
    %get3A_2 = vector.load %arg3[%get3A, %get3A_0, %get3A_1] : memref<2x512x1xf32, #tpu.memory_space<vmem>>, vector<1x512x1xf32>
    %get3A_3 = vector.shape_cast %get3A_2 : vector<1x512x1xf32> to vector<512x1xf32>
    %get3A_4 = arith.constant 1 : index
    %get3A_5 = arith.constant 0 : index
    %get3A_6 = arith.constant 0 : index
    %get3A_7 = vector.load %arg3[%get3A_4, %get3A_5, %get3A_6] : memref<2x512x1xf32, #tpu.memory_space<vmem>>, vector<1x512x1xf32>
    %get3A_8 = vector.shape_cast %get3A_7 : vector<1x512x1xf32> to vector<512x1xf32>
    %add3A = arith.addf %get3A_3, %get3A_8 : vector<512x1xf32>
    %add3A_9 = arith.constant 1.000000e+00 : f32
    %add3A_10 = vector.broadcast %add3A_9 : f32 to vector<512x1xf32>
    %add3A_11 = arith.addf %add3A, %add3A_10 : vector<512x1xf32>
    %rsqrt3A = math.rsqrt %add3A_11 : vector<512x1xf32>
    %get3A_12 = arith.constant 0 : index
    %get3A_13 = arith.constant 0 : index
    %get3A_14 = vector.load %arg5[%get3A_12, %get3A_13] : memref<128x128xf32, #tpu.memory_space<vmem>>, vector<128x128xf32>
    %get3A_15 = arith.constant 0 : index
    %get3A_16 = arith.constant 0 : index
    %get3A_17 = vector.load %arg4[%get3A_15, %get3A_16] : memref<1x128xf32, #tpu.memory_space<vmem>>, vector<1x128xf32>
    %get3A_18 = arith.constant 0 : index
    %get3A_19 = arith.constant 0 : index
    %get3A_20 = arith.constant 0 : index
    %get3A_21 = vector.load %arg1[%get3A_18, %get3A_19, %get3A_20] : memref<2x512x128xf32, #tpu.memory_space<vmem>>, vector<1x512x128xf32>
    %get3A_22 = vector.shape_cast %get3A_21 : vector<1x512x128xf32> to vector<512x128xf32>
    %get3A_23 = arith.constant 0 : index
    %get3A_24 = arith.constant 0 : index
    %get3A_25 = arith.constant 0 : index
    %get3A_26 = vector.load %arg2[%get3A_23, %get3A_24, %get3A_25] : memref<2x512x128xf32, #tpu.memory_space<vmem>>, vector<1x512x128xf32>
    %get3A_27 = vector.shape_cast %get3A_26 : vector<1x512x128xf32> to vector<512x128xf32>
    %mul3A = vector.broadcast %rsqrt3A : vector<512x1xf32> to vector<512x128xf32>
    %mul3A_28 = arith.mulf %get3A_27, %mul3A : vector<512x128xf32>
    %add3A_29 = vector.broadcast %get3A_17 : vector<1x128xf32> to vector<512x128xf32>
    %add3A_30 = arith.addf %mul3A_28, %add3A_29 : vector<512x128xf32>
    %max3A = arith.constant 0.000000e+00 : f32
    %max3A_31 = vector.broadcast %max3A : f32 to vector<512x128xf32>
    %max3A_32 = arith.maximumf %add3A_30, %max3A_31 : vector<512x128xf32>
    %add3A_33 = arith.addf %get3A_22, %max3A_32 : vector<512x128xf32>
    %dot_general3A = arith.constant dense<0.000000e+00> : vector<512x128xf32>
    %dot_general3A_34 = tpu.matmul %add3A_33, %get3A_14, %dot_general3A {dimension_numbers = #tpu.dot_dimension_numbers<[1], [0], [0], [1], [0, 0, 1, 1], [], []>, transpose_lhs_hint = false} : vector<512x128xf32>, vector<128x128xf32>, vector<512x128xf32> -> vector<512x128xf32>
    %swap3A = arith.constant 0 : index
    %swap3A_35 = arith.constant 0 : index
    %swap3A_36 = arith.constant 0 : index
    %swap3A_37 = vector.load %arg6[%swap3A, %swap3A_35, %swap3A_36] : memref<2x512x128xf32, #tpu.memory_space<vmem>>, vector<1x512x128xf32>
    %swap3A_38 = vector.shape_cast %swap3A_37 : vector<1x512x128xf32> to vector<512x128xf32>
    %swap3A_39 = vector.shape_cast %add3A_33 : vector<512x128xf32> to vector<1x512x128xf32>
    tpu.vector_store %arg6[%swap3A, %swap3A_35, %swap3A_36], %swap3A_39 {strides = array<i32>} : memref<2x512x128xf32, #tpu.memory_space<vmem>>, vector<1x512x128xf32>,
    %mul3A_40 = vector.broadcast %rsqrt3A : vector<512x1xf32> to vector<512x128xf32>
    %mul3A_41 = arith.mulf %dot_general3A_34, %mul3A_40 : vector<512x128xf32>
    %swap3A_42 = arith.constant 0 : index
    %swap3A_43 = arith.constant 0 : index
    %swap3A_44 = arith.constant 0 : index
    %swap3A_45 = vector.load %arg7[%swap3A_42, %swap3A_43, %swap3A_44] : memref<2x512x128xf32, #tpu.memory_space<vmem>>, vector<1x512x128xf32>
    %swap3A_46 = vector.shape_cast %swap3A_45 : vector<1x512x128xf32> to vector<512x128xf32>
    %swap3A_47 = vector.shape_cast %mul3A_41 : vector<512x128xf32> to vector<1x512x128xf32>
    tpu.vector_store %arg7[%swap3A_42, %swap3A_43, %swap3A_44], %swap3A_47 {strides = array<i32>} : memref<2x512x128xf32, #tpu.memory_space<vmem>>, vector<1x512x128xf32>,
    %get3A_48 = arith.constant 1 : index
    %get3A_49 = arith.constant 0 : index
    %get3A_50 = arith.constant 0 : index
    %get3A_51 = vector.load %arg1[%get3A_48, %get3A_49, %get3A_50] : memref<2x512x128xf32, #tpu.memory_space<vmem>>, vector<1x512x128xf32>
    %get3A_52 = vector.shape_cast %get3A_51 : vector<1x512x128xf32> to vector<512x128xf32>
    %get3A_53 = arith.constant 1 : index
    %get3A_54 = arith.constant 0 : index
    %get3A_55 = arith.constant 0 : index
    %get3A_56 = vector.load %arg2[%get3A_53, %get3A_54, %get3A_55] : memref<2x512x128xf32, #tpu.memory_space<vmem>>, vector<1x512x128xf32>
    %get3A_57 = vector.shape_cast %get3A_56 : vector<1x512x128xf32> to vector<512x128xf32>
    %mul3A_58 = vector.broadcast %rsqrt3A : vector<512x1xf32> to vector<512x128xf32>
    %mul3A_59 = arith.mulf %get3A_57, %mul3A_58 : vector<512x128xf32>
    %add3A_60 = vector.broadcast %get3A_17 : vector<1x128xf32> to vector<512x128xf32>
    %add3A_61 = arith.addf %mul3A_59, %add3A_60 : vector<512x128xf32>
    %max3A_62 = arith.constant 0.000000e+00 : f32
    %max3A_63 = vector.broadcast %max3A_62 : f32 to vector<512x128xf32>
    %max3A_64 = arith.maximumf %add3A_61, %max3A_63 : vector<512x128xf32>
    %add3A_65 = arith.addf %get3A_52, %max3A_64 : vector<512x128xf32>
    %dot_general3A_66 = arith.constant dense<0.000000e+00> : vector<512x128xf32>
    %dot_general3A_67 = tpu.matmul %add3A_65, %get3A_14, %dot_general3A_66 {dimension_numbers = #tpu.dot_dimension_numbers<[1], [0], [0], [1], [0, 0, 1, 1], [], []>, transpose_lhs_hint = false} : vector<512x128xf32>, vector<128x128xf32>, vector<512x128xf32> -> vector<512x128xf32>
    %swap3A_68 = arith.constant 1 : index
    %swap3A_69 = arith.constant 0 : index
    %swap3A_70 = arith.constant 0 : index
    %swap3A_71 = vector.load %arg6[%swap3A_68, %swap3A_69, %swap3A_70] : memref<2x512x128xf32, #tpu.memory_space<vmem>>, vector<1x512x128xf32>
    %swap3A_72 = vector.shape_cast %swap3A_71 : vector<1x512x128xf32> to vector<512x128xf32>
    %swap3A_73 = vector.shape_cast %add3A_65 : vector<512x128xf32> to vector<1x512x128xf32>
    tpu.vector_store %arg6[%swap3A_68, %swap3A_69, %swap3A_70], %swap3A_73 {strides = array<i32>} : memref<2x512x128xf32, #tpu.memory_space<vmem>>, vector<1x512x128xf32>,
    %mul3A_74 = vector.broadcast %rsqrt3A : vector<512x1xf32> to vector<512x128xf32>
    %mul3A_75 = arith.mulf %dot_general3A_67, %mul3A_74 : vector<512x128xf32>
    %swap3A_76 = arith.constant 1 : index
    %swap3A_77 = arith.constant 0 : index
    %swap3A_78 = arith.constant 0 : index
    %swap3A_79 = vector.load %arg7[%swap3A_76, %swap3A_77, %swap3A_78] : memref<2x512x128xf32, #tpu.memory_space<vmem>>, vector<1x512x128xf32>
    %swap3A_80 = vector.shape_cast %swap3A_79 : vector<1x512x128xf32> to vector<512x128xf32>
    %swap3A_81 = vector.shape_cast %mul3A_75 : vector<512x128xf32> to vector<1x512x128xf32>
    tpu.vector_store %arg7[%swap3A_76, %swap3A_77, %swap3A_78], %swap3A_81 {strides = array<i32>} : memref<2x512x128xf32, #tpu.memory_space<vmem>>, vector<1x512x128xf32>,
    return
  }
  func.func @transform_0(%arg0: i32) -> (i32, i32, i32) {
    %c0_i32 = arith.constant 0 : i32
    %c0_i32_0 = arith.constant 0 : i32
    %c0_i32_1 = arith.constant 0 : i32
    return %c0_i32, %arg0, %c0_i32_0 : i32, i32, i32
  }
  func.func @transform_1(%arg0: i32) -> (i32, i32, i32) {
    %c0_i32 = arith.constant 0 : i32
    %c0_i32_0 = arith.constant 0 : i32
    %c0_i32_1 = arith.constant 0 : i32
    return %c0_i32, %arg0, %c0_i32_0 : i32, i32, i32
  }
  func.func @transform_2(%arg0: i32) -> (i32, i32, i32) {
    %c0_i32 = arith.constant 0 : i32
    %c0_i32_0 = arith.constant 0 : i32
    %c0_i32_1 = arith.constant 0 : i32
    return %c0_i32, %arg0, %c0_i32_0 : i32, i32, i32
  }
  func.func @transform_3(%arg0: i32) -> (i32, i32) {
    %c0_i32 = arith.constant 0 : i32
    %c0_i32_0 = arith.constant 0 : i32
    %c0_i32_1 = arith.constant 0 : i32
    return %c0_i32, %c0_i32_0 : i32, i32
  }
  func.func @transform_4(%arg0: i32) -> (i32, i32) {
    %c0_i32 = arith.constant 0 : i32
    %c0_i32_0 = arith.constant 0 : i32
    %c0_i32_1 = arith.constant 0 : i32
    return %c0_i32, %c0_i32_0 : i32, i32
  }
  func.func @transform_5(%arg0: i32) -> (i32, i32, i32) {
    %c0_i32 = arith.constant 0 : i32
    %c0_i32_0 = arith.constant 0 : i32
    %c0_i32_1 = arith.constant 0 : i32
    return %c0_i32, %arg0, %c0_i32_0 : i32, i32, i32
  }
  func.func @transform_6(%arg0: i32) -> (i32, i32, i32) {
    %c0_i32 = arith.constant 0 : i32
    %c0_i32_0 = arith.constant 0 : i32
    %c0_i32_1 = arith.constant 0 : i32
    return %c0_i32, %arg0, %c0_i32_0 : i32, i32, i32
  }
}

module attributes {stable_mosaic.version = 14 : i64} {
  func.func @_final_body(%arg0: i32, %arg1: memref<2x512x128xf32, #tpu.memory_space<vmem>>, %arg2: memref<2x512x128xf32, #tpu.memory_space<vmem>>, %arg3: memref<2x512x1xf32, #tpu.memory_space<vmem>>, %arg4: memref<1x128xf32, #tpu.memory_space<vmem>>, %arg5: memref<2x128x512xf32, #tpu.memory_space<vmem>>, %arg6: memref<128x64xf32, #tpu.memory_space<vmem>>, %arg7: memref<1x64xf32, #tpu.memory_space<vmem>>, %arg8: memref<64x32xf32, #tpu.memory_space<vmem>>, %arg9: memref<1x32xf32, #tpu.memory_space<vmem>>, %arg10: memref<32x1xf32, #tpu.memory_space<vmem>>, %arg11: memref<1x1xf32, #tpu.memory_space<vmem>>, %arg12: memref<2x128x512xf32, #tpu.memory_space<vmem>>) attributes {dimension_semantics = [#tpu.dimension_semantics<arbitrary>], iteration_bounds = array<i64: 8>, scalar_prefetch = 0 : i64, scratch_operands = 0 : i64, tpu.core_type = #tpu.core_type<tc>, window_params = [{transform_indices = @transform_0, window_bounds = array<i64: 2, 512, 128>}, {transform_indices = @transform_1, window_bounds = array<i64: 2, 512, 128>}, {transform_indices = @transform_2, window_bounds = array<i64: 2, 512, 1>}, {pipeline_mode = #tpu.pipeline_mode<synchronous>, transform_indices = @transform_3, window_bounds = array<i64: 1, 128>}, {transform_indices = @transform_4, window_bounds = array<i64: 2, 128, 512>}, {pipeline_mode = #tpu.pipeline_mode<synchronous>, transform_indices = @transform_5, window_bounds = array<i64: 128, 64>}, {pipeline_mode = #tpu.pipeline_mode<synchronous>, transform_indices = @transform_6, window_bounds = array<i64: 1, 64>}, {pipeline_mode = #tpu.pipeline_mode<synchronous>, transform_indices = @transform_7, window_bounds = array<i64: 64, 32>}, {pipeline_mode = #tpu.pipeline_mode<synchronous>, transform_indices = @transform_8, window_bounds = array<i64: 1, 32>}, {pipeline_mode = #tpu.pipeline_mode<synchronous>, transform_indices = @transform_9, window_bounds = array<i64: 32, 1>}, {pipeline_mode = #tpu.pipeline_mode<synchronous>, transform_indices = @transform_10, window_bounds = array<i64: 1, 1>}, {transform_indices = @transform_11, window_bounds = array<i64: 2, 128, 512>}]} {
    %get3A = arith.constant 0 : index
    %get3A_0 = arith.constant 0 : index
    %get3A_1 = arith.constant 0 : index
    %get3A_2 = vector.load %arg3[%get3A, %get3A_0, %get3A_1] : memref<2x512x1xf32, #tpu.memory_space<vmem>>, vector<1x512x1xf32>
    %get3A_3 = vector.shape_cast %get3A_2 : vector<1x512x1xf32> to vector<512x1xf32>
    %get3A_4 = arith.constant 1 : index
    %get3A_5 = arith.constant 0 : index
    %get3A_6 = arith.constant 0 : index
    %get3A_7 = vector.load %arg3[%get3A_4, %get3A_5, %get3A_6] : memref<2x512x1xf32, #tpu.memory_space<vmem>>, vector<1x512x1xf32>
    %get3A_8 = vector.shape_cast %get3A_7 : vector<1x512x1xf32> to vector<512x1xf32>
    %add3A = arith.addf %get3A_3, %get3A_8 : vector<512x1xf32>
    %add3A_9 = arith.constant 1.000000e+00 : f32
    %add3A_10 = vector.broadcast %add3A_9 : f32 to vector<512x1xf32>
    %add3A_11 = arith.addf %add3A, %add3A_10 : vector<512x1xf32>
    %rsqrt3A = math.rsqrt %add3A_11 : vector<512x1xf32>
    %get3A_12 = arith.constant 0 : index
    %get3A_13 = arith.constant 0 : index
    %get3A_14 = vector.load %arg4[%get3A_12, %get3A_13] : memref<1x128xf32, #tpu.memory_space<vmem>>, vector<1x128xf32>
    %get3A_15 = arith.constant 0 : index
    %get3A_16 = arith.constant 0 : index
    %get3A_17 = vector.load %arg6[%get3A_15, %get3A_16] : memref<128x64xf32, #tpu.memory_space<vmem>>, vector<128x64xf32>
    %get3A_18 = arith.constant 0 : index
    %get3A_19 = arith.constant 0 : index
    %get3A_20 = vector.load %arg8[%get3A_18, %get3A_19] : memref<64x32xf32, #tpu.memory_space<vmem>>, vector<64x32xf32>
    %get3A_21 = arith.constant 0 : index
    %get3A_22 = arith.constant 0 : index
    %get3A_23 = vector.load %arg10[%get3A_21, %get3A_22] : memref<32x1xf32, #tpu.memory_space<vmem>>, vector<32x1xf32>
    %get3A_24 = arith.constant 0 : index
    %get3A_25 = arith.constant 0 : index
    %get3A_26 = vector.load %arg7[%get3A_24, %get3A_25] : memref<1x64xf32, #tpu.memory_space<vmem>>, vector<1x64xf32>
    %get3A_27 = arith.constant 0 : index
    %get3A_28 = arith.constant 0 : index
    %get3A_29 = vector.load %arg9[%get3A_27, %get3A_28] : memref<1x32xf32, #tpu.memory_space<vmem>>, vector<1x32xf32>
    %get3A_30 = arith.constant 0 : index
    %get3A_31 = arith.constant 0 : index
    %get3A_32 = vector.load %arg11[%get3A_30, %get3A_31] : memref<1x1xf32, #tpu.memory_space<vmem>>, vector<1x1xf32>
    %get3A_33 = vector.extract %get3A_32[0, 0] : f32 from vector<1x1xf32>
    %get3A_34 = arith.constant 0 : index
    %get3A_35 = arith.constant 0 : index
    %get3A_36 = arith.constant 0 : index
    %get3A_37 = vector.load %arg1[%get3A_34, %get3A_35, %get3A_36] : memref<2x512x128xf32, #tpu.memory_space<vmem>>, vector<1x512x128xf32>
    %get3A_38 = vector.shape_cast %get3A_37 : vector<1x512x128xf32> to vector<512x128xf32>
    %get3A_39 = arith.constant 0 : index
    %get3A_40 = arith.constant 0 : index
    %get3A_41 = arith.constant 0 : index
    %get3A_42 = vector.load %arg2[%get3A_39, %get3A_40, %get3A_41] : memref<2x512x128xf32, #tpu.memory_space<vmem>>, vector<1x512x128xf32>
    %get3A_43 = vector.shape_cast %get3A_42 : vector<1x512x128xf32> to vector<512x128xf32>
    %mul3A = vector.broadcast %rsqrt3A : vector<512x1xf32> to vector<512x128xf32>
    %mul3A_44 = arith.mulf %get3A_43, %mul3A : vector<512x128xf32>
    %add3A_45 = vector.broadcast %get3A_14 : vector<1x128xf32> to vector<512x128xf32>
    %add3A_46 = arith.addf %mul3A_44, %add3A_45 : vector<512x128xf32>
    %max3A = arith.constant 0.000000e+00 : f32
    %max3A_47 = vector.broadcast %max3A : f32 to vector<512x128xf32>
    %max3A_48 = arith.maximumf %add3A_46, %max3A_47 : vector<512x128xf32>
    %add3A_49 = arith.addf %get3A_38, %max3A_48 : vector<512x128xf32>
    %dot_general3A = arith.constant dense<0.000000e+00> : vector<512x64xf32>
    %dot_general3A_50 = tpu.matmul %add3A_49, %get3A_17, %dot_general3A {dimension_numbers = #tpu.dot_dimension_numbers<[1], [0], [0], [1], [0, 0, 1, 1], [], []>, transpose_lhs_hint = false} : vector<512x128xf32>, vector<128x64xf32>, vector<512x64xf32> -> vector<512x64xf32>
    %add3A_51 = vector.broadcast %get3A_26 : vector<1x64xf32> to vector<512x64xf32>
    %add3A_52 = arith.addf %dot_general3A_50, %add3A_51 : vector<512x64xf32>
    %mul3A_53 = arith.constant 5.000000e-01 : f32
    %mul3A_54 = vector.broadcast %mul3A_53 : f32 to vector<512x64xf32>
    %mul3A_55 = arith.mulf %mul3A_54, %add3A_52 : vector<512x64xf32>
    %mul3A_56 = arith.constant 0.707106769 : f32
    %mul3A_57 = vector.broadcast %mul3A_56 : f32 to vector<512x64xf32>
    %mul3A_58 = arith.mulf %add3A_52, %mul3A_57 : vector<512x64xf32>
    %erf3A = math.erf %mul3A_58 : vector<512x64xf32>
    %add3A_59 = arith.constant 1.000000e+00 : f32
    %add3A_60 = vector.broadcast %add3A_59 : f32 to vector<512x64xf32>
    %add3A_61 = arith.addf %add3A_60, %erf3A : vector<512x64xf32>
    %mul3A_62 = arith.mulf %mul3A_55, %add3A_61 : vector<512x64xf32>
    %dot_general3A_63 = arith.constant dense<0.000000e+00> : vector<512x32xf32>
    %dot_general3A_64 = tpu.matmul %mul3A_62, %get3A_20, %dot_general3A_63 {dimension_numbers = #tpu.dot_dimension_numbers<[1], [0], [0], [1], [0, 0, 1, 1], [], []>, transpose_lhs_hint = false} : vector<512x64xf32>, vector<64x32xf32>, vector<512x32xf32> -> vector<512x32xf32>
    %add3A_65 = vector.broadcast %get3A_29 : vector<1x32xf32> to vector<512x32xf32>
    %add3A_66 = arith.addf %dot_general3A_64, %add3A_65 : vector<512x32xf32>
    %mul3A_67 = arith.constant 5.000000e-01 : f32
    %mul3A_68 = vector.broadcast %mul3A_67 : f32 to vector<512x32xf32>
    %mul3A_69 = arith.mulf %mul3A_68, %add3A_66 : vector<512x32xf32>
    %mul3A_70 = arith.constant 0.707106769 : f32
    %mul3A_71 = vector.broadcast %mul3A_70 : f32 to vector<512x32xf32>
    %mul3A_72 = arith.mulf %add3A_66, %mul3A_71 : vector<512x32xf32>
    %erf3A_73 = math.erf %mul3A_72 : vector<512x32xf32>
    %add3A_74 = arith.constant 1.000000e+00 : f32
    %add3A_75 = vector.broadcast %add3A_74 : f32 to vector<512x32xf32>
    %add3A_76 = arith.addf %add3A_75, %erf3A_73 : vector<512x32xf32>
    %mul3A_77 = arith.mulf %mul3A_69, %add3A_76 : vector<512x32xf32>
    %dot_general3A_78 = arith.constant dense<0.000000e+00> : vector<1x512xf32>
    %dot_general3A_79 = tpu.matmul %get3A_23, %mul3A_77, %dot_general3A_78 {dimension_numbers = #tpu.dot_dimension_numbers<[0], [1], [1], [0], [0, 1, 1, 0], [], []>, transpose_lhs_hint = false} : vector<32x1xf32>, vector<512x32xf32>, vector<1x512xf32> -> vector<1x512xf32>
    %add3A_80 = vector.broadcast %get3A_33 : f32 to vector<1x512xf32>
    %add3A_81 = arith.addf %dot_general3A_79, %add3A_80 : vector<1x512xf32>
    %logistic3A = arith.negf %add3A_81 : vector<1x512xf32>
    %logistic3A_82 = math.exp %logistic3A : vector<1x512xf32>
    %logistic3A_83 = arith.constant 1.000000e+00 : f32
    %logistic3A_84 = vector.broadcast %logistic3A_83 : f32 to vector<1x512xf32>
    %logistic3A_85 = arith.addf %logistic3A_84, %logistic3A_82 : vector<1x512xf32>
    %logistic3A_86 = arith.divf %logistic3A_84, %logistic3A_85 : vector<1x512xf32>
    %get3A_87 = arith.constant 0 : index
    %get3A_88 = arith.constant 0 : index
    %get3A_89 = arith.constant 0 : index
    %get3A_90 = vector.load %arg5[%get3A_87, %get3A_88, %get3A_89] : memref<2x128x512xf32, #tpu.memory_space<vmem>>, vector<1x128x512xf32>
    %get3A_91 = vector.shape_cast %get3A_90 : vector<1x128x512xf32> to vector<128x512xf32>
    %add3A_92 = arith.constant 1.000000e+00 : f32
    %add3A_93 = vector.broadcast %add3A_92 : f32 to vector<1x512xf32>
    %add3A_94 = arith.addf %add3A_93, %logistic3A_86 : vector<1x512xf32>
    %mul3A_95 = vector.broadcast %add3A_94 : vector<1x512xf32> to vector<128x512xf32>
    %mul3A_96 = arith.mulf %get3A_91, %mul3A_95 : vector<128x512xf32>
    %swap3A = arith.constant 0 : index
    %swap3A_97 = arith.constant 0 : index
    %swap3A_98 = arith.constant 0 : index
    %swap3A_99 = vector.load %arg12[%swap3A, %swap3A_97, %swap3A_98] : memref<2x128x512xf32, #tpu.memory_space<vmem>>, vector<1x128x512xf32>
    %swap3A_100 = vector.shape_cast %swap3A_99 : vector<1x128x512xf32> to vector<128x512xf32>
    %swap3A_101 = vector.shape_cast %mul3A_96 : vector<128x512xf32> to vector<1x128x512xf32>
    tpu.vector_store %arg12[%swap3A, %swap3A_97, %swap3A_98], %swap3A_101 {strides = array<i32>} : memref<2x128x512xf32, #tpu.memory_space<vmem>>, vector<1x128x512xf32>,
    %get3A_102 = arith.constant 1 : index
    %get3A_103 = arith.constant 0 : index
    %get3A_104 = arith.constant 0 : index
    %get3A_105 = vector.load %arg1[%get3A_102, %get3A_103, %get3A_104] : memref<2x512x128xf32, #tpu.memory_space<vmem>>, vector<1x512x128xf32>
    %get3A_106 = vector.shape_cast %get3A_105 : vector<1x512x128xf32> to vector<512x128xf32>
    %get3A_107 = arith.constant 1 : index
    %get3A_108 = arith.constant 0 : index
    %get3A_109 = arith.constant 0 : index
    %get3A_110 = vector.load %arg2[%get3A_107, %get3A_108, %get3A_109] : memref<2x512x128xf32, #tpu.memory_space<vmem>>, vector<1x512x128xf32>
    %get3A_111 = vector.shape_cast %get3A_110 : vector<1x512x128xf32> to vector<512x128xf32>
    %mul3A_112 = vector.broadcast %rsqrt3A : vector<512x1xf32> to vector<512x128xf32>
    %mul3A_113 = arith.mulf %get3A_111, %mul3A_112 : vector<512x128xf32>
    %add3A_114 = vector.broadcast %get3A_14 : vector<1x128xf32> to vector<512x128xf32>
    %add3A_115 = arith.addf %mul3A_113, %add3A_114 : vector<512x128xf32>
    %max3A_116 = arith.constant 0.000000e+00 : f32
    %max3A_117 = vector.broadcast %max3A_116 : f32 to vector<512x128xf32>
    %max3A_118 = arith.maximumf %add3A_115, %max3A_117 : vector<512x128xf32>
    %add3A_119 = arith.addf %get3A_106, %max3A_118 : vector<512x128xf32>
    %dot_general3A_120 = arith.constant dense<0.000000e+00> : vector<512x64xf32>
    %dot_general3A_121 = tpu.matmul %add3A_119, %get3A_17, %dot_general3A_120 {dimension_numbers = #tpu.dot_dimension_numbers<[1], [0], [0], [1], [0, 0, 1, 1], [], []>, transpose_lhs_hint = false} : vector<512x128xf32>, vector<128x64xf32>, vector<512x64xf32> -> vector<512x64xf32>
    %add3A_122 = vector.broadcast %get3A_26 : vector<1x64xf32> to vector<512x64xf32>
    %add3A_123 = arith.addf %dot_general3A_121, %add3A_122 : vector<512x64xf32>
    %mul3A_124 = arith.constant 5.000000e-01 : f32
    %mul3A_125 = vector.broadcast %mul3A_124 : f32 to vector<512x64xf32>
    %mul3A_126 = arith.mulf %mul3A_125, %add3A_123 : vector<512x64xf32>
    %mul3A_127 = arith.constant 0.707106769 : f32
    %mul3A_128 = vector.broadcast %mul3A_127 : f32 to vector<512x64xf32>
    %mul3A_129 = arith.mulf %add3A_123, %mul3A_128 : vector<512x64xf32>
    %erf3A_130 = math.erf %mul3A_129 : vector<512x64xf32>
    %add3A_131 = arith.constant 1.000000e+00 : f32
    %add3A_132 = vector.broadcast %add3A_131 : f32 to vector<512x64xf32>
    %add3A_133 = arith.addf %add3A_132, %erf3A_130 : vector<512x64xf32>
    %mul3A_134 = arith.mulf %mul3A_126, %add3A_133 : vector<512x64xf32>
    %dot_general3A_135 = arith.constant dense<0.000000e+00> : vector<512x32xf32>
    %dot_general3A_136 = tpu.matmul %mul3A_134, %get3A_20, %dot_general3A_135 {dimension_numbers = #tpu.dot_dimension_numbers<[1], [0], [0], [1], [0, 0, 1, 1], [], []>, transpose_lhs_hint = false} : vector<512x64xf32>, vector<64x32xf32>, vector<512x32xf32> -> vector<512x32xf32>
    %add3A_137 = vector.broadcast %get3A_29 : vector<1x32xf32> to vector<512x32xf32>
    %add3A_138 = arith.addf %dot_general3A_136, %add3A_137 : vector<512x32xf32>
    %mul3A_139 = arith.constant 5.000000e-01 : f32
    %mul3A_140 = vector.broadcast %mul3A_139 : f32 to vector<512x32xf32>
    %mul3A_141 = arith.mulf %mul3A_140, %add3A_138 : vector<512x32xf32>
    %mul3A_142 = arith.constant 0.707106769 : f32
    %mul3A_143 = vector.broadcast %mul3A_142 : f32 to vector<512x32xf32>
    %mul3A_144 = arith.mulf %add3A_138, %mul3A_143 : vector<512x32xf32>
    %erf3A_145 = math.erf %mul3A_144 : vector<512x32xf32>
    %add3A_146 = arith.constant 1.000000e+00 : f32
    %add3A_147 = vector.broadcast %add3A_146 : f32 to vector<512x32xf32>
    %add3A_148 = arith.addf %add3A_147, %erf3A_145 : vector<512x32xf32>
    %mul3A_149 = arith.mulf %mul3A_141, %add3A_148 : vector<512x32xf32>
    %dot_general3A_150 = arith.constant dense<0.000000e+00> : vector<1x512xf32>
    %dot_general3A_151 = tpu.matmul %get3A_23, %mul3A_149, %dot_general3A_150 {dimension_numbers = #tpu.dot_dimension_numbers<[0], [1], [1], [0], [0, 1, 1, 0], [], []>, transpose_lhs_hint = false} : vector<32x1xf32>, vector<512x32xf32>, vector<1x512xf32> -> vector<1x512xf32>
    %add3A_152 = vector.broadcast %get3A_33 : f32 to vector<1x512xf32>
    %add3A_153 = arith.addf %dot_general3A_151, %add3A_152 : vector<1x512xf32>
    %logistic3A_154 = arith.negf %add3A_153 : vector<1x512xf32>
    %logistic3A_155 = math.exp %logistic3A_154 : vector<1x512xf32>
    %logistic3A_156 = arith.constant 1.000000e+00 : f32
    %logistic3A_157 = vector.broadcast %logistic3A_156 : f32 to vector<1x512xf32>
    %logistic3A_158 = arith.addf %logistic3A_157, %logistic3A_155 : vector<1x512xf32>
    %logistic3A_159 = arith.divf %logistic3A_157, %logistic3A_158 : vector<1x512xf32>
    %get3A_160 = arith.constant 1 : index
    %get3A_161 = arith.constant 0 : index
    %get3A_162 = arith.constant 0 : index
    %get3A_163 = vector.load %arg5[%get3A_160, %get3A_161, %get3A_162] : memref<2x128x512xf32, #tpu.memory_space<vmem>>, vector<1x128x512xf32>
    %get3A_164 = vector.shape_cast %get3A_163 : vector<1x128x512xf32> to vector<128x512xf32>
    %add3A_165 = arith.constant 1.000000e+00 : f32
    %add3A_166 = vector.broadcast %add3A_165 : f32 to vector<1x512xf32>
    %add3A_167 = arith.addf %add3A_166, %logistic3A_159 : vector<1x512xf32>
    %mul3A_168 = vector.broadcast %add3A_167 : vector<1x512xf32> to vector<128x512xf32>
    %mul3A_169 = arith.mulf %get3A_164, %mul3A_168 : vector<128x512xf32>
    %swap3A_170 = arith.constant 1 : index
    %swap3A_171 = arith.constant 0 : index
    %swap3A_172 = arith.constant 0 : index
    %swap3A_173 = vector.load %arg12[%swap3A_170, %swap3A_171, %swap3A_172] : memref<2x128x512xf32, #tpu.memory_space<vmem>>, vector<1x128x512xf32>
    %swap3A_174 = vector.shape_cast %swap3A_173 : vector<1x128x512xf32> to vector<128x512xf32>
    %swap3A_175 = vector.shape_cast %mul3A_169 : vector<128x512xf32> to vector<1x128x512xf32>
    tpu.vector_store %arg12[%swap3A_170, %swap3A_171, %swap3A_172], %swap3A_175 {strides = array<i32>} : memref<2x128x512xf32, #tpu.memory_space<vmem>>, vector<1x128x512xf32>,
    return
  }
  func.func @transform_0(%arg0: i32) -> (i32, i32, i32) {
    %c0_i32 = arith.constant 0 : i32
    %c0_i32_0 = arith.constant 0 : i32
    %c0_i32_1 = arith.constant 0 : i32
    return %c0_i32, %arg0, %c0_i32_0 : i32, i32, i32
  }
  func.func @transform_1(%arg0: i32) -> (i32, i32, i32) {
    %c0_i32 = arith.constant 0 : i32
    %c0_i32_0 = arith.constant 0 : i32
    %c0_i32_1 = arith.constant 0 : i32
    return %c0_i32, %arg0, %c0_i32_0 : i32, i32, i32
  }
  func.func @transform_2(%arg0: i32) -> (i32, i32, i32) {
    %c0_i32 = arith.constant 0 : i32
    %c0_i32_0 = arith.constant 0 : i32
    %c0_i32_1 = arith.constant 0 : i32
    return %c0_i32, %arg0, %c0_i32_0 : i32, i32, i32
  }
  func.func @transform_3(%arg0: i32) -> (i32, i32) {
    %c0_i32 = arith.constant 0 : i32
    %c0_i32_0 = arith.constant 0 : i32
    %c0_i32_1 = arith.constant 0 : i32
    return %c0_i32, %c0_i32_0 : i32, i32
  }
  func.func @transform_4(%arg0: i32) -> (i32, i32, i32) {
    %c0_i32 = arith.constant 0 : i32
    %c0_i32_0 = arith.constant 0 : i32
    %c0_i32_1 = arith.constant 0 : i32
    return %c0_i32, %c0_i32_0, %arg0 : i32, i32, i32
  }
  func.func @transform_5(%arg0: i32) -> (i32, i32) {
    %c0_i32 = arith.constant 0 : i32
    %c0_i32_0 = arith.constant 0 : i32
    %c0_i32_1 = arith.constant 0 : i32
    return %c0_i32, %c0_i32_0 : i32, i32
  }
  func.func @transform_6(%arg0: i32) -> (i32, i32) {
    %c0_i32 = arith.constant 0 : i32
    %c0_i32_0 = arith.constant 0 : i32
    %c0_i32_1 = arith.constant 0 : i32
    return %c0_i32, %c0_i32_0 : i32, i32
  }
  func.func @transform_7(%arg0: i32) -> (i32, i32) {
    %c0_i32 = arith.constant 0 : i32
    %c0_i32_0 = arith.constant 0 : i32
    %c0_i32_1 = arith.constant 0 : i32
    return %c0_i32, %c0_i32_0 : i32, i32
  }
  func.func @transform_8(%arg0: i32) -> (i32, i32) {
    %c0_i32 = arith.constant 0 : i32
    %c0_i32_0 = arith.constant 0 : i32
    %c0_i32_1 = arith.constant 0 : i32
    return %c0_i32, %c0_i32_0 : i32, i32
  }
  func.func @transform_9(%arg0: i32) -> (i32, i32) {
    %c0_i32 = arith.constant 0 : i32
    %c0_i32_0 = arith.constant 0 : i32
    %c0_i32_1 = arith.constant 0 : i32
    return %c0_i32, %c0_i32_0 : i32, i32
  }
  func.func @transform_10(%arg0: i32) -> (i32, i32) {
    %c0_i32 = arith.constant 0 : i32
    %c0_i32_0 = arith.constant 0 : i32
    %c0_i32_1 = arith.constant 0 : i32
    return %c0_i32, %c0_i32_0 : i32, i32
  }
  func.func @transform_11(%arg0: i32) -> (i32, i32, i32) {
    %c0_i32 = arith.constant 0 : i32
    %c0_i32_0 = arith.constant 0 : i32
    %c0_i32_1 = arith.constant 0 : i32
    return %c0_i32, %c0_i32_0, %arg0 : i32, i32, i32
  }
}

</mosaic_0001>

<sc_bundles>
// kernel: kernel.11.cloned.1.call-start
scs
__scs_entry_jumppad:
0x0: {  	(pc) =	sbr.rel $0x88, $3  }
0x1: {  	(tag) =	ssettag $0x0;
	lr =	simm.s32 $0x1  }
0x2: {  	[smem:$0x3F94] =	sst lr;
	_ =	strace $0xD0000000  }
0x3: {  	_ = 	snop  }
0x4: {  	_ = 	snop  }
0x5: {  	_ = 	snop  }
0x6: {  	_ = 	snop  }
0x7: {  	_ = 	snop  }
__scs_overlays_trampoline_lowered:
0x8: {  	[smem:$0x3FA3] =	sst s0  }
0x9: {  	[smem:$0x3FA4] =	sst s1  }
0xa: {  	[smem:$0x3FA5] =	sst s2  }
0xb: {  	[smem:$0x3FA6] =	sst s3  }
0xc: {  	[smem:$0x3FA7] =	sst s4  }
0xd: {  	[smem:$0x3FA8] =	sst s5  }
0xe: {  	[smem:$0x3FA9] =	sst s6  }
0xf: {  	[smem:$0x3FAA] =	sst s7  }
0x10: {  	[smem:$0x3FAB] =	sst s8  }
0x11: {  	[smem:$0x3FAC] =	sst s9;
	s0 =	simm.s32 @!p0 $0x0  }
0x12: {  	s1 =	sld [smem:$0x3F92];
	s0 =	simm.s32 @p0 $0x1  }
0x13: {  	[smem:$0x3FAD] =	sst s0;
	s0 =	simm.s32 @!p1 $0x0  }
0x14: {  	s2 =	sld [smem:$0x3F91];
	s0 =	simm.s32 @p1 $0x1  }
0x15: {  	[smem:$0x3FAE] =	sst s0;
	s0 =	simm.s32 @!p2 $0x0  }
0x16: {  	s3 =	sld [smem:$0x3FDB];
	s0 =	simm.s32 @p2 $0x1  }
0x17: {  	s4 =	simm.s32 $0x1BF5;
	[smem:$0x3FB0] =	sst s0  }
0x18: {  	s0 =	sld [smem:$0x3F93];
	_ =	swait.ge [sflag:s4], $0x0  }
0x19: {  	s7 =	sld [smem:$0x3F94]  }
0x1a: {  	s8 =	sadd.s32 $0xFFFFE003, lr  }
0x1b: {  	s9 =	sadd.s32 $0xFFFFFEF7, lr;
	s5 =	simm.s32 $0xFFFFFFFF;
	p2 =	slt.u32 s8, $0xFFFFF086  }
0x1c: {  	p1 =	slt.u32 s9, $0xF7A;
	s5 =	simm.s32 @!p2 $0x0  }
0x1d: {  	s5 =	simm.s32 @p1 $0x1;
	p0 =	seq.s32 s7, s2  }
0x1e: {  	s7 =	smul.u32 @!p0 $0xF7A, s2;
	p2 =	seq.s32 @!p0 s5, $0x0  }
0x1f: {  	s9 =	smul.u32 $0xF7A, s1;
	s8 =	simm.s32 @!p0 $0x1BF5;
	p2 =	por !p2, p0  }
0x20: {  	[sflag:s8] =	ssyncset.s32 @!p0 $0xFFFFF086;
	s6 =	sadd.s32 @!p0 s3, s7;
	s7 =	simm.s32 @!p0 $0x108  }
0x21: {  	s3 =	sadd.s32 s3, s9;
	s6 =	sadd.s32 @!p0 $0x88, s6;
	s7 =	simm.s32 @p2 $0x1082  }
0x22: {  	[simem:s7], [sflag:s8] =	dma.local @!p0 [hbm:s6], $0xF7A  }
0x23: {  	s9 =	sor.u32 $0xD0000000, s2;
	s6 =	simm.s32 $0x108;
	_ =	swait.ge @!p0 [sflag:s8], $0x0  }
0x24: {  	s3 =	sadd.s32 $0x88, s3;
	s6 =	simm.s32 @!p1 $0x1082;
	[sflag:s4] =	ssyncset.s32 $0xFFFFF086  }
0x25: {  	[simem:s6], [sflag:s4] =	dma.local [hbm:s3], $0xF7A  }
0x26: {  	[smem:$0x3F94] =	sst s1;
	(tag) =	ssettag s2;
	_ =	strace s9  }
0x27: {  	s1 =	sld [smem:$0x3FA4]  }
0x28: {  	s2 =	sld [smem:$0x3FA5]  }
0x29: {  	s4 =	sld [smem:$0x3FA7]  }
0x2a: {  	p0 =	seq.s32 s5, $0x0;
	s5 =	sld [smem:$0x3FA8]  }
0x2b: {  	s6 =	sld [smem:$0x3FA9]  }
0x2c: {  	s7 =	sld [smem:$0x3FAA]  }
0x2d: {  	s3 =	simm.s32 $0x108;
	s8 =	sld [smem:$0x3FAB]  }
0x2e: {  	s3 =	simm.s32 @!p0 $0x1082;
	s9 =	sld [smem:$0x3FAC]  }
0x2f: {  	lr =	sadd.s32 s0, s3;
	s0 =	sld [smem:$0x3FA3]  }
0x30: {  	s3 =	sld [smem:$0x3FA6]  }
0x31: {  	[smem:$0x3FAF] =	sst s10  }
0x32: {  	s10 =	sld [smem:$0x3FAD];
	_ =	sdelay $0x3  }
0x33: {  	p0 =	seq.s32 s10, $0x1;
	s10 =	sld [smem:$0x3FAF];
	_ =	sdelay $0x3  }
0x34: {  	[smem:$0x3FAF] =	sst s10  }
0x35: {  	s10 =	sld [smem:$0x3FAE];
	_ =	sdelay $0x3  }
0x36: {  	p1 =	seq.s32 s10, $0x1;
	s10 =	sld [smem:$0x3FAF];
	_ =	sdelay $0x3  }
0x37: {  	[smem:$0x3FAF] =	sst s10  }
0x38: {  	s10 =	sld [smem:$0x3FB0]  }
0x39: {  	_ = 	snop;
	(pc) =	sbr.ind lr, $3  }
0x3a: {  	_ = 	snop  }
0x3b: {  	_ = 	snop  }
0x3c: {  	p2 =	seq.s32 s10, $0x1;
	s10 =	sld [smem:$0x3FAF]  }
0x3d: {  	_ =	shalt  }
0x3e: {  	_ =	shalt  }
0x3f: {  	_ =	shalt  }
0x40: {  	_ =	shalt  }
0x41: {  	_ =	shalt  }
0x42: {  	_ =	shalt  }
0x43: {  	_ =	shalt  }
0x44: {  	_ =	shalt  }
0x45: {  	_ =	shalt  }
0x46: {  	_ =	shalt  }
0x47: {  	_ =	shalt  }
0x48: {  	_ =	shalt  }
0x49: {  	_ =	shalt  }
0x4a: {  	_ =	shalt  }
0x4b: {  	_ =	shalt  }
0x4c: {  	_ =	shalt  }
0x4d: {  	_ =	shalt  }
0x4e: {  	_ =	shalt  }
0x4f: {  	_ =	shalt  }
0x50: {  	_ =	shalt  }
0x51: {  	_ =	shalt  }
0x52: {  	_ =	shalt  }
0x53: {  	_ =	shalt  }
0x54: {  	_ =	shalt  }
0x55: {  	_ =	shalt  }
0x56: {  	_ =	shalt  }
0x57: {  	_ =	shalt  }
0x58: {  	_ =	shalt  }
0x59: {  	_ =	shalt  }
0x5a: {  	_ =	shalt  }
0x5b: {  	_ =	shalt  }
0x5c: {  	_ =	shalt  }
0x5d: {  	_ =	shalt  }
0x5e: {  	_ =	shalt  }
0x5f: {  	_ =	shalt  }
0x60: {  	_ =	shalt  }
0x61: {  	_ =	shalt  }
0x62: {  	_ =	shalt  }
0x63: {  	_ =	shalt  }
0x64: {  	_ =	shalt  }
0x65: {  	_ =	shalt  }
0x66: {  	_ =	shalt  }
0x67: {  	_ =	shalt  }
0x68: {  	_ =	shalt  }
0x69: {  	_ =	shalt  }
0x6a: {  	_ =	shalt  }
0x6b: {  	_ =	shalt  }
0x6c: {  	_ =	shalt  }
0x6d: {  	_ =	shalt  }
0x6e: {  	_ =	shalt  }
0x6f: {  	_ =	shalt  }
0x70: {  	_ =	shalt  }
0x71: {  	_ =	shalt  }
0x72: {  	_ =	shalt  }
0x73: {  	_ =	shalt  }
0x74: {  	_ =	shalt  }
0x75: {  	_ =	shalt  }
0x76: {  	_ =	shalt  }
0x77: {  	_ =	shalt  }
0x78: {  	_ =	shalt  }
0x79: {  	_ =	shalt  }
0x7a: {  	_ =	shalt  }
0x7b: {  	_ =	shalt  }
0x7c: {  	_ =	shalt  }
0x7d: {  	_ =	shalt  }
0x7e: {  	_ =	shalt  }
0x7f: {  	_ =	shalt  }
0x80: {  	_ =	shalt  }
0x81: {  	_ =	shalt  }
0x82: {  	_ =	shalt  }
0x83: {  	_ =	shalt  }
0x84: {  	_ =	shalt  }
0x85: {  	_ =	shalt  }
0x86: {  	_ =	shalt  }
0x87: {  	_ =	shalt  }
.Lfunc_end0:
.L_simem_size_0:
called_computation_lowered:
.L_overlay_start_0:
0x88: {  	s2 =	sld [smem:$0x3FD9]  }
0x89: {  	s3 =	sld [smem:$0x3FFE];
	_ =	sdelay $0x1  }
0x8a: {  	s1 =	srdreg.scid  }
0x8b: {  	s0 =	sand.u32 $0x1, s1  }
0x8c: {  	s17 =	sshll.u32 s0, $0xA;
	s2 =	sadd.s32 s3, s2  }
0x8d: {  	s2 =	sadd.s32 s2, s17  }
0x8e: {  	[smem:$0x3FBB] =	sst s2  }
0x8f: {  	_ = 	snop  }
0x90: {  	s2 =	sld [smem:$0x3FD0];
	(tm) =	ssettm $0x1  }
0x91: {  	s18 =	sld [smem:$0x3FFB];
	_ =	sdelay $0x3  }
0x92: {  	_ =	strace s18  }
0x93: {  	s3 =	sld [smem:$0x3FFC];
	_ =	sdelay $0x3  }
0x94: {  	_ =	strace s3  }
0x95: {  	s3 =	sld [smem:$0x3FFD];
	_ =	sdelay $0x3  }
0x96: {  	_ =	strace s3  }
0x97: {  	_ =	strace $0x8FFFFFFF  }
0x98: {  	s19 =	sld [smem:$0x3FDB];
	_ =	sdelay $0x1  }
0x99: {  	s4 =	simm.s32 $_scs_section_size  }
0x9a: {  	s5 =	simm.s32 $_size__tile_overlayer_lowered;
	s6 =	simm.s32 $_tile_overlayer_lowered  }
0x9b: {  	s22 =	simm.s32 $0x1BFF;
	s21 =	sshll.u32 s6, $0x1;
	s3 =	sadd.s32 s4, s19  }
0x9c: {  	s7 =	simm.s32 $0x0;
	s20 =	sshll.u32 s5, $0x1;
	s5 =	sadd.s32 s21, s3  }
0x9d: {  	[timem:s7], [sflag:s22] =	dma.local [hbm:s5], s20  }
0x9e: {  	_ =	swait.ge [sflag:s22], s20  }
0x9f: {  	s4 =	ssub.s32 $0x0, s20;
	[sflag:s22] =	ssyncset.done $0x0  }
0xa0: {  	[sflag:s22] =	ssyncadd.s32 s4;
	_ =	sdelay $0x1  }
0xa1: {  	s23 =	simm.s32 $0x1B8B  }
0xa2: {  	_ =	swait.ge [sflag:s23], $0x1  }
0xa3: {  	[sflag:s23] =	ssyncset.done $0x0  }
0xa4: {  	s25 =	simm.s32 $0x1B8E;
	s24 =	sld [smem:$0x3FFE];
	[sflag:s23] =	ssyncadd.s32 $0xFFFFFFFF  }
0xa5: {  	s26 =	simm.s32 $execute0_lowered;
	[smem:$0x3FD2] =	sst s25  }
0xa6: {  	s5 =	sshll.u32 s26, $0x1;
	_ =	strace $0x80000046;
	[dreg:$0x1] =	wrdreg $0xFFFFFFFF  }
0xa7: {  	s28 =	simm.s32 $_size_execute0_lowered;
	s3 =	sadd.s32 s3, s5;
	[dreg:$0x0] =	wrdreg $0x0  }
0xa8: {  	s5 =	sshll.u32 s28, $0x1;
	[dreg:$0x2] =	wrdreg s3  }
0xa9: {  	[dreg:$0x3] =	wrdreg s5  }
0xaa: {  	[dreg:$0x4] =	wrdreg $0xC0  }
0xab: {  	_ =	task [dreg:s7], $0x5FFFF  }
0xac: {  	[dreg:$0x1] =	wrdreg $0xFFFFFFFF  }
0xad: {  	[dreg:$0x0] =	wrdreg $0x60  }
0xae: {  	[dreg:$0x2] =	wrdreg s24  }
0xaf: {  	[dreg:$0x3] =	wrdreg s2  }
0xb0: {  	[dreg:$0x4] =	wrdreg $0xC4000  }
0xb1: {  	[dreg:$0x5] =	wrdreg $0x9  }
0xb2: {  	_ =	task.clear_ibuf [dreg:s7], $0x6FFFF;
	_ =	strace $0x90000046  }
0xb3: {  	s29 =	simm.s32 $0x9;
	_ =	strace $0x80000048  }
0xb4: {  	_ =	swait.ge [sflag:s29], $0x1  }
0xb5: {  	[sflag:s29] =	ssyncadd.s32 $0xFFFFFFFF  }
0xb6: {  	_ =	strace $0x90000048  }
0xb7: {  	_ =	sfence  }
0xb8: {  	s30 =	sld [smem:$0x0];
	_ =	sdelay $0x2  }
0xb9: {  	s31 =	sshll.u32 s1, $0xD;
	s1 =	sshrl.u32 s1, $0x2  }
0xba: {  	s3 =	sand.u32 $0x4000, s31;
	s1 =	sadd.s32 s1, s30  }
0xbb: {  	s0 =	sor.u32 s3, s0;
	s1 =	sshll.u32 s1, $0x11  }
0xbc: {  	s0 =	sor.u32 s1, s0  }
0xbd: {  	s0 =	sadd.s32 $0x8F2B, s0  }
0xbe: {  	[sflag:s0] =	ssyncadd.remote.s32 $0x1  }
0xbf: {  	_ =	sfence.sel $0xFFFF  }
0xc0: {  	[dreg:$0x0] =	wrdreg $0xFFFFFFFF;
	(pc) =	sbr.abs _section_cstart, $3  }
0xc1: {  	[dreg:$0x1] =	wrdreg $0xFFFFFFFF  }
0xc2: {  	_ =	task.clear_ibuf [dreg:s7], $0x2FFFF;
	_ =	strace $0x9FFFFFFF  }
0xc3: {  	(tm) =	ssettm $0x7FFFFFFF  }
tec
execute0_lowered:
.L_overlay_start_1:
0x0: {  	(tag) =	ssettag $0x1  }
0x1: {  	s4 =	rddreg [dreg:$0x0]  }
0x2: {  	s5 =	rddreg [dreg:$0x1]  }
0x3: {  	s1 =	rddreg [dreg:$0x2];
	s2 =	srdreg.scid  }
0x4: {  	s0 =	rddreg [dreg:$0x3];
	s3 =	simm.s32 $0x0;
	s11 =	simm.s32 $0x8000  }
0x5: {  	s12 =	simm.s32 $0xC080;
	s13 =	simm.s32 $0xC100;
	s14 =	simm.s32 $0xC180  }
0x6: {  	s15 =	simm.s32 $0xC200;
	s16 =	simm.s32 $0xC280;
	s17 =	simm.s32 $0xC300  }
0x7: {  	s18 =	simm.s32 $0xC380;
	s21 =	simm.s32 $0x0;
	s6 =	sand.u32 $0x1, s2  }
0x8: {  	[smem:$0x7FF] =	sst s3;
	s2 =	stileid.u32;
	s7 =	ssub.s32 $0x2, s6  }
0x9: {  	_ =	strace $0x80000047;
	s8 =	sshll.u32 s2, $0x7;
	s29 =	sshll.u32 s2, $0xF  }
0xa: {  	s30 =	sshll.u32 s6, $0xB;
	s10 =	sshll.u32 s2, $0xC;
	s6 =	sshll.u32 s6, $0x10  }
0xb: {  	s19 =	sshll.u32 s2, $0x6;
	s9 =	sshrl.u32 s7, $0x1;
	s8 =	sadd.s32 s8, s4  }
0xc: {  	s4 =	sadd.s32 s29, s1;
	s31 =	sadd.s32 s5, s10;
	s10 =	simm.s32 $0x80  }
0xd: {  	s19 =	sor.u32 $0x1C01, s19;
	s7 =	ssub.s32 s7, s9;
	s8 =	sadd.s32 s30, s8  }
0xe: {  	s6 =	sadd.s32 s6, s31;
	s9 =	simm.s32 $0xC000;
	s20 =	sshrl.u32 s4, $0x3  }
0xf: {  	v0 =	vimm.f32 $0.0e+00;
	v1 =	vimm.f32 $1.000000000e+00;
	s5 =	sadd.s32 $0x3A00, s8;
	s7 =	smax.u32 s7, $0x1;
	s8 =	simm.s32 $0x1  }
.LBB2_1:
0x10: {  	s22 =	simm.s32 $0x0  }
.LBB2_2:
0x11: {  	p0 =	sne.s32 s22, $0x1FE00  }
.Ltmp0:
0x12: {  	_ = 	snop;
	(pc) =	sbr.rel @p0 .LBB2_2-.Ltmp0, $3  }
0x13: {  	_ =	sdelay $0x1  }
0x14: {  	s23 =	sshra.s32 s22, $0x2  }
0x15: {  	s22 =	sadd.s32 $0x200, s22;
	[tilespmem:s23+$0x0] =	vst v0  }
0x16: {  	s22 =	simm.s32 $0x200;
	s23 =	simm.s32 $0x0  }
.LBB2_4:
0x17: {  	p0 =	sne.s32 s22, $0xFE00;
	[tilespmem:s23+$0x8000] =	vst v1;
	s23 =	smov.u32 s22;
	s22 =	sadd.s32 $0x200, s22  }
.Ltmp1:
0x18: {  	(pc) =	sbr.rel @p0 .LBB2_4-.Ltmp1, $2  }
0x19: {  	_ =	sdelay $0x2  }
0x1a: {  	s23 =	sshra.s32 s23, $0x2  }
0x1b: {  	[tilespmem:s23+$0x8000] =	vst v1  }
0x1c: {  	[spmem:s4] =	stream.linear.scatter [tilespmem:s3], [sflag:$0x1], $0x8000, $0x38;
	[tilespmem:$0xD400] =	vst v63  }
0x1d: {  	_ =	swait.ge [sflag:s8], $0x8000  }
0x1e: {  	[sflag:s8] =	ssyncset.done $0x0  }
0x1f: {  	[sflag:s8] =	ssyncadd.s32 $0xFFFF8000  }
0x20: {  	[tilespmem:s9], [sflag:$0x1] =	stream.linear.gather [hbm4b:s5+s3], $0x400, $0x38;
	[tilespmem:$0xD400] =	vst v63  }
0x21: {  	_ =	swait.ge [sflag:s8], $0x400  }
0x22: {  	[sflag:s8] =	ssyncset.done $0x0  }
0x23: {  	[sflag:s8] =	ssyncadd.s32 $0xFFFFFC00  }
0x24: {  	[bflag:$0x0] =	sbarrier.arrive $0xFFFF  }
0x25: {  	[spmem:s1] =	stream.indirect.scatter.add.f32 [tilespmem:s11], [sflag:$0x1], $0x10, s9, s10, $0xb8;
	[tilespmem:$0xD400] =	vst v63  }
0x26: {  	_ =	swait.ge [sflag:s8], $0x800  }
0x27: {  	[sflag:s8] =	ssyncset.done $0x0  }
0x28: {  	[sflag:s8] =	ssyncadd.s32 $0xFFFFF800  }
0x29: {  	[spmem:s1] =	stream.indirect.scatter.add.f32 [tilespmem:s11], [sflag:$0x1], $0x10, s12, s10, $0xb8;
	[tilespmem:$0xD400] =	vst v63  }
0x2a: {  	_ =	swait.ge [sflag:s8], $0x800  }
0x2b: {  	[sflag:s8] =	ssyncset.done $0x0  }
0x2c: {  	[sflag:s8] =	ssyncadd.s32 $0xFFFFF800  }
0x2d: {  	[spmem:s1] =	stream.indirect.scatter.add.f32 [tilespmem:s11], [sflag:$0x1], $0x10, s13, s10, $0xb8;
	[tilespmem:$0xD400] =	vst v63  }
0x2e: {  	_ =	swait.ge [sflag:s8], $0x800  }
0x2f: {  	[sflag:s8] =	ssyncset.done $0x0  }
0x30: {  	[sflag:s8] =	ssyncadd.s32 $0xFFFFF800  }
0x31: {  	[spmem:s1] =	stream.indirect.scatter.add.f32 [tilespmem:s11], [sflag:$0x1], $0x10, s14, s10, $0xb8;
	[tilespmem:$0xD400] =	vst v63  }
0x32: {  	_ =	swait.ge [sflag:s8], $0x800  }
0x33: {  	[sflag:s8] =	ssyncset.done $0x0  }
0x34: {  	[sflag:s8] =	ssyncadd.s32 $0xFFFFF800  }
0x35: {  	[spmem:s1] =	stream.indirect.scatter.add.f32 [tilespmem:s11], [sflag:$0x1], $0x10, s15, s10, $0xb8;
	[tilespmem:$0xD400] =	vst v63  }
0x36: {  	_ =	swait.ge [sflag:s8], $0x800  }
0x37: {  	[sflag:s8] =	ssyncset.done $0x0  }
0x38: {  	[sflag:s8] =	ssyncadd.s32 $0xFFFFF800  }
0x39: {  	[spmem:s1] =	stream.indirect.scatter.add.f32 [tilespmem:s11], [sflag:$0x1], $0x10, s16, s10, $0xb8;
	[tilespmem:$0xD400] =	vst v63  }
0x3a: {  	_ =	swait.ge [sflag:s8], $0x800  }
0x3b: {  	[sflag:s8] =	ssyncset.done $0x0  }
0x3c: {  	[sflag:s8] =	ssyncadd.s32 $0xFFFFF800  }
0x3d: {  	[spmem:s1] =	stream.indirect.scatter.add.f32 [tilespmem:s11], [sflag:$0x1], $0x10, s17, s10, $0xb8;
	[tilespmem:$0xD400] =	vst v63  }
0x3e: {  	_ =	swait.ge [sflag:s8], $0x800  }
0x3f: {  	[sflag:s8] =	ssyncset.done $0x0  }
0x40: {  	[sflag:s8] =	ssyncadd.s32 $0xFFFFF800  }
0x41: {  	[spmem:s1] =	stream.indirect.scatter.add.f32 [tilespmem:s11], [sflag:$0x1], $0x10, s18, s10, $0xb8;
	[tilespmem:$0xD400] =	vst v63  }
0x42: {  	_ =	swait.ge [sflag:s8], $0x800  }
0x43: {  	s21 =	sadd.s32 $0x1, s21;
	[sflag:s8] =	ssyncset.done $0x0  }
0x44: {  	p0 =	sne.s32 s21, s7;
	[sflag:s8] =	ssyncadd.s32 $0xFFFFF800  }
.Ltmp2:
0x45: {  	[bflag:$0x0] =	sbarrier.arrive $0xFFFF;
	(pc) =	sbr.rel @p0 .LBB2_1-.Ltmp2, $4  }
0x46: {  	[hbm:s6], [sflag:s19] =	dma.local [spmem:s20], $0x1000  }
0x47: {  	_ =	swait.ge [sflag:s8], $0x1000  }
0x48: {  	[sflag:s8] =	ssyncset.done $0x0  }
0x49: {  	[sflag:s8] =	ssyncadd.s32 $0xFFFFF000  }
0x4a: {  	_ =	sfence.sel $0x180000  }
0x4b: {  	[bflag:$0x0] =	sbarrier.arrive $0xFFFF  }
0x4c: {  	p0 =	sne.s32 s2, $0x0;
	_ =	strace $0x90000047  }
0x4d: {  	s0 =	sadd.s32 @!p0 $0x100000, s0;
	[bflag:$0x2] =	sbarrier.arrive $0xFFFF  }
0x4e: {  	[sflag:s0] =	ssyncadd.tile.s32 @!p0 $0x1;
	_ =	shalt  }
.Lfunc_end2:
_tile_overlayer_lowered:
.L_overlay_start_2:
0x4f: {  	(tag) =	ssettag $0x2  }
0x50: {  	s0 =	rddreg [dreg:$0x0];
	s2 =	stileid.u32  }
0x51: {  	s1 =	rddreg [dreg:$0x1];
	p0 =	sne.s32 s2, $0x0  }
0x52: {  	s3 =	rddreg [dreg:$0x2];
	[bflag:$0x3] =	sbarrier.arrive $0xFFFF;
	s2 =	simm.s32 @!p0 $0x1C01  }
0x53: {  	[timem:s3], [sflag:s2] =	dma.local @!p0 [hbm:s0], s1  }
0x54: {  	s0 =	simm.s32 @!p0 $0x1  }
0x55: {  	_ =	swait.ge @!p0 [sflag:s0], s1  }
0x56: {  	s1 =	ssub.s32 @!p0 $0x0, s1;
	[sflag:s0] =	ssyncset.done @!p0 $0x0  }
0x57: {  	[sflag:s0] =	ssyncadd.s32 @!p0 s1  }
0x58: {  	[bflag:$0x3] =	sbarrier.arrive $0xFFFF  }
0x59: {  	_ =	shalt  }

// kernel: kernel.14.cloned.1.call-start
scs
__scs_entry_jumppad:
0x0: {  	(pc) =	sbr.rel $0x88, $3  }
0x1: {  	(tag) =	ssettag $0x0;
	lr =	simm.s32 $0x1  }
0x2: {  	[smem:$0x3F94] =	sst lr;
	_ =	strace $0xD0000000  }
0x3: {  	_ = 	snop  }
0x4: {  	_ = 	snop  }
0x5: {  	_ = 	snop  }
0x6: {  	_ = 	snop  }
0x7: {  	_ = 	snop  }
__scs_overlays_trampoline_lowered:
0x8: {  	[smem:$0x3FA3] =	sst s0  }
0x9: {  	[smem:$0x3FA4] =	sst s1  }
0xa: {  	[smem:$0x3FA5] =	sst s2  }
0xb: {  	[smem:$0x3FA6] =	sst s3  }
0xc: {  	[smem:$0x3FA7] =	sst s4  }
0xd: {  	[smem:$0x3FA8] =	sst s5  }
0xe: {  	[smem:$0x3FA9] =	sst s6  }
0xf: {  	[smem:$0x3FAA] =	sst s7  }
0x10: {  	[smem:$0x3FAB] =	sst s8  }
0x11: {  	[smem:$0x3FAC] =	sst s9;
	s0 =	simm.s32 @!p0 $0x0  }
0x12: {  	s1 =	sld [smem:$0x3F92];
	s0 =	simm.s32 @p0 $0x1  }
0x13: {  	[smem:$0x3FAD] =	sst s0;
	s0 =	simm.s32 @!p1 $0x0  }
0x14: {  	s2 =	sld [smem:$0x3F91];
	s0 =	simm.s32 @p1 $0x1  }
0x15: {  	[smem:$0x3FAE] =	sst s0;
	s0 =	simm.s32 @!p2 $0x0  }
0x16: {  	s3 =	sld [smem:$0x3FDB];
	s0 =	simm.s32 @p2 $0x1  }
0x17: {  	s4 =	simm.s32 $0x1BF5;
	[smem:$0x3FB0] =	sst s0  }
0x18: {  	s0 =	sld [smem:$0x3F93];
	_ =	swait.ge [sflag:s4], $0x0  }
0x19: {  	s7 =	sld [smem:$0x3F94]  }
0x1a: {  	s8 =	sadd.s32 $0xFFFFE003, lr  }
0x1b: {  	s9 =	sadd.s32 $0xFFFFFEF7, lr;
	s5 =	simm.s32 $0xFFFFFFFF;
	p2 =	slt.u32 s8, $0xFFFFF086  }
0x1c: {  	p1 =	slt.u32 s9, $0xF7A;
	s5 =	simm.s32 @!p2 $0x0  }
0x1d: {  	s5 =	simm.s32 @p1 $0x1;
	p0 =	seq.s32 s7, s2  }
0x1e: {  	s7 =	smul.u32 @!p0 $0xF7A, s2;
	p2 =	seq.s32 @!p0 s5, $0x0  }
0x1f: {  	s9 =	smul.u32 $0xF7A, s1;
	s8 =	simm.s32 @!p0 $0x1BF5;
	p2 =	por !p2, p0  }
0x20: {  	[sflag:s8] =	ssyncset.s32 @!p0 $0xFFFFF086;
	s6 =	sadd.s32 @!p0 s3, s7;
	s7 =	simm.s32 @!p0 $0x108  }
0x21: {  	s3 =	sadd.s32 s3, s9;
	s6 =	sadd.s32 @!p0 $0x88, s6;
	s7 =	simm.s32 @p2 $0x1082  }
0x22: {  	[simem:s7], [sflag:s8] =	dma.local @!p0 [hbm:s6], $0xF7A  }
0x23: {  	s9 =	sor.u32 $0xD0000000, s2;
	s6 =	simm.s32 $0x108;
	_ =	swait.ge @!p0 [sflag:s8], $0x0  }
0x24: {  	s3 =	sadd.s32 $0x88, s3;
	s6 =	simm.s32 @!p1 $0x1082;
	[sflag:s4] =	ssyncset.s32 $0xFFFFF086  }
0x25: {  	[simem:s6], [sflag:s4] =	dma.local [hbm:s3], $0xF7A  }
0x26: {  	[smem:$0x3F94] =	sst s1;
	(tag) =	ssettag s2;
	_ =	strace s9  }
0x27: {  	s1 =	sld [smem:$0x3FA4]  }
0x28: {  	s2 =	sld [smem:$0x3FA5]  }
0x29: {  	s4 =	sld [smem:$0x3FA7]  }
0x2a: {  	p0 =	seq.s32 s5, $0x0;
	s5 =	sld [smem:$0x3FA8]  }
0x2b: {  	s6 =	sld [smem:$0x3FA9]  }
0x2c: {  	s7 =	sld [smem:$0x3FAA]  }
0x2d: {  	s3 =	simm.s32 $0x108;
	s8 =	sld [smem:$0x3FAB]  }
0x2e: {  	s3 =	simm.s32 @!p0 $0x1082;
	s9 =	sld [smem:$0x3FAC]  }
0x2f: {  	lr =	sadd.s32 s0, s3;
	s0 =	sld [smem:$0x3FA3]  }
0x30: {  	s3 =	sld [smem:$0x3FA6]  }
0x31: {  	[smem:$0x3FAF] =	sst s10  }
0x32: {  	s10 =	sld [smem:$0x3FAD];
	_ =	sdelay $0x3  }
0x33: {  	p0 =	seq.s32 s10, $0x1;
	s10 =	sld [smem:$0x3FAF];
	_ =	sdelay $0x3  }
0x34: {  	[smem:$0x3FAF] =	sst s10  }
0x35: {  	s10 =	sld [smem:$0x3FAE];
	_ =	sdelay $0x3  }
0x36: {  	p1 =	seq.s32 s10, $0x1;
	s10 =	sld [smem:$0x3FAF];
	_ =	sdelay $0x3  }
0x37: {  	[smem:$0x3FAF] =	sst s10  }
0x38: {  	s10 =	sld [smem:$0x3FB0]  }
0x39: {  	_ = 	snop;
	(pc) =	sbr.ind lr, $3  }
0x3a: {  	_ = 	snop  }
0x3b: {  	_ = 	snop  }
0x3c: {  	p2 =	seq.s32 s10, $0x1;
	s10 =	sld [smem:$0x3FAF]  }
0x3d: {  	_ =	shalt  }
0x3e: {  	_ =	shalt  }
0x3f: {  	_ =	shalt  }
0x40: {  	_ =	shalt  }
0x41: {  	_ =	shalt  }
0x42: {  	_ =	shalt  }
0x43: {  	_ =	shalt  }
0x44: {  	_ =	shalt  }
0x45: {  	_ =	shalt  }
0x46: {  	_ =	shalt  }
0x47: {  	_ =	shalt  }
0x48: {  	_ =	shalt  }
0x49: {  	_ =	shalt  }
0x4a: {  	_ =	shalt  }
0x4b: {  	_ =	shalt  }
0x4c: {  	_ =	shalt  }
0x4d: {  	_ =	shalt  }
0x4e: {  	_ =	shalt  }
0x4f: {  	_ =	shalt  }
0x50: {  	_ =	shalt  }
0x51: {  	_ =	shalt  }
0x52: {  	_ =	shalt  }
0x53: {  	_ =	shalt  }
0x54: {  	_ =	shalt  }
0x55: {  	_ =	shalt  }
0x56: {  	_ =	shalt  }
0x57: {  	_ =	shalt  }
0x58: {  	_ =	shalt  }
0x59: {  	_ =	shalt  }
0x5a: {  	_ =	shalt  }
0x5b: {  	_ =	shalt  }
0x5c: {  	_ =	shalt  }
0x5d: {  	_ =	shalt  }
0x5e: {  	_ =	shalt  }
0x5f: {  	_ =	shalt  }
0x60: {  	_ =	shalt  }
0x61: {  	_ =	shalt  }
0x62: {  	_ =	shalt  }
0x63: {  	_ =	shalt  }
0x64: {  	_ =	shalt  }
0x65: {  	_ =	shalt  }
0x66: {  	_ =	shalt  }
0x67: {  	_ =	shalt  }
0x68: {  	_ =	shalt  }
0x69: {  	_ =	shalt  }
0x6a: {  	_ =	shalt  }
0x6b: {  	_ =	shalt  }
0x6c: {  	_ =	shalt  }
0x6d: {  	_ =	shalt  }
0x6e: {  	_ =	shalt  }
0x6f: {  	_ =	shalt  }
0x70: {  	_ =	shalt  }
0x71: {  	_ =	shalt  }
0x72: {  	_ =	shalt  }
0x73: {  	_ =	shalt  }
0x74: {  	_ =	shalt  }
0x75: {  	_ =	shalt  }
0x76: {  	_ =	shalt  }
0x77: {  	_ =	shalt  }
0x78: {  	_ =	shalt  }
0x79: {  	_ =	shalt  }
0x7a: {  	_ =	shalt  }
0x7b: {  	_ =	shalt  }
0x7c: {  	_ =	shalt  }
0x7d: {  	_ =	shalt  }
0x7e: {  	_ =	shalt  }
0x7f: {  	_ =	shalt  }
0x80: {  	_ =	shalt  }
0x81: {  	_ =	shalt  }
0x82: {  	_ =	shalt  }
0x83: {  	_ =	shalt  }
0x84: {  	_ =	shalt  }
0x85: {  	_ =	shalt  }
0x86: {  	_ =	shalt  }
0x87: {  	_ =	shalt  }
.Lfunc_end0:
.L_simem_size_0:
called_computation.1_lowered:
.L_overlay_start_0:
0x88: {  	s2 =	sld [smem:$0x3FD9]  }
0x89: {  	s3 =	sld [smem:$0x3FFE];
	_ =	sdelay $0x1  }
0x8a: {  	s1 =	srdreg.scid  }
0x8b: {  	s0 =	sand.u32 $0x1, s1  }
0x8c: {  	s17 =	sshll.u32 s0, $0xA;
	s2 =	sadd.s32 s3, s2  }
0x8d: {  	s2 =	sadd.s32 s2, s17  }
0x8e: {  	[smem:$0x3FBB] =	sst s2  }
0x8f: {  	_ = 	snop  }
0x90: {  	s2 =	sld [smem:$0x3FD0];
	(tm) =	ssettm $0x1  }
0x91: {  	s18 =	sld [smem:$0x3FFB];
	_ =	sdelay $0x3  }
0x92: {  	_ =	strace s18  }
0x93: {  	s3 =	sld [smem:$0x3FFC];
	_ =	sdelay $0x3  }
0x94: {  	_ =	strace s3  }
0x95: {  	s3 =	sld [smem:$0x3FFD];
	_ =	sdelay $0x3  }
0x96: {  	_ =	strace s3  }
0x97: {  	_ =	strace $0x8FFFFFFF  }
0x98: {  	s19 =	sld [smem:$0x3FDB];
	_ =	sdelay $0x1  }
0x99: {  	s4 =	simm.s32 $_scs_section_size  }
0x9a: {  	s5 =	simm.s32 $_size__tile_overlayer_lowered;
	s6 =	simm.s32 $_tile_overlayer_lowered  }
0x9b: {  	s22 =	simm.s32 $0x1BFF;
	s21 =	sshll.u32 s6, $0x1;
	s3 =	sadd.s32 s4, s19  }
0x9c: {  	s7 =	simm.s32 $0x0;
	s20 =	sshll.u32 s5, $0x1;
	s5 =	sadd.s32 s21, s3  }
0x9d: {  	[timem:s7], [sflag:s22] =	dma.local [hbm:s5], s20  }
0x9e: {  	_ =	swait.ge [sflag:s22], s20  }
0x9f: {  	s4 =	ssub.s32 $0x0, s20;
	[sflag:s22] =	ssyncset.done $0x0  }
0xa0: {  	[sflag:s22] =	ssyncadd.s32 s4;
	_ =	sdelay $0x1  }
0xa1: {  	s23 =	simm.s32 $0x1B8B  }
0xa2: {  	_ =	swait.ge [sflag:s23], $0x1  }
0xa3: {  	[sflag:s23] =	ssyncset.done $0x0  }
0xa4: {  	s25 =	simm.s32 $0x1B8E;
	s24 =	sld [smem:$0x3FFE];
	[sflag:s23] =	ssyncadd.s32 $0xFFFFFFFF  }
0xa5: {  	s26 =	simm.s32 $execute0_lowered;
	[smem:$0x3FD2] =	sst s25  }
0xa6: {  	s5 =	sshll.u32 s26, $0x1;
	_ =	strace $0x80000049;
	[dreg:$0x1] =	wrdreg $0xFFFFFFFF  }
0xa7: {  	s28 =	simm.s32 $_size_execute0_lowered;
	s3 =	sadd.s32 s3, s5;
	[dreg:$0x0] =	wrdreg $0x0  }
0xa8: {  	s5 =	sshll.u32 s28, $0x1;
	[dreg:$0x2] =	wrdreg s3  }
0xa9: {  	[dreg:$0x3] =	wrdreg s5  }
0xaa: {  	[dreg:$0x4] =	wrdreg $0xC0  }
0xab: {  	_ =	task [dreg:s7], $0x5FFFF  }
0xac: {  	[dreg:$0x1] =	wrdreg $0xFFFFFFFF  }
0xad: {  	[dreg:$0x0] =	wrdreg $0x60  }
0xae: {  	[dreg:$0x2] =	wrdreg s2  }
0xaf: {  	[dreg:$0x3] =	wrdreg s24  }
0xb0: {  	[dreg:$0x4] =	wrdreg $0x88000  }
0xb1: {  	[dreg:$0x5] =	wrdreg $0x9  }
0xb2: {  	_ =	task.clear_ibuf [dreg:s7], $0x6FFFF;
	_ =	strace $0x90000049  }
0xb3: {  	s29 =	simm.s32 $0x9;
	_ =	strace $0x8000004B  }
0xb4: {  	_ =	swait.ge [sflag:s29], $0x1  }
0xb5: {  	[sflag:s29] =	ssyncadd.s32 $0xFFFFFFFF  }
0xb6: {  	_ =	strace $0x9000004B  }
0xb7: {  	_ =	sfence  }
0xb8: {  	s30 =	sld [smem:$0x0];
	_ =	sdelay $0x2  }
0xb9: {  	s31 =	sshll.u32 s1, $0xD;
	s1 =	sshrl.u32 s1, $0x2  }
0xba: {  	s3 =	sand.u32 $0x4000, s31;
	s1 =	sadd.s32 s1, s30  }
0xbb: {  	s0 =	sor.u32 s3, s0;
	s1 =	sshll.u32 s1, $0x11  }
0xbc: {  	s0 =	sor.u32 s1, s0  }
0xbd: {  	s0 =	sadd.s32 $0x8F2B, s0  }
0xbe: {  	[sflag:s0] =	ssyncadd.remote.s32 $0x1  }
0xbf: {  	_ =	sfence.sel $0xFFFF  }
0xc0: {  	[dreg:$0x0] =	wrdreg $0xFFFFFFFF;
	(pc) =	sbr.abs _section_cstart, $3  }
0xc1: {  	[dreg:$0x1] =	wrdreg $0xFFFFFFFF  }
0xc2: {  	_ =	task.clear_ibuf [dreg:s7], $0x2FFFF;
	_ =	strace $0x9FFFFFFF  }
0xc3: {  	(tm) =	ssettm $0x7FFFFFFF  }
tec
execute0_lowered:
.L_overlay_start_1:
0x0: {  	(tag) =	ssettag $0x1  }
0x1: {  	s4 =	rddreg [dreg:$0x0]  }
0x2: {  	s26 =	rddreg [dreg:$0x1]  }
0x3: {  	s2 =	rddreg [dreg:$0x2];
	s3 =	srdreg.scid  }
0x4: {  	s0 =	rddreg [dreg:$0x3];
	s1 =	stileid.u32;
	s25 =	sand.u32 $0x1, s3  }
0x5: {  	s3 =	simm.s32 $0x0;
	s6 =	sshll.u32 s1, $0xF;
	s23 =	sshll.u32 s1, $0x8  }
0x6: {  	s5 =	sshll.u32 s25, $0x13;
	[smem:$0x7FF] =	sst s3;
	s10 =	sor.u32 $0x4000, s6  }
0x7: {  	s9 =	sadd.s32 s23, s26;
	s7 =	sor.u32 s6, s5;
	_ =	strace $0x8000004A  }
0x8: {  	s5 =	sor.u32 s5, s10;
	s28 =	sshrl.u32 s7, $0x3;
	s7 =	sadd.s32 $0x3A00, s9  }
0x9: {  	s5 =	sshrl.u32 s5, $0x3;
	s8 =	sadd.s32 s4, s28;
	[dreg:$0x5] =	wrdreg s7  }
0xa: {  	s4 =	sadd.s32 s4, s5;
	[dreg:$0x4] =	wrdreg s8  }
0xb: {  	[dreg:$0x6] =	wrdreg s4  }
0xc: {  	s4 =	simm.s32 $0x1;
	s8 =	rddreg [dreg:$0x4]  }
0xd: {  	[tilespmem:s3], [sflag:$0x1] =	stream.linear.gather [hbm4b:s8+s3], $0x4000, $0x38;
	[tilespmem:$0x10800] =	vst v63  }
0xe: {  	_ =	swait.ge [sflag:s4], $0x4000  }
0xf: {  	[sflag:s4] =	ssyncset.done $0x0  }
0x10: {  	s5 =	simm.s32 $0x8000;
	s24 =	rddreg [dreg:$0x5];
	[sflag:s4] =	ssyncadd.s32 $0xFFFFC000  }
0x11: {  	[tilespmem:s5], [sflag:$0x1] =	stream.linear.gather [hbm4b:s24+s3], $0x400, $0x38;
	[tilespmem:$0x10800] =	vst v63  }
0x12: {  	_ =	swait.ge [sflag:s4], $0x400  }
0x13: {  	[sflag:s4] =	ssyncset.done $0x0  }
0x14: {  	s6 =	sadd.s32 s6, s2;
	[sflag:s4] =	ssyncadd.s32 $0xFFFFFC00  }
0x15: {  	[spmem:s6] =	stream.linear.scatter [tilespmem:s3], [sflag:$0x1], $0x4000, $0x38;
	[tilespmem:$0x10800] =	vst v63  }
0x16: {  	_ =	swait.ge [sflag:s4], $0x4000  }
0x17: {  	[sflag:s4] =	ssyncset.done $0x0  }
0x18: {  	s7 =	simm.s32 $0x4000;
	s31 =	rddreg [dreg:$0x6];
	[sflag:s4] =	ssyncadd.s32 $0xFFFFC000  }
0x19: {  	[tilespmem:s7], [sflag:$0x1] =	stream.linear.gather [hbm4b:s31+s3], $0x4000, $0x38;
	[tilespmem:$0x10800] =	vst v63  }
0x1a: {  	_ =	swait.ge [sflag:s4], $0x4000  }
0x1b: {  	[sflag:s4] =	ssyncset.done $0x0  }
0x1c: {  	s8 =	sadd.s32 $0x3A80, s9;
	s9 =	simm.s32 $0x8400;
	[sflag:s4] =	ssyncadd.s32 $0xFFFFC000  }
0x1d: {  	[tilespmem:s9], [sflag:$0x1] =	stream.linear.gather [hbm4b:s8+s3], $0x400, $0x38;
	[tilespmem:$0x10800] =	vst v63  }
0x1e: {  	_ =	swait.ge [sflag:s4], $0x400  }
0x1f: {  	[sflag:s4] =	ssyncset.done $0x0  }
0x20: {  	s10 =	sadd.s32 s10, s2;
	[sflag:s4] =	ssyncadd.s32 $0xFFFFFC00  }
0x21: {  	[spmem:s10] =	stream.linear.scatter [tilespmem:s7], [sflag:$0x1], $0x4000, $0x38;
	[tilespmem:$0x10800] =	vst v63  }
0x22: {  	_ =	swait.ge [sflag:s4], $0x4000  }
0x23: {  	[sflag:s4] =	ssyncset.done $0x0  }
0x24: {  	[sflag:s4] =	ssyncadd.s32 $0xFFFFC000  }
0x25: {  	s11 =	simm.s32 $0x80;
	[bflag:$0x0] =	sbarrier.arrive $0xFFFF  }
0x26: {  	[spmem:s2] =	stream.indirect.scatter.add.f32 [tilespmem:s3], [sflag:$0x1], $0x80, s5, s11, $0xb8;
	[tilespmem:$0x10800] =	vst v63  }
0x27: {  	_ =	swait.ge [sflag:s4], $0x4000  }
0x28: {  	[sflag:s4] =	ssyncset.done $0x0  }
0x29: {  	s12 =	simm.s32 $0x8080;
	[sflag:s4] =	ssyncadd.s32 $0xFFFFC000  }
0x2a: {  	[spmem:s2] =	stream.indirect.scatter.add.f32 [tilespmem:s3], [sflag:$0x1], $0x80, s12, s11, $0xb8;
	[tilespmem:$0x10800] =	vst v63  }
0x2b: {  	_ =	swait.ge [sflag:s4], $0x4000  }
0x2c: {  	[sflag:s4] =	ssyncset.done $0x0  }
0x2d: {  	s13 =	simm.s32 $0x8100;
	[sflag:s4] =	ssyncadd.s32 $0xFFFFC000  }
0x2e: {  	[spmem:s2] =	stream.indirect.scatter.add.f32 [tilespmem:s3], [sflag:$0x1], $0x80, s13, s11, $0xb8;
	[tilespmem:$0x10800] =	vst v63  }
0x2f: {  	_ =	swait.ge [sflag:s4], $0x4000  }
0x30: {  	[sflag:s4] =	ssyncset.done $0x0  }
0x31: {  	s14 =	simm.s32 $0x8180;
	[sflag:s4] =	ssyncadd.s32 $0xFFFFC000  }
0x32: {  	[spmem:s2] =	stream.indirect.scatter.add.f32 [tilespmem:s3], [sflag:$0x1], $0x80, s14, s11, $0xb8;
	[tilespmem:$0x10800] =	vst v63  }
0x33: {  	_ =	swait.ge [sflag:s4], $0x4000  }
0x34: {  	[sflag:s4] =	ssyncset.done $0x0  }
0x35: {  	s15 =	simm.s32 $0x8200;
	[sflag:s4] =	ssyncadd.s32 $0xFFFFC000  }
0x36: {  	[spmem:s2] =	stream.indirect.scatter.add.f32 [tilespmem:s3], [sflag:$0x1], $0x80, s15, s11, $0xb8;
	[tilespmem:$0x10800] =	vst v63  }
0x37: {  	_ =	swait.ge [sflag:s4], $0x4000  }
0x38: {  	[sflag:s4] =	ssyncset.done $0x0  }
0x39: {  	s16 =	simm.s32 $0x8280;
	[sflag:s4] =	ssyncadd.s32 $0xFFFFC000  }
0x3a: {  	[spmem:s2] =	stream.indirect.scatter.add.f32 [tilespmem:s3], [sflag:$0x1], $0x80, s16, s11, $0xb8;
	[tilespmem:$0x10800] =	vst v63  }
0x3b: {  	_ =	swait.ge [sflag:s4], $0x4000  }
0x3c: {  	[sflag:s4] =	ssyncset.done $0x0  }
0x3d: {  	s17 =	simm.s32 $0x8300;
	[sflag:s4] =	ssyncadd.s32 $0xFFFFC000  }
0x3e: {  	[spmem:s2] =	stream.indirect.scatter.add.f32 [tilespmem:s3], [sflag:$0x1], $0x80, s17, s11, $0xb8;
	[tilespmem:$0x10800] =	vst v63  }
0x3f: {  	_ =	swait.ge [sflag:s4], $0x4000  }
0x40: {  	[sflag:s4] =	ssyncset.done $0x0  }
0x41: {  	s18 =	simm.s32 $0x8380;
	[sflag:s4] =	ssyncadd.s32 $0xFFFFC000  }
0x42: {  	[spmem:s2] =	stream.indirect.scatter.add.f32 [tilespmem:s3], [sflag:$0x1], $0x80, s18, s11, $0xb8;
	[tilespmem:$0x10800] =	vst v63  }
0x43: {  	_ =	swait.ge [sflag:s4], $0x4000  }
0x44: {  	[sflag:s4] =	ssyncset.done $0x0  }
0x45: {  	[sflag:s4] =	ssyncadd.s32 $0xFFFFC000  }
0x46: {  	[spmem:s2] =	stream.indirect.scatter.add.f32 [tilespmem:s7], [sflag:$0x1], $0x80, s9, s11, $0xb8;
	[tilespmem:$0x10800] =	vst v63  }
0x47: {  	_ =	swait.ge [sflag:s4], $0x4000  }
0x48: {  	[sflag:s4] =	ssyncset.done $0x0  }
0x49: {  	s19 =	simm.s32 $0x8480;
	[sflag:s4] =	ssyncadd.s32 $0xFFFFC000  }
0x4a: {  	[spmem:s2] =	stream.indirect.scatter.add.f32 [tilespmem:s7], [sflag:$0x1], $0x80, s19, s11, $0xb8;
	[tilespmem:$0x10800] =	vst v63  }
0x4b: {  	_ =	swait.ge [sflag:s4], $0x4000  }
0x4c: {  	[sflag:s4] =	ssyncset.done $0x0  }
0x4d: {  	s20 =	simm.s32 $0x8500;
	[sflag:s4] =	ssyncadd.s32 $0xFFFFC000  }
0x4e: {  	[spmem:s2] =	stream.indirect.scatter.add.f32 [tilespmem:s7], [sflag:$0x1], $0x80, s20, s11, $0xb8;
	[tilespmem:$0x10800] =	vst v63  }
0x4f: {  	_ =	swait.ge [sflag:s4], $0x4000  }
0x50: {  	[sflag:s4] =	ssyncset.done $0x0  }
0x51: {  	s21 =	simm.s32 $0x8580;
	[sflag:s4] =	ssyncadd.s32 $0xFFFFC000  }
0x52: {  	[spmem:s2] =	stream.indirect.scatter.add.f32 [tilespmem:s7], [sflag:$0x1], $0x80, s21, s11, $0xb8;
	[tilespmem:$0x10800] =	vst v63  }
0x53: {  	_ =	swait.ge [sflag:s4], $0x4000  }
0x54: {  	[sflag:s4] =	ssyncset.done $0x0  }
0x55: {  	s22 =	simm.s32 $0x8600;
	[sflag:s4] =	ssyncadd.s32 $0xFFFFC000  }
0x56: {  	[spmem:s2] =	stream.indirect.scatter.add.f32 [tilespmem:s7], [sflag:$0x1], $0x80, s22, s11, $0xb8;
	[tilespmem:$0x10800] =	vst v63  }
0x57: {  	_ =	swait.ge [sflag:s4], $0x4000  }
0x58: {  	[sflag:s4] =	ssyncset.done $0x0  }
0x59: {  	s23 =	simm.s32 $0x8680;
	[sflag:s4] =	ssyncadd.s32 $0xFFFFC000  }
0x5a: {  	[spmem:s2] =	stream.indirect.scatter.add.f32 [tilespmem:s7], [sflag:$0x1], $0x80, s23, s11, $0xb8;
	[tilespmem:$0x10800] =	vst v63  }
0x5b: {  	_ =	swait.ge [sflag:s4], $0x4000  }
0x5c: {  	[sflag:s4] =	ssyncset.done $0x0  }
0x5d: {  	s29 =	ssub.s32 $0x2, s25;
	s24 =	simm.s32 $0x8700;
	[sflag:s4] =	ssyncadd.s32 $0xFFFFC000  }
0x5e: {  	[spmem:s2] =	stream.indirect.scatter.add.f32 [tilespmem:s7], [sflag:$0x1], $0x80, s24, s11, $0xb8;
	[tilespmem:$0x10800] =	vst v63  }
0x5f: {  	s26 =	sadd.s32 s28, s26;
	s28 =	sshrl.u32 s29, $0x1;
	_ =	swait.ge [sflag:s4], $0x4000  }
0x60: {  	s28 =	ssub.s32 s29, s28;
	[sflag:s4] =	ssyncset.done $0x0  }
0x61: {  	s25 =	simm.s32 $0x8780;
	s30 =	smax.u32 s28, $0x1;
	[sflag:s4] =	ssyncadd.s32 $0xFFFFC000  }
0x62: {  	[spmem:s2] =	stream.indirect.scatter.add.f32 [tilespmem:s7], [sflag:$0x1], $0x80, s25, s11, $0xb8;
	[tilespmem:$0x10800] =	vst v63  }
0x63: {  	p0 =	sne.s32 s30, $0x1;
	_ =	swait.ge [sflag:s4], $0x4000  }
.Ltmp0:
0x64: {  	[sflag:s4] =	ssyncset.done $0x0;
	(pc) =	sbr.rel @!p0 .LBB2_2-.Ltmp0, $4  }
0x65: {  	s26 =	sadd.s32 $0x4A00, s26;
	s28 =	sshll.u32 s1, $0x6;
	[sflag:s4] =	ssyncadd.s32 $0xFFFFC000  }
0x66: {  	s29 =	sshrl.u32 s6, $0x3;
	s28 =	sor.u32 $0x1C01, s28;
	[bflag:$0x0] =	sbarrier.arrive $0xFFFF  }
0x67: {  	[hbm:s26], [sflag:s28] =	dma.local [spmem:s29], $0x1000  }
0x68: {  	s30 =	sadd.s32 $0xFFFFFFFF, s30;
	_ =	swait.ge [sflag:s4], $0x1000  }
.LBB2_1:
0x69: {  	[sflag:s4] =	ssyncset.done $0x0  }
0x6a: {  	s31 =	rddreg [dreg:$0x4];
	[sflag:s4] =	ssyncadd.s32 $0xFFFFF000  }
0x6b: {  	[tilespmem:s3], [sflag:$0x1] =	stream.linear.gather [hbm4b:s31+s3], $0x4000, $0x38;
	[tilespmem:$0x10800] =	vst v63  }
0x6c: {  	_ =	swait.ge [sflag:s4], $0x4000  }
0x6d: {  	[sflag:s4] =	ssyncset.done $0x0  }
0x6e: {  	s31 =	rddreg [dreg:$0x5];
	[sflag:s4] =	ssyncadd.s32 $0xFFFFC000  }
0x6f: {  	[tilespmem:s5], [sflag:$0x1] =	stream.linear.gather [hbm4b:s31+s3], $0x400, $0x38;
	[tilespmem:$0x10800] =	vst v63  }
0x70: {  	_ =	swait.ge [sflag:s4], $0x400  }
0x71: {  	[sflag:s4] =	ssyncset.done $0x0  }
0x72: {  	[sflag:s4] =	ssyncadd.s32 $0xFFFFFC00  }
0x73: {  	[spmem:s6] =	stream.linear.scatter [tilespmem:s3], [sflag:$0x1], $0x4000, $0x38;
	[tilespmem:$0x10800] =	vst v63  }
0x74: {  	_ =	swait.ge [sflag:s4], $0x4000  }
0x75: {  	[sflag:s4] =	ssyncset.done $0x0  }
0x76: {  	s31 =	rddreg [dreg:$0x6];
	[sflag:s4] =	ssyncadd.s32 $0xFFFFC000  }
0x77: {  	[tilespmem:s7], [sflag:$0x1] =	stream.linear.gather [hbm4b:s31+s3], $0x4000, $0x38;
	[tilespmem:$0x10800] =	vst v63  }
0x78: {  	_ =	swait.ge [sflag:s4], $0x4000  }
0x79: {  	[sflag:s4] =	ssyncset.done $0x0  }
0x7a: {  	[sflag:s4] =	ssyncadd.s32 $0xFFFFC000  }
0x7b: {  	[tilespmem:s9], [sflag:$0x1] =	stream.linear.gather [hbm4b:s8+s3], $0x400, $0x38;
	[tilespmem:$0x10800] =	vst v63  }
0x7c: {  	_ =	swait.ge [sflag:s4], $0x400  }
0x7d: {  	[sflag:s4] =	ssyncset.done $0x0  }
0x7e: {  	[sflag:s4] =	ssyncadd.s32 $0xFFFFFC00  }
0x7f: {  	[spmem:s10] =	stream.linear.scatter [tilespmem:s7], [sflag:$0x1], $0x4000, $0x38;
	[tilespmem:$0x10800] =	vst v63  }
0x80: {  	_ =	swait.ge [sflag:s4], $0x4000  }
0x81: {  	[sflag:s4] =	ssyncset.done $0x0  }
0x82: {  	[sflag:s4] =	ssyncadd.s32 $0xFFFFC000  }
0x83: {  	[bflag:$0x0] =	sbarrier.arrive $0xFFFF  }
0x84: {  	[spmem:s2] =	stream.indirect.scatter.add.f32 [tilespmem:s3], [sflag:$0x1], $0x80, s5, s11, $0xb8;
	[tilespmem:$0x10800] =	vst v63  }
0x85: {  	_ =	swait.ge [sflag:s4], $0x4000  }
0x86: {  	[sflag:s4] =	ssyncset.done $0x0  }
0x87: {  	[sflag:s4] =	ssyncadd.s32 $0xFFFFC000  }
0x88: {  	[spmem:s2] =	stream.indirect.scatter.add.f32 [tilespmem:s3], [sflag:$0x1], $0x80, s12, s11, $0xb8;
	[tilespmem:$0x10800] =	vst v63  }
0x89: {  	_ =	swait.ge [sflag:s4], $0x4000  }
0x8a: {  	[sflag:s4] =	ssyncset.done $0x0  }
0x8b: {  	[sflag:s4] =	ssyncadd.s32 $0xFFFFC000  }
0x8c: {  	[spmem:s2] =	stream.indirect.scatter.add.f32 [tilespmem:s3], [sflag:$0x1], $0x80, s13, s11, $0xb8;
	[tilespmem:$0x10800] =	vst v63  }
0x8d: {  	_ =	swait.ge [sflag:s4], $0x4000  }
0x8e: {  	[sflag:s4] =	ssyncset.done $0x0  }
0x8f: {  	[sflag:s4] =	ssyncadd.s32 $0xFFFFC000  }
0x90: {  	[spmem:s2] =	stream.indirect.scatter.add.f32 [tilespmem:s3], [sflag:$0x1], $0x80, s14, s11, $0xb8;
	[tilespmem:$0x10800] =	vst v63  }
0x91: {  	_ =	swait.ge [sflag:s4], $0x4000  }
0x92: {  	[sflag:s4] =	ssyncset.done $0x0  }
0x93: {  	[sflag:s4] =	ssyncadd.s32 $0xFFFFC000  }
0x94: {  	[spmem:s2] =	stream.indirect.scatter.add.f32 [tilespmem:s3], [sflag:$0x1], $0x80, s15, s11, $0xb8;
	[tilespmem:$0x10800] =	vst v63  }
0x95: {  	_ =	swait.ge [sflag:s4], $0x4000  }
0x96: {  	[sflag:s4] =	ssyncset.done $0x0  }
0x97: {  	[sflag:s4] =	ssyncadd.s32 $0xFFFFC000  }
0x98: {  	[spmem:s2] =	stream.indirect.scatter.add.f32 [tilespmem:s3], [sflag:$0x1], $0x80, s16, s11, $0xb8;
	[tilespmem:$0x10800] =	vst v63  }
0x99: {  	_ =	swait.ge [sflag:s4], $0x4000  }
0x9a: {  	[sflag:s4] =	ssyncset.done $0x0  }
0x9b: {  	[sflag:s4] =	ssyncadd.s32 $0xFFFFC000  }
0x9c: {  	[spmem:s2] =	stream.indirect.scatter.add.f32 [tilespmem:s3], [sflag:$0x1], $0x80, s17, s11, $0xb8;
	[tilespmem:$0x10800] =	vst v63  }
0x9d: {  	_ =	swait.ge [sflag:s4], $0x4000  }
0x9e: {  	[sflag:s4] =	ssyncset.done $0x0  }
0x9f: {  	[sflag:s4] =	ssyncadd.s32 $0xFFFFC000  }
0xa0: {  	[spmem:s2] =	stream.indirect.scatter.add.f32 [tilespmem:s3], [sflag:$0x1], $0x80, s18, s11, $0xb8;
	[tilespmem:$0x10800] =	vst v63  }
0xa1: {  	_ =	swait.ge [sflag:s4], $0x4000  }
0xa2: {  	[sflag:s4] =	ssyncset.done $0x0  }
0xa3: {  	[sflag:s4] =	ssyncadd.s32 $0xFFFFC000  }
0xa4: {  	[spmem:s2] =	stream.indirect.scatter.add.f32 [tilespmem:s7], [sflag:$0x1], $0x80, s9, s11, $0xb8;
	[tilespmem:$0x10800] =	vst v63  }
0xa5: {  	_ =	swait.ge [sflag:s4], $0x4000  }
0xa6: {  	[sflag:s4] =	ssyncset.done $0x0  }
0xa7: {  	[sflag:s4] =	ssyncadd.s32 $0xFFFFC000  }
0xa8: {  	[spmem:s2] =	stream.indirect.scatter.add.f32 [tilespmem:s7], [sflag:$0x1], $0x80, s19, s11, $0xb8;
	[tilespmem:$0x10800] =	vst v63  }
0xa9: {  	_ =	swait.ge [sflag:s4], $0x4000  }
0xaa: {  	[sflag:s4] =	ssyncset.done $0x0  }
0xab: {  	[sflag:s4] =	ssyncadd.s32 $0xFFFFC000  }
0xac: {  	[spmem:s2] =	stream.indirect.scatter.add.f32 [tilespmem:s7], [sflag:$0x1], $0x80, s20, s11, $0xb8;
	[tilespmem:$0x10800] =	vst v63  }
0xad: {  	_ =	swait.ge [sflag:s4], $0x4000  }
0xae: {  	[sflag:s4] =	ssyncset.done $0x0  }
0xaf: {  	[sflag:s4] =	ssyncadd.s32 $0xFFFFC000  }
0xb0: {  	[spmem:s2] =	stream.indirect.scatter.add.f32 [tilespmem:s7], [sflag:$0x1], $0x80, s21, s11, $0xb8;
	[tilespmem:$0x10800] =	vst v63  }
0xb1: {  	_ =	swait.ge [sflag:s4], $0x4000  }
0xb2: {  	[sflag:s4] =	ssyncset.done $0x0  }
0xb3: {  	[sflag:s4] =	ssyncadd.s32 $0xFFFFC000  }
0xb4: {  	[spmem:s2] =	stream.indirect.scatter.add.f32 [tilespmem:s7], [sflag:$0x1], $0x80, s22, s11, $0xb8;
	[tilespmem:$0x10800] =	vst v63  }
0xb5: {  	_ =	swait.ge [sflag:s4], $0x4000  }
0xb6: {  	[sflag:s4] =	ssyncset.done $0x0  }
0xb7: {  	[sflag:s4] =	ssyncadd.s32 $0xFFFFC000  }
0xb8: {  	[spmem:s2] =	stream.indirect.scatter.add.f32 [tilespmem:s7], [sflag:$0x1], $0x80, s23, s11, $0xb8;
	[tilespmem:$0x10800] =	vst v63  }
0xb9: {  	_ =	swait.ge [sflag:s4], $0x4000  }
0xba: {  	[sflag:s4] =	ssyncset.done $0x0  }
0xbb: {  	[sflag:s4] =	ssyncadd.s32 $0xFFFFC000  }
0xbc: {  	[spmem:s2] =	stream.indirect.scatter.add.f32 [tilespmem:s7], [sflag:$0x1], $0x80, s24, s11, $0xb8;
	[tilespmem:$0x10800] =	vst v63  }
0xbd: {  	_ =	swait.ge [sflag:s4], $0x4000  }
0xbe: {  	[sflag:s4] =	ssyncset.done $0x0  }
0xbf: {  	[sflag:s4] =	ssyncadd.s32 $0xFFFFC000  }
0xc0: {  	[spmem:s2] =	stream.indirect.scatter.add.f32 [tilespmem:s7], [sflag:$0x1], $0x80, s25, s11, $0xb8;
	[tilespmem:$0x10800] =	vst v63  }
0xc1: {  	p0 =	sne.s32 s30, $0x1;
	_ =	swait.ge [sflag:s4], $0x4000  }
.Ltmp1:
0xc2: {  	[sflag:s4] =	ssyncset.done $0x0;
	(pc) =	sbr.rel @p0 .LBB2_1-.Ltmp1, $4  }
0xc3: {  	[sflag:s4] =	ssyncadd.s32 $0xFFFFC000  }
0xc4: {  	[bflag:$0x0] =	sbarrier.arrive $0xFFFF  }
0xc5: {  	[hbm:s26], [sflag:s28] =	dma.local [spmem:s29], $0x1000  }
0xc6: {  	s30 =	sadd.s32 $0xFFFFFFFF, s30;
	_ =	swait.ge [sflag:s4], $0x1000  }
.LBB2_2:
0xc7: {  	[sflag:s4] =	ssyncset.done $0x0  }
0xc8: {  	[sflag:s4] =	ssyncadd.s32 $0xFFFFF000  }
0xc9: {  	_ =	sfence.sel $0x180000  }
0xca: {  	[bflag:$0x0] =	sbarrier.arrive $0xFFFF  }
0xcb: {  	p0 =	sne.s32 s1, $0x0;
	_ =	strace $0x9000004A  }
0xcc: {  	s0 =	sadd.s32 @!p0 $0x100000, s0;
	[bflag:$0x2] =	sbarrier.arrive $0xFFFF  }
0xcd: {  	[sflag:s0] =	ssyncadd.tile.s32 @!p0 $0x1;
	_ =	shalt  }
.Lfunc_end2:
_tile_overlayer_lowered:
.L_overlay_start_2:
0xce: {  	(tag) =	ssettag $0x2  }
0xcf: {  	s0 =	rddreg [dreg:$0x0];
	s2 =	stileid.u32  }
0xd0: {  	s1 =	rddreg [dreg:$0x1];
	p0 =	sne.s32 s2, $0x0  }
0xd1: {  	s3 =	rddreg [dreg:$0x2];
	[bflag:$0x3] =	sbarrier.arrive $0xFFFF;
	s2 =	simm.s32 @!p0 $0x1C01  }
0xd2: {  	[timem:s3], [sflag:s2] =	dma.local @!p0 [hbm:s0], s1  }
0xd3: {  	s0 =	simm.s32 @!p0 $0x1  }
0xd4: {  	_ =	swait.ge @!p0 [sflag:s0], s1  }
0xd5: {  	s1 =	ssub.s32 @!p0 $0x0, s1;
	[sflag:s0] =	ssyncset.done @!p0 $0x0  }
0xd6: {  	[sflag:s0] =	ssyncadd.s32 @!p0 s1  }
0xd7: {  	[bflag:$0x3] =	sbarrier.arrive $0xFFFF  }
0xd8: {  	_ =	shalt  }

// kernel: kernel.17.cloned.1.call-start
scs
__scs_entry_jumppad:
0x0: {  	(pc) =	sbr.rel $0x88, $3  }
0x1: {  	(tag) =	ssettag $0x0;
	lr =	simm.s32 $0x1  }
0x2: {  	[smem:$0x3F94] =	sst lr;
	_ =	strace $0xD0000000  }
0x3: {  	_ = 	snop  }
0x4: {  	_ = 	snop  }
0x5: {  	_ = 	snop  }
0x6: {  	_ = 	snop  }
0x7: {  	_ = 	snop  }
__scs_overlays_trampoline_lowered:
0x8: {  	[smem:$0x3FA3] =	sst s0  }
0x9: {  	[smem:$0x3FA4] =	sst s1  }
0xa: {  	[smem:$0x3FA5] =	sst s2  }
0xb: {  	[smem:$0x3FA6] =	sst s3  }
0xc: {  	[smem:$0x3FA7] =	sst s4  }
0xd: {  	[smem:$0x3FA8] =	sst s5  }
0xe: {  	[smem:$0x3FA9] =	sst s6  }
0xf: {  	[smem:$0x3FAA] =	sst s7  }
0x10: {  	[smem:$0x3FAB] =	sst s8  }
0x11: {  	[smem:$0x3FAC] =	sst s9;
	s0 =	simm.s32 @!p0 $0x0  }
0x12: {  	s1 =	sld [smem:$0x3F92];
	s0 =	simm.s32 @p0 $0x1  }
0x13: {  	[smem:$0x3FAD] =	sst s0;
	s0 =	simm.s32 @!p1 $0x0  }
0x14: {  	s2 =	sld [smem:$0x3F91];
	s0 =	simm.s32 @p1 $0x1  }
0x15: {  	[smem:$0x3FAE] =	sst s0;
	s0 =	simm.s32 @!p2 $0x0  }
0x16: {  	s3 =	sld [smem:$0x3FDB];
	s0 =	simm.s32 @p2 $0x1  }
0x17: {  	s4 =	simm.s32 $0x1BF5;
	[smem:$0x3FB0] =	sst s0  }
0x18: {  	s0 =	sld [smem:$0x3F93];
	_ =	swait.ge [sflag:s4], $0x0  }
0x19: {  	s7 =	sld [smem:$0x3F94]  }
0x1a: {  	s8 =	sadd.s32 $0xFFFFE003, lr  }
0x1b: {  	s9 =	sadd.s32 $0xFFFFFEF7, lr;
	s5 =	simm.s32 $0xFFFFFFFF;
	p2 =	slt.u32 s8, $0xFFFFF086  }
0x1c: {  	p1 =	slt.u32 s9, $0xF7A;
	s5 =	simm.s32 @!p2 $0x0  }
0x1d: {  	s5 =	simm.s32 @p1 $0x1;
	p0 =	seq.s32 s7, s2  }
0x1e: {  	s7 =	smul.u32 @!p0 $0xF7A, s2;
	p2 =	seq.s32 @!p0 s5, $0x0  }
0x1f: {  	s9 =	smul.u32 $0xF7A, s1;
	s8 =	simm.s32 @!p0 $0x1BF5;
	p2 =	por !p2, p0  }
0x20: {  	[sflag:s8] =	ssyncset.s32 @!p0 $0xFFFFF086;
	s6 =	sadd.s32 @!p0 s3, s7;
	s7 =	simm.s32 @!p0 $0x108  }
0x21: {  	s3 =	sadd.s32 s3, s9;
	s6 =	sadd.s32 @!p0 $0x88, s6;
	s7 =	simm.s32 @p2 $0x1082  }
0x22: {  	[simem:s7], [sflag:s8] =	dma.local @!p0 [hbm:s6], $0xF7A  }
0x23: {  	s9 =	sor.u32 $0xD0000000, s2;
	s6 =	simm.s32 $0x108;
	_ =	swait.ge @!p0 [sflag:s8], $0x0  }
0x24: {  	s3 =	sadd.s32 $0x88, s3;
	s6 =	simm.s32 @!p1 $0x1082;
	[sflag:s4] =	ssyncset.s32 $0xFFFFF086  }
0x25: {  	[simem:s6], [sflag:s4] =	dma.local [hbm:s3], $0xF7A  }
0x26: {  	[smem:$0x3F94] =	sst s1;
	(tag) =	ssettag s2;
	_ =	strace s9  }
0x27: {  	s1 =	sld [smem:$0x3FA4]  }
0x28: {  	s2 =	sld [smem:$0x3FA5]  }
0x29: {  	s4 =	sld [smem:$0x3FA7]  }
0x2a: {  	p0 =	seq.s32 s5, $0x0;
	s5 =	sld [smem:$0x3FA8]  }
0x2b: {  	s6 =	sld [smem:$0x3FA9]  }
0x2c: {  	s7 =	sld [smem:$0x3FAA]  }
0x2d: {  	s3 =	simm.s32 $0x108;
	s8 =	sld [smem:$0x3FAB]  }
0x2e: {  	s3 =	simm.s32 @!p0 $0x1082;
	s9 =	sld [smem:$0x3FAC]  }
0x2f: {  	lr =	sadd.s32 s0, s3;
	s0 =	sld [smem:$0x3FA3]  }
0x30: {  	s3 =	sld [smem:$0x3FA6]  }
0x31: {  	[smem:$0x3FAF] =	sst s10  }
0x32: {  	s10 =	sld [smem:$0x3FAD];
	_ =	sdelay $0x3  }
0x33: {  	p0 =	seq.s32 s10, $0x1;
	s10 =	sld [smem:$0x3FAF];
	_ =	sdelay $0x3  }
0x34: {  	[smem:$0x3FAF] =	sst s10  }
0x35: {  	s10 =	sld [smem:$0x3FAE];
	_ =	sdelay $0x3  }
0x36: {  	p1 =	seq.s32 s10, $0x1;
	s10 =	sld [smem:$0x3FAF];
	_ =	sdelay $0x3  }
0x37: {  	[smem:$0x3FAF] =	sst s10  }
0x38: {  	s10 =	sld [smem:$0x3FB0]  }
0x39: {  	_ = 	snop;
	(pc) =	sbr.ind lr, $3  }
0x3a: {  	_ = 	snop  }
0x3b: {  	_ = 	snop  }
0x3c: {  	p2 =	seq.s32 s10, $0x1;
	s10 =	sld [smem:$0x3FAF]  }
0x3d: {  	_ =	shalt  }
0x3e: {  	_ =	shalt  }
0x3f: {  	_ =	shalt  }
0x40: {  	_ =	shalt  }
0x41: {  	_ =	shalt  }
0x42: {  	_ =	shalt  }
0x43: {  	_ =	shalt  }
0x44: {  	_ =	shalt  }
0x45: {  	_ =	shalt  }
0x46: {  	_ =	shalt  }
0x47: {  	_ =	shalt  }
0x48: {  	_ =	shalt  }
0x49: {  	_ =	shalt  }
0x4a: {  	_ =	shalt  }
0x4b: {  	_ =	shalt  }
0x4c: {  	_ =	shalt  }
0x4d: {  	_ =	shalt  }
0x4e: {  	_ =	shalt  }
0x4f: {  	_ =	shalt  }
0x50: {  	_ =	shalt  }
0x51: {  	_ =	shalt  }
0x52: {  	_ =	shalt  }
0x53: {  	_ =	shalt  }
0x54: {  	_ =	shalt  }
0x55: {  	_ =	shalt  }
0x56: {  	_ =	shalt  }
0x57: {  	_ =	shalt  }
0x58: {  	_ =	shalt  }
0x59: {  	_ =	shalt  }
0x5a: {  	_ =	shalt  }
0x5b: {  	_ =	shalt  }
0x5c: {  	_ =	shalt  }
0x5d: {  	_ =	shalt  }
0x5e: {  	_ =	shalt  }
0x5f: {  	_ =	shalt  }
0x60: {  	_ =	shalt  }
0x61: {  	_ =	shalt  }
0x62: {  	_ =	shalt  }
0x63: {  	_ =	shalt  }
0x64: {  	_ =	shalt  }
0x65: {  	_ =	shalt  }
0x66: {  	_ =	shalt  }
0x67: {  	_ =	shalt  }
0x68: {  	_ =	shalt  }
0x69: {  	_ =	shalt  }
0x6a: {  	_ =	shalt  }
0x6b: {  	_ =	shalt  }
0x6c: {  	_ =	shalt  }
0x6d: {  	_ =	shalt  }
0x6e: {  	_ =	shalt  }
0x6f: {  	_ =	shalt  }
0x70: {  	_ =	shalt  }
0x71: {  	_ =	shalt  }
0x72: {  	_ =	shalt  }
0x73: {  	_ =	shalt  }
0x74: {  	_ =	shalt  }
0x75: {  	_ =	shalt  }
0x76: {  	_ =	shalt  }
0x77: {  	_ =	shalt  }
0x78: {  	_ =	shalt  }
0x79: {  	_ =	shalt  }
0x7a: {  	_ =	shalt  }
0x7b: {  	_ =	shalt  }
0x7c: {  	_ =	shalt  }
0x7d: {  	_ =	shalt  }
0x7e: {  	_ =	shalt  }
0x7f: {  	_ =	shalt  }
0x80: {  	_ =	shalt  }
0x81: {  	_ =	shalt  }
0x82: {  	_ =	shalt  }
0x83: {  	_ =	shalt  }
0x84: {  	_ =	shalt  }
0x85: {  	_ =	shalt  }
0x86: {  	_ =	shalt  }
0x87: {  	_ =	shalt  }
.Lfunc_end0:
.L_simem_size_0:
called_computation.2_lowered:
.L_overlay_start_0:
0x88: {  	s2 =	sld [smem:$0x3FD9]  }
0x89: {  	s3 =	sld [smem:$0x3FFE];
	_ =	sdelay $0x1  }
0x8a: {  	s1 =	srdreg.scid  }
0x8b: {  	s0 =	sand.u32 $0x1, s1  }
0x8c: {  	s17 =	sshll.u32 s0, $0xA;
	s2 =	sadd.s32 s3, s2  }
0x8d: {  	s2 =	sadd.s32 s2, s17  }
0x8e: {  	[smem:$0x3FBB] =	sst s2  }
0x8f: {  	_ = 	snop  }
0x90: {  	s2 =	sld [smem:$0x3FD0];
	(tm) =	ssettm $0x1  }
0x91: {  	s18 =	sld [smem:$0x3FFB];
	_ =	sdelay $0x3  }
0x92: {  	_ =	strace s18  }
0x93: {  	s3 =	sld [smem:$0x3FFC];
	_ =	sdelay $0x3  }
0x94: {  	_ =	strace s3  }
0x95: {  	s3 =	sld [smem:$0x3FFD];
	_ =	sdelay $0x3  }
0x96: {  	_ =	strace s3  }
0x97: {  	_ =	strace $0x8FFFFFFF  }
0x98: {  	s19 =	sld [smem:$0x3FDB];
	_ =	sdelay $0x1  }
0x99: {  	s4 =	simm.s32 $_scs_section_size  }
0x9a: {  	s5 =	simm.s32 $_size__tile_overlayer_lowered;
	s6 =	simm.s32 $_tile_overlayer_lowered  }
0x9b: {  	s22 =	simm.s32 $0x1BFF;
	s21 =	sshll.u32 s6, $0x1;
	s3 =	sadd.s32 s4, s19  }
0x9c: {  	s7 =	simm.s32 $0x0;
	s20 =	sshll.u32 s5, $0x1;
	s5 =	sadd.s32 s21, s3  }
0x9d: {  	[timem:s7], [sflag:s22] =	dma.local [hbm:s5], s20  }
0x9e: {  	_ =	swait.ge [sflag:s22], s20  }
0x9f: {  	s4 =	ssub.s32 $0x0, s20;
	[sflag:s22] =	ssyncset.done $0x0  }
0xa0: {  	[sflag:s22] =	ssyncadd.s32 s4;
	_ =	sdelay $0x1  }
0xa1: {  	s23 =	simm.s32 $0x1B8B  }
0xa2: {  	_ =	swait.ge [sflag:s23], $0x1  }
0xa3: {  	[sflag:s23] =	ssyncset.done $0x0  }
0xa4: {  	s25 =	simm.s32 $0x1B8E;
	s24 =	sld [smem:$0x3FFE];
	[sflag:s23] =	ssyncadd.s32 $0xFFFFFFFF  }
0xa5: {  	s26 =	simm.s32 $execute0_lowered;
	[smem:$0x3FD2] =	sst s25  }
0xa6: {  	s5 =	sshll.u32 s26, $0x1;
	_ =	strace $0x8000004C;
	[dreg:$0x1] =	wrdreg $0xFFFFFFFF  }
0xa7: {  	s28 =	simm.s32 $_size_execute0_lowered;
	s3 =	sadd.s32 s3, s5;
	[dreg:$0x0] =	wrdreg $0x0  }
0xa8: {  	s5 =	sshll.u32 s28, $0x1;
	[dreg:$0x2] =	wrdreg s3  }
0xa9: {  	[dreg:$0x3] =	wrdreg s5  }
0xaa: {  	[dreg:$0x4] =	wrdreg $0xC0  }
0xab: {  	_ =	task [dreg:s7], $0x5FFFF  }
0xac: {  	[dreg:$0x1] =	wrdreg $0xFFFFFFFF  }
0xad: {  	[dreg:$0x0] =	wrdreg $0x60  }
0xae: {  	[dreg:$0x2] =	wrdreg s2  }
0xaf: {  	[dreg:$0x3] =	wrdreg s24  }
0xb0: {  	[dreg:$0x4] =	wrdreg $0x88000  }
0xb1: {  	[dreg:$0x5] =	wrdreg $0x9  }
0xb2: {  	_ =	task.clear_ibuf [dreg:s7], $0x6FFFF;
	_ =	strace $0x9000004C  }
0xb3: {  	s29 =	simm.s32 $0x9;
	_ =	strace $0x8000004E  }
0xb4: {  	_ =	swait.ge [sflag:s29], $0x1  }
0xb5: {  	[sflag:s29] =	ssyncadd.s32 $0xFFFFFFFF  }
0xb6: {  	_ =	strace $0x9000004E  }
0xb7: {  	_ =	sfence  }
0xb8: {  	s30 =	sld [smem:$0x0];
	_ =	sdelay $0x2  }
0xb9: {  	s31 =	sshll.u32 s1, $0xD;
	s1 =	sshrl.u32 s1, $0x2  }
0xba: {  	s3 =	sand.u32 $0x4000, s31;
	s1 =	sadd.s32 s1, s30  }
0xbb: {  	s0 =	sor.u32 s3, s0;
	s1 =	sshll.u32 s1, $0x11  }
0xbc: {  	s0 =	sor.u32 s1, s0  }
0xbd: {  	s0 =	sadd.s32 $0x8F2B, s0  }
0xbe: {  	[sflag:s0] =	ssyncadd.remote.s32 $0x1  }
0xbf: {  	_ =	sfence.sel $0xFFFF  }
0xc0: {  	[dreg:$0x0] =	wrdreg $0xFFFFFFFF;
	(pc) =	sbr.abs _section_cstart, $3  }
0xc1: {  	[dreg:$0x1] =	wrdreg $0xFFFFFFFF  }
0xc2: {  	_ =	task.clear_ibuf [dreg:s7], $0x2FFFF;
	_ =	strace $0x9FFFFFFF  }
0xc3: {  	(tm) =	ssettm $0x7FFFFFFF  }
tec
execute0_lowered:
.L_overlay_start_1:
0x0: {  	(tag) =	ssettag $0x1  }
0x1: {  	s4 =	rddreg [dreg:$0x0]  }
0x2: {  	s26 =	rddreg [dreg:$0x1]  }
0x3: {  	s2 =	rddreg [dreg:$0x2];
	s3 =	srdreg.scid  }
0x4: {  	s0 =	rddreg [dreg:$0x3];
	s1 =	stileid.u32;
	s25 =	sand.u32 $0x1, s3  }
0x5: {  	s3 =	simm.s32 $0x0;
	s6 =	sshll.u32 s1, $0xF;
	s23 =	sshll.u32 s1, $0x8  }
0x6: {  	s5 =	sshll.u32 s25, $0x13;
	[smem:$0x7FF] =	sst s3;
	s10 =	sor.u32 $0x4000, s6  }
0x7: {  	s9 =	sadd.s32 s23, s26;
	s7 =	sor.u32 s6, s5;
	_ =	strace $0x8000004D  }
0x8: {  	s5 =	sor.u32 s5, s10;
	s28 =	sshrl.u32 s7, $0x3;
	s7 =	sadd.s32 $0x3A00, s9  }
0x9: {  	s5 =	sshrl.u32 s5, $0x3;
	s8 =	sadd.s32 s4, s28;
	[dreg:$0x5] =	wrdreg s7  }
0xa: {  	s4 =	sadd.s32 s4, s5;
	[dreg:$0x4] =	wrdreg s8  }
0xb: {  	[dreg:$0x6] =	wrdreg s4  }
0xc: {  	s4 =	simm.s32 $0x1;
	s8 =	rddreg [dreg:$0x4]  }
0xd: {  	[tilespmem:s3], [sflag:$0x1] =	stream.linear.gather [hbm4b:s8+s3], $0x4000, $0x38;
	[tilespmem:$0x10800] =	vst v63  }
0xe: {  	_ =	swait.ge [sflag:s4], $0x4000  }
0xf: {  	[sflag:s4] =	ssyncset.done $0x0  }
0x10: {  	s5 =	simm.s32 $0x8000;
	s24 =	rddreg [dreg:$0x5];
	[sflag:s4] =	ssyncadd.s32 $0xFFFFC000  }
0x11: {  	[tilespmem:s5], [sflag:$0x1] =	stream.linear.gather [hbm4b:s24+s3], $0x400, $0x38;
	[tilespmem:$0x10800] =	vst v63  }
0x12: {  	_ =	swait.ge [sflag:s4], $0x400  }
0x13: {  	[sflag:s4] =	ssyncset.done $0x0  }
0x14: {  	s6 =	sadd.s32 s6, s2;
	[sflag:s4] =	ssyncadd.s32 $0xFFFFFC00  }
0x15: {  	[spmem:s6] =	stream.linear.scatter [tilespmem:s3], [sflag:$0x1], $0x4000, $0x38;
	[tilespmem:$0x10800] =	vst v63  }
0x16: {  	_ =	swait.ge [sflag:s4], $0x4000  }
0x17: {  	[sflag:s4] =	ssyncset.done $0x0  }
0x18: {  	s7 =	simm.s32 $0x4000;
	s31 =	rddreg [dreg:$0x6];
	[sflag:s4] =	ssyncadd.s32 $0xFFFFC000  }
0x19: {  	[tilespmem:s7], [sflag:$0x1] =	stream.linear.gather [hbm4b:s31+s3], $0x4000, $0x38;
	[tilespmem:$0x10800] =	vst v63  }
0x1a: {  	_ =	swait.ge [sflag:s4], $0x4000  }
0x1b: {  	[sflag:s4] =	ssyncset.done $0x0  }
0x1c: {  	s8 =	sadd.s32 $0x3A80, s9;
	s9 =	simm.s32 $0x8400;
	[sflag:s4] =	ssyncadd.s32 $0xFFFFC000  }
0x1d: {  	[tilespmem:s9], [sflag:$0x1] =	stream.linear.gather [hbm4b:s8+s3], $0x400, $0x38;
	[tilespmem:$0x10800] =	vst v63  }
0x1e: {  	_ =	swait.ge [sflag:s4], $0x400  }
0x1f: {  	[sflag:s4] =	ssyncset.done $0x0  }
0x20: {  	s10 =	sadd.s32 s10, s2;
	[sflag:s4] =	ssyncadd.s32 $0xFFFFFC00  }
0x21: {  	[spmem:s10] =	stream.linear.scatter [tilespmem:s7], [sflag:$0x1], $0x4000, $0x38;
	[tilespmem:$0x10800] =	vst v63  }
0x22: {  	_ =	swait.ge [sflag:s4], $0x4000  }
0x23: {  	[sflag:s4] =	ssyncset.done $0x0  }
0x24: {  	[sflag:s4] =	ssyncadd.s32 $0xFFFFC000  }
0x25: {  	s11 =	simm.s32 $0x80;
	[bflag:$0x0] =	sbarrier.arrive $0xFFFF  }
0x26: {  	[spmem:s2] =	stream.indirect.scatter.add.f32 [tilespmem:s3], [sflag:$0x1], $0x80, s5, s11, $0xb8;
	[tilespmem:$0x10800] =	vst v63  }
0x27: {  	_ =	swait.ge [sflag:s4], $0x4000  }
0x28: {  	[sflag:s4] =	ssyncset.done $0x0  }
0x29: {  	s12 =	simm.s32 $0x8080;
	[sflag:s4] =	ssyncadd.s32 $0xFFFFC000  }
0x2a: {  	[spmem:s2] =	stream.indirect.scatter.add.f32 [tilespmem:s3], [sflag:$0x1], $0x80, s12, s11, $0xb8;
	[tilespmem:$0x10800] =	vst v63  }
0x2b: {  	_ =	swait.ge [sflag:s4], $0x4000  }
0x2c: {  	[sflag:s4] =	ssyncset.done $0x0  }
0x2d: {  	s13 =	simm.s32 $0x8100;
	[sflag:s4] =	ssyncadd.s32 $0xFFFFC000  }
0x2e: {  	[spmem:s2] =	stream.indirect.scatter.add.f32 [tilespmem:s3], [sflag:$0x1], $0x80, s13, s11, $0xb8;
	[tilespmem:$0x10800] =	vst v63  }
0x2f: {  	_ =	swait.ge [sflag:s4], $0x4000  }
0x30: {  	[sflag:s4] =	ssyncset.done $0x0  }
0x31: {  	s14 =	simm.s32 $0x8180;
	[sflag:s4] =	ssyncadd.s32 $0xFFFFC000  }
0x32: {  	[spmem:s2] =	stream.indirect.scatter.add.f32 [tilespmem:s3], [sflag:$0x1], $0x80, s14, s11, $0xb8;
	[tilespmem:$0x10800] =	vst v63  }
0x33: {  	_ =	swait.ge [sflag:s4], $0x4000  }
0x34: {  	[sflag:s4] =	ssyncset.done $0x0  }
0x35: {  	s15 =	simm.s32 $0x8200;
	[sflag:s4] =	ssyncadd.s32 $0xFFFFC000  }
0x36: {  	[spmem:s2] =	stream.indirect.scatter.add.f32 [tilespmem:s3], [sflag:$0x1], $0x80, s15, s11, $0xb8;
	[tilespmem:$0x10800] =	vst v63  }
0x37: {  	_ =	swait.ge [sflag:s4], $0x4000  }
0x38: {  	[sflag:s4] =	ssyncset.done $0x0  }
0x39: {  	s16 =	simm.s32 $0x8280;
	[sflag:s4] =	ssyncadd.s32 $0xFFFFC000  }
0x3a: {  	[spmem:s2] =	stream.indirect.scatter.add.f32 [tilespmem:s3], [sflag:$0x1], $0x80, s16, s11, $0xb8;
	[tilespmem:$0x10800] =	vst v63  }
0x3b: {  	_ =	swait.ge [sflag:s4], $0x4000  }
0x3c: {  	[sflag:s4] =	ssyncset.done $0x0  }
0x3d: {  	s17 =	simm.s32 $0x8300;
	[sflag:s4] =	ssyncadd.s32 $0xFFFFC000  }
0x3e: {  	[spmem:s2] =	stream.indirect.scatter.add.f32 [tilespmem:s3], [sflag:$0x1], $0x80, s17, s11, $0xb8;
	[tilespmem:$0x10800] =	vst v63  }
0x3f: {  	_ =	swait.ge [sflag:s4], $0x4000  }
0x40: {  	[sflag:s4] =	ssyncset.done $0x0  }
0x41: {  	s18 =	simm.s32 $0x8380;
	[sflag:s4] =	ssyncadd.s32 $0xFFFFC000  }
0x42: {  	[spmem:s2] =	stream.indirect.scatter.add.f32 [tilespmem:s3], [sflag:$0x1], $0x80, s18, s11, $0xb8;
	[tilespmem:$0x10800] =	vst v63  }
0x43: {  	_ =	swait.ge [sflag:s4], $0x4000  }
0x44: {  	[sflag:s4] =	ssyncset.done $0x0  }
0x45: {  	[sflag:s4] =	ssyncadd.s32 $0xFFFFC000  }
0x46: {  	[spmem:s2] =	stream.indirect.scatter.add.f32 [tilespmem:s7], [sflag:$0x1], $0x80, s9, s11, $0xb8;
	[tilespmem:$0x10800] =	vst v63  }
0x47: {  	_ =	swait.ge [sflag:s4], $0x4000  }
0x48: {  	[sflag:s4] =	ssyncset.done $0x0  }
0x49: {  	s19 =	simm.s32 $0x8480;
	[sflag:s4] =	ssyncadd.s32 $0xFFFFC000  }
0x4a: {  	[spmem:s2] =	stream.indirect.scatter.add.f32 [tilespmem:s7], [sflag:$0x1], $0x80, s19, s11, $0xb8;
	[tilespmem:$0x10800] =	vst v63  }
0x4b: {  	_ =	swait.ge [sflag:s4], $0x4000  }
0x4c: {  	[sflag:s4] =	ssyncset.done $0x0  }
0x4d: {  	s20 =	simm.s32 $0x8500;
	[sflag:s4] =	ssyncadd.s32 $0xFFFFC000  }
0x4e: {  	[spmem:s2] =	stream.indirect.scatter.add.f32 [tilespmem:s7], [sflag:$0x1], $0x80, s20, s11, $0xb8;
	[tilespmem:$0x10800] =	vst v63  }
0x4f: {  	_ =	swait.ge [sflag:s4], $0x4000  }
0x50: {  	[sflag:s4] =	ssyncset.done $0x0  }
0x51: {  	s21 =	simm.s32 $0x8580;
	[sflag:s4] =	ssyncadd.s32 $0xFFFFC000  }
0x52: {  	[spmem:s2] =	stream.indirect.scatter.add.f32 [tilespmem:s7], [sflag:$0x1], $0x80, s21, s11, $0xb8;
	[tilespmem:$0x10800] =	vst v63  }
0x53: {  	_ =	swait.ge [sflag:s4], $0x4000  }
0x54: {  	[sflag:s4] =	ssyncset.done $0x0  }
0x55: {  	s22 =	simm.s32 $0x8600;
	[sflag:s4] =	ssyncadd.s32 $0xFFFFC000  }
0x56: {  	[spmem:s2] =	stream.indirect.scatter.add.f32 [tilespmem:s7], [sflag:$0x1], $0x80, s22, s11, $0xb8;
	[tilespmem:$0x10800] =	vst v63  }
0x57: {  	_ =	swait.ge [sflag:s4], $0x4000  }
0x58: {  	[sflag:s4] =	ssyncset.done $0x0  }
0x59: {  	s23 =	simm.s32 $0x8680;
	[sflag:s4] =	ssyncadd.s32 $0xFFFFC000  }
0x5a: {  	[spmem:s2] =	stream.indirect.scatter.add.f32 [tilespmem:s7], [sflag:$0x1], $0x80, s23, s11, $0xb8;
	[tilespmem:$0x10800] =	vst v63  }
0x5b: {  	_ =	swait.ge [sflag:s4], $0x4000  }
0x5c: {  	[sflag:s4] =	ssyncset.done $0x0  }
0x5d: {  	s29 =	ssub.s32 $0x2, s25;
	s24 =	simm.s32 $0x8700;
	[sflag:s4] =	ssyncadd.s32 $0xFFFFC000  }
0x5e: {  	[spmem:s2] =	stream.indirect.scatter.add.f32 [tilespmem:s7], [sflag:$0x1], $0x80, s24, s11, $0xb8;
	[tilespmem:$0x10800] =	vst v63  }
0x5f: {  	s26 =	sadd.s32 s28, s26;
	s28 =	sshrl.u32 s29, $0x1;
	_ =	swait.ge [sflag:s4], $0x4000  }
0x60: {  	s28 =	ssub.s32 s29, s28;
	[sflag:s4] =	ssyncset.done $0x0  }
0x61: {  	s25 =	simm.s32 $0x8780;
	s30 =	smax.u32 s28, $0x1;
	[sflag:s4] =	ssyncadd.s32 $0xFFFFC000  }
0x62: {  	[spmem:s2] =	stream.indirect.scatter.add.f32 [tilespmem:s7], [sflag:$0x1], $0x80, s25, s11, $0xb8;
	[tilespmem:$0x10800] =	vst v63  }
0x63: {  	p0 =	sne.s32 s30, $0x1;
	_ =	swait.ge [sflag:s4], $0x4000  }
.Ltmp0:
0x64: {  	[sflag:s4] =	ssyncset.done $0x0;
	(pc) =	sbr.rel @!p0 .LBB2_2-.Ltmp0, $4  }
0x65: {  	s26 =	sadd.s32 $0x4A00, s26;
	s28 =	sshll.u32 s1, $0x6;
	[sflag:s4] =	ssyncadd.s32 $0xFFFFC000  }
0x66: {  	s29 =	sshrl.u32 s6, $0x3;
	s28 =	sor.u32 $0x1C01, s28;
	[bflag:$0x0] =	sbarrier.arrive $0xFFFF  }
0x67: {  	[hbm:s26], [sflag:s28] =	dma.local [spmem:s29], $0x1000  }
0x68: {  	s30 =	sadd.s32 $0xFFFFFFFF, s30;
	_ =	swait.ge [sflag:s4], $0x1000  }
.LBB2_1:
0x69: {  	[sflag:s4] =	ssyncset.done $0x0  }
0x6a: {  	s31 =	rddreg [dreg:$0x4];
	[sflag:s4] =	ssyncadd.s32 $0xFFFFF000  }
0x6b: {  	[tilespmem:s3], [sflag:$0x1] =	stream.linear.gather [hbm4b:s31+s3], $0x4000, $0x38;
	[tilespmem:$0x10800] =	vst v63  }
0x6c: {  	_ =	swait.ge [sflag:s4], $0x4000  }
0x6d: {  	[sflag:s4] =	ssyncset.done $0x0  }
0x6e: {  	s31 =	rddreg [dreg:$0x5];
	[sflag:s4] =	ssyncadd.s32 $0xFFFFC000  }
0x6f: {  	[tilespmem:s5], [sflag:$0x1] =	stream.linear.gather [hbm4b:s31+s3], $0x400, $0x38;
	[tilespmem:$0x10800] =	vst v63  }
0x70: {  	_ =	swait.ge [sflag:s4], $0x400  }
0x71: {  	[sflag:s4] =	ssyncset.done $0x0  }
0x72: {  	[sflag:s4] =	ssyncadd.s32 $0xFFFFFC00  }
0x73: {  	[spmem:s6] =	stream.linear.scatter [tilespmem:s3], [sflag:$0x1], $0x4000, $0x38;
	[tilespmem:$0x10800] =	vst v63  }
0x74: {  	_ =	swait.ge [sflag:s4], $0x4000  }
0x75: {  	[sflag:s4] =	ssyncset.done $0x0  }
0x76: {  	s31 =	rddreg [dreg:$0x6];
	[sflag:s4] =	ssyncadd.s32 $0xFFFFC000  }
0x77: {  	[tilespmem:s7], [sflag:$0x1] =	stream.linear.gather [hbm4b:s31+s3], $0x4000, $0x38;
	[tilespmem:$0x10800] =	vst v63  }
0x78: {  	_ =	swait.ge [sflag:s4], $0x4000  }
0x79: {  	[sflag:s4] =	ssyncset.done $0x0  }
0x7a: {  	[sflag:s4] =	ssyncadd.s32 $0xFFFFC000  }
0x7b: {  	[tilespmem:s9], [sflag:$0x1] =	stream.linear.gather [hbm4b:s8+s3], $0x400, $0x38;
	[tilespmem:$0x10800] =	vst v63  }
0x7c: {  	_ =	swait.ge [sflag:s4], $0x400  }
0x7d: {  	[sflag:s4] =	ssyncset.done $0x0  }
0x7e: {  	[sflag:s4] =	ssyncadd.s32 $0xFFFFFC00  }
0x7f: {  	[spmem:s10] =	stream.linear.scatter [tilespmem:s7], [sflag:$0x1], $0x4000, $0x38;
	[tilespmem:$0x10800] =	vst v63  }
0x80: {  	_ =	swait.ge [sflag:s4], $0x4000  }
0x81: {  	[sflag:s4] =	ssyncset.done $0x0  }
0x82: {  	[sflag:s4] =	ssyncadd.s32 $0xFFFFC000  }
0x83: {  	[bflag:$0x0] =	sbarrier.arrive $0xFFFF  }
0x84: {  	[spmem:s2] =	stream.indirect.scatter.add.f32 [tilespmem:s3], [sflag:$0x1], $0x80, s5, s11, $0xb8;
	[tilespmem:$0x10800] =	vst v63  }
0x85: {  	_ =	swait.ge [sflag:s4], $0x4000  }
0x86: {  	[sflag:s4] =	ssyncset.done $0x0  }
0x87: {  	[sflag:s4] =	ssyncadd.s32 $0xFFFFC000  }
0x88: {  	[spmem:s2] =	stream.indirect.scatter.add.f32 [tilespmem:s3], [sflag:$0x1], $0x80, s12, s11, $0xb8;
	[tilespmem:$0x10800] =	vst v63  }
0x89: {  	_ =	swait.ge [sflag:s4], $0x4000  }
0x8a: {  	[sflag:s4] =	ssyncset.done $0x0  }
0x8b: {  	[sflag:s4] =	ssyncadd.s32 $0xFFFFC000  }
0x8c: {  	[spmem:s2] =	stream.indirect.scatter.add.f32 [tilespmem:s3], [sflag:$0x1], $0x80, s13, s11, $0xb8;
	[tilespmem:$0x10800] =	vst v63  }
0x8d: {  	_ =	swait.ge [sflag:s4], $0x4000  }
0x8e: {  	[sflag:s4] =	ssyncset.done $0x0  }
0x8f: {  	[sflag:s4] =	ssyncadd.s32 $0xFFFFC000  }
0x90: {  	[spmem:s2] =	stream.indirect.scatter.add.f32 [tilespmem:s3], [sflag:$0x1], $0x80, s14, s11, $0xb8;
	[tilespmem:$0x10800] =	vst v63  }
0x91: {  	_ =	swait.ge [sflag:s4], $0x4000  }
0x92: {  	[sflag:s4] =	ssyncset.done $0x0  }
0x93: {  	[sflag:s4] =	ssyncadd.s32 $0xFFFFC000  }
0x94: {  	[spmem:s2] =	stream.indirect.scatter.add.f32 [tilespmem:s3], [sflag:$0x1], $0x80, s15, s11, $0xb8;
	[tilespmem:$0x10800] =	vst v63  }
0x95: {  	_ =	swait.ge [sflag:s4], $0x4000  }
0x96: {  	[sflag:s4] =	ssyncset.done $0x0  }
0x97: {  	[sflag:s4] =	ssyncadd.s32 $0xFFFFC000  }
0x98: {  	[spmem:s2] =	stream.indirect.scatter.add.f32 [tilespmem:s3], [sflag:$0x1], $0x80, s16, s11, $0xb8;
	[tilespmem:$0x10800] =	vst v63  }
0x99: {  	_ =	swait.ge [sflag:s4], $0x4000  }
0x9a: {  	[sflag:s4] =	ssyncset.done $0x0  }
0x9b: {  	[sflag:s4] =	ssyncadd.s32 $0xFFFFC000  }
0x9c: {  	[spmem:s2] =	stream.indirect.scatter.add.f32 [tilespmem:s3], [sflag:$0x1], $0x80, s17, s11, $0xb8;
	[tilespmem:$0x10800] =	vst v63  }
0x9d: {  	_ =	swait.ge [sflag:s4], $0x4000  }
0x9e: {  	[sflag:s4] =	ssyncset.done $0x0  }
0x9f: {  	[sflag:s4] =	ssyncadd.s32 $0xFFFFC000  }
0xa0: {  	[spmem:s2] =	stream.indirect.scatter.add.f32 [tilespmem:s3], [sflag:$0x1], $0x80, s18, s11, $0xb8;
	[tilespmem:$0x10800] =	vst v63  }
0xa1: {  	_ =	swait.ge [sflag:s4], $0x4000  }
0xa2: {  	[sflag:s4] =	ssyncset.done $0x0  }
0xa3: {  	[sflag:s4] =	ssyncadd.s32 $0xFFFFC000  }
0xa4: {  	[spmem:s2] =	stream.indirect.scatter.add.f32 [tilespmem:s7], [sflag:$0x1], $0x80, s9, s11, $0xb8;
	[tilespmem:$0x10800] =	vst v63  }
0xa5: {  	_ =	swait.ge [sflag:s4], $0x4000  }
0xa6: {  	[sflag:s4] =	ssyncset.done $0x0  }
0xa7: {  	[sflag:s4] =	ssyncadd.s32 $0xFFFFC000  }
0xa8: {  	[spmem:s2] =	stream.indirect.scatter.add.f32 [tilespmem:s7], [sflag:$0x1], $0x80, s19, s11, $0xb8;
	[tilespmem:$0x10800] =	vst v63  }
0xa9: {  	_ =	swait.ge [sflag:s4], $0x4000  }
0xaa: {  	[sflag:s4] =	ssyncset.done $0x0  }
0xab: {  	[sflag:s4] =	ssyncadd.s32 $0xFFFFC000  }
0xac: {  	[spmem:s2] =	stream.indirect.scatter.add.f32 [tilespmem:s7], [sflag:$0x1], $0x80, s20, s11, $0xb8;
	[tilespmem:$0x10800] =	vst v63  }
0xad: {  	_ =	swait.ge [sflag:s4], $0x4000  }
0xae: {  	[sflag:s4] =	ssyncset.done $0x0  }
0xaf: {  	[sflag:s4] =	ssyncadd.s32 $0xFFFFC000  }
0xb0: {  	[spmem:s2] =	stream.indirect.scatter.add.f32 [tilespmem:s7], [sflag:$0x1], $0x80, s21, s11, $0xb8;
	[tilespmem:$0x10800] =	vst v63  }
0xb1: {  	_ =	swait.ge [sflag:s4], $0x4000  }
0xb2: {  	[sflag:s4] =	ssyncset.done $0x0  }
0xb3: {  	[sflag:s4] =	ssyncadd.s32 $0xFFFFC000  }
0xb4: {  	[spmem:s2] =	stream.indirect.scatter.add.f32 [tilespmem:s7], [sflag:$0x1], $0x80, s22, s11, $0xb8;
	[tilespmem:$0x10800] =	vst v63  }
0xb5: {  	_ =	swait.ge [sflag:s4], $0x4000  }
0xb6: {  	[sflag:s4] =	ssyncset.done $0x0  }
0xb7: {  	[sflag:s4] =	ssyncadd.s32 $0xFFFFC000  }
0xb8: {  	[spmem:s2] =	stream.indirect.scatter.add.f32 [tilespmem:s7], [sflag:$0x1], $0x80, s23, s11, $0xb8;
	[tilespmem:$0x10800] =	vst v63  }
0xb9: {  	_ =	swait.ge [sflag:s4], $0x4000  }
0xba: {  	[sflag:s4] =	ssyncset.done $0x0  }
0xbb: {  	[sflag:s4] =	ssyncadd.s32 $0xFFFFC000  }
0xbc: {  	[spmem:s2] =	stream.indirect.scatter.add.f32 [tilespmem:s7], [sflag:$0x1], $0x80, s24, s11, $0xb8;
	[tilespmem:$0x10800] =	vst v63  }
0xbd: {  	_ =	swait.ge [sflag:s4], $0x4000  }
0xbe: {  	[sflag:s4] =	ssyncset.done $0x0  }
0xbf: {  	[sflag:s4] =	ssyncadd.s32 $0xFFFFC000  }
0xc0: {  	[spmem:s2] =	stream.indirect.scatter.add.f32 [tilespmem:s7], [sflag:$0x1], $0x80, s25, s11, $0xb8;
	[tilespmem:$0x10800] =	vst v63  }
0xc1: {  	p0 =	sne.s32 s30, $0x1;
	_ =	swait.ge [sflag:s4], $0x4000  }
.Ltmp1:
0xc2: {  	[sflag:s4] =	ssyncset.done $0x0;
	(pc) =	sbr.rel @p0 .LBB2_1-.Ltmp1, $4  }
0xc3: {  	[sflag:s4] =	ssyncadd.s32 $0xFFFFC000  }
0xc4: {  	[bflag:$0x0] =	sbarrier.arrive $0xFFFF  }
0xc5: {  	[hbm:s26], [sflag:s28] =	dma.local [spmem:s29], $0x1000  }
0xc6: {  	s30 =	sadd.s32 $0xFFFFFFFF, s30;
	_ =	swait.ge [sflag:s4], $0x1000  }
.LBB2_2:
0xc7: {  	[sflag:s4] =	ssyncset.done $0x0  }
0xc8: {  	[sflag:s4] =	ssyncadd.s32 $0xFFFFF000  }
0xc9: {  	_ =	sfence.sel $0x180000  }
0xca: {  	[bflag:$0x0] =	sbarrier.arrive $0xFFFF  }
0xcb: {  	p0 =	sne.s32 s1, $0x0;
	_ =	strace $0x9000004D  }
0xcc: {  	s0 =	sadd.s32 @!p0 $0x100000, s0;
	[bflag:$0x2] =	sbarrier.arrive $0xFFFF  }
0xcd: {  	[sflag:s0] =	ssyncadd.tile.s32 @!p0 $0x1;
	_ =	shalt  }
.Lfunc_end2:
_tile_overlayer_lowered:
.L_overlay_start_2:
0xce: {  	(tag) =	ssettag $0x2  }
0xcf: {  	s0 =	rddreg [dreg:$0x0];
	s2 =	stileid.u32  }
0xd0: {  	s1 =	rddreg [dreg:$0x1];
	p0 =	sne.s32 s2, $0x0  }
0xd1: {  	s3 =	rddreg [dreg:$0x2];
	[bflag:$0x3] =	sbarrier.arrive $0xFFFF;
	s2 =	simm.s32 @!p0 $0x1C01  }
0xd2: {  	[timem:s3], [sflag:s2] =	dma.local @!p0 [hbm:s0], s1  }
0xd3: {  	s0 =	simm.s32 @!p0 $0x1  }
0xd4: {  	_ =	swait.ge @!p0 [sflag:s0], s1  }
0xd5: {  	s1 =	ssub.s32 @!p0 $0x0, s1;
	[sflag:s0] =	ssyncset.done @!p0 $0x0  }
0xd6: {  	[sflag:s0] =	ssyncadd.s32 @!p0 s1  }
0xd7: {  	[bflag:$0x3] =	sbarrier.arrive $0xFFFF  }
0xd8: {  	_ =	shalt  }

// kernel: kernel.20.cloned.1.call-start
scs
__scs_entry_jumppad:
0x0: {  	(pc) =	sbr.rel $0x88, $3  }
0x1: {  	(tag) =	ssettag $0x0;
	lr =	simm.s32 $0x1  }
0x2: {  	[smem:$0x3F94] =	sst lr;
	_ =	strace $0xD0000000  }
0x3: {  	_ = 	snop  }
0x4: {  	_ = 	snop  }
0x5: {  	_ = 	snop  }
0x6: {  	_ = 	snop  }
0x7: {  	_ = 	snop  }
__scs_overlays_trampoline_lowered:
0x8: {  	[smem:$0x3FA3] =	sst s0  }
0x9: {  	[smem:$0x3FA4] =	sst s1  }
0xa: {  	[smem:$0x3FA5] =	sst s2  }
0xb: {  	[smem:$0x3FA6] =	sst s3  }
0xc: {  	[smem:$0x3FA7] =	sst s4  }
0xd: {  	[smem:$0x3FA8] =	sst s5  }
0xe: {  	[smem:$0x3FA9] =	sst s6  }
0xf: {  	[smem:$0x3FAA] =	sst s7  }
0x10: {  	[smem:$0x3FAB] =	sst s8  }
0x11: {  	[smem:$0x3FAC] =	sst s9;
	s0 =	simm.s32 @!p0 $0x0  }
0x12: {  	s1 =	sld [smem:$0x3F92];
	s0 =	simm.s32 @p0 $0x1  }
0x13: {  	[smem:$0x3FAD] =	sst s0;
	s0 =	simm.s32 @!p1 $0x0  }
0x14: {  	s2 =	sld [smem:$0x3F91];
	s0 =	simm.s32 @p1 $0x1  }
0x15: {  	[smem:$0x3FAE] =	sst s0;
	s0 =	simm.s32 @!p2 $0x0  }
0x16: {  	s3 =	sld [smem:$0x3FDB];
	s0 =	simm.s32 @p2 $0x1  }
0x17: {  	s4 =	simm.s32 $0x1BF5;
	[smem:$0x3FB0] =	sst s0  }
0x18: {  	s0 =	sld [smem:$0x3F93];
	_ =	swait.ge [sflag:s4], $0x0  }
0x19: {  	s7 =	sld [smem:$0x3F94]  }
0x1a: {  	s8 =	sadd.s32 $0xFFFFE003, lr  }
0x1b: {  	s9 =	sadd.s32 $0xFFFFFEF7, lr;
	s5 =	simm.s32 $0xFFFFFFFF;
	p2 =	slt.u32 s8, $0xFFFFF086  }
0x1c: {  	p1 =	slt.u32 s9, $0xF7A;
	s5 =	simm.s32 @!p2 $0x0  }
0x1d: {  	s5 =	simm.s32 @p1 $0x1;
	p0 =	seq.s32 s7, s2  }
0x1e: {  	s7 =	smul.u32 @!p0 $0xF7A, s2;
	p2 =	seq.s32 @!p0 s5, $0x0  }
0x1f: {  	s9 =	smul.u32 $0xF7A, s1;
	s8 =	simm.s32 @!p0 $0x1BF5;
	p2 =	por !p2, p0  }
0x20: {  	[sflag:s8] =	ssyncset.s32 @!p0 $0xFFFFF086;
	s6 =	sadd.s32 @!p0 s3, s7;
	s7 =	simm.s32 @!p0 $0x108  }
0x21: {  	s3 =	sadd.s32 s3, s9;
	s6 =	sadd.s32 @!p0 $0x88, s6;
	s7 =	simm.s32 @p2 $0x1082  }
0x22: {  	[simem:s7], [sflag:s8] =	dma.local @!p0 [hbm:s6], $0xF7A  }
0x23: {  	s9 =	sor.u32 $0xD0000000, s2;
	s6 =	simm.s32 $0x108;
	_ =	swait.ge @!p0 [sflag:s8], $0x0  }
0x24: {  	s3 =	sadd.s32 $0x88, s3;
	s6 =	simm.s32 @!p1 $0x1082;
	[sflag:s4] =	ssyncset.s32 $0xFFFFF086  }
0x25: {  	[simem:s6], [sflag:s4] =	dma.local [hbm:s3], $0xF7A  }
0x26: {  	[smem:$0x3F94] =	sst s1;
	(tag) =	ssettag s2;
	_ =	strace s9  }
0x27: {  	s1 =	sld [smem:$0x3FA4]  }
0x28: {  	s2 =	sld [smem:$0x3FA5]  }
0x29: {  	s4 =	sld [smem:$0x3FA7]  }
0x2a: {  	p0 =	seq.s32 s5, $0x0;
	s5 =	sld [smem:$0x3FA8]  }
0x2b: {  	s6 =	sld [smem:$0x3FA9]  }
0x2c: {  	s7 =	sld [smem:$0x3FAA]  }
0x2d: {  	s3 =	simm.s32 $0x108;
	s8 =	sld [smem:$0x3FAB]  }
0x2e: {  	s3 =	simm.s32 @!p0 $0x1082;
	s9 =	sld [smem:$0x3FAC]  }
0x2f: {  	lr =	sadd.s32 s0, s3;
	s0 =	sld [smem:$0x3FA3]  }
0x30: {  	s3 =	sld [smem:$0x3FA6]  }
0x31: {  	[smem:$0x3FAF] =	sst s10  }
0x32: {  	s10 =	sld [smem:$0x3FAD];
	_ =	sdelay $0x3  }
0x33: {  	p0 =	seq.s32 s10, $0x1;
	s10 =	sld [smem:$0x3FAF];
	_ =	sdelay $0x3  }
0x34: {  	[smem:$0x3FAF] =	sst s10  }
0x35: {  	s10 =	sld [smem:$0x3FAE];
	_ =	sdelay $0x3  }
0x36: {  	p1 =	seq.s32 s10, $0x1;
	s10 =	sld [smem:$0x3FAF];
	_ =	sdelay $0x3  }
0x37: {  	[smem:$0x3FAF] =	sst s10  }
0x38: {  	s10 =	sld [smem:$0x3FB0]  }
0x39: {  	_ = 	snop;
	(pc) =	sbr.ind lr, $3  }
0x3a: {  	_ = 	snop  }
0x3b: {  	_ = 	snop  }
0x3c: {  	p2 =	seq.s32 s10, $0x1;
	s10 =	sld [smem:$0x3FAF]  }
0x3d: {  	_ =	shalt  }
0x3e: {  	_ =	shalt  }
0x3f: {  	_ =	shalt  }
0x40: {  	_ =	shalt  }
0x41: {  	_ =	shalt  }
0x42: {  	_ =	shalt  }
0x43: {  	_ =	shalt  }
0x44: {  	_ =	shalt  }
0x45: {  	_ =	shalt  }
0x46: {  	_ =	shalt  }
0x47: {  	_ =	shalt  }
0x48: {  	_ =	shalt  }
0x49: {  	_ =	shalt  }
0x4a: {  	_ =	shalt  }
0x4b: {  	_ =	shalt  }
0x4c: {  	_ =	shalt  }
0x4d: {  	_ =	shalt  }
0x4e: {  	_ =	shalt  }
0x4f: {  	_ =	shalt  }
0x50: {  	_ =	shalt  }
0x51: {  	_ =	shalt  }
0x52: {  	_ =	shalt  }
0x53: {  	_ =	shalt  }
0x54: {  	_ =	shalt  }
0x55: {  	_ =	shalt  }
0x56: {  	_ =	shalt  }
0x57: {  	_ =	shalt  }
0x58: {  	_ =	shalt  }
0x59: {  	_ =	shalt  }
0x5a: {  	_ =	shalt  }
0x5b: {  	_ =	shalt  }
0x5c: {  	_ =	shalt  }
0x5d: {  	_ =	shalt  }
0x5e: {  	_ =	shalt  }
0x5f: {  	_ =	shalt  }
0x60: {  	_ =	shalt  }
0x61: {  	_ =	shalt  }
0x62: {  	_ =	shalt  }
0x63: {  	_ =	shalt  }
0x64: {  	_ =	shalt  }
0x65: {  	_ =	shalt  }
0x66: {  	_ =	shalt  }
0x67: {  	_ =	shalt  }
0x68: {  	_ =	shalt  }
0x69: {  	_ =	shalt  }
0x6a: {  	_ =	shalt  }
0x6b: {  	_ =	shalt  }
0x6c: {  	_ =	shalt  }
0x6d: {  	_ =	shalt  }
0x6e: {  	_ =	shalt  }
0x6f: {  	_ =	shalt  }
0x70: {  	_ =	shalt  }
0x71: {  	_ =	shalt  }
0x72: {  	_ =	shalt  }
0x73: {  	_ =	shalt  }
0x74: {  	_ =	shalt  }
0x75: {  	_ =	shalt  }
0x76: {  	_ =	shalt  }
0x77: {  	_ =	shalt  }
0x78: {  	_ =	shalt  }
0x79: {  	_ =	shalt  }
0x7a: {  	_ =	shalt  }
0x7b: {  	_ =	shalt  }
0x7c: {  	_ =	shalt  }
0x7d: {  	_ =	shalt  }
0x7e: {  	_ =	shalt  }
0x7f: {  	_ =	shalt  }
0x80: {  	_ =	shalt  }
0x81: {  	_ =	shalt  }
0x82: {  	_ =	shalt  }
0x83: {  	_ =	shalt  }
0x84: {  	_ =	shalt  }
0x85: {  	_ =	shalt  }
0x86: {  	_ =	shalt  }
0x87: {  	_ =	shalt  }
.Lfunc_end0:
.L_simem_size_0:
called_computation.3_lowered:
.L_overlay_start_0:
0x88: {  	s2 =	sld [smem:$0x3FD9]  }
0x89: {  	s3 =	sld [smem:$0x3FFE];
	_ =	sdelay $0x1  }
0x8a: {  	s1 =	srdreg.scid  }
0x8b: {  	s0 =	sand.u32 $0x1, s1  }
0x8c: {  	s17 =	sshll.u32 s0, $0xA;
	s2 =	sadd.s32 s3, s2  }
0x8d: {  	s2 =	sadd.s32 s2, s17  }
0x8e: {  	[smem:$0x3FBB] =	sst s2  }
0x8f: {  	_ = 	snop  }
0x90: {  	s2 =	sld [smem:$0x3FD0];
	(tm) =	ssettm $0x1  }
0x91: {  	s18 =	sld [smem:$0x3FFB];
	_ =	sdelay $0x3  }
0x92: {  	_ =	strace s18  }
0x93: {  	s3 =	sld [smem:$0x3FFC];
	_ =	sdelay $0x3  }
0x94: {  	_ =	strace s3  }
0x95: {  	s3 =	sld [smem:$0x3FFD];
	_ =	sdelay $0x3  }
0x96: {  	_ =	strace s3  }
0x97: {  	_ =	strace $0x8FFFFFFF  }
0x98: {  	s19 =	sld [smem:$0x3FDB];
	_ =	sdelay $0x1  }
0x99: {  	s4 =	simm.s32 $_scs_section_size  }
0x9a: {  	s5 =	simm.s32 $_size__tile_overlayer_lowered;
	s6 =	simm.s32 $_tile_overlayer_lowered  }
0x9b: {  	s22 =	simm.s32 $0x1BFF;
	s21 =	sshll.u32 s6, $0x1;
	s3 =	sadd.s32 s4, s19  }
0x9c: {  	s7 =	simm.s32 $0x0;
	s20 =	sshll.u32 s5, $0x1;
	s5 =	sadd.s32 s21, s3  }
0x9d: {  	[timem:s7], [sflag:s22] =	dma.local [hbm:s5], s20  }
0x9e: {  	_ =	swait.ge [sflag:s22], s20  }
0x9f: {  	s4 =	ssub.s32 $0x0, s20;
	[sflag:s22] =	ssyncset.done $0x0  }
0xa0: {  	[sflag:s22] =	ssyncadd.s32 s4;
	_ =	sdelay $0x1  }
0xa1: {  	s23 =	simm.s32 $0x1B8B  }
0xa2: {  	_ =	swait.ge [sflag:s23], $0x1  }
0xa3: {  	[sflag:s23] =	ssyncset.done $0x0  }
0xa4: {  	s25 =	simm.s32 $0x1B8E;
	s24 =	sld [smem:$0x3FFE];
	[sflag:s23] =	ssyncadd.s32 $0xFFFFFFFF  }
0xa5: {  	s26 =	simm.s32 $execute0_lowered;
	[smem:$0x3FD2] =	sst s25  }
0xa6: {  	s5 =	sshll.u32 s26, $0x1;
	_ =	strace $0x8000004F;
	[dreg:$0x1] =	wrdreg $0xFFFFFFFF  }
0xa7: {  	s28 =	simm.s32 $_size_execute0_lowered;
	s3 =	sadd.s32 s3, s5;
	[dreg:$0x0] =	wrdreg $0x0  }
0xa8: {  	s5 =	sshll.u32 s28, $0x1;
	[dreg:$0x2] =	wrdreg s3  }
0xa9: {  	[dreg:$0x3] =	wrdreg s5  }
0xaa: {  	[dreg:$0x4] =	wrdreg $0xC0  }
0xab: {  	_ =	task [dreg:s7], $0x5FFFF  }
0xac: {  	[dreg:$0x1] =	wrdreg $0xFFFFFFFF  }
0xad: {  	[dreg:$0x0] =	wrdreg $0x60  }
0xae: {  	[dreg:$0x2] =	wrdreg s2  }
0xaf: {  	[dreg:$0x3] =	wrdreg s24  }
0xb0: {  	[dreg:$0x4] =	wrdreg $0x88000  }
0xb1: {  	[dreg:$0x5] =	wrdreg $0x9  }
0xb2: {  	_ =	task.clear_ibuf [dreg:s7], $0x6FFFF;
	_ =	strace $0x9000004F  }
0xb3: {  	s29 =	simm.s32 $0x9;
	_ =	strace $0x80000051  }
0xb4: {  	_ =	swait.ge [sflag:s29], $0x1  }
0xb5: {  	[sflag:s29] =	ssyncadd.s32 $0xFFFFFFFF  }
0xb6: {  	_ =	strace $0x90000051  }
0xb7: {  	_ =	sfence  }
0xb8: {  	s30 =	sld [smem:$0x0];
	_ =	sdelay $0x2  }
0xb9: {  	s31 =	sshll.u32 s1, $0xD;
	s1 =	sshrl.u32 s1, $0x2  }
0xba: {  	s3 =	sand.u32 $0x4000, s31;
	s1 =	sadd.s32 s1, s30  }
0xbb: {  	s0 =	sor.u32 s3, s0;
	s1 =	sshll.u32 s1, $0x11  }
0xbc: {  	s0 =	sor.u32 s1, s0  }
0xbd: {  	s0 =	sadd.s32 $0x8F2B, s0  }
0xbe: {  	[sflag:s0] =	ssyncadd.remote.s32 $0x1  }
0xbf: {  	_ =	sfence.sel $0xFFFF  }
0xc0: {  	[dreg:$0x0] =	wrdreg $0xFFFFFFFF;
	(pc) =	sbr.abs _section_cstart, $3  }
0xc1: {  	[dreg:$0x1] =	wrdreg $0xFFFFFFFF  }
0xc2: {  	_ =	task.clear_ibuf [dreg:s7], $0x2FFFF;
	_ =	strace $0x9FFFFFFF  }
0xc3: {  	(tm) =	ssettm $0x7FFFFFFF  }
tec
execute0_lowered:
.L_overlay_start_1:
0x0: {  	(tag) =	ssettag $0x1  }
0x1: {  	s4 =	rddreg [dreg:$0x0]  }
0x2: {  	s26 =	rddreg [dreg:$0x1]  }
0x3: {  	s2 =	rddreg [dreg:$0x2];
	s3 =	srdreg.scid  }
0x4: {  	s0 =	rddreg [dreg:$0x3];
	s1 =	stileid.u32;
	s25 =	sand.u32 $0x1, s3  }
0x5: {  	s3 =	simm.s32 $0x0;
	s6 =	sshll.u32 s1, $0xF;
	s23 =	sshll.u32 s1, $0x8  }
0x6: {  	s5 =	sshll.u32 s25, $0x13;
	[smem:$0x7FF] =	sst s3;
	s10 =	sor.u32 $0x4000, s6  }
0x7: {  	s9 =	sadd.s32 s23, s26;
	s7 =	sor.u32 s6, s5;
	_ =	strace $0x80000050  }
0x8: {  	s5 =	sor.u32 s5, s10;
	s28 =	sshrl.u32 s7, $0x3;
	s7 =	sadd.s32 $0x3A00, s9  }
0x9: {  	s5 =	sshrl.u32 s5, $0x3;
	s8 =	sadd.s32 s4, s28;
	[dreg:$0x5] =	wrdreg s7  }
0xa: {  	s4 =	sadd.s32 s4, s5;
	[dreg:$0x4] =	wrdreg s8  }
0xb: {  	[dreg:$0x6] =	wrdreg s4  }
0xc: {  	s4 =	simm.s32 $0x1;
	s8 =	rddreg [dreg:$0x4]  }
0xd: {  	[tilespmem:s3], [sflag:$0x1] =	stream.linear.gather [hbm4b:s8+s3], $0x4000, $0x38;
	[tilespmem:$0x10800] =	vst v63  }
0xe: {  	_ =	swait.ge [sflag:s4], $0x4000  }
0xf: {  	[sflag:s4] =	ssyncset.done $0x0  }
0x10: {  	s5 =	simm.s32 $0x8000;
	s24 =	rddreg [dreg:$0x5];
	[sflag:s4] =	ssyncadd.s32 $0xFFFFC000  }
0x11: {  	[tilespmem:s5], [sflag:$0x1] =	stream.linear.gather [hbm4b:s24+s3], $0x400, $0x38;
	[tilespmem:$0x10800] =	vst v63  }
0x12: {  	_ =	swait.ge [sflag:s4], $0x400  }
0x13: {  	[sflag:s4] =	ssyncset.done $0x0  }
0x14: {  	s6 =	sadd.s32 s6, s2;
	[sflag:s4] =	ssyncadd.s32 $0xFFFFFC00  }
0x15: {  	[spmem:s6] =	stream.linear.scatter [tilespmem:s3], [sflag:$0x1], $0x4000, $0x38;
	[tilespmem:$0x10800] =	vst v63  }
0x16: {  	_ =	swait.ge [sflag:s4], $0x4000  }
0x17: {  	[sflag:s4] =	ssyncset.done $0x0  }
0x18: {  	s7 =	simm.s32 $0x4000;
	s31 =	rddreg [dreg:$0x6];
	[sflag:s4] =	ssyncadd.s32 $0xFFFFC000  }
0x19: {  	[tilespmem:s7], [sflag:$0x1] =	stream.linear.gather [hbm4b:s31+s3], $0x4000, $0x38;
	[tilespmem:$0x10800] =	vst v63  }
0x1a: {  	_ =	swait.ge [sflag:s4], $0x4000  }
0x1b: {  	[sflag:s4] =	ssyncset.done $0x0  }
0x1c: {  	s8 =	sadd.s32 $0x3A80, s9;
	s9 =	simm.s32 $0x8400;
	[sflag:s4] =	ssyncadd.s32 $0xFFFFC000  }
0x1d: {  	[tilespmem:s9], [sflag:$0x1] =	stream.linear.gather [hbm4b:s8+s3], $0x400, $0x38;
	[tilespmem:$0x10800] =	vst v63  }
0x1e: {  	_ =	swait.ge [sflag:s4], $0x400  }
0x1f: {  	[sflag:s4] =	ssyncset.done $0x0  }
0x20: {  	s10 =	sadd.s32 s10, s2;
	[sflag:s4] =	ssyncadd.s32 $0xFFFFFC00  }
0x21: {  	[spmem:s10] =	stream.linear.scatter [tilespmem:s7], [sflag:$0x1], $0x4000, $0x38;
	[tilespmem:$0x10800] =	vst v63  }
0x22: {  	_ =	swait.ge [sflag:s4], $0x4000  }
0x23: {  	[sflag:s4] =	ssyncset.done $0x0  }
0x24: {  	[sflag:s4] =	ssyncadd.s32 $0xFFFFC000  }
0x25: {  	s11 =	simm.s32 $0x80;
	[bflag:$0x0] =	sbarrier.arrive $0xFFFF  }
0x26: {  	[spmem:s2] =	stream.indirect.scatter.add.f32 [tilespmem:s3], [sflag:$0x1], $0x80, s5, s11, $0xb8;
	[tilespmem:$0x10800] =	vst v63  }
0x27: {  	_ =	swait.ge [sflag:s4], $0x4000  }
0x28: {  	[sflag:s4] =	ssyncset.done $0x0  }
0x29: {  	s12 =	simm.s32 $0x8080;
	[sflag:s4] =	ssyncadd.s32 $0xFFFFC000  }
0x2a: {  	[spmem:s2] =	stream.indirect.scatter.add.f32 [tilespmem:s3], [sflag:$0x1], $0x80, s12, s11, $0xb8;
	[tilespmem:$0x10800] =	vst v63  }
0x2b: {  	_ =	swait.ge [sflag:s4], $0x4000  }
0x2c: {  	[sflag:s4] =	ssyncset.done $0x0  }
0x2d: {  	s13 =	simm.s32 $0x8100;
	[sflag:s4] =	ssyncadd.s32 $0xFFFFC000  }
0x2e: {  	[spmem:s2] =	stream.indirect.scatter.add.f32 [tilespmem:s3], [sflag:$0x1], $0x80, s13, s11, $0xb8;
	[tilespmem:$0x10800] =	vst v63  }
0x2f: {  	_ =	swait.ge [sflag:s4], $0x4000  }
0x30: {  	[sflag:s4] =	ssyncset.done $0x0  }
0x31: {  	s14 =	simm.s32 $0x8180;
	[sflag:s4] =	ssyncadd.s32 $0xFFFFC000  }
0x32: {  	[spmem:s2] =	stream.indirect.scatter.add.f32 [tilespmem:s3], [sflag:$0x1], $0x80, s14, s11, $0xb8;
	[tilespmem:$0x10800] =	vst v63  }
0x33: {  	_ =	swait.ge [sflag:s4], $0x4000  }
0x34: {  	[sflag:s4] =	ssyncset.done $0x0  }
0x35: {  	s15 =	simm.s32 $0x8200;
	[sflag:s4] =	ssyncadd.s32 $0xFFFFC000  }
0x36: {  	[spmem:s2] =	stream.indirect.scatter.add.f32 [tilespmem:s3], [sflag:$0x1], $0x80, s15, s11, $0xb8;
	[tilespmem:$0x10800] =	vst v63  }
0x37: {  	_ =	swait.ge [sflag:s4], $0x4000  }
0x38: {  	[sflag:s4] =	ssyncset.done $0x0  }
0x39: {  	s16 =	simm.s32 $0x8280;
	[sflag:s4] =	ssyncadd.s32 $0xFFFFC000  }
0x3a: {  	[spmem:s2] =	stream.indirect.scatter.add.f32 [tilespmem:s3], [sflag:$0x1], $0x80, s16, s11, $0xb8;
	[tilespmem:$0x10800] =	vst v63  }
0x3b: {  	_ =	swait.ge [sflag:s4], $0x4000  }
0x3c: {  	[sflag:s4] =	ssyncset.done $0x0  }
0x3d: {  	s17 =	simm.s32 $0x8300;
	[sflag:s4] =	ssyncadd.s32 $0xFFFFC000  }
0x3e: {  	[spmem:s2] =	stream.indirect.scatter.add.f32 [tilespmem:s3], [sflag:$0x1], $0x80, s17, s11, $0xb8;
	[tilespmem:$0x10800] =	vst v63  }
0x3f: {  	_ =	swait.ge [sflag:s4], $0x4000  }
0x40: {  	[sflag:s4] =	ssyncset.done $0x0  }
0x41: {  	s18 =	simm.s32 $0x8380;
	[sflag:s4] =	ssyncadd.s32 $0xFFFFC000  }
0x42: {  	[spmem:s2] =	stream.indirect.scatter.add.f32 [tilespmem:s3], [sflag:$0x1], $0x80, s18, s11, $0xb8;
	[tilespmem:$0x10800] =	vst v63  }
0x43: {  	_ =	swait.ge [sflag:s4], $0x4000  }
0x44: {  	[sflag:s4] =	ssyncset.done $0x0  }
0x45: {  	[sflag:s4] =	ssyncadd.s32 $0xFFFFC000  }
0x46: {  	[spmem:s2] =	stream.indirect.scatter.add.f32 [tilespmem:s7], [sflag:$0x1], $0x80, s9, s11, $0xb8;
	[tilespmem:$0x10800] =	vst v63  }
0x47: {  	_ =	swait.ge [sflag:s4], $0x4000  }
0x48: {  	[sflag:s4] =	ssyncset.done $0x0  }
0x49: {  	s19 =	simm.s32 $0x8480;
	[sflag:s4] =	ssyncadd.s32 $0xFFFFC000  }
0x4a: {  	[spmem:s2] =	stream.indirect.scatter.add.f32 [tilespmem:s7], [sflag:$0x1], $0x80, s19, s11, $0xb8;
	[tilespmem:$0x10800] =	vst v63  }
0x4b: {  	_ =	swait.ge [sflag:s4], $0x4000  }
0x4c: {  	[sflag:s4] =	ssyncset.done $0x0  }
0x4d: {  	s20 =	simm.s32 $0x8500;
	[sflag:s4] =	ssyncadd.s32 $0xFFFFC000  }
0x4e: {  	[spmem:s2] =	stream.indirect.scatter.add.f32 [tilespmem:s7], [sflag:$0x1], $0x80, s20, s11, $0xb8;
	[tilespmem:$0x10800] =	vst v63  }
0x4f: {  	_ =	swait.ge [sflag:s4], $0x4000  }
0x50: {  	[sflag:s4] =	ssyncset.done $0x0  }
0x51: {  	s21 =	simm.s32 $0x8580;
	[sflag:s4] =	ssyncadd.s32 $0xFFFFC000  }
0x52: {  	[spmem:s2] =	stream.indirect.scatter.add.f32 [tilespmem:s7], [sflag:$0x1], $0x80, s21, s11, $0xb8;
	[tilespmem:$0x10800] =	vst v63  }
0x53: {  	_ =	swait.ge [sflag:s4], $0x4000  }
0x54: {  	[sflag:s4] =	ssyncset.done $0x0  }
0x55: {  	s22 =	simm.s32 $0x8600;
	[sflag:s4] =	ssyncadd.s32 $0xFFFFC000  }
0x56: {  	[spmem:s2] =	stream.indirect.scatter.add.f32 [tilespmem:s7], [sflag:$0x1], $0x80, s22, s11, $0xb8;
	[tilespmem:$0x10800] =	vst v63  }
0x57: {  	_ =	swait.ge [sflag:s4], $0x4000  }
0x58: {  	[sflag:s4] =	ssyncset.done $0x0  }
0x59: {  	s23 =	simm.s32 $0x8680;
	[sflag:s4] =	ssyncadd.s32 $0xFFFFC000  }
0x5a: {  	[spmem:s2] =	stream.indirect.scatter.add.f32 [tilespmem:s7], [sflag:$0x1], $0x80, s23, s11, $0xb8;
	[tilespmem:$0x10800] =	vst v63  }
0x5b: {  	_ =	swait.ge [sflag:s4], $0x4000  }
0x5c: {  	[sflag:s4] =	ssyncset.done $0x0  }
0x5d: {  	s29 =	ssub.s32 $0x2, s25;
	s24 =	simm.s32 $0x8700;
	[sflag:s4] =	ssyncadd.s32 $0xFFFFC000  }
0x5e: {  	[spmem:s2] =	stream.indirect.scatter.add.f32 [tilespmem:s7], [sflag:$0x1], $0x80, s24, s11, $0xb8;
	[tilespmem:$0x10800] =	vst v63  }
0x5f: {  	s26 =	sadd.s32 s28, s26;
	s28 =	sshrl.u32 s29, $0x1;
	_ =	swait.ge [sflag:s4], $0x4000  }
0x60: {  	s28 =	ssub.s32 s29, s28;
	[sflag:s4] =	ssyncset.done $0x0  }
0x61: {  	s25 =	simm.s32 $0x8780;
	s30 =	smax.u32 s28, $0x1;
	[sflag:s4] =	ssyncadd.s32 $0xFFFFC000  }
0x62: {  	[spmem:s2] =	stream.indirect.scatter.add.f32 [tilespmem:s7], [sflag:$0x1], $0x80, s25, s11, $0xb8;
	[tilespmem:$0x10800] =	vst v63  }
0x63: {  	p0 =	sne.s32 s30, $0x1;
	_ =	swait.ge [sflag:s4], $0x4000  }
.Ltmp0:
0x64: {  	[sflag:s4] =	ssyncset.done $0x0;
	(pc) =	sbr.rel @!p0 .LBB2_2-.Ltmp0, $4  }
0x65: {  	s26 =	sadd.s32 $0x4A00, s26;
	s28 =	sshll.u32 s1, $0x6;
	[sflag:s4] =	ssyncadd.s32 $0xFFFFC000  }
0x66: {  	s29 =	sshrl.u32 s6, $0x3;
	s28 =	sor.u32 $0x1C01, s28;
	[bflag:$0x0] =	sbarrier.arrive $0xFFFF  }
0x67: {  	[hbm:s26], [sflag:s28] =	dma.local [spmem:s29], $0x1000  }
0x68: {  	s30 =	sadd.s32 $0xFFFFFFFF, s30;
	_ =	swait.ge [sflag:s4], $0x1000  }
.LBB2_1:
0x69: {  	[sflag:s4] =	ssyncset.done $0x0  }
0x6a: {  	s31 =	rddreg [dreg:$0x4];
	[sflag:s4] =	ssyncadd.s32 $0xFFFFF000  }
0x6b: {  	[tilespmem:s3], [sflag:$0x1] =	stream.linear.gather [hbm4b:s31+s3], $0x4000, $0x38;
	[tilespmem:$0x10800] =	vst v63  }
0x6c: {  	_ =	swait.ge [sflag:s4], $0x4000  }
0x6d: {  	[sflag:s4] =	ssyncset.done $0x0  }
0x6e: {  	s31 =	rddreg [dreg:$0x5];
	[sflag:s4] =	ssyncadd.s32 $0xFFFFC000  }
0x6f: {  	[tilespmem:s5], [sflag:$0x1] =	stream.linear.gather [hbm4b:s31+s3], $0x400, $0x38;
	[tilespmem:$0x10800] =	vst v63  }
0x70: {  	_ =	swait.ge [sflag:s4], $0x400  }
0x71: {  	[sflag:s4] =	ssyncset.done $0x0  }
0x72: {  	[sflag:s4] =	ssyncadd.s32 $0xFFFFFC00  }
0x73: {  	[spmem:s6] =	stream.linear.scatter [tilespmem:s3], [sflag:$0x1], $0x4000, $0x38;
	[tilespmem:$0x10800] =	vst v63  }
0x74: {  	_ =	swait.ge [sflag:s4], $0x4000  }
0x75: {  	[sflag:s4] =	ssyncset.done $0x0  }
0x76: {  	s31 =	rddreg [dreg:$0x6];
	[sflag:s4] =	ssyncadd.s32 $0xFFFFC000  }
0x77: {  	[tilespmem:s7], [sflag:$0x1] =	stream.linear.gather [hbm4b:s31+s3], $0x4000, $0x38;
	[tilespmem:$0x10800] =	vst v63  }
0x78: {  	_ =	swait.ge [sflag:s4], $0x4000  }
0x79: {  	[sflag:s4] =	ssyncset.done $0x0  }
0x7a: {  	[sflag:s4] =	ssyncadd.s32 $0xFFFFC000  }
0x7b: {  	[tilespmem:s9], [sflag:$0x1] =	stream.linear.gather [hbm4b:s8+s3], $0x400, $0x38;
	[tilespmem:$0x10800] =	vst v63  }
0x7c: {  	_ =	swait.ge [sflag:s4], $0x400  }
0x7d: {  	[sflag:s4] =	ssyncset.done $0x0  }
0x7e: {  	[sflag:s4] =	ssyncadd.s32 $0xFFFFFC00  }
0x7f: {  	[spmem:s10] =	stream.linear.scatter [tilespmem:s7], [sflag:$0x1], $0x4000, $0x38;
	[tilespmem:$0x10800] =	vst v63  }
0x80: {  	_ =	swait.ge [sflag:s4], $0x4000  }
0x81: {  	[sflag:s4] =	ssyncset.done $0x0  }
0x82: {  	[sflag:s4] =	ssyncadd.s32 $0xFFFFC000  }
0x83: {  	[bflag:$0x0] =	sbarrier.arrive $0xFFFF  }
0x84: {  	[spmem:s2] =	stream.indirect.scatter.add.f32 [tilespmem:s3], [sflag:$0x1], $0x80, s5, s11, $0xb8;
	[tilespmem:$0x10800] =	vst v63  }
0x85: {  	_ =	swait.ge [sflag:s4], $0x4000  }
0x86: {  	[sflag:s4] =	ssyncset.done $0x0  }
0x87: {  	[sflag:s4] =	ssyncadd.s32 $0xFFFFC000  }
0x88: {  	[spmem:s2] =	stream.indirect.scatter.add.f32 [tilespmem:s3], [sflag:$0x1], $0x80, s12, s11, $0xb8;
	[tilespmem:$0x10800] =	vst v63  }
0x89: {  	_ =	swait.ge [sflag:s4], $0x4000  }
0x8a: {  	[sflag:s4] =	ssyncset.done $0x0  }
0x8b: {  	[sflag:s4] =	ssyncadd.s32 $0xFFFFC000  }
0x8c: {  	[spmem:s2] =	stream.indirect.scatter.add.f32 [tilespmem:s3], [sflag:$0x1], $0x80, s13, s11, $0xb8;
	[tilespmem:$0x10800] =	vst v63  }
0x8d: {  	_ =	swait.ge [sflag:s4], $0x4000  }
0x8e: {  	[sflag:s4] =	ssyncset.done $0x0  }
0x8f: {  	[sflag:s4] =	ssyncadd.s32 $0xFFFFC000  }
0x90: {  	[spmem:s2] =	stream.indirect.scatter.add.f32 [tilespmem:s3], [sflag:$0x1], $0x80, s14, s11, $0xb8;
	[tilespmem:$0x10800] =	vst v63  }
0x91: {  	_ =	swait.ge [sflag:s4], $0x4000  }
0x92: {  	[sflag:s4] =	ssyncset.done $0x0  }
0x93: {  	[sflag:s4] =	ssyncadd.s32 $0xFFFFC000  }
0x94: {  	[spmem:s2] =	stream.indirect.scatter.add.f32 [tilespmem:s3], [sflag:$0x1], $0x80, s15, s11, $0xb8;
	[tilespmem:$0x10800] =	vst v63  }
0x95: {  	_ =	swait.ge [sflag:s4], $0x4000  }
0x96: {  	[sflag:s4] =	ssyncset.done $0x0  }
0x97: {  	[sflag:s4] =	ssyncadd.s32 $0xFFFFC000  }
0x98: {  	[spmem:s2] =	stream.indirect.scatter.add.f32 [tilespmem:s3], [sflag:$0x1], $0x80, s16, s11, $0xb8;
	[tilespmem:$0x10800] =	vst v63  }
0x99: {  	_ =	swait.ge [sflag:s4], $0x4000  }
0x9a: {  	[sflag:s4] =	ssyncset.done $0x0  }
0x9b: {  	[sflag:s4] =	ssyncadd.s32 $0xFFFFC000  }
0x9c: {  	[spmem:s2] =	stream.indirect.scatter.add.f32 [tilespmem:s3], [sflag:$0x1], $0x80, s17, s11, $0xb8;
	[tilespmem:$0x10800] =	vst v63  }
0x9d: {  	_ =	swait.ge [sflag:s4], $0x4000  }
0x9e: {  	[sflag:s4] =	ssyncset.done $0x0  }
0x9f: {  	[sflag:s4] =	ssyncadd.s32 $0xFFFFC000  }
0xa0: {  	[spmem:s2] =	stream.indirect.scatter.add.f32 [tilespmem:s3], [sflag:$0x1], $0x80, s18, s11, $0xb8;
	[tilespmem:$0x10800] =	vst v63  }
0xa1: {  	_ =	swait.ge [sflag:s4], $0x4000  }
0xa2: {  	[sflag:s4] =	ssyncset.done $0x0  }
0xa3: {  	[sflag:s4] =	ssyncadd.s32 $0xFFFFC000  }
0xa4: {  	[spmem:s2] =	stream.indirect.scatter.add.f32 [tilespmem:s7], [sflag:$0x1], $0x80, s9, s11, $0xb8;
	[tilespmem:$0x10800] =	vst v63  }
0xa5: {  	_ =	swait.ge [sflag:s4], $0x4000  }
0xa6: {  	[sflag:s4] =	ssyncset.done $0x0  }
0xa7: {  	[sflag:s4] =	ssyncadd.s32 $0xFFFFC000  }
0xa8: {  	[spmem:s2] =	stream.indirect.scatter.add.f32 [tilespmem:s7], [sflag:$0x1], $0x80, s19, s11, $0xb8;
	[tilespmem:$0x10800] =	vst v63  }
0xa9: {  	_ =	swait.ge [sflag:s4], $0x4000  }
0xaa: {  	[sflag:s4] =	ssyncset.done $0x0  }
0xab: {  	[sflag:s4] =	ssyncadd.s32 $0xFFFFC000  }
0xac: {  	[spmem:s2] =	stream.indirect.scatter.add.f32 [tilespmem:s7], [sflag:$0x1], $0x80, s20, s11, $0xb8;
	[tilespmem:$0x10800] =	vst v63  }
0xad: {  	_ =	swait.ge [sflag:s4], $0x4000  }
0xae: {  	[sflag:s4] =	ssyncset.done $0x0  }
0xaf: {  	[sflag:s4] =	ssyncadd.s32 $0xFFFFC000  }
0xb0: {  	[spmem:s2] =	stream.indirect.scatter.add.f32 [tilespmem:s7], [sflag:$0x1], $0x80, s21, s11, $0xb8;
	[tilespmem:$0x10800] =	vst v63  }
0xb1: {  	_ =	swait.ge [sflag:s4], $0x4000  }
0xb2: {  	[sflag:s4] =	ssyncset.done $0x0  }
0xb3: {  	[sflag:s4] =	ssyncadd.s32 $0xFFFFC000  }
0xb4: {  	[spmem:s2] =	stream.indirect.scatter.add.f32 [tilespmem:s7], [sflag:$0x1], $0x80, s22, s11, $0xb8;
	[tilespmem:$0x10800] =	vst v63  }
0xb5: {  	_ =	swait.ge [sflag:s4], $0x4000  }
0xb6: {  	[sflag:s4] =	ssyncset.done $0x0  }
0xb7: {  	[sflag:s4] =	ssyncadd.s32 $0xFFFFC000  }
0xb8: {  	[spmem:s2] =	stream.indirect.scatter.add.f32 [tilespmem:s7], [sflag:$0x1], $0x80, s23, s11, $0xb8;
	[tilespmem:$0x10800] =	vst v63  }
0xb9: {  	_ =	swait.ge [sflag:s4], $0x4000  }
0xba: {  	[sflag:s4] =	ssyncset.done $0x0  }
0xbb: {  	[sflag:s4] =	ssyncadd.s32 $0xFFFFC000  }
0xbc: {  	[spmem:s2] =	stream.indirect.scatter.add.f32 [tilespmem:s7], [sflag:$0x1], $0x80, s24, s11, $0xb8;
	[tilespmem:$0x10800] =	vst v63  }
0xbd: {  	_ =	swait.ge [sflag:s4], $0x4000  }
0xbe: {  	[sflag:s4] =	ssyncset.done $0x0  }
0xbf: {  	[sflag:s4] =	ssyncadd.s32 $0xFFFFC000  }
0xc0: {  	[spmem:s2] =	stream.indirect.scatter.add.f32 [tilespmem:s7], [sflag:$0x1], $0x80, s25, s11, $0xb8;
	[tilespmem:$0x10800] =	vst v63  }
0xc1: {  	p0 =	sne.s32 s30, $0x1;
	_ =	swait.ge [sflag:s4], $0x4000  }
.Ltmp1:
0xc2: {  	[sflag:s4] =	ssyncset.done $0x0;
	(pc) =	sbr.rel @p0 .LBB2_1-.Ltmp1, $4  }
0xc3: {  	[sflag:s4] =	ssyncadd.s32 $0xFFFFC000  }
0xc4: {  	[bflag:$0x0] =	sbarrier.arrive $0xFFFF  }
0xc5: {  	[hbm:s26], [sflag:s28] =	dma.local [spmem:s29], $0x1000  }
0xc6: {  	s30 =	sadd.s32 $0xFFFFFFFF, s30;
	_ =	swait.ge [sflag:s4], $0x1000  }
.LBB2_2:
0xc7: {  	[sflag:s4] =	ssyncset.done $0x0  }
0xc8: {  	[sflag:s4] =	ssyncadd.s32 $0xFFFFF000  }
0xc9: {  	_ =	sfence.sel $0x180000  }
0xca: {  	[bflag:$0x0] =	sbarrier.arrive $0xFFFF  }
0xcb: {  	p0 =	sne.s32 s1, $0x0;
	_ =	strace $0x90000050  }
0xcc: {  	s0 =	sadd.s32 @!p0 $0x100000, s0;
	[bflag:$0x2] =	sbarrier.arrive $0xFFFF  }
0xcd: {  	[sflag:s0] =	ssyncadd.tile.s32 @!p0 $0x1;
	_ =	shalt  }
.Lfunc_end2:
_tile_overlayer_lowered:
.L_overlay_start_2:
0xce: {  	(tag) =	ssettag $0x2  }
0xcf: {  	s0 =	rddreg [dreg:$0x0];
	s2 =	stileid.u32  }
0xd0: {  	s1 =	rddreg [dreg:$0x1];
	p0 =	sne.s32 s2, $0x0  }
0xd1: {  	s3 =	rddreg [dreg:$0x2];
	[bflag:$0x3] =	sbarrier.arrive $0xFFFF;
	s2 =	simm.s32 @!p0 $0x1C01  }
0xd2: {  	[timem:s3], [sflag:s2] =	dma.local @!p0 [hbm:s0], s1  }
0xd3: {  	s0 =	simm.s32 @!p0 $0x1  }
0xd4: {  	_ =	swait.ge @!p0 [sflag:s0], s1  }
0xd5: {  	s1 =	ssub.s32 @!p0 $0x0, s1;
	[sflag:s0] =	ssyncset.done @!p0 $0x0  }
0xd6: {  	[sflag:s0] =	ssyncadd.s32 @!p0 s1  }
0xd7: {  	[bflag:$0x3] =	sbarrier.arrive $0xFFFF  }
0xd8: {  	_ =	shalt  }

</sc_bundles>
